<compile_context>
chip_gen: v7x
topology: tpu7x:2x2x1
jax: 0.10.2.dev20260603
libtpu: 0.0.44.dev20260713+nightly
codegen_flags: <defaults>
</compile_context>

<pallas_src>
import functools

import jax
import jax.numpy as jnp
from jax import lax
from jax.experimental import pallas as pl
from jax.experimental.pallas import tpu as pltpu
from jax.experimental.pallas import tpu_sc as plsc

B, T, D = 16, 512, 256
L = 2048
LANES = 16
NW = 32
POS_PER_W = (B * L) // NW
CHUNK = 128
NCHUNK = POS_PER_W // CHUNK


def _body(tbl_hbm, dur_hbm, out_hbm, mel_hbm,
          idx_v, dur_v, durall_v, mel8_v, rows_v, zb_v, sem0, sem1):
    cid = lax.axis_index("c")
    sid = lax.axis_index("s")
    wid = sid * 2 + cid
    b = wid // 2
    half = wid % 2
    base = half * POS_PER_W

    pltpu.sync_copy(dur_hbm.at[b], dur_v)
    lim_vec = jnp.full((LANES,), L, jnp.int32)
    iota = lax.iota(jnp.int32, LANES)

    def init_body(i, carry):
        idx_v[pl.ds(base + i * LANES, LANES)] = (
            iota + (b * T + ((i * LANES) & (CHUNK - 1))))
        return carry

    lax.fori_loop(0, POS_PER_W // LANES, init_body, 0)

    def grp_body(g, c):
        dvec = dur_v[pl.ds(g * LANES, LANES)]
        incl = plsc.cumsum(dvec)
        starts = incl - dvec + c
        vals = jnp.full((LANES,), b * T, jnp.int32) + (g * LANES + iota)
        for r in range(7):
            inds = starts + r
            mask = (r < dvec) & (inds < lim_vec)
            plsc.store_scatter(idx_v, [inds], vals, mask=mask)
        return c + incl[LANES - 1]

    total = lax.fori_loop(0, T // LANES, grp_body, jnp.int32(0))

    sems = (sem0, sem1)

    def gstart(i, k):
        off = base + i * CHUNK
        return pltpu.async_copy(
            tbl_hbm.at[idx_v.at[pl.ds(off, CHUNK)]], rows_v.at[k], sems[k])

    pend = [gstart(0, 0), gstart(1, 1)]

    @pl.when(sid == 0)
    def _():
        pltpu.sync_copy(dur_hbm, durall_v)
        melvec = jnp.zeros((LANES,), jnp.int32)
        for m in range(8):
            def acc_body(q, acc, m=m):
                return acc + durall_v[cid * 8 + m, pl.ds(q * LANES, LANES)]
            acc = lax.fori_loop(0, T // LANES, acc_body,
                                jnp.zeros((LANES,), jnp.int32))
            melvec = jnp.where(iota == m, jnp.sum(acc), melvec)
        mel8_v[...] = melvec
        pltpu.sync_copy(mel8_v.at[pl.ds(0, 8)], mel_hbm.at[pl.ds(cid * 8, 8)])

    vend = jnp.clip(total - base, 0, POS_PER_W)
    zf = jnp.zeros((LANES,), jnp.float32)

    @pl.when(vend <= POS_PER_W - CHUNK)
    def _():
        def zb_body(j, carry):
            for q in range(D // LANES):
                zb_v[j, pl.ds(q * LANES, LANES)] = zf
            return carry
        lax.fori_loop(0, CHUNK, zb_body, 0)
    for i in range(NCHUNK):
        k = i % 2
        pend[k].wait()
        v_i = jnp.clip(vend - i * CHUNK, 0, CHUNK)
        dst = out_hbm.at[b, pl.ds(base + i * CHUNK, CHUNK)]

        @pl.when(v_i == CHUNK)
        def _(k=k, dst=dst):
            pltpu.sync_copy(rows_v.at[k], dst)

        @pl.when(jnp.logical_and(v_i > 0, v_i < CHUNK))
        def _(k=k, dst=dst, v_i=v_i):
            def row_zero(j, carry):
                for q in range(D // LANES):
                    rows_v[k, j, pl.ds(q * LANES, LANES)] = zf
                return carry
            lax.fori_loop(v_i, CHUNK, row_zero, 0)
            pltpu.sync_copy(rows_v.at[k], dst)

        @pl.when(v_i == 0)
        def _(dst=dst):
            pltpu.sync_copy(zb_v, dst)

        if i + 2 < NCHUNK:
            pend[k] = gstart(i + 2, k)


@jax.jit
def _regulate(tbl, duration):
    mesh = plsc.VectorSubcoreMesh(core_axis_name="c", subcore_axis_name="s")
    fn = pl.kernel(
        _body,
        out_type=(jax.ShapeDtypeStruct((B, L, D), jnp.float32),
                  jax.ShapeDtypeStruct((B,), jnp.int32)),
        mesh=mesh,
        compiler_params=pltpu.CompilerParams(needs_layout_passes=False),
        scratch_types=[
            pltpu.VMEM((L,), jnp.int32),
            pltpu.VMEM((T,), jnp.int32),
            pltpu.VMEM((B, T), jnp.int32),
            pltpu.VMEM((LANES,), jnp.int32),
            pltpu.VMEM((2, CHUNK, D), jnp.float32),
            pltpu.VMEM((CHUNK, D), jnp.float32),
            pltpu.SemaphoreType.DMA,
            pltpu.SemaphoreType.DMA,
        ],
    )
    return fn(tbl, duration)


def kernel(x, duration, max_len):
    del max_len
    return _regulate(x.reshape(B * T, D), duration.astype(jnp.int32))

# --- scband reference (transcript-rebuilt; emitter-appended) ---
"""Pipeline reference for scband-length-regulator-86517821213176 (READ-ONLY COPY).

The authoritative reference and input builder live on the scoring server;
editing this copy changes nothing except your own understanding.
"""

import jax, jax.numpy as jnp
import numpy as np


def setup_inputs(seed: int = 0) -> dict:
    key = jax.random.key(seed)
    k1, k2 = jax.random.split(key)
    x = jax.random.normal(k1, (16, 512, 256), dtype=jnp.float32)
    duration = jax.random.randint(k2, (16, 512), 0, 8, dtype=jnp.int32)
    max_len = 2048
    return {"x": x, "duration": duration, "max_len": max_len}


def reference(x, duration, max_len):
    # Faithful LengthRegulator: each vector x[b, t] is repeated duration[b, t]
    # times along the time axis, result is zero-padded (or truncated, matching
    # F.pad with negative pad) to max_len.
    B, T, D = x.shape
    cum = jnp.cumsum(duration, axis=1)  # [B, T] cumulative durations
    pos = jnp.arange(2048)              # [L] output mel positions

    def per_batch(cum_b, x_b):
        # token index that covers output position j: first t with cum_b[t] > j
        idx = jnp.searchsorted(cum_b, pos, side='right')
        idx_c = jnp.clip(idx, 0, T - 1)
        out_b = jnp.take(x_b, idx_c, axis=0)  # gather -> [L, D]
        mask = ((pos < cum_b[-1]) & (pos < max_len)).astype(x_b.dtype)[:, None]  # zero padding
        return out_b * mask

    output = jax.vmap(per_batch)(cum, x)  # [B, L, D]
    mel_len = cum[:, -1].astype(jnp.int32)  # unpadded expanded lengths
    return output, mel_len

if __name__ == "__main__":
    import jax
    _d = setup_inputs()
    print(jax.jit(kernel)(*tuple(_d.values())))

</pallas_src>

<mosaic_0001>
#map = affine_map<(d0, d1) -> (0, 0)>
#map1 = affine_map<(d0, d1) -> (0, 0, 0)>
#map2 = affine_map<(d0, d1) -> (0)>
module attributes {stable_mosaic.version = 14 : i64} {
  func.func @_body(%arg0: i32, %arg1: i32, %arg2: memref<8192x256xf32, #tpu.memory_space<hbm>>, %arg3: memref<16x512xi32, #tpu.memory_space<hbm>>, %arg4: memref<16x2048x256xf32, #tpu.memory_space<hbm>>, %arg5: memref<16xi32, #tpu.memory_space<hbm>>, %arg6: memref<2048xi32, #tpu.memory_space<vmem>>, %arg7: memref<512xi32, #tpu.memory_space<vmem>>, %arg8: memref<16x512xi32, #tpu.memory_space<vmem>>, %arg9: memref<16xi32, #tpu.memory_space<vmem>>, %arg10: memref<2x128x256xf32, #tpu.memory_space<vmem>>, %arg11: memref<128x256xf32, #tpu.memory_space<vmem>>, %arg12: memref<!tpu.dma_semaphore, #tpu.memory_space<semaphore_mem>>, %arg13: memref<!tpu.dma_semaphore, #tpu.memory_space<semaphore_mem>>) attributes {dimension_semantics = [#tpu.dimension_semantics<core_parallel>, #tpu.dimension_semantics<subcore_parallel>], iteration_bounds = array<i64: 2, 16>, scalar_prefetch = 0 : i64, scratch_operands = 8 : i64, tpu.core_type = #tpu.core_type<sc_vector_subcore>, window_params = [{transform_indices = #map}, {transform_indices = #map}, {transform_indices = #map1}, {transform_indices = #map2}]} {
    %mul3A = arith.constant 2 : i32
    %mul3A_0 = arith.muli %arg1, %mul3A : i32
    %add3A = arith.addi %mul3A_0, %arg0 : i32
    %jit3A = arith.constant 2 : i32
    %div3A = arith.divsi %add3A, %jit3A : i32
    %sign3A = arith.constant 0 : i32
    %sign3A_1 = arith.cmpi sgt, %add3A, %sign3A : i32
    %sign3A_2 = arith.extui %sign3A_1 : i1 to i32
    %sign3A_3 = arith.constant 0 : i32
    %sign3A_4 = arith.cmpi slt, %add3A, %sign3A_3 : i32
    %sign3A_5 = arith.extui %sign3A_4 : i1 to i32
    %sign3A_6 = arith.subi %sign3A_2, %sign3A_5 : i32
    %sign3A_7 = arith.constant 0 : i32
    %sign3A_8 = arith.cmpi sgt, %jit3A, %sign3A_7 : i32
    %sign3A_9 = arith.extui %sign3A_8 : i1 to i32
    %sign3A_10 = arith.constant 0 : i32
    %sign3A_11 = arith.cmpi slt, %jit3A, %sign3A_10 : i32
    %sign3A_12 = arith.extui %sign3A_11 : i1 to i32
    %sign3A_13 = arith.subi %sign3A_9, %sign3A_12 : i32
    %ne3A = arith.cmpi ne, %sign3A_6, %sign3A_13 : i32
    %rem3A = arith.remsi %add3A, %jit3A : i32
    %ne3A_14 = arith.constant 0 : i32
    %ne3A_15 = arith.cmpi ne, %rem3A, %ne3A_14 : i32
    %and3A = arith.andi %ne3A, %ne3A_15 : i1
    %sub3A = arith.constant 1 : i32
    %sub3A_16 = arith.subi %div3A, %sub3A : i32
    %select_n3A = arith.select %and3A, %sub3A_16, %div3A : i32
    %jit3A_17 = arith.constant 2 : i32
    %eq3A = arith.constant 0 : i32
    %eq3A_18 = arith.cmpi eq, %jit3A_17, %eq3A : i32
    %jit3A_19 = arith.constant 1 : i32
    %select_n3A_20 = arith.select %eq3A_18, %jit3A_19, %jit3A_17 : i32
    %rem3A_21 = arith.remsi %add3A, %select_n3A_20 : i32
    %ne3A_22 = arith.constant 0 : i32
    %ne3A_23 = arith.cmpi ne, %rem3A_21, %ne3A_22 : i32
    %lt3A = arith.constant 0 : i32
    %lt3A_24 = arith.cmpi slt, %rem3A_21, %lt3A : i32
    %lt3A_25 = arith.constant 0 : i32
    %lt3A_26 = arith.cmpi slt, %select_n3A_20, %lt3A_25 : i32
    %ne3A_27 = arith.xori %lt3A_24, %lt3A_26 : i1
    %and3A_28 = arith.andi %ne3A_27, %ne3A_23 : i1
    %add3A_29 = arith.addi %rem3A_21, %select_n3A_20 : i32
    %select_n3A_30 = arith.select %and3A_28, %add3A_29, %rem3A_21 : i32
    %mul3A_31 = arith.constant 1024 : i32
    %mul3A_32 = arith.muli %select_n3A_30, %mul3A_31 : i32
    "tpu.region"() ({
      %run_scoped3A = tpu.sem_alloc : memref<!tpu.dma_semaphore, #tpu.memory_space<semaphore_mem>>
      %dma_start3A_423 = arith.constant 0 : i32
      %dma_start3A_424 = tpu.memref_slice %arg3[%select_n3A, %dma_start3A_423] : memref<16x512xi32, #tpu.memory_space<hbm>> -> memref<1x512xi32, #tpu.memory_space<hbm>>
      %dma_start3A_425 = tpu.memref_squeeze %dma_start3A_424 : memref<1x512xi32, #tpu.memory_space<hbm>> -> memref<512xi32, #tpu.memory_space<hbm>>
      %dma_start3A_426 = arith.constant 0 : i32
      %dma_start3A_427 = tpu.memref_slice %arg3[%select_n3A, %dma_start3A_426] : memref<16x512xi32, #tpu.memory_space<hbm>> -> memref<1x512xi32, #tpu.memory_space<hbm>>
      %dma_start3A_428 = tpu.memref_squeeze %dma_start3A_427 : memref<1x512xi32, #tpu.memory_space<hbm>> -> memref<512xi32, #tpu.memory_space<hbm>>
      tpu.enqueue_dma source(%dma_start3A_428 : memref<512xi32, #tpu.memory_space<hbm>>) target(%arg7 : memref<512xi32, #tpu.memory_space<vmem>>) target_semaphore(%run_scoped3A : memref<!tpu.dma_semaphore, #tpu.memory_space<semaphore_mem>>)
      %dma_wait3A_429 = arith.constant 0 : i32
      %dma_wait3A_430 = tpu.memref_slice %arg3[%select_n3A, %dma_wait3A_429] : memref<16x512xi32, #tpu.memory_space<hbm>> -> memref<1x512xi32, #tpu.memory_space<hbm>>
      %dma_wait3A_431 = tpu.memref_squeeze %dma_wait3A_430 : memref<1x512xi32, #tpu.memory_space<hbm>> -> memref<512xi32, #tpu.memory_space<hbm>>
      %dma_wait3A_432 = arith.constant 0 : i32
      %dma_wait3A_433 = tpu.memref_slice %arg3[%select_n3A, %dma_wait3A_432] : memref<16x512xi32, #tpu.memory_space<hbm>> -> memref<1x512xi32, #tpu.memory_space<hbm>>
      %dma_wait3A_434 = tpu.memref_squeeze %dma_wait3A_433 : memref<1x512xi32, #tpu.memory_space<hbm>> -> memref<512xi32, #tpu.memory_space<hbm>>
      tpu.wait_dma2 semaphore(%run_scoped3A : memref<!tpu.dma_semaphore, #tpu.memory_space<semaphore_mem>>) src(%dma_wait3A_434 : memref<512xi32, #tpu.memory_space<hbm>>) dst(%arg7 : memref<512xi32, #tpu.memory_space<vmem>>)
      tpu.yield
    }) : () -> ()
    %broadcast_in_dim3A = arith.constant 2048 : i32
    %broadcast_in_dim3A_33 = vector.broadcast %broadcast_in_dim3A : i32 to vector<16xi32>
    %iota3A = tpu.iota {dimensions = array<i32: 0>} : vector<16xi32>
    %scan3A = arith.constant 0 : i32
    %scan3A_34 = arith.constant 0 : i32
    %scan3A_35 = arith.constant 64 : i32
    %scan3A_36 = arith.addi %scan3A_34, %scan3A_35 : i32
    %scan3A_37 = arith.constant 1 : i32
    scf.for %scan3A_423 = %scan3A_34 to %scan3A_36 step %scan3A_37  : i32 {
      %mul3A_424 = arith.constant 512 : i32
      %mul3A_425 = arith.muli %select_n3A, %mul3A_424 : i32
      %mul3A_426 = arith.constant 16 : i32
      %mul3A_427 = arith.muli %scan3A_423, %mul3A_426 : i32
      %and3A_428 = arith.constant 127 : i32
      %and3A_429 = arith.andi %mul3A_427, %and3A_428 : i32
      %add3A_430 = arith.addi %mul3A_425, %and3A_429 : i32
      %add3A_431 = vector.broadcast %add3A_430 : i32 to vector<16xi32>
      %add3A_432 = arith.addi %iota3A, %add3A_431 : vector<16xi32>
      %mul3A_433 = arith.constant 16 : i32
      %mul3A_434 = arith.muli %scan3A_423, %mul3A_433 : i32
      %add3A_435 = arith.addi %mul3A_32, %mul3A_434 : i32
      %swap3A = arith.index_cast %add3A_435 : i32 to index
      %swap3A_436 = tpu.vector_load %arg6[%swap3A] {strides = array<i32>} : memref<2048xi32, #tpu.memory_space<vmem>>, vector<16xi32>,
      tpu.vector_store %arg6[%swap3A], %add3A_432 {strides = array<i32>} : memref<2048xi32, #tpu.memory_space<vmem>>, vector<16xi32>,
    }
    %scan3A_38 = arith.constant 64 : i32
    %scan3A_39 = arith.constant 0 : i32
    %scan3A_40 = arith.constant 0 : i32
    %scan3A_41 = arith.constant 32 : i32
    %scan3A_42 = arith.addi %scan3A_40, %scan3A_41 : i32
    %scan3A_43 = arith.constant 1 : i32
    %scan3A_44 = scf.for %scan3A_423 = %scan3A_40 to %scan3A_42 step %scan3A_43 iter_args(%scan3A_424 = %scan3A_39) -> (i32)  : i32 {
      %mul3A_425 = arith.constant 16 : i32
      %mul3A_426 = arith.muli %scan3A_423, %mul3A_425 : i32
      %get3A = arith.index_cast %mul3A_426 : i32 to index
      %get3A_427 = tpu.vector_load %arg7[%get3A] {strides = array<i32>} : memref<512xi32, #tpu.memory_space<vmem>>, vector<16xi32>,
      %broadcast_in_dim3A_428 = arith.constant true
      %broadcast_in_dim3A_429 = vector.broadcast %broadcast_in_dim3A_428 : i1 to vector<16xi1>
      %masked_cumsum3A = tpu.scan <sum>, %get3A_427 masked %broadcast_in_dim3A_429 : vector<16xi32>, vector<16xi1> -> vector<16xi32>
      %sub3A_430 = arith.subi %masked_cumsum3A, %get3A_427 : vector<16xi32>
      %add3A_431 = vector.broadcast %scan3A_424 : i32 to vector<16xi32>
      %add3A_432 = arith.addi %sub3A_430, %add3A_431 : vector<16xi32>
      %mul3A_433 = arith.constant 512 : i32
      %mul3A_434 = arith.muli %select_n3A, %mul3A_433 : i32
      %broadcast_in_dim3A_435 = vector.broadcast %mul3A_434 : i32 to vector<16xi32>
      %mul3A_436 = arith.constant 16 : i32
      %mul3A_437 = arith.muli %scan3A_423, %mul3A_436 : i32
      %add3A_438 = vector.broadcast %mul3A_437 : i32 to vector<16xi32>
      %add3A_439 = arith.addi %add3A_438, %iota3A : vector<16xi32>
      %add3A_440 = arith.addi %broadcast_in_dim3A_435, %add3A_439 : vector<16xi32>
      %add3A_441 = arith.constant 0 : i32
      %add3A_442 = vector.broadcast %add3A_441 : i32 to vector<16xi32>
      %add3A_443 = arith.addi %add3A_432, %add3A_442 : vector<16xi32>
      %gt3A_444 = arith.constant 0 : i32
      %gt3A_445 = vector.broadcast %gt3A_444 : i32 to vector<16xi32>
      %gt3A_446 = arith.cmpi sgt, %get3A_427, %gt3A_445 : vector<16xi32>
      %lt3A_447 = arith.cmpi slt, %add3A_443, %broadcast_in_dim3A_33 : vector<16xi32>
      %and3A_448 = arith.andi %gt3A_446, %lt3A_447 : vector<16xi1>
      tpu.vector_store_idx %arg6[%add3A_443], %add3A_440 masked %and3A_448 : memref<2048xi32, #tpu.memory_space<vmem>>[vector<16xi32>], vector<16xi32>, vector<16xi1>
      %add3A_449 = arith.constant 1 : i32
      %add3A_450 = vector.broadcast %add3A_449 : i32 to vector<16xi32>
      %add3A_451 = arith.addi %add3A_432, %add3A_450 : vector<16xi32>
      %gt3A_452 = arith.constant 1 : i32
      %gt3A_453 = vector.broadcast %gt3A_452 : i32 to vector<16xi32>
      %gt3A_454 = arith.cmpi sgt, %get3A_427, %gt3A_453 : vector<16xi32>
      %lt3A_455 = arith.cmpi slt, %add3A_451, %broadcast_in_dim3A_33 : vector<16xi32>
      %and3A_456 = arith.andi %gt3A_454, %lt3A_455 : vector<16xi1>
      tpu.vector_store_idx %arg6[%add3A_451], %add3A_440 masked %and3A_456 : memref<2048xi32, #tpu.memory_space<vmem>>[vector<16xi32>], vector<16xi32>, vector<16xi1>
      %add3A_457 = arith.constant 2 : i32
      %add3A_458 = vector.broadcast %add3A_457 : i32 to vector<16xi32>
      %add3A_459 = arith.addi %add3A_432, %add3A_458 : vector<16xi32>
      %gt3A_460 = arith.constant 2 : i32
      %gt3A_461 = vector.broadcast %gt3A_460 : i32 to vector<16xi32>
      %gt3A_462 = arith.cmpi sgt, %get3A_427, %gt3A_461 : vector<16xi32>
      %lt3A_463 = arith.cmpi slt, %add3A_459, %broadcast_in_dim3A_33 : vector<16xi32>
      %and3A_464 = arith.andi %gt3A_462, %lt3A_463 : vector<16xi1>
      tpu.vector_store_idx %arg6[%add3A_459], %add3A_440 masked %and3A_464 : memref<2048xi32, #tpu.memory_space<vmem>>[vector<16xi32>], vector<16xi32>, vector<16xi1>
      %add3A_465 = arith.constant 3 : i32
      %add3A_466 = vector.broadcast %add3A_465 : i32 to vector<16xi32>
      %add3A_467 = arith.addi %add3A_432, %add3A_466 : vector<16xi32>
      %gt3A_468 = arith.constant 3 : i32
      %gt3A_469 = vector.broadcast %gt3A_468 : i32 to vector<16xi32>
      %gt3A_470 = arith.cmpi sgt, %get3A_427, %gt3A_469 : vector<16xi32>
      %lt3A_471 = arith.cmpi slt, %add3A_467, %broadcast_in_dim3A_33 : vector<16xi32>
      %and3A_472 = arith.andi %gt3A_470, %lt3A_471 : vector<16xi1>
      tpu.vector_store_idx %arg6[%add3A_467], %add3A_440 masked %and3A_472 : memref<2048xi32, #tpu.memory_space<vmem>>[vector<16xi32>], vector<16xi32>, vector<16xi1>
      %add3A_473 = arith.constant 4 : i32
      %add3A_474 = vector.broadcast %add3A_473 : i32 to vector<16xi32>
      %add3A_475 = arith.addi %add3A_432, %add3A_474 : vector<16xi32>
      %gt3A_476 = arith.constant 4 : i32
      %gt3A_477 = vector.broadcast %gt3A_476 : i32 to vector<16xi32>
      %gt3A_478 = arith.cmpi sgt, %get3A_427, %gt3A_477 : vector<16xi32>
      %lt3A_479 = arith.cmpi slt, %add3A_475, %broadcast_in_dim3A_33 : vector<16xi32>
      %and3A_480 = arith.andi %gt3A_478, %lt3A_479 : vector<16xi1>
      tpu.vector_store_idx %arg6[%add3A_475], %add3A_440 masked %and3A_480 : memref<2048xi32, #tpu.memory_space<vmem>>[vector<16xi32>], vector<16xi32>, vector<16xi1>
      %add3A_481 = arith.constant 5 : i32
      %add3A_482 = vector.broadcast %add3A_481 : i32 to vector<16xi32>
      %add3A_483 = arith.addi %add3A_432, %add3A_482 : vector<16xi32>
      %gt3A_484 = arith.constant 5 : i32
      %gt3A_485 = vector.broadcast %gt3A_484 : i32 to vector<16xi32>
      %gt3A_486 = arith.cmpi sgt, %get3A_427, %gt3A_485 : vector<16xi32>
      %lt3A_487 = arith.cmpi slt, %add3A_483, %broadcast_in_dim3A_33 : vector<16xi32>
      %and3A_488 = arith.andi %gt3A_486, %lt3A_487 : vector<16xi1>
      tpu.vector_store_idx %arg6[%add3A_483], %add3A_440 masked %and3A_488 : memref<2048xi32, #tpu.memory_space<vmem>>[vector<16xi32>], vector<16xi32>, vector<16xi1>
      %add3A_489 = arith.constant 6 : i32
      %add3A_490 = vector.broadcast %add3A_489 : i32 to vector<16xi32>
      %add3A_491 = arith.addi %add3A_432, %add3A_490 : vector<16xi32>
      %gt3A_492 = arith.constant 6 : i32
      %gt3A_493 = vector.broadcast %gt3A_492 : i32 to vector<16xi32>
      %gt3A_494 = arith.cmpi sgt, %get3A_427, %gt3A_493 : vector<16xi32>
      %lt3A_495 = arith.cmpi slt, %add3A_491, %broadcast_in_dim3A_33 : vector<16xi32>
      %and3A_496 = arith.andi %gt3A_494, %lt3A_495 : vector<16xi1>
      tpu.vector_store_idx %arg6[%add3A_491], %add3A_440 masked %and3A_496 : memref<2048xi32, #tpu.memory_space<vmem>>[vector<16xi32>], vector<16xi32>, vector<16xi1>
      %slice3A = vector.extract_strided_slice %masked_cumsum3A {offsets = [15], sizes = [1], strides = [1]} : vector<16xi32> to vector<1xi32>
      %squeeze3A = vector.extract %slice3A[0] : i32 from vector<1xi32>
      %add3A_497 = arith.addi %scan3A_424, %squeeze3A : i32
      scf.yield %add3A_497 : i32
    }
    %scan3A_45 = arith.constant 32 : i32
    %add3A_46 = arith.constant 0 : i32
    %add3A_47 = arith.addi %mul3A_32, %add3A_46 : i32
    %dma_start3A = arith.constant 0 : i32
    %dma_start3A_48 = arith.constant 0 : i32
    %dma_start3A_49 = arith.constant 0 : i32
    %dma_start3A_50 = tpu.memref_slice %arg10[%dma_start3A, %dma_start3A_48, %dma_start3A_49] : memref<2x128x256xf32, #tpu.memory_space<vmem>> -> memref<1x128x256xf32, #tpu.memory_space<vmem>>
    %dma_start3A_51 = tpu.memref_squeeze %dma_start3A_50 : memref<1x128x256xf32, #tpu.memory_space<vmem>> -> memref<128x256xf32, #tpu.memory_space<vmem>>
    %dma_start3A_52 = tpu.memref_slice %arg6[%add3A_47] : memref<2048xi32, #tpu.memory_space<vmem>> -> memref<128xi32, #tpu.memory_space<vmem>>
    %dma_start3A_53 = arith.constant 0 : i32
    %dma_start3A_54 = arith.constant 0 : i32
    %dma_start3A_55 = tpu.memref_slice %arg2[%dma_start3A_53, %dma_start3A_54] : memref<8192x256xf32, #tpu.memory_space<hbm>> -> memref<8192x256xf32, #tpu.memory_space<hbm>>
    tpu.enqueue_indirect_dma source(%dma_start3A_55 : memref<8192x256xf32, #tpu.memory_space<hbm>>) target(%dma_start3A_51 : memref<128x256xf32, #tpu.memory_space<vmem>>) offsets(%dma_start3A_52 : memref<128xi32, #tpu.memory_space<vmem>>) semaphore(%arg12 : memref<!tpu.dma_semaphore, #tpu.memory_space<semaphore_mem>>)
    %add3A_56 = arith.constant 128 : i32
    %add3A_57 = arith.addi %mul3A_32, %add3A_56 : i32
    %dma_start3A_58 = arith.constant 1 : i32
    %dma_start3A_59 = arith.constant 0 : i32
    %dma_start3A_60 = arith.constant 0 : i32
    %dma_start3A_61 = tpu.memref_slice %arg10[%dma_start3A_58, %dma_start3A_59, %dma_start3A_60] : memref<2x128x256xf32, #tpu.memory_space<vmem>> -> memref<1x128x256xf32, #tpu.memory_space<vmem>>
    %dma_start3A_62 = tpu.memref_squeeze %dma_start3A_61 : memref<1x128x256xf32, #tpu.memory_space<vmem>> -> memref<128x256xf32, #tpu.memory_space<vmem>>
    %dma_start3A_63 = tpu.memref_slice %arg6[%add3A_57] : memref<2048xi32, #tpu.memory_space<vmem>> -> memref<128xi32, #tpu.memory_space<vmem>>
    %dma_start3A_64 = arith.constant 0 : i32
    %dma_start3A_65 = arith.constant 0 : i32
    %dma_start3A_66 = tpu.memref_slice %arg2[%dma_start3A_64, %dma_start3A_65] : memref<8192x256xf32, #tpu.memory_space<hbm>> -> memref<8192x256xf32, #tpu.memory_space<hbm>>
    tpu.enqueue_indirect_dma source(%dma_start3A_66 : memref<8192x256xf32, #tpu.memory_space<hbm>>) target(%dma_start3A_62 : memref<128x256xf32, #tpu.memory_space<vmem>>) offsets(%dma_start3A_63 : memref<128xi32, #tpu.memory_space<vmem>>) semaphore(%arg13 : memref<!tpu.dma_semaphore, #tpu.memory_space<semaphore_mem>>)
    %eq3A_67 = arith.constant 0 : i32
    %eq3A_68 = arith.cmpi eq, %arg1, %eq3A_67 : i32
    %convert_element_type3A = arith.extui %eq3A_68 : i1 to i32
    %cond3A = arith.constant 0 : i32
    %cond3A_69 = arith.cmpi ne, %convert_element_type3A, %cond3A : i32
    scf.if %cond3A_69 {
      "tpu.region"() ({
        %run_scoped3A = tpu.sem_alloc : memref<!tpu.dma_semaphore, #tpu.memory_space<semaphore_mem>>
        tpu.enqueue_dma source(%arg3 : memref<16x512xi32, #tpu.memory_space<hbm>>) target(%arg8 : memref<16x512xi32, #tpu.memory_space<vmem>>) target_semaphore(%run_scoped3A : memref<!tpu.dma_semaphore, #tpu.memory_space<semaphore_mem>>)
        tpu.wait_dma2 semaphore(%run_scoped3A : memref<!tpu.dma_semaphore, #tpu.memory_space<semaphore_mem>>) src(%arg3 : memref<16x512xi32, #tpu.memory_space<hbm>>) dst(%arg8 : memref<16x512xi32, #tpu.memory_space<vmem>>)
        tpu.yield
      }) : () -> ()
      %broadcast_in_dim3A_423 = arith.constant 0 : i32
      %broadcast_in_dim3A_424 = vector.broadcast %broadcast_in_dim3A_423 : i32 to vector<16xi32>
      %broadcast_in_dim3A_425 = arith.constant 0 : i32
      %broadcast_in_dim3A_426 = vector.broadcast %broadcast_in_dim3A_425 : i32 to vector<16xi32>
      %scan3A_427 = arith.constant 0 : i32
      %scan3A_428 = arith.constant 32 : i32
      %scan3A_429 = arith.addi %scan3A_427, %scan3A_428 : i32
      %scan3A_430 = arith.constant 1 : i32
      %scan3A_431 = scf.for %scan3A_563 = %scan3A_427 to %scan3A_429 step %scan3A_430 iter_args(%scan3A_564 = %broadcast_in_dim3A_426) -> (vector<16xi32>)  : i32 {
        %mul3A_565 = arith.constant 8 : i32
        %mul3A_566 = arith.muli %arg0, %mul3A_565 : i32
        %add3A_567 = arith.constant 0 : i32
        %add3A_568 = arith.addi %mul3A_566, %add3A_567 : i32
        %mul3A_569 = arith.constant 16 : i32
        %mul3A_570 = arith.muli %scan3A_563, %mul3A_569 : i32
        %get3A = arith.index_cast %add3A_568 : i32 to index
        %get3A_571 = arith.index_cast %mul3A_570 : i32 to index
        %get3A_572 = tpu.vector_load %arg8[%get3A, %get3A_571] {strides = array<i32>} : memref<16x512xi32, #tpu.memory_space<vmem>>, vector<16xi32>,
        %add3A_573 = arith.addi %scan3A_564, %get3A_572 : vector<16xi32>
        scf.yield %add3A_573 : vector<16xi32>
      }
      %scan3A_432 = arith.constant 32 : i32
      %eq3A_433 = arith.constant 0 : i32
      %eq3A_434 = vector.broadcast %eq3A_433 : i32 to vector<16xi32>
      %eq3A_435 = arith.cmpi eq, %iota3A, %eq3A_434 : vector<16xi32>
      %reduce_sum3A = arith.constant true
      %reduce_sum3A_436 = vector.broadcast %reduce_sum3A : i1 to vector<16xi1>
      %reduce_sum3A_437 = tpu.scan <sum>, %scan3A_431 masked %reduce_sum3A_436 : vector<16xi32>, vector<16xi1> -> vector<16xi32>
      %reduce_sum3A_438 = vector.extract %reduce_sum3A_437[15] : i32 from vector<16xi32>
      %broadcast_in_dim3A_439 = vector.broadcast %reduce_sum3A_438 : i32 to vector<16xi32>
      %select_n3A_440 = arith.select %eq3A_435, %broadcast_in_dim3A_439, %broadcast_in_dim3A_424 : vector<16xi1>, vector<16xi32>
      %broadcast_in_dim3A_441 = arith.constant 0 : i32
      %broadcast_in_dim3A_442 = vector.broadcast %broadcast_in_dim3A_441 : i32 to vector<16xi32>
      %scan3A_443 = arith.constant 0 : i32
      %scan3A_444 = arith.constant 32 : i32
      %scan3A_445 = arith.addi %scan3A_443, %scan3A_444 : i32
      %scan3A_446 = arith.constant 1 : i32
      %scan3A_447 = scf.for %scan3A_563 = %scan3A_443 to %scan3A_445 step %scan3A_446 iter_args(%scan3A_564 = %broadcast_in_dim3A_442) -> (vector<16xi32>)  : i32 {
        %mul3A_565 = arith.constant 8 : i32
        %mul3A_566 = arith.muli %arg0, %mul3A_565 : i32
        %add3A_567 = arith.constant 1 : i32
        %add3A_568 = arith.addi %mul3A_566, %add3A_567 : i32
        %mul3A_569 = arith.constant 16 : i32
        %mul3A_570 = arith.muli %scan3A_563, %mul3A_569 : i32
        %get3A = arith.index_cast %add3A_568 : i32 to index
        %get3A_571 = arith.index_cast %mul3A_570 : i32 to index
        %get3A_572 = tpu.vector_load %arg8[%get3A, %get3A_571] {strides = array<i32>} : memref<16x512xi32, #tpu.memory_space<vmem>>, vector<16xi32>,
        %add3A_573 = arith.addi %scan3A_564, %get3A_572 : vector<16xi32>
        scf.yield %add3A_573 : vector<16xi32>
      }
      %scan3A_448 = arith.constant 32 : i32
      %eq3A_449 = arith.constant 1 : i32
      %eq3A_450 = vector.broadcast %eq3A_449 : i32 to vector<16xi32>
      %eq3A_451 = arith.cmpi eq, %iota3A, %eq3A_450 : vector<16xi32>
      %reduce_sum3A_452 = arith.constant true
      %reduce_sum3A_453 = vector.broadcast %reduce_sum3A_452 : i1 to vector<16xi1>
      %reduce_sum3A_454 = tpu.scan <sum>, %scan3A_447 masked %reduce_sum3A_453 : vector<16xi32>, vector<16xi1> -> vector<16xi32>
      %reduce_sum3A_455 = vector.extract %reduce_sum3A_454[15] : i32 from vector<16xi32>
      %broadcast_in_dim3A_456 = vector.broadcast %reduce_sum3A_455 : i32 to vector<16xi32>
      %select_n3A_457 = arith.select %eq3A_451, %broadcast_in_dim3A_456, %select_n3A_440 : vector<16xi1>, vector<16xi32>
      %broadcast_in_dim3A_458 = arith.constant 0 : i32
      %broadcast_in_dim3A_459 = vector.broadcast %broadcast_in_dim3A_458 : i32 to vector<16xi32>
      %scan3A_460 = arith.constant 0 : i32
      %scan3A_461 = arith.constant 32 : i32
      %scan3A_462 = arith.addi %scan3A_460, %scan3A_461 : i32
      %scan3A_463 = arith.constant 1 : i32
      %scan3A_464 = scf.for %scan3A_563 = %scan3A_460 to %scan3A_462 step %scan3A_463 iter_args(%scan3A_564 = %broadcast_in_dim3A_459) -> (vector<16xi32>)  : i32 {
        %mul3A_565 = arith.constant 8 : i32
        %mul3A_566 = arith.muli %arg0, %mul3A_565 : i32
        %add3A_567 = arith.constant 2 : i32
        %add3A_568 = arith.addi %mul3A_566, %add3A_567 : i32
        %mul3A_569 = arith.constant 16 : i32
        %mul3A_570 = arith.muli %scan3A_563, %mul3A_569 : i32
        %get3A = arith.index_cast %add3A_568 : i32 to index
        %get3A_571 = arith.index_cast %mul3A_570 : i32 to index
        %get3A_572 = tpu.vector_load %arg8[%get3A, %get3A_571] {strides = array<i32>} : memref<16x512xi32, #tpu.memory_space<vmem>>, vector<16xi32>,
        %add3A_573 = arith.addi %scan3A_564, %get3A_572 : vector<16xi32>
        scf.yield %add3A_573 : vector<16xi32>
      }
      %scan3A_465 = arith.constant 32 : i32
      %eq3A_466 = arith.constant 2 : i32
      %eq3A_467 = vector.broadcast %eq3A_466 : i32 to vector<16xi32>
      %eq3A_468 = arith.cmpi eq, %iota3A, %eq3A_467 : vector<16xi32>
      %reduce_sum3A_469 = arith.constant true
      %reduce_sum3A_470 = vector.broadcast %reduce_sum3A_469 : i1 to vector<16xi1>
      %reduce_sum3A_471 = tpu.scan <sum>, %scan3A_464 masked %reduce_sum3A_470 : vector<16xi32>, vector<16xi1> -> vector<16xi32>
      %reduce_sum3A_472 = vector.extract %reduce_sum3A_471[15] : i32 from vector<16xi32>
      %broadcast_in_dim3A_473 = vector.broadcast %reduce_sum3A_472 : i32 to vector<16xi32>
      %select_n3A_474 = arith.select %eq3A_468, %broadcast_in_dim3A_473, %select_n3A_457 : vector<16xi1>, vector<16xi32>
      %broadcast_in_dim3A_475 = arith.constant 0 : i32
      %broadcast_in_dim3A_476 = vector.broadcast %broadcast_in_dim3A_475 : i32 to vector<16xi32>
      %scan3A_477 = arith.constant 0 : i32
      %scan3A_478 = arith.constant 32 : i32
      %scan3A_479 = arith.addi %scan3A_477, %scan3A_478 : i32
      %scan3A_480 = arith.constant 1 : i32
      %scan3A_481 = scf.for %scan3A_563 = %scan3A_477 to %scan3A_479 step %scan3A_480 iter_args(%scan3A_564 = %broadcast_in_dim3A_476) -> (vector<16xi32>)  : i32 {
        %mul3A_565 = arith.constant 8 : i32
        %mul3A_566 = arith.muli %arg0, %mul3A_565 : i32
        %add3A_567 = arith.constant 3 : i32
        %add3A_568 = arith.addi %mul3A_566, %add3A_567 : i32
        %mul3A_569 = arith.constant 16 : i32
        %mul3A_570 = arith.muli %scan3A_563, %mul3A_569 : i32
        %get3A = arith.index_cast %add3A_568 : i32 to index
        %get3A_571 = arith.index_cast %mul3A_570 : i32 to index
        %get3A_572 = tpu.vector_load %arg8[%get3A, %get3A_571] {strides = array<i32>} : memref<16x512xi32, #tpu.memory_space<vmem>>, vector<16xi32>,
        %add3A_573 = arith.addi %scan3A_564, %get3A_572 : vector<16xi32>
        scf.yield %add3A_573 : vector<16xi32>
      }
      %scan3A_482 = arith.constant 32 : i32
      %eq3A_483 = arith.constant 3 : i32
      %eq3A_484 = vector.broadcast %eq3A_483 : i32 to vector<16xi32>
      %eq3A_485 = arith.cmpi eq, %iota3A, %eq3A_484 : vector<16xi32>
      %reduce_sum3A_486 = arith.constant true
      %reduce_sum3A_487 = vector.broadcast %reduce_sum3A_486 : i1 to vector<16xi1>
      %reduce_sum3A_488 = tpu.scan <sum>, %scan3A_481 masked %reduce_sum3A_487 : vector<16xi32>, vector<16xi1> -> vector<16xi32>
      %reduce_sum3A_489 = vector.extract %reduce_sum3A_488[15] : i32 from vector<16xi32>
      %broadcast_in_dim3A_490 = vector.broadcast %reduce_sum3A_489 : i32 to vector<16xi32>
      %select_n3A_491 = arith.select %eq3A_485, %broadcast_in_dim3A_490, %select_n3A_474 : vector<16xi1>, vector<16xi32>
      %broadcast_in_dim3A_492 = arith.constant 0 : i32
      %broadcast_in_dim3A_493 = vector.broadcast %broadcast_in_dim3A_492 : i32 to vector<16xi32>
      %scan3A_494 = arith.constant 0 : i32
      %scan3A_495 = arith.constant 32 : i32
      %scan3A_496 = arith.addi %scan3A_494, %scan3A_495 : i32
      %scan3A_497 = arith.constant 1 : i32
      %scan3A_498 = scf.for %scan3A_563 = %scan3A_494 to %scan3A_496 step %scan3A_497 iter_args(%scan3A_564 = %broadcast_in_dim3A_493) -> (vector<16xi32>)  : i32 {
        %mul3A_565 = arith.constant 8 : i32
        %mul3A_566 = arith.muli %arg0, %mul3A_565 : i32
        %add3A_567 = arith.constant 4 : i32
        %add3A_568 = arith.addi %mul3A_566, %add3A_567 : i32
        %mul3A_569 = arith.constant 16 : i32
        %mul3A_570 = arith.muli %scan3A_563, %mul3A_569 : i32
        %get3A = arith.index_cast %add3A_568 : i32 to index
        %get3A_571 = arith.index_cast %mul3A_570 : i32 to index
        %get3A_572 = tpu.vector_load %arg8[%get3A, %get3A_571] {strides = array<i32>} : memref<16x512xi32, #tpu.memory_space<vmem>>, vector<16xi32>,
        %add3A_573 = arith.addi %scan3A_564, %get3A_572 : vector<16xi32>
        scf.yield %add3A_573 : vector<16xi32>
      }
      %scan3A_499 = arith.constant 32 : i32
      %eq3A_500 = arith.constant 4 : i32
      %eq3A_501 = vector.broadcast %eq3A_500 : i32 to vector<16xi32>
      %eq3A_502 = arith.cmpi eq, %iota3A, %eq3A_501 : vector<16xi32>
      %reduce_sum3A_503 = arith.constant true
      %reduce_sum3A_504 = vector.broadcast %reduce_sum3A_503 : i1 to vector<16xi1>
      %reduce_sum3A_505 = tpu.scan <sum>, %scan3A_498 masked %reduce_sum3A_504 : vector<16xi32>, vector<16xi1> -> vector<16xi32>
      %reduce_sum3A_506 = vector.extract %reduce_sum3A_505[15] : i32 from vector<16xi32>
      %broadcast_in_dim3A_507 = vector.broadcast %reduce_sum3A_506 : i32 to vector<16xi32>
      %select_n3A_508 = arith.select %eq3A_502, %broadcast_in_dim3A_507, %select_n3A_491 : vector<16xi1>, vector<16xi32>
      %broadcast_in_dim3A_509 = arith.constant 0 : i32
      %broadcast_in_dim3A_510 = vector.broadcast %broadcast_in_dim3A_509 : i32 to vector<16xi32>
      %scan3A_511 = arith.constant 0 : i32
      %scan3A_512 = arith.constant 32 : i32
      %scan3A_513 = arith.addi %scan3A_511, %scan3A_512 : i32
      %scan3A_514 = arith.constant 1 : i32
      %scan3A_515 = scf.for %scan3A_563 = %scan3A_511 to %scan3A_513 step %scan3A_514 iter_args(%scan3A_564 = %broadcast_in_dim3A_510) -> (vector<16xi32>)  : i32 {
        %mul3A_565 = arith.constant 8 : i32
        %mul3A_566 = arith.muli %arg0, %mul3A_565 : i32
        %add3A_567 = arith.constant 5 : i32
        %add3A_568 = arith.addi %mul3A_566, %add3A_567 : i32
        %mul3A_569 = arith.constant 16 : i32
        %mul3A_570 = arith.muli %scan3A_563, %mul3A_569 : i32
        %get3A = arith.index_cast %add3A_568 : i32 to index
        %get3A_571 = arith.index_cast %mul3A_570 : i32 to index
        %get3A_572 = tpu.vector_load %arg8[%get3A, %get3A_571] {strides = array<i32>} : memref<16x512xi32, #tpu.memory_space<vmem>>, vector<16xi32>,
        %add3A_573 = arith.addi %scan3A_564, %get3A_572 : vector<16xi32>
        scf.yield %add3A_573 : vector<16xi32>
      }
      %scan3A_516 = arith.constant 32 : i32
      %eq3A_517 = arith.constant 5 : i32
      %eq3A_518 = vector.broadcast %eq3A_517 : i32 to vector<16xi32>
      %eq3A_519 = arith.cmpi eq, %iota3A, %eq3A_518 : vector<16xi32>
      %reduce_sum3A_520 = arith.constant true
      %reduce_sum3A_521 = vector.broadcast %reduce_sum3A_520 : i1 to vector<16xi1>
      %reduce_sum3A_522 = tpu.scan <sum>, %scan3A_515 masked %reduce_sum3A_521 : vector<16xi32>, vector<16xi1> -> vector<16xi32>
      %reduce_sum3A_523 = vector.extract %reduce_sum3A_522[15] : i32 from vector<16xi32>
      %broadcast_in_dim3A_524 = vector.broadcast %reduce_sum3A_523 : i32 to vector<16xi32>
      %select_n3A_525 = arith.select %eq3A_519, %broadcast_in_dim3A_524, %select_n3A_508 : vector<16xi1>, vector<16xi32>
      %broadcast_in_dim3A_526 = arith.constant 0 : i32
      %broadcast_in_dim3A_527 = vector.broadcast %broadcast_in_dim3A_526 : i32 to vector<16xi32>
      %scan3A_528 = arith.constant 0 : i32
      %scan3A_529 = arith.constant 32 : i32
      %scan3A_530 = arith.addi %scan3A_528, %scan3A_529 : i32
      %scan3A_531 = arith.constant 1 : i32
      %scan3A_532 = scf.for %scan3A_563 = %scan3A_528 to %scan3A_530 step %scan3A_531 iter_args(%scan3A_564 = %broadcast_in_dim3A_527) -> (vector<16xi32>)  : i32 {
        %mul3A_565 = arith.constant 8 : i32
        %mul3A_566 = arith.muli %arg0, %mul3A_565 : i32
        %add3A_567 = arith.constant 6 : i32
        %add3A_568 = arith.addi %mul3A_566, %add3A_567 : i32
        %mul3A_569 = arith.constant 16 : i32
        %mul3A_570 = arith.muli %scan3A_563, %mul3A_569 : i32
        %get3A = arith.index_cast %add3A_568 : i32 to index
        %get3A_571 = arith.index_cast %mul3A_570 : i32 to index
        %get3A_572 = tpu.vector_load %arg8[%get3A, %get3A_571] {strides = array<i32>} : memref<16x512xi32, #tpu.memory_space<vmem>>, vector<16xi32>,
        %add3A_573 = arith.addi %scan3A_564, %get3A_572 : vector<16xi32>
        scf.yield %add3A_573 : vector<16xi32>
      }
      %scan3A_533 = arith.constant 32 : i32
      %eq3A_534 = arith.constant 6 : i32
      %eq3A_535 = vector.broadcast %eq3A_534 : i32 to vector<16xi32>
      %eq3A_536 = arith.cmpi eq, %iota3A, %eq3A_535 : vector<16xi32>
      %reduce_sum3A_537 = arith.constant true
      %reduce_sum3A_538 = vector.broadcast %reduce_sum3A_537 : i1 to vector<16xi1>
      %reduce_sum3A_539 = tpu.scan <sum>, %scan3A_532 masked %reduce_sum3A_538 : vector<16xi32>, vector<16xi1> -> vector<16xi32>
      %reduce_sum3A_540 = vector.extract %reduce_sum3A_539[15] : i32 from vector<16xi32>
      %broadcast_in_dim3A_541 = vector.broadcast %reduce_sum3A_540 : i32 to vector<16xi32>
      %select_n3A_542 = arith.select %eq3A_536, %broadcast_in_dim3A_541, %select_n3A_525 : vector<16xi1>, vector<16xi32>
      %broadcast_in_dim3A_543 = arith.constant 0 : i32
      %broadcast_in_dim3A_544 = vector.broadcast %broadcast_in_dim3A_543 : i32 to vector<16xi32>
      %scan3A_545 = arith.constant 0 : i32
      %scan3A_546 = arith.constant 32 : i32
      %scan3A_547 = arith.addi %scan3A_545, %scan3A_546 : i32
      %scan3A_548 = arith.constant 1 : i32
      %scan3A_549 = scf.for %scan3A_563 = %scan3A_545 to %scan3A_547 step %scan3A_548 iter_args(%scan3A_564 = %broadcast_in_dim3A_544) -> (vector<16xi32>)  : i32 {
        %mul3A_565 = arith.constant 8 : i32
        %mul3A_566 = arith.muli %arg0, %mul3A_565 : i32
        %add3A_567 = arith.constant 7 : i32
        %add3A_568 = arith.addi %mul3A_566, %add3A_567 : i32
        %mul3A_569 = arith.constant 16 : i32
        %mul3A_570 = arith.muli %scan3A_563, %mul3A_569 : i32
        %get3A = arith.index_cast %add3A_568 : i32 to index
        %get3A_571 = arith.index_cast %mul3A_570 : i32 to index
        %get3A_572 = tpu.vector_load %arg8[%get3A, %get3A_571] {strides = array<i32>} : memref<16x512xi32, #tpu.memory_space<vmem>>, vector<16xi32>,
        %add3A_573 = arith.addi %scan3A_564, %get3A_572 : vector<16xi32>
        scf.yield %add3A_573 : vector<16xi32>
      }
      %scan3A_550 = arith.constant 32 : i32
      %eq3A_551 = arith.constant 7 : i32
      %eq3A_552 = vector.broadcast %eq3A_551 : i32 to vector<16xi32>
      %eq3A_553 = arith.cmpi eq, %iota3A, %eq3A_552 : vector<16xi32>
      %reduce_sum3A_554 = arith.constant true
      %reduce_sum3A_555 = vector.broadcast %reduce_sum3A_554 : i1 to vector<16xi1>
      %reduce_sum3A_556 = tpu.scan <sum>, %scan3A_549 masked %reduce_sum3A_555 : vector<16xi32>, vector<16xi1> -> vector<16xi32>
      %reduce_sum3A_557 = vector.extract %reduce_sum3A_556[15] : i32 from vector<16xi32>
      %broadcast_in_dim3A_558 = vector.broadcast %reduce_sum3A_557 : i32 to vector<16xi32>
      %select_n3A_559 = arith.select %eq3A_553, %broadcast_in_dim3A_558, %select_n3A_542 : vector<16xi1>, vector<16xi32>
      %swap3A = arith.constant 0 : index
      %swap3A_560 = tpu.vector_load %arg9[%swap3A] {strides = array<i32>} : memref<16xi32, #tpu.memory_space<vmem>>, vector<16xi32>,
      tpu.vector_store %arg9[%swap3A], %select_n3A_559 {strides = array<i32>} : memref<16xi32, #tpu.memory_space<vmem>>, vector<16xi32>,
      %mul3A_561 = arith.constant 8 : i32
      %mul3A_562 = arith.muli %arg0, %mul3A_561 : i32
      "tpu.region"() ({
        %run_scoped3A = tpu.sem_alloc : memref<!tpu.dma_semaphore, #tpu.memory_space<semaphore_mem>>
        %dma_start3A_563 = arith.constant 0 : i32
        %dma_start3A_564 = tpu.memref_slice %arg9[%dma_start3A_563] : memref<16xi32, #tpu.memory_space<vmem>> -> memref<8xi32, #tpu.memory_space<vmem>>
        %dma_start3A_565 = tpu.memref_slice %arg5[%mul3A_562] : memref<16xi32, #tpu.memory_space<hbm>> -> memref<8xi32, #tpu.memory_space<hbm>>
        %dma_start3A_566 = tpu.memref_slice %arg5[%mul3A_562] : memref<16xi32, #tpu.memory_space<hbm>> -> memref<8xi32, #tpu.memory_space<hbm>>
        %dma_start3A_567 = arith.constant 0 : i32
        %dma_start3A_568 = tpu.memref_slice %arg9[%dma_start3A_567] : memref<16xi32, #tpu.memory_space<vmem>> -> memref<8xi32, #tpu.memory_space<vmem>>
        tpu.enqueue_dma source(%dma_start3A_568 : memref<8xi32, #tpu.memory_space<vmem>>) target(%dma_start3A_566 : memref<8xi32, #tpu.memory_space<hbm>>) target_semaphore(%run_scoped3A : memref<!tpu.dma_semaphore, #tpu.memory_space<semaphore_mem>>)
        %dma_wait3A_569 = arith.constant 0 : i32
        %dma_wait3A_570 = tpu.memref_slice %arg9[%dma_wait3A_569] : memref<16xi32, #tpu.memory_space<vmem>> -> memref<8xi32, #tpu.memory_space<vmem>>
        %dma_wait3A_571 = tpu.memref_slice %arg5[%mul3A_562] : memref<16xi32, #tpu.memory_space<hbm>> -> memref<8xi32, #tpu.memory_space<hbm>>
        %dma_wait3A_572 = tpu.memref_slice %arg5[%mul3A_562] : memref<16xi32, #tpu.memory_space<hbm>> -> memref<8xi32, #tpu.memory_space<hbm>>
        %dma_wait3A_573 = arith.constant 0 : i32
        %dma_wait3A_574 = tpu.memref_slice %arg9[%dma_wait3A_573] : memref<16xi32, #tpu.memory_space<vmem>> -> memref<8xi32, #tpu.memory_space<vmem>>
        tpu.wait_dma2 semaphore(%run_scoped3A : memref<!tpu.dma_semaphore, #tpu.memory_space<semaphore_mem>>) src(%dma_wait3A_574 : memref<8xi32, #tpu.memory_space<vmem>>) dst(%dma_wait3A_572 : memref<8xi32, #tpu.memory_space<hbm>>)
        tpu.yield
      }) : () -> ()
    } else {
    }
    %sub3A_70 = arith.subi %scan3A_44, %mul3A_32 : i32
    %jit3A_71 = arith.constant 0 : i32
    %jit3A_72 = arith.constant 1024 : i32
    %max3A = arith.maxsi %jit3A_71, %sub3A_70 : i32
    %min3A = arith.minsi %jit3A_72, %max3A : i32
    %broadcast_in_dim3A_73 = arith.constant 0.000000e+00 : f32
    %broadcast_in_dim3A_74 = vector.broadcast %broadcast_in_dim3A_73 : f32 to vector<16xf32>
    %le3A = arith.constant 896 : i32
    %le3A_75 = arith.cmpi sle, %min3A, %le3A : i32
    %convert_element_type3A_76 = arith.extui %le3A_75 : i1 to i32
    %cond3A_77 = arith.constant 0 : i32
    %cond3A_78 = arith.cmpi ne, %convert_element_type3A_76, %cond3A_77 : i32
    scf.if %cond3A_78 {
      %scan3A_423 = arith.constant 0 : i32
      %scan3A_424 = arith.constant 0 : i32
      %scan3A_425 = arith.constant 128 : i32
      %scan3A_426 = arith.addi %scan3A_424, %scan3A_425 : i32
      %scan3A_427 = arith.constant 1 : i32
      scf.for %scan3A_429 = %scan3A_424 to %scan3A_426 step %scan3A_427  : i32 {
        %swap3A = arith.index_cast %scan3A_429 : i32 to index
        %swap3A_430 = arith.constant 0 : index
        %swap3A_431 = tpu.vector_load %arg11[%swap3A, %swap3A_430] {strides = array<i32>} : memref<128x256xf32, #tpu.memory_space<vmem>>, vector<16xf32>,
        tpu.vector_store %arg11[%swap3A, %swap3A_430], %broadcast_in_dim3A_74 {strides = array<i32>} : memref<128x256xf32, #tpu.memory_space<vmem>>, vector<16xf32>,
        %swap3A_432 = arith.index_cast %scan3A_429 : i32 to index
        %swap3A_433 = arith.constant 16 : index
        %swap3A_434 = tpu.vector_load %arg11[%swap3A_432, %swap3A_433] {strides = array<i32>} : memref<128x256xf32, #tpu.memory_space<vmem>>, vector<16xf32>,
        tpu.vector_store %arg11[%swap3A_432, %swap3A_433], %broadcast_in_dim3A_74 {strides = array<i32>} : memref<128x256xf32, #tpu.memory_space<vmem>>, vector<16xf32>,
        %swap3A_435 = arith.index_cast %scan3A_429 : i32 to index
        %swap3A_436 = arith.constant 32 : index
        %swap3A_437 = tpu.vector_load %arg11[%swap3A_435, %swap3A_436] {strides = array<i32>} : memref<128x256xf32, #tpu.memory_space<vmem>>, vector<16xf32>,
        tpu.vector_store %arg11[%swap3A_435, %swap3A_436], %broadcast_in_dim3A_74 {strides = array<i32>} : memref<128x256xf32, #tpu.memory_space<vmem>>, vector<16xf32>,
        %swap3A_438 = arith.index_cast %scan3A_429 : i32 to index
        %swap3A_439 = arith.constant 48 : index
        %swap3A_440 = tpu.vector_load %arg11[%swap3A_438, %swap3A_439] {strides = array<i32>} : memref<128x256xf32, #tpu.memory_space<vmem>>, vector<16xf32>,
        tpu.vector_store %arg11[%swap3A_438, %swap3A_439], %broadcast_in_dim3A_74 {strides = array<i32>} : memref<128x256xf32, #tpu.memory_space<vmem>>, vector<16xf32>,
        %swap3A_441 = arith.index_cast %scan3A_429 : i32 to index
        %swap3A_442 = arith.constant 64 : index
        %swap3A_443 = tpu.vector_load %arg11[%swap3A_441, %swap3A_442] {strides = array<i32>} : memref<128x256xf32, #tpu.memory_space<vmem>>, vector<16xf32>,
        tpu.vector_store %arg11[%swap3A_441, %swap3A_442], %broadcast_in_dim3A_74 {strides = array<i32>} : memref<128x256xf32, #tpu.memory_space<vmem>>, vector<16xf32>,
        %swap3A_444 = arith.index_cast %scan3A_429 : i32 to index
        %swap3A_445 = arith.constant 80 : index
        %swap3A_446 = tpu.vector_load %arg11[%swap3A_444, %swap3A_445] {strides = array<i32>} : memref<128x256xf32, #tpu.memory_space<vmem>>, vector<16xf32>,
        tpu.vector_store %arg11[%swap3A_444, %swap3A_445], %broadcast_in_dim3A_74 {strides = array<i32>} : memref<128x256xf32, #tpu.memory_space<vmem>>, vector<16xf32>,
        %swap3A_447 = arith.index_cast %scan3A_429 : i32 to index
        %swap3A_448 = arith.constant 96 : index
        %swap3A_449 = tpu.vector_load %arg11[%swap3A_447, %swap3A_448] {strides = array<i32>} : memref<128x256xf32, #tpu.memory_space<vmem>>, vector<16xf32>,
        tpu.vector_store %arg11[%swap3A_447, %swap3A_448], %broadcast_in_dim3A_74 {strides = array<i32>} : memref<128x256xf32, #tpu.memory_space<vmem>>, vector<16xf32>,
        %swap3A_450 = arith.index_cast %scan3A_429 : i32 to index
        %swap3A_451 = arith.constant 112 : index
        %swap3A_452 = tpu.vector_load %arg11[%swap3A_450, %swap3A_451] {strides = array<i32>} : memref<128x256xf32, #tpu.memory_space<vmem>>, vector<16xf32>,
        tpu.vector_store %arg11[%swap3A_450, %swap3A_451], %broadcast_in_dim3A_74 {strides = array<i32>} : memref<128x256xf32, #tpu.memory_space<vmem>>, vector<16xf32>,
        %swap3A_453 = arith.index_cast %scan3A_429 : i32 to index
        %swap3A_454 = arith.constant 128 : index
        %swap3A_455 = tpu.vector_load %arg11[%swap3A_453, %swap3A_454] {strides = array<i32>} : memref<128x256xf32, #tpu.memory_space<vmem>>, vector<16xf32>,
        tpu.vector_store %arg11[%swap3A_453, %swap3A_454], %broadcast_in_dim3A_74 {strides = array<i32>} : memref<128x256xf32, #tpu.memory_space<vmem>>, vector<16xf32>,
        %swap3A_456 = arith.index_cast %scan3A_429 : i32 to index
        %swap3A_457 = arith.constant 144 : index
        %swap3A_458 = tpu.vector_load %arg11[%swap3A_456, %swap3A_457] {strides = array<i32>} : memref<128x256xf32, #tpu.memory_space<vmem>>, vector<16xf32>,
        tpu.vector_store %arg11[%swap3A_456, %swap3A_457], %broadcast_in_dim3A_74 {strides = array<i32>} : memref<128x256xf32, #tpu.memory_space<vmem>>, vector<16xf32>,
        %swap3A_459 = arith.index_cast %scan3A_429 : i32 to index
        %swap3A_460 = arith.constant 160 : index
        %swap3A_461 = tpu.vector_load %arg11[%swap3A_459, %swap3A_460] {strides = array<i32>} : memref<128x256xf32, #tpu.memory_space<vmem>>, vector<16xf32>,
        tpu.vector_store %arg11[%swap3A_459, %swap3A_460], %broadcast_in_dim3A_74 {strides = array<i32>} : memref<128x256xf32, #tpu.memory_space<vmem>>, vector<16xf32>,
        %swap3A_462 = arith.index_cast %scan3A_429 : i32 to index
        %swap3A_463 = arith.constant 176 : index
        %swap3A_464 = tpu.vector_load %arg11[%swap3A_462, %swap3A_463] {strides = array<i32>} : memref<128x256xf32, #tpu.memory_space<vmem>>, vector<16xf32>,
        tpu.vector_store %arg11[%swap3A_462, %swap3A_463], %broadcast_in_dim3A_74 {strides = array<i32>} : memref<128x256xf32, #tpu.memory_space<vmem>>, vector<16xf32>,
        %swap3A_465 = arith.index_cast %scan3A_429 : i32 to index
        %swap3A_466 = arith.constant 192 : index
        %swap3A_467 = tpu.vector_load %arg11[%swap3A_465, %swap3A_466] {strides = array<i32>} : memref<128x256xf32, #tpu.memory_space<vmem>>, vector<16xf32>,
        tpu.vector_store %arg11[%swap3A_465, %swap3A_466], %broadcast_in_dim3A_74 {strides = array<i32>} : memref<128x256xf32, #tpu.memory_space<vmem>>, vector<16xf32>,
        %swap3A_468 = arith.index_cast %scan3A_429 : i32 to index
        %swap3A_469 = arith.constant 208 : index
        %swap3A_470 = tpu.vector_load %arg11[%swap3A_468, %swap3A_469] {strides = array<i32>} : memref<128x256xf32, #tpu.memory_space<vmem>>, vector<16xf32>,
        tpu.vector_store %arg11[%swap3A_468, %swap3A_469], %broadcast_in_dim3A_74 {strides = array<i32>} : memref<128x256xf32, #tpu.memory_space<vmem>>, vector<16xf32>,
        %swap3A_471 = arith.index_cast %scan3A_429 : i32 to index
        %swap3A_472 = arith.constant 224 : index
        %swap3A_473 = tpu.vector_load %arg11[%swap3A_471, %swap3A_472] {strides = array<i32>} : memref<128x256xf32, #tpu.memory_space<vmem>>, vector<16xf32>,
        tpu.vector_store %arg11[%swap3A_471, %swap3A_472], %broadcast_in_dim3A_74 {strides = array<i32>} : memref<128x256xf32, #tpu.memory_space<vmem>>, vector<16xf32>,
        %swap3A_474 = arith.index_cast %scan3A_429 : i32 to index
        %swap3A_475 = arith.constant 240 : index
        %swap3A_476 = tpu.vector_load %arg11[%swap3A_474, %swap3A_475] {strides = array<i32>} : memref<128x256xf32, #tpu.memory_space<vmem>>, vector<16xf32>,
        tpu.vector_store %arg11[%swap3A_474, %swap3A_475], %broadcast_in_dim3A_74 {strides = array<i32>} : memref<128x256xf32, #tpu.memory_space<vmem>>, vector<16xf32>,
      }
      %scan3A_428 = arith.constant 128 : i32
    } else {
    }
    %dma_wait3A = arith.constant 0 : i32
    %dma_wait3A_79 = arith.constant 0 : i32
    %dma_wait3A_80 = arith.constant 0 : i32
    %dma_wait3A_81 = tpu.memref_slice %arg10[%dma_wait3A, %dma_wait3A_79, %dma_wait3A_80] : memref<2x128x256xf32, #tpu.memory_space<vmem>> -> memref<1x128x256xf32, #tpu.memory_space<vmem>>
    %dma_wait3A_82 = tpu.memref_squeeze %dma_wait3A_81 : memref<1x128x256xf32, #tpu.memory_space<vmem>> -> memref<128x256xf32, #tpu.memory_space<vmem>>
    %dma_wait3A_83 = tpu.memref_slice %arg6[%add3A_47] : memref<2048xi32, #tpu.memory_space<vmem>> -> memref<128xi32, #tpu.memory_space<vmem>>
    %dma_wait3A_84 = arith.constant 0 : i32
    %dma_wait3A_85 = arith.constant 0 : i32
    %dma_wait3A_86 = tpu.memref_slice %arg2[%dma_wait3A_84, %dma_wait3A_85] : memref<8192x256xf32, #tpu.memory_space<hbm>> -> memref<8192x256xf32, #tpu.memory_space<hbm>>
    tpu.wait_indirect_dma semaphore(%arg12 : memref<!tpu.dma_semaphore, #tpu.memory_space<semaphore_mem>>) src(%dma_wait3A_86 : memref<8192x256xf32, #tpu.memory_space<hbm>>) dst(%dma_wait3A_82 : memref<128x256xf32, #tpu.memory_space<vmem>>)
    %sub3A_87 = arith.constant 0 : i32
    %sub3A_88 = arith.subi %min3A, %sub3A_87 : i32
    %jit3A_89 = arith.constant 0 : i32
    %jit3A_90 = arith.constant 128 : i32
    %max3A_91 = arith.maxsi %jit3A_89, %sub3A_88 : i32
    %min3A_92 = arith.minsi %jit3A_90, %max3A_91 : i32
    %add3A_93 = arith.constant 0 : i32
    %add3A_94 = arith.addi %mul3A_32, %add3A_93 : i32
    %eq3A_95 = arith.constant 128 : i32
    %eq3A_96 = arith.cmpi eq, %min3A_92, %eq3A_95 : i32
    %convert_element_type3A_97 = arith.extui %eq3A_96 : i1 to i32
    %cond3A_98 = arith.constant 0 : i32
    %cond3A_99 = arith.cmpi ne, %convert_element_type3A_97, %cond3A_98 : i32
    scf.if %cond3A_99 {
      %run_scoped3A = arith.constant 0 : i32
      "tpu.region"() ({
        %run_scoped3A_423 = tpu.sem_alloc : memref<!tpu.dma_semaphore, #tpu.memory_space<semaphore_mem>>
        %dma_start3A_424 = arith.constant 0 : i32
        %dma_start3A_425 = arith.constant 0 : i32
        %dma_start3A_426 = tpu.memref_slice %arg10[%run_scoped3A, %dma_start3A_424, %dma_start3A_425] : memref<2x128x256xf32, #tpu.memory_space<vmem>> -> memref<1x128x256xf32, #tpu.memory_space<vmem>>
        %dma_start3A_427 = tpu.memref_squeeze %dma_start3A_426 : memref<1x128x256xf32, #tpu.memory_space<vmem>> -> memref<128x256xf32, #tpu.memory_space<vmem>>
        %dma_start3A_428 = arith.constant 0 : i32
        %dma_start3A_429 = tpu.memref_slice %arg4[%select_n3A, %add3A_94, %dma_start3A_428] : memref<16x2048x256xf32, #tpu.memory_space<hbm>> -> memref<1x128x256xf32, #tpu.memory_space<hbm>>
        %dma_start3A_430 = tpu.memref_squeeze %dma_start3A_429 : memref<1x128x256xf32, #tpu.memory_space<hbm>> -> memref<128x256xf32, #tpu.memory_space<hbm>>
        %dma_start3A_431 = arith.constant 0 : i32
        %dma_start3A_432 = tpu.memref_slice %arg4[%select_n3A, %add3A_94, %dma_start3A_431] : memref<16x2048x256xf32, #tpu.memory_space<hbm>> -> memref<1x128x256xf32, #tpu.memory_space<hbm>>
        %dma_start3A_433 = tpu.memref_squeeze %dma_start3A_432 : memref<1x128x256xf32, #tpu.memory_space<hbm>> -> memref<128x256xf32, #tpu.memory_space<hbm>>
        %dma_start3A_434 = arith.constant 0 : i32
        %dma_start3A_435 = arith.constant 0 : i32
        %dma_start3A_436 = tpu.memref_slice %arg10[%run_scoped3A, %dma_start3A_434, %dma_start3A_435] : memref<2x128x256xf32, #tpu.memory_space<vmem>> -> memref<1x128x256xf32, #tpu.memory_space<vmem>>
        %dma_start3A_437 = tpu.memref_squeeze %dma_start3A_436 : memref<1x128x256xf32, #tpu.memory_space<vmem>> -> memref<128x256xf32, #tpu.memory_space<vmem>>
        tpu.enqueue_dma source(%dma_start3A_437 : memref<128x256xf32, #tpu.memory_space<vmem>>) target(%dma_start3A_433 : memref<128x256xf32, #tpu.memory_space<hbm>>) target_semaphore(%run_scoped3A_423 : memref<!tpu.dma_semaphore, #tpu.memory_space<semaphore_mem>>)
        %dma_wait3A_438 = arith.constant 0 : i32
        %dma_wait3A_439 = arith.constant 0 : i32
        %dma_wait3A_440 = tpu.memref_slice %arg10[%run_scoped3A, %dma_wait3A_438, %dma_wait3A_439] : memref<2x128x256xf32, #tpu.memory_space<vmem>> -> memref<1x128x256xf32, #tpu.memory_space<vmem>>
        %dma_wait3A_441 = tpu.memref_squeeze %dma_wait3A_440 : memref<1x128x256xf32, #tpu.memory_space<vmem>> -> memref<128x256xf32, #tpu.memory_space<vmem>>
        %dma_wait3A_442 = arith.constant 0 : i32
        %dma_wait3A_443 = tpu.memref_slice %arg4[%select_n3A, %add3A_94, %dma_wait3A_442] : memref<16x2048x256xf32, #tpu.memory_space<hbm>> -> memref<1x128x256xf32, #tpu.memory_space<hbm>>
        %dma_wait3A_444 = tpu.memref_squeeze %dma_wait3A_443 : memref<1x128x256xf32, #tpu.memory_space<hbm>> -> memref<128x256xf32, #tpu.memory_space<hbm>>
        %dma_wait3A_445 = arith.constant 0 : i32
        %dma_wait3A_446 = tpu.memref_slice %arg4[%select_n3A, %add3A_94, %dma_wait3A_445] : memref<16x2048x256xf32, #tpu.memory_space<hbm>> -> memref<1x128x256xf32, #tpu.memory_space<hbm>>
        %dma_wait3A_447 = tpu.memref_squeeze %dma_wait3A_446 : memref<1x128x256xf32, #tpu.memory_space<hbm>> -> memref<128x256xf32, #tpu.memory_space<hbm>>
        %dma_wait3A_448 = arith.constant 0 : i32
        %dma_wait3A_449 = arith.constant 0 : i32
        %dma_wait3A_450 = tpu.memref_slice %arg10[%run_scoped3A, %dma_wait3A_448, %dma_wait3A_449] : memref<2x128x256xf32, #tpu.memory_space<vmem>> -> memref<1x128x256xf32, #tpu.memory_space<vmem>>
        %dma_wait3A_451 = tpu.memref_squeeze %dma_wait3A_450 : memref<1x128x256xf32, #tpu.memory_space<vmem>> -> memref<128x256xf32, #tpu.memory_space<vmem>>
        tpu.wait_dma2 semaphore(%run_scoped3A_423 : memref<!tpu.dma_semaphore, #tpu.memory_space<semaphore_mem>>) src(%dma_wait3A_451 : memref<128x256xf32, #tpu.memory_space<vmem>>) dst(%dma_wait3A_447 : memref<128x256xf32, #tpu.memory_space<hbm>>)
        tpu.yield
      }) : () -> ()
    } else {
    }
    %gt3A = arith.constant 0 : i32
    %gt3A_100 = arith.cmpi sgt, %min3A_92, %gt3A : i32
    %lt3A_101 = arith.constant 128 : i32
    %lt3A_102 = arith.cmpi slt, %min3A_92, %lt3A_101 : i32
    %and3A_103 = arith.andi %gt3A_100, %lt3A_102 : i1
    %convert_element_type3A_104 = arith.extui %and3A_103 : i1 to i32
    %cond3A_105 = arith.constant 0 : i32
    %cond3A_106 = arith.cmpi ne, %convert_element_type3A_104, %cond3A_105 : i32
    scf.if %cond3A_106 {
      %while3A = arith.constant 0 : i32
      %while3A_423 = arith.constant 128 : i32
      %while3A_424 = arith.subi %while3A_423, %min3A_92 : i32
      %while3A_425 = arith.addi %min3A_92, %while3A_424 : i32
      %while3A_426 = arith.constant 1 : i32
      %while3A_427 = arith.divsi %while3A_424, %while3A_426 : i32
      %while3A_428 = arith.muli %while3A_427, %while3A_426 : i32
      %while3A_429 = arith.addi %min3A_92, %while3A_428 : i32
      %while3A_430 = arith.constant 1 : i32
      scf.for %while3A_432 = %min3A_92 to %while3A_429 step %while3A_430  : i32 {
        %swap3A = arith.constant 0 : i32
        %swap3A_433 = arith.index_cast %swap3A : i32 to index
        %swap3A_434 = arith.index_cast %while3A_432 : i32 to index
        %swap3A_435 = arith.constant 0 : index
        %swap3A_436 = tpu.vector_load %arg10[%swap3A_433, %swap3A_434, %swap3A_435] {strides = array<i32>} : memref<2x128x256xf32, #tpu.memory_space<vmem>>, vector<16xf32>,
        tpu.vector_store %arg10[%swap3A_433, %swap3A_434, %swap3A_435], %broadcast_in_dim3A_74 {strides = array<i32>} : memref<2x128x256xf32, #tpu.memory_space<vmem>>, vector<16xf32>,
        %swap3A_437 = arith.constant 0 : i32
        %swap3A_438 = arith.index_cast %swap3A_437 : i32 to index
        %swap3A_439 = arith.index_cast %while3A_432 : i32 to index
        %swap3A_440 = arith.constant 16 : index
        %swap3A_441 = tpu.vector_load %arg10[%swap3A_438, %swap3A_439, %swap3A_440] {strides = array<i32>} : memref<2x128x256xf32, #tpu.memory_space<vmem>>, vector<16xf32>,
        tpu.vector_store %arg10[%swap3A_438, %swap3A_439, %swap3A_440], %broadcast_in_dim3A_74 {strides = array<i32>} : memref<2x128x256xf32, #tpu.memory_space<vmem>>, vector<16xf32>,
        %swap3A_442 = arith.constant 0 : i32
        %swap3A_443 = arith.index_cast %swap3A_442 : i32 to index
        %swap3A_444 = arith.index_cast %while3A_432 : i32 to index
        %swap3A_445 = arith.constant 32 : index
        %swap3A_446 = tpu.vector_load %arg10[%swap3A_443, %swap3A_444, %swap3A_445] {strides = array<i32>} : memref<2x128x256xf32, #tpu.memory_space<vmem>>, vector<16xf32>,
        tpu.vector_store %arg10[%swap3A_443, %swap3A_444, %swap3A_445], %broadcast_in_dim3A_74 {strides = array<i32>} : memref<2x128x256xf32, #tpu.memory_space<vmem>>, vector<16xf32>,
        %swap3A_447 = arith.constant 0 : i32
        %swap3A_448 = arith.index_cast %swap3A_447 : i32 to index
        %swap3A_449 = arith.index_cast %while3A_432 : i32 to index
        %swap3A_450 = arith.constant 48 : index
        %swap3A_451 = tpu.vector_load %arg10[%swap3A_448, %swap3A_449, %swap3A_450] {strides = array<i32>} : memref<2x128x256xf32, #tpu.memory_space<vmem>>, vector<16xf32>,
        tpu.vector_store %arg10[%swap3A_448, %swap3A_449, %swap3A_450], %broadcast_in_dim3A_74 {strides = array<i32>} : memref<2x128x256xf32, #tpu.memory_space<vmem>>, vector<16xf32>,
        %swap3A_452 = arith.constant 0 : i32
        %swap3A_453 = arith.index_cast %swap3A_452 : i32 to index
        %swap3A_454 = arith.index_cast %while3A_432 : i32 to index
        %swap3A_455 = arith.constant 64 : index
        %swap3A_456 = tpu.vector_load %arg10[%swap3A_453, %swap3A_454, %swap3A_455] {strides = array<i32>} : memref<2x128x256xf32, #tpu.memory_space<vmem>>, vector<16xf32>,
        tpu.vector_store %arg10[%swap3A_453, %swap3A_454, %swap3A_455], %broadcast_in_dim3A_74 {strides = array<i32>} : memref<2x128x256xf32, #tpu.memory_space<vmem>>, vector<16xf32>,
        %swap3A_457 = arith.constant 0 : i32
        %swap3A_458 = arith.index_cast %swap3A_457 : i32 to index
        %swap3A_459 = arith.index_cast %while3A_432 : i32 to index
        %swap3A_460 = arith.constant 80 : index
        %swap3A_461 = tpu.vector_load %arg10[%swap3A_458, %swap3A_459, %swap3A_460] {strides = array<i32>} : memref<2x128x256xf32, #tpu.memory_space<vmem>>, vector<16xf32>,
        tpu.vector_store %arg10[%swap3A_458, %swap3A_459, %swap3A_460], %broadcast_in_dim3A_74 {strides = array<i32>} : memref<2x128x256xf32, #tpu.memory_space<vmem>>, vector<16xf32>,
        %swap3A_462 = arith.constant 0 : i32
        %swap3A_463 = arith.index_cast %swap3A_462 : i32 to index
        %swap3A_464 = arith.index_cast %while3A_432 : i32 to index
        %swap3A_465 = arith.constant 96 : index
        %swap3A_466 = tpu.vector_load %arg10[%swap3A_463, %swap3A_464, %swap3A_465] {strides = array<i32>} : memref<2x128x256xf32, #tpu.memory_space<vmem>>, vector<16xf32>,
        tpu.vector_store %arg10[%swap3A_463, %swap3A_464, %swap3A_465], %broadcast_in_dim3A_74 {strides = array<i32>} : memref<2x128x256xf32, #tpu.memory_space<vmem>>, vector<16xf32>,
        %swap3A_467 = arith.constant 0 : i32
        %swap3A_468 = arith.index_cast %swap3A_467 : i32 to index
        %swap3A_469 = arith.index_cast %while3A_432 : i32 to index
        %swap3A_470 = arith.constant 112 : index
        %swap3A_471 = tpu.vector_load %arg10[%swap3A_468, %swap3A_469, %swap3A_470] {strides = array<i32>} : memref<2x128x256xf32, #tpu.memory_space<vmem>>, vector<16xf32>,
        tpu.vector_store %arg10[%swap3A_468, %swap3A_469, %swap3A_470], %broadcast_in_dim3A_74 {strides = array<i32>} : memref<2x128x256xf32, #tpu.memory_space<vmem>>, vector<16xf32>,
        %swap3A_472 = arith.constant 0 : i32
        %swap3A_473 = arith.index_cast %swap3A_472 : i32 to index
        %swap3A_474 = arith.index_cast %while3A_432 : i32 to index
        %swap3A_475 = arith.constant 128 : index
        %swap3A_476 = tpu.vector_load %arg10[%swap3A_473, %swap3A_474, %swap3A_475] {strides = array<i32>} : memref<2x128x256xf32, #tpu.memory_space<vmem>>, vector<16xf32>,
        tpu.vector_store %arg10[%swap3A_473, %swap3A_474, %swap3A_475], %broadcast_in_dim3A_74 {strides = array<i32>} : memref<2x128x256xf32, #tpu.memory_space<vmem>>, vector<16xf32>,
        %swap3A_477 = arith.constant 0 : i32
        %swap3A_478 = arith.index_cast %swap3A_477 : i32 to index
        %swap3A_479 = arith.index_cast %while3A_432 : i32 to index
        %swap3A_480 = arith.constant 144 : index
        %swap3A_481 = tpu.vector_load %arg10[%swap3A_478, %swap3A_479, %swap3A_480] {strides = array<i32>} : memref<2x128x256xf32, #tpu.memory_space<vmem>>, vector<16xf32>,
        tpu.vector_store %arg10[%swap3A_478, %swap3A_479, %swap3A_480], %broadcast_in_dim3A_74 {strides = array<i32>} : memref<2x128x256xf32, #tpu.memory_space<vmem>>, vector<16xf32>,
        %swap3A_482 = arith.constant 0 : i32
        %swap3A_483 = arith.index_cast %swap3A_482 : i32 to index
        %swap3A_484 = arith.index_cast %while3A_432 : i32 to index
        %swap3A_485 = arith.constant 160 : index
        %swap3A_486 = tpu.vector_load %arg10[%swap3A_483, %swap3A_484, %swap3A_485] {strides = array<i32>} : memref<2x128x256xf32, #tpu.memory_space<vmem>>, vector<16xf32>,
        tpu.vector_store %arg10[%swap3A_483, %swap3A_484, %swap3A_485], %broadcast_in_dim3A_74 {strides = array<i32>} : memref<2x128x256xf32, #tpu.memory_space<vmem>>, vector<16xf32>,
        %swap3A_487 = arith.constant 0 : i32
        %swap3A_488 = arith.index_cast %swap3A_487 : i32 to index
        %swap3A_489 = arith.index_cast %while3A_432 : i32 to index
        %swap3A_490 = arith.constant 176 : index
        %swap3A_491 = tpu.vector_load %arg10[%swap3A_488, %swap3A_489, %swap3A_490] {strides = array<i32>} : memref<2x128x256xf32, #tpu.memory_space<vmem>>, vector<16xf32>,
        tpu.vector_store %arg10[%swap3A_488, %swap3A_489, %swap3A_490], %broadcast_in_dim3A_74 {strides = array<i32>} : memref<2x128x256xf32, #tpu.memory_space<vmem>>, vector<16xf32>,
        %swap3A_492 = arith.constant 0 : i32
        %swap3A_493 = arith.index_cast %swap3A_492 : i32 to index
        %swap3A_494 = arith.index_cast %while3A_432 : i32 to index
        %swap3A_495 = arith.constant 192 : index
        %swap3A_496 = tpu.vector_load %arg10[%swap3A_493, %swap3A_494, %swap3A_495] {strides = array<i32>} : memref<2x128x256xf32, #tpu.memory_space<vmem>>, vector<16xf32>,
        tpu.vector_store %arg10[%swap3A_493, %swap3A_494, %swap3A_495], %broadcast_in_dim3A_74 {strides = array<i32>} : memref<2x128x256xf32, #tpu.memory_space<vmem>>, vector<16xf32>,
        %swap3A_497 = arith.constant 0 : i32
        %swap3A_498 = arith.index_cast %swap3A_497 : i32 to index
        %swap3A_499 = arith.index_cast %while3A_432 : i32 to index
        %swap3A_500 = arith.constant 208 : index
        %swap3A_501 = tpu.vector_load %arg10[%swap3A_498, %swap3A_499, %swap3A_500] {strides = array<i32>} : memref<2x128x256xf32, #tpu.memory_space<vmem>>, vector<16xf32>,
        tpu.vector_store %arg10[%swap3A_498, %swap3A_499, %swap3A_500], %broadcast_in_dim3A_74 {strides = array<i32>} : memref<2x128x256xf32, #tpu.memory_space<vmem>>, vector<16xf32>,
        %swap3A_502 = arith.constant 0 : i32
        %swap3A_503 = arith.index_cast %swap3A_502 : i32 to index
        %swap3A_504 = arith.index_cast %while3A_432 : i32 to index
        %swap3A_505 = arith.constant 224 : index
        %swap3A_506 = tpu.vector_load %arg10[%swap3A_503, %swap3A_504, %swap3A_505] {strides = array<i32>} : memref<2x128x256xf32, #tpu.memory_space<vmem>>, vector<16xf32>,
        tpu.vector_store %arg10[%swap3A_503, %swap3A_504, %swap3A_505], %broadcast_in_dim3A_74 {strides = array<i32>} : memref<2x128x256xf32, #tpu.memory_space<vmem>>, vector<16xf32>,
        %swap3A_507 = arith.constant 0 : i32
        %swap3A_508 = arith.index_cast %swap3A_507 : i32 to index
        %swap3A_509 = arith.index_cast %while3A_432 : i32 to index
        %swap3A_510 = arith.constant 240 : index
        %swap3A_511 = tpu.vector_load %arg10[%swap3A_508, %swap3A_509, %swap3A_510] {strides = array<i32>} : memref<2x128x256xf32, #tpu.memory_space<vmem>>, vector<16xf32>,
        tpu.vector_store %arg10[%swap3A_508, %swap3A_509, %swap3A_510], %broadcast_in_dim3A_74 {strides = array<i32>} : memref<2x128x256xf32, #tpu.memory_space<vmem>>, vector<16xf32>,
      }
      %while3A_431 = arith.constant 1 : i32
      scf.for %while3A_432 = %while3A_429 to %while3A_425 step %while3A_431  : i32 {
        %swap3A = arith.constant 0 : i32
        %swap3A_433 = arith.index_cast %swap3A : i32 to index
        %swap3A_434 = arith.index_cast %while3A_432 : i32 to index
        %swap3A_435 = arith.constant 0 : index
        %swap3A_436 = tpu.vector_load %arg10[%swap3A_433, %swap3A_434, %swap3A_435] {strides = array<i32>} : memref<2x128x256xf32, #tpu.memory_space<vmem>>, vector<16xf32>,
        tpu.vector_store %arg10[%swap3A_433, %swap3A_434, %swap3A_435], %broadcast_in_dim3A_74 {strides = array<i32>} : memref<2x128x256xf32, #tpu.memory_space<vmem>>, vector<16xf32>,
        %swap3A_437 = arith.constant 0 : i32
        %swap3A_438 = arith.index_cast %swap3A_437 : i32 to index
        %swap3A_439 = arith.index_cast %while3A_432 : i32 to index
        %swap3A_440 = arith.constant 16 : index
        %swap3A_441 = tpu.vector_load %arg10[%swap3A_438, %swap3A_439, %swap3A_440] {strides = array<i32>} : memref<2x128x256xf32, #tpu.memory_space<vmem>>, vector<16xf32>,
        tpu.vector_store %arg10[%swap3A_438, %swap3A_439, %swap3A_440], %broadcast_in_dim3A_74 {strides = array<i32>} : memref<2x128x256xf32, #tpu.memory_space<vmem>>, vector<16xf32>,
        %swap3A_442 = arith.constant 0 : i32
        %swap3A_443 = arith.index_cast %swap3A_442 : i32 to index
        %swap3A_444 = arith.index_cast %while3A_432 : i32 to index
        %swap3A_445 = arith.constant 32 : index
        %swap3A_446 = tpu.vector_load %arg10[%swap3A_443, %swap3A_444, %swap3A_445] {strides = array<i32>} : memref<2x128x256xf32, #tpu.memory_space<vmem>>, vector<16xf32>,
        tpu.vector_store %arg10[%swap3A_443, %swap3A_444, %swap3A_445], %broadcast_in_dim3A_74 {strides = array<i32>} : memref<2x128x256xf32, #tpu.memory_space<vmem>>, vector<16xf32>,
        %swap3A_447 = arith.constant 0 : i32
        %swap3A_448 = arith.index_cast %swap3A_447 : i32 to index
        %swap3A_449 = arith.index_cast %while3A_432 : i32 to index
        %swap3A_450 = arith.constant 48 : index
        %swap3A_451 = tpu.vector_load %arg10[%swap3A_448, %swap3A_449, %swap3A_450] {strides = array<i32>} : memref<2x128x256xf32, #tpu.memory_space<vmem>>, vector<16xf32>,
        tpu.vector_store %arg10[%swap3A_448, %swap3A_449, %swap3A_450], %broadcast_in_dim3A_74 {strides = array<i32>} : memref<2x128x256xf32, #tpu.memory_space<vmem>>, vector<16xf32>,
        %swap3A_452 = arith.constant 0 : i32
        %swap3A_453 = arith.index_cast %swap3A_452 : i32 to index
        %swap3A_454 = arith.index_cast %while3A_432 : i32 to index
        %swap3A_455 = arith.constant 64 : index
        %swap3A_456 = tpu.vector_load %arg10[%swap3A_453, %swap3A_454, %swap3A_455] {strides = array<i32>} : memref<2x128x256xf32, #tpu.memory_space<vmem>>, vector<16xf32>,
        tpu.vector_store %arg10[%swap3A_453, %swap3A_454, %swap3A_455], %broadcast_in_dim3A_74 {strides = array<i32>} : memref<2x128x256xf32, #tpu.memory_space<vmem>>, vector<16xf32>,
        %swap3A_457 = arith.constant 0 : i32
        %swap3A_458 = arith.index_cast %swap3A_457 : i32 to index
        %swap3A_459 = arith.index_cast %while3A_432 : i32 to index
        %swap3A_460 = arith.constant 80 : index
        %swap3A_461 = tpu.vector_load %arg10[%swap3A_458, %swap3A_459, %swap3A_460] {strides = array<i32>} : memref<2x128x256xf32, #tpu.memory_space<vmem>>, vector<16xf32>,
        tpu.vector_store %arg10[%swap3A_458, %swap3A_459, %swap3A_460], %broadcast_in_dim3A_74 {strides = array<i32>} : memref<2x128x256xf32, #tpu.memory_space<vmem>>, vector<16xf32>,
        %swap3A_462 = arith.constant 0 : i32
        %swap3A_463 = arith.index_cast %swap3A_462 : i32 to index
        %swap3A_464 = arith.index_cast %while3A_432 : i32 to index
        %swap3A_465 = arith.constant 96 : index
        %swap3A_466 = tpu.vector_load %arg10[%swap3A_463, %swap3A_464, %swap3A_465] {strides = array<i32>} : memref<2x128x256xf32, #tpu.memory_space<vmem>>, vector<16xf32>,
        tpu.vector_store %arg10[%swap3A_463, %swap3A_464, %swap3A_465], %broadcast_in_dim3A_74 {strides = array<i32>} : memref<2x128x256xf32, #tpu.memory_space<vmem>>, vector<16xf32>,
        %swap3A_467 = arith.constant 0 : i32
        %swap3A_468 = arith.index_cast %swap3A_467 : i32 to index
        %swap3A_469 = arith.index_cast %while3A_432 : i32 to index
        %swap3A_470 = arith.constant 112 : index
        %swap3A_471 = tpu.vector_load %arg10[%swap3A_468, %swap3A_469, %swap3A_470] {strides = array<i32>} : memref<2x128x256xf32, #tpu.memory_space<vmem>>, vector<16xf32>,
        tpu.vector_store %arg10[%swap3A_468, %swap3A_469, %swap3A_470], %broadcast_in_dim3A_74 {strides = array<i32>} : memref<2x128x256xf32, #tpu.memory_space<vmem>>, vector<16xf32>,
        %swap3A_472 = arith.constant 0 : i32
        %swap3A_473 = arith.index_cast %swap3A_472 : i32 to index
        %swap3A_474 = arith.index_cast %while3A_432 : i32 to index
        %swap3A_475 = arith.constant 128 : index
        %swap3A_476 = tpu.vector_load %arg10[%swap3A_473, %swap3A_474, %swap3A_475] {strides = array<i32>} : memref<2x128x256xf32, #tpu.memory_space<vmem>>, vector<16xf32>,
        tpu.vector_store %arg10[%swap3A_473, %swap3A_474, %swap3A_475], %broadcast_in_dim3A_74 {strides = array<i32>} : memref<2x128x256xf32, #tpu.memory_space<vmem>>, vector<16xf32>,
        %swap3A_477 = arith.constant 0 : i32
        %swap3A_478 = arith.index_cast %swap3A_477 : i32 to index
        %swap3A_479 = arith.index_cast %while3A_432 : i32 to index
        %swap3A_480 = arith.constant 144 : index
        %swap3A_481 = tpu.vector_load %arg10[%swap3A_478, %swap3A_479, %swap3A_480] {strides = array<i32>} : memref<2x128x256xf32, #tpu.memory_space<vmem>>, vector<16xf32>,
        tpu.vector_store %arg10[%swap3A_478, %swap3A_479, %swap3A_480], %broadcast_in_dim3A_74 {strides = array<i32>} : memref<2x128x256xf32, #tpu.memory_space<vmem>>, vector<16xf32>,
        %swap3A_482 = arith.constant 0 : i32
        %swap3A_483 = arith.index_cast %swap3A_482 : i32 to index
        %swap3A_484 = arith.index_cast %while3A_432 : i32 to index
        %swap3A_485 = arith.constant 160 : index
        %swap3A_486 = tpu.vector_load %arg10[%swap3A_483, %swap3A_484, %swap3A_485] {strides = array<i32>} : memref<2x128x256xf32, #tpu.memory_space<vmem>>, vector<16xf32>,
        tpu.vector_store %arg10[%swap3A_483, %swap3A_484, %swap3A_485], %broadcast_in_dim3A_74 {strides = array<i32>} : memref<2x128x256xf32, #tpu.memory_space<vmem>>, vector<16xf32>,
        %swap3A_487 = arith.constant 0 : i32
        %swap3A_488 = arith.index_cast %swap3A_487 : i32 to index
        %swap3A_489 = arith.index_cast %while3A_432 : i32 to index
        %swap3A_490 = arith.constant 176 : index
        %swap3A_491 = tpu.vector_load %arg10[%swap3A_488, %swap3A_489, %swap3A_490] {strides = array<i32>} : memref<2x128x256xf32, #tpu.memory_space<vmem>>, vector<16xf32>,
        tpu.vector_store %arg10[%swap3A_488, %swap3A_489, %swap3A_490], %broadcast_in_dim3A_74 {strides = array<i32>} : memref<2x128x256xf32, #tpu.memory_space<vmem>>, vector<16xf32>,
        %swap3A_492 = arith.constant 0 : i32
        %swap3A_493 = arith.index_cast %swap3A_492 : i32 to index
        %swap3A_494 = arith.index_cast %while3A_432 : i32 to index
        %swap3A_495 = arith.constant 192 : index
        %swap3A_496 = tpu.vector_load %arg10[%swap3A_493, %swap3A_494, %swap3A_495] {strides = array<i32>} : memref<2x128x256xf32, #tpu.memory_space<vmem>>, vector<16xf32>,
        tpu.vector_store %arg10[%swap3A_493, %swap3A_494, %swap3A_495], %broadcast_in_dim3A_74 {strides = array<i32>} : memref<2x128x256xf32, #tpu.memory_space<vmem>>, vector<16xf32>,
        %swap3A_497 = arith.constant 0 : i32
        %swap3A_498 = arith.index_cast %swap3A_497 : i32 to index
        %swap3A_499 = arith.index_cast %while3A_432 : i32 to index
        %swap3A_500 = arith.constant 208 : index
        %swap3A_501 = tpu.vector_load %arg10[%swap3A_498, %swap3A_499, %swap3A_500] {strides = array<i32>} : memref<2x128x256xf32, #tpu.memory_space<vmem>>, vector<16xf32>,
        tpu.vector_store %arg10[%swap3A_498, %swap3A_499, %swap3A_500], %broadcast_in_dim3A_74 {strides = array<i32>} : memref<2x128x256xf32, #tpu.memory_space<vmem>>, vector<16xf32>,
        %swap3A_502 = arith.constant 0 : i32
        %swap3A_503 = arith.index_cast %swap3A_502 : i32 to index
        %swap3A_504 = arith.index_cast %while3A_432 : i32 to index
        %swap3A_505 = arith.constant 224 : index
        %swap3A_506 = tpu.vector_load %arg10[%swap3A_503, %swap3A_504, %swap3A_505] {strides = array<i32>} : memref<2x128x256xf32, #tpu.memory_space<vmem>>, vector<16xf32>,
        tpu.vector_store %arg10[%swap3A_503, %swap3A_504, %swap3A_505], %broadcast_in_dim3A_74 {strides = array<i32>} : memref<2x128x256xf32, #tpu.memory_space<vmem>>, vector<16xf32>,
        %swap3A_507 = arith.constant 0 : i32
        %swap3A_508 = arith.index_cast %swap3A_507 : i32 to index
        %swap3A_509 = arith.index_cast %while3A_432 : i32 to index
        %swap3A_510 = arith.constant 240 : index
        %swap3A_511 = tpu.vector_load %arg10[%swap3A_508, %swap3A_509, %swap3A_510] {strides = array<i32>} : memref<2x128x256xf32, #tpu.memory_space<vmem>>, vector<16xf32>,
        tpu.vector_store %arg10[%swap3A_508, %swap3A_509, %swap3A_510], %broadcast_in_dim3A_74 {strides = array<i32>} : memref<2x128x256xf32, #tpu.memory_space<vmem>>, vector<16xf32>,
      }
      %run_scoped3A = arith.constant 0 : i32
      "tpu.region"() ({
        %run_scoped3A_432 = tpu.sem_alloc : memref<!tpu.dma_semaphore, #tpu.memory_space<semaphore_mem>>
        %dma_start3A_433 = arith.constant 0 : i32
        %dma_start3A_434 = arith.constant 0 : i32
        %dma_start3A_435 = tpu.memref_slice %arg10[%run_scoped3A, %dma_start3A_433, %dma_start3A_434] : memref<2x128x256xf32, #tpu.memory_space<vmem>> -> memref<1x128x256xf32, #tpu.memory_space<vmem>>
        %dma_start3A_436 = tpu.memref_squeeze %dma_start3A_435 : memref<1x128x256xf32, #tpu.memory_space<vmem>> -> memref<128x256xf32, #tpu.memory_space<vmem>>
        %dma_start3A_437 = arith.constant 0 : i32
        %dma_start3A_438 = tpu.memref_slice %arg4[%select_n3A, %add3A_94, %dma_start3A_437] : memref<16x2048x256xf32, #tpu.memory_space<hbm>> -> memref<1x128x256xf32, #tpu.memory_space<hbm>>
        %dma_start3A_439 = tpu.memref_squeeze %dma_start3A_438 : memref<1x128x256xf32, #tpu.memory_space<hbm>> -> memref<128x256xf32, #tpu.memory_space<hbm>>
        %dma_start3A_440 = arith.constant 0 : i32
        %dma_start3A_441 = tpu.memref_slice %arg4[%select_n3A, %add3A_94, %dma_start3A_440] : memref<16x2048x256xf32, #tpu.memory_space<hbm>> -> memref<1x128x256xf32, #tpu.memory_space<hbm>>
        %dma_start3A_442 = tpu.memref_squeeze %dma_start3A_441 : memref<1x128x256xf32, #tpu.memory_space<hbm>> -> memref<128x256xf32, #tpu.memory_space<hbm>>
        %dma_start3A_443 = arith.constant 0 : i32
        %dma_start3A_444 = arith.constant 0 : i32
        %dma_start3A_445 = tpu.memref_slice %arg10[%run_scoped3A, %dma_start3A_443, %dma_start3A_444] : memref<2x128x256xf32, #tpu.memory_space<vmem>> -> memref<1x128x256xf32, #tpu.memory_space<vmem>>
        %dma_start3A_446 = tpu.memref_squeeze %dma_start3A_445 : memref<1x128x256xf32, #tpu.memory_space<vmem>> -> memref<128x256xf32, #tpu.memory_space<vmem>>
        tpu.enqueue_dma source(%dma_start3A_446 : memref<128x256xf32, #tpu.memory_space<vmem>>) target(%dma_start3A_442 : memref<128x256xf32, #tpu.memory_space<hbm>>) target_semaphore(%run_scoped3A_432 : memref<!tpu.dma_semaphore, #tpu.memory_space<semaphore_mem>>)
        %dma_wait3A_447 = arith.constant 0 : i32
        %dma_wait3A_448 = arith.constant 0 : i32
        %dma_wait3A_449 = tpu.memref_slice %arg10[%run_scoped3A, %dma_wait3A_447, %dma_wait3A_448] : memref<2x128x256xf32, #tpu.memory_space<vmem>> -> memref<1x128x256xf32, #tpu.memory_space<vmem>>
        %dma_wait3A_450 = tpu.memref_squeeze %dma_wait3A_449 : memref<1x128x256xf32, #tpu.memory_space<vmem>> -> memref<128x256xf32, #tpu.memory_space<vmem>>
        %dma_wait3A_451 = arith.constant 0 : i32
        %dma_wait3A_452 = tpu.memref_slice %arg4[%select_n3A, %add3A_94, %dma_wait3A_451] : memref<16x2048x256xf32, #tpu.memory_space<hbm>> -> memref<1x128x256xf32, #tpu.memory_space<hbm>>
        %dma_wait3A_453 = tpu.memref_squeeze %dma_wait3A_452 : memref<1x128x256xf32, #tpu.memory_space<hbm>> -> memref<128x256xf32, #tpu.memory_space<hbm>>
        %dma_wait3A_454 = arith.constant 0 : i32
        %dma_wait3A_455 = tpu.memref_slice %arg4[%select_n3A, %add3A_94, %dma_wait3A_454] : memref<16x2048x256xf32, #tpu.memory_space<hbm>> -> memref<1x128x256xf32, #tpu.memory_space<hbm>>
        %dma_wait3A_456 = tpu.memref_squeeze %dma_wait3A_455 : memref<1x128x256xf32, #tpu.memory_space<hbm>> -> memref<128x256xf32, #tpu.memory_space<hbm>>
        %dma_wait3A_457 = arith.constant 0 : i32
        %dma_wait3A_458 = arith.constant 0 : i32
        %dma_wait3A_459 = tpu.memref_slice %arg10[%run_scoped3A, %dma_wait3A_457, %dma_wait3A_458] : memref<2x128x256xf32, #tpu.memory_space<vmem>> -> memref<1x128x256xf32, #tpu.memory_space<vmem>>
        %dma_wait3A_460 = tpu.memref_squeeze %dma_wait3A_459 : memref<1x128x256xf32, #tpu.memory_space<vmem>> -> memref<128x256xf32, #tpu.memory_space<vmem>>
        tpu.wait_dma2 semaphore(%run_scoped3A_432 : memref<!tpu.dma_semaphore, #tpu.memory_space<semaphore_mem>>) src(%dma_wait3A_460 : memref<128x256xf32, #tpu.memory_space<vmem>>) dst(%dma_wait3A_456 : memref<128x256xf32, #tpu.memory_space<hbm>>)
        tpu.yield
      }) : () -> ()
    } else {
    }
    %eq3A_107 = arith.constant 0 : i32
    %eq3A_108 = arith.cmpi eq, %min3A_92, %eq3A_107 : i32
    %convert_element_type3A_109 = arith.extui %eq3A_108 : i1 to i32
    %cond3A_110 = arith.constant 0 : i32
    %cond3A_111 = arith.cmpi ne, %convert_element_type3A_109, %cond3A_110 : i32
    scf.if %cond3A_111 {
      "tpu.region"() ({
        %run_scoped3A = tpu.sem_alloc : memref<!tpu.dma_semaphore, #tpu.memory_space<semaphore_mem>>
        %dma_start3A_423 = arith.constant 0 : i32
        %dma_start3A_424 = tpu.memref_slice %arg4[%select_n3A, %add3A_94, %dma_start3A_423] : memref<16x2048x256xf32, #tpu.memory_space<hbm>> -> memref<1x128x256xf32, #tpu.memory_space<hbm>>
        %dma_start3A_425 = tpu.memref_squeeze %dma_start3A_424 : memref<1x128x256xf32, #tpu.memory_space<hbm>> -> memref<128x256xf32, #tpu.memory_space<hbm>>
        %dma_start3A_426 = arith.constant 0 : i32
        %dma_start3A_427 = tpu.memref_slice %arg4[%select_n3A, %add3A_94, %dma_start3A_426] : memref<16x2048x256xf32, #tpu.memory_space<hbm>> -> memref<1x128x256xf32, #tpu.memory_space<hbm>>
        %dma_start3A_428 = tpu.memref_squeeze %dma_start3A_427 : memref<1x128x256xf32, #tpu.memory_space<hbm>> -> memref<128x256xf32, #tpu.memory_space<hbm>>
        tpu.enqueue_dma source(%arg11 : memref<128x256xf32, #tpu.memory_space<vmem>>) target(%dma_start3A_428 : memref<128x256xf32, #tpu.memory_space<hbm>>) target_semaphore(%run_scoped3A : memref<!tpu.dma_semaphore, #tpu.memory_space<semaphore_mem>>)
        %dma_wait3A_429 = arith.constant 0 : i32
        %dma_wait3A_430 = tpu.memref_slice %arg4[%select_n3A, %add3A_94, %dma_wait3A_429] : memref<16x2048x256xf32, #tpu.memory_space<hbm>> -> memref<1x128x256xf32, #tpu.memory_space<hbm>>
        %dma_wait3A_431 = tpu.memref_squeeze %dma_wait3A_430 : memref<1x128x256xf32, #tpu.memory_space<hbm>> -> memref<128x256xf32, #tpu.memory_space<hbm>>
        %dma_wait3A_432 = arith.constant 0 : i32
        %dma_wait3A_433 = tpu.memref_slice %arg4[%select_n3A, %add3A_94, %dma_wait3A_432] : memref<16x2048x256xf32, #tpu.memory_space<hbm>> -> memref<1x128x256xf32, #tpu.memory_space<hbm>>
        %dma_wait3A_434 = tpu.memref_squeeze %dma_wait3A_433 : memref<1x128x256xf32, #tpu.memory_space<hbm>> -> memref<128x256xf32, #tpu.memory_space<hbm>>
        tpu.wait_dma2 semaphore(%run_scoped3A : memref<!tpu.dma_semaphore, #tpu.memory_space<semaphore_mem>>) src(%arg11 : memref<128x256xf32, #tpu.memory_space<vmem>>) dst(%dma_wait3A_434 : memref<128x256xf32, #tpu.memory_space<hbm>>)
        tpu.yield
      }) : () -> ()
    } else {
    }
    %add3A_112 = arith.constant 256 : i32
    %add3A_113 = arith.addi %mul3A_32, %add3A_112 : i32
    %dma_start3A_114 = arith.constant 0 : i32
    %dma_start3A_115 = arith.constant 0 : i32
    %dma_start3A_116 = arith.constant 0 : i32
    %dma_start3A_117 = tpu.memref_slice %arg10[%dma_start3A_114, %dma_start3A_115, %dma_start3A_116] : memref<2x128x256xf32, #tpu.memory_space<vmem>> -> memref<1x128x256xf32, #tpu.memory_space<vmem>>
    %dma_start3A_118 = tpu.memref_squeeze %dma_start3A_117 : memref<1x128x256xf32, #tpu.memory_space<vmem>> -> memref<128x256xf32, #tpu.memory_space<vmem>>
    %dma_start3A_119 = tpu.memref_slice %arg6[%add3A_113] : memref<2048xi32, #tpu.memory_space<vmem>> -> memref<128xi32, #tpu.memory_space<vmem>>
    %dma_start3A_120 = arith.constant 0 : i32
    %dma_start3A_121 = arith.constant 0 : i32
    %dma_start3A_122 = tpu.memref_slice %arg2[%dma_start3A_120, %dma_start3A_121] : memref<8192x256xf32, #tpu.memory_space<hbm>> -> memref<8192x256xf32, #tpu.memory_space<hbm>>
    tpu.enqueue_indirect_dma source(%dma_start3A_122 : memref<8192x256xf32, #tpu.memory_space<hbm>>) target(%dma_start3A_118 : memref<128x256xf32, #tpu.memory_space<vmem>>) offsets(%dma_start3A_119 : memref<128xi32, #tpu.memory_space<vmem>>) semaphore(%arg12 : memref<!tpu.dma_semaphore, #tpu.memory_space<semaphore_mem>>)
    %dma_wait3A_123 = arith.constant 1 : i32
    %dma_wait3A_124 = arith.constant 0 : i32
    %dma_wait3A_125 = arith.constant 0 : i32
    %dma_wait3A_126 = tpu.memref_slice %arg10[%dma_wait3A_123, %dma_wait3A_124, %dma_wait3A_125] : memref<2x128x256xf32, #tpu.memory_space<vmem>> -> memref<1x128x256xf32, #tpu.memory_space<vmem>>
    %dma_wait3A_127 = tpu.memref_squeeze %dma_wait3A_126 : memref<1x128x256xf32, #tpu.memory_space<vmem>> -> memref<128x256xf32, #tpu.memory_space<vmem>>
    %dma_wait3A_128 = tpu.memref_slice %arg6[%add3A_57] : memref<2048xi32, #tpu.memory_space<vmem>> -> memref<128xi32, #tpu.memory_space<vmem>>
    %dma_wait3A_129 = arith.constant 0 : i32
    %dma_wait3A_130 = arith.constant 0 : i32
    %dma_wait3A_131 = tpu.memref_slice %arg2[%dma_wait3A_129, %dma_wait3A_130] : memref<8192x256xf32, #tpu.memory_space<hbm>> -> memref<8192x256xf32, #tpu.memory_space<hbm>>
    tpu.wait_indirect_dma semaphore(%arg13 : memref<!tpu.dma_semaphore, #tpu.memory_space<semaphore_mem>>) src(%dma_wait3A_131 : memref<8192x256xf32, #tpu.memory_space<hbm>>) dst(%dma_wait3A_127 : memref<128x256xf32, #tpu.memory_space<vmem>>)
    %sub3A_132 = arith.constant 128 : i32
    %sub3A_133 = arith.subi %min3A, %sub3A_132 : i32
    %jit3A_134 = arith.constant 0 : i32
    %jit3A_135 = arith.constant 128 : i32
    %max3A_136 = arith.maxsi %jit3A_134, %sub3A_133 : i32
    %min3A_137 = arith.minsi %jit3A_135, %max3A_136 : i32
    %add3A_138 = arith.constant 128 : i32
    %add3A_139 = arith.addi %mul3A_32, %add3A_138 : i32
    %eq3A_140 = arith.constant 128 : i32
    %eq3A_141 = arith.cmpi eq, %min3A_137, %eq3A_140 : i32
    %convert_element_type3A_142 = arith.extui %eq3A_141 : i1 to i32
    %cond3A_143 = arith.constant 0 : i32
    %cond3A_144 = arith.cmpi ne, %convert_element_type3A_142, %cond3A_143 : i32
    scf.if %cond3A_144 {
      %run_scoped3A = arith.constant 1 : i32
      "tpu.region"() ({
        %run_scoped3A_423 = tpu.sem_alloc : memref<!tpu.dma_semaphore, #tpu.memory_space<semaphore_mem>>
        %dma_start3A_424 = arith.constant 0 : i32
        %dma_start3A_425 = arith.constant 0 : i32
        %dma_start3A_426 = tpu.memref_slice %arg10[%run_scoped3A, %dma_start3A_424, %dma_start3A_425] : memref<2x128x256xf32, #tpu.memory_space<vmem>> -> memref<1x128x256xf32, #tpu.memory_space<vmem>>
        %dma_start3A_427 = tpu.memref_squeeze %dma_start3A_426 : memref<1x128x256xf32, #tpu.memory_space<vmem>> -> memref<128x256xf32, #tpu.memory_space<vmem>>
        %dma_start3A_428 = arith.constant 0 : i32
        %dma_start3A_429 = tpu.memref_slice %arg4[%select_n3A, %add3A_139, %dma_start3A_428] : memref<16x2048x256xf32, #tpu.memory_space<hbm>> -> memref<1x128x256xf32, #tpu.memory_space<hbm>>
        %dma_start3A_430 = tpu.memref_squeeze %dma_start3A_429 : memref<1x128x256xf32, #tpu.memory_space<hbm>> -> memref<128x256xf32, #tpu.memory_space<hbm>>
        %dma_start3A_431 = arith.constant 0 : i32
        %dma_start3A_432 = tpu.memref_slice %arg4[%select_n3A, %add3A_139, %dma_start3A_431] : memref<16x2048x256xf32, #tpu.memory_space<hbm>> -> memref<1x128x256xf32, #tpu.memory_space<hbm>>
        %dma_start3A_433 = tpu.memref_squeeze %dma_start3A_432 : memref<1x128x256xf32, #tpu.memory_space<hbm>> -> memref<128x256xf32, #tpu.memory_space<hbm>>
        %dma_start3A_434 = arith.constant 0 : i32
        %dma_start3A_435 = arith.constant 0 : i32
        %dma_start3A_436 = tpu.memref_slice %arg10[%run_scoped3A, %dma_start3A_434, %dma_start3A_435] : memref<2x128x256xf32, #tpu.memory_space<vmem>> -> memref<1x128x256xf32, #tpu.memory_space<vmem>>
        %dma_start3A_437 = tpu.memref_squeeze %dma_start3A_436 : memref<1x128x256xf32, #tpu.memory_space<vmem>> -> memref<128x256xf32, #tpu.memory_space<vmem>>
        tpu.enqueue_dma source(%dma_start3A_437 : memref<128x256xf32, #tpu.memory_space<vmem>>) target(%dma_start3A_433 : memref<128x256xf32, #tpu.memory_space<hbm>>) target_semaphore(%run_scoped3A_423 : memref<!tpu.dma_semaphore, #tpu.memory_space<semaphore_mem>>)
        %dma_wait3A_438 = arith.constant 0 : i32
        %dma_wait3A_439 = arith.constant 0 : i32
        %dma_wait3A_440 = tpu.memref_slice %arg10[%run_scoped3A, %dma_wait3A_438, %dma_wait3A_439] : memref<2x128x256xf32, #tpu.memory_space<vmem>> -> memref<1x128x256xf32, #tpu.memory_space<vmem>>
        %dma_wait3A_441 = tpu.memref_squeeze %dma_wait3A_440 : memref<1x128x256xf32, #tpu.memory_space<vmem>> -> memref<128x256xf32, #tpu.memory_space<vmem>>
        %dma_wait3A_442 = arith.constant 0 : i32
        %dma_wait3A_443 = tpu.memref_slice %arg4[%select_n3A, %add3A_139, %dma_wait3A_442] : memref<16x2048x256xf32, #tpu.memory_space<hbm>> -> memref<1x128x256xf32, #tpu.memory_space<hbm>>
        %dma_wait3A_444 = tpu.memref_squeeze %dma_wait3A_443 : memref<1x128x256xf32, #tpu.memory_space<hbm>> -> memref<128x256xf32, #tpu.memory_space<hbm>>
        %dma_wait3A_445 = arith.constant 0 : i32
        %dma_wait3A_446 = tpu.memref_slice %arg4[%select_n3A, %add3A_139, %dma_wait3A_445] : memref<16x2048x256xf32, #tpu.memory_space<hbm>> -> memref<1x128x256xf32, #tpu.memory_space<hbm>>
        %dma_wait3A_447 = tpu.memref_squeeze %dma_wait3A_446 : memref<1x128x256xf32, #tpu.memory_space<hbm>> -> memref<128x256xf32, #tpu.memory_space<hbm>>
        %dma_wait3A_448 = arith.constant 0 : i32
        %dma_wait3A_449 = arith.constant 0 : i32
        %dma_wait3A_450 = tpu.memref_slice %arg10[%run_scoped3A, %dma_wait3A_448, %dma_wait3A_449] : memref<2x128x256xf32, #tpu.memory_space<vmem>> -> memref<1x128x256xf32, #tpu.memory_space<vmem>>
        %dma_wait3A_451 = tpu.memref_squeeze %dma_wait3A_450 : memref<1x128x256xf32, #tpu.memory_space<vmem>> -> memref<128x256xf32, #tpu.memory_space<vmem>>
        tpu.wait_dma2 semaphore(%run_scoped3A_423 : memref<!tpu.dma_semaphore, #tpu.memory_space<semaphore_mem>>) src(%dma_wait3A_451 : memref<128x256xf32, #tpu.memory_space<vmem>>) dst(%dma_wait3A_447 : memref<128x256xf32, #tpu.memory_space<hbm>>)
        tpu.yield
      }) : () -> ()
    } else {
    }
    %gt3A_145 = arith.constant 0 : i32
    %gt3A_146 = arith.cmpi sgt, %min3A_137, %gt3A_145 : i32
    %lt3A_147 = arith.constant 128 : i32
    %lt3A_148 = arith.cmpi slt, %min3A_137, %lt3A_147 : i32
    %and3A_149 = arith.andi %gt3A_146, %lt3A_148 : i1
    %convert_element_type3A_150 = arith.extui %and3A_149 : i1 to i32
    %cond3A_151 = arith.constant 0 : i32
    %cond3A_152 = arith.cmpi ne, %convert_element_type3A_150, %cond3A_151 : i32
    scf.if %cond3A_152 {
      %while3A = arith.constant 0 : i32
      %while3A_423 = arith.constant 128 : i32
      %while3A_424 = arith.subi %while3A_423, %min3A_137 : i32
      %while3A_425 = arith.addi %min3A_137, %while3A_424 : i32
      %while3A_426 = arith.constant 1 : i32
      %while3A_427 = arith.divsi %while3A_424, %while3A_426 : i32
      %while3A_428 = arith.muli %while3A_427, %while3A_426 : i32
      %while3A_429 = arith.addi %min3A_137, %while3A_428 : i32
      %while3A_430 = arith.constant 1 : i32
      scf.for %while3A_432 = %min3A_137 to %while3A_429 step %while3A_430  : i32 {
        %swap3A = arith.constant 1 : i32
        %swap3A_433 = arith.index_cast %swap3A : i32 to index
        %swap3A_434 = arith.index_cast %while3A_432 : i32 to index
        %swap3A_435 = arith.constant 0 : index
        %swap3A_436 = tpu.vector_load %arg10[%swap3A_433, %swap3A_434, %swap3A_435] {strides = array<i32>} : memref<2x128x256xf32, #tpu.memory_space<vmem>>, vector<16xf32>,
        tpu.vector_store %arg10[%swap3A_433, %swap3A_434, %swap3A_435], %broadcast_in_dim3A_74 {strides = array<i32>} : memref<2x128x256xf32, #tpu.memory_space<vmem>>, vector<16xf32>,
        %swap3A_437 = arith.constant 1 : i32
        %swap3A_438 = arith.index_cast %swap3A_437 : i32 to index
        %swap3A_439 = arith.index_cast %while3A_432 : i32 to index
        %swap3A_440 = arith.constant 16 : index
        %swap3A_441 = tpu.vector_load %arg10[%swap3A_438, %swap3A_439, %swap3A_440] {strides = array<i32>} : memref<2x128x256xf32, #tpu.memory_space<vmem>>, vector<16xf32>,
        tpu.vector_store %arg10[%swap3A_438, %swap3A_439, %swap3A_440], %broadcast_in_dim3A_74 {strides = array<i32>} : memref<2x128x256xf32, #tpu.memory_space<vmem>>, vector<16xf32>,
        %swap3A_442 = arith.constant 1 : i32
        %swap3A_443 = arith.index_cast %swap3A_442 : i32 to index
        %swap3A_444 = arith.index_cast %while3A_432 : i32 to index
        %swap3A_445 = arith.constant 32 : index
        %swap3A_446 = tpu.vector_load %arg10[%swap3A_443, %swap3A_444, %swap3A_445] {strides = array<i32>} : memref<2x128x256xf32, #tpu.memory_space<vmem>>, vector<16xf32>,
        tpu.vector_store %arg10[%swap3A_443, %swap3A_444, %swap3A_445], %broadcast_in_dim3A_74 {strides = array<i32>} : memref<2x128x256xf32, #tpu.memory_space<vmem>>, vector<16xf32>,
        %swap3A_447 = arith.constant 1 : i32
        %swap3A_448 = arith.index_cast %swap3A_447 : i32 to index
        %swap3A_449 = arith.index_cast %while3A_432 : i32 to index
        %swap3A_450 = arith.constant 48 : index
        %swap3A_451 = tpu.vector_load %arg10[%swap3A_448, %swap3A_449, %swap3A_450] {strides = array<i32>} : memref<2x128x256xf32, #tpu.memory_space<vmem>>, vector<16xf32>,
        tpu.vector_store %arg10[%swap3A_448, %swap3A_449, %swap3A_450], %broadcast_in_dim3A_74 {strides = array<i32>} : memref<2x128x256xf32, #tpu.memory_space<vmem>>, vector<16xf32>,
        %swap3A_452 = arith.constant 1 : i32
        %swap3A_453 = arith.index_cast %swap3A_452 : i32 to index
        %swap3A_454 = arith.index_cast %while3A_432 : i32 to index
        %swap3A_455 = arith.constant 64 : index
        %swap3A_456 = tpu.vector_load %arg10[%swap3A_453, %swap3A_454, %swap3A_455] {strides = array<i32>} : memref<2x128x256xf32, #tpu.memory_space<vmem>>, vector<16xf32>,
        tpu.vector_store %arg10[%swap3A_453, %swap3A_454, %swap3A_455], %broadcast_in_dim3A_74 {strides = array<i32>} : memref<2x128x256xf32, #tpu.memory_space<vmem>>, vector<16xf32>,
        %swap3A_457 = arith.constant 1 : i32
        %swap3A_458 = arith.index_cast %swap3A_457 : i32 to index
        %swap3A_459 = arith.index_cast %while3A_432 : i32 to index
        %swap3A_460 = arith.constant 80 : index
        %swap3A_461 = tpu.vector_load %arg10[%swap3A_458, %swap3A_459, %swap3A_460] {strides = array<i32>} : memref<2x128x256xf32, #tpu.memory_space<vmem>>, vector<16xf32>,
        tpu.vector_store %arg10[%swap3A_458, %swap3A_459, %swap3A_460], %broadcast_in_dim3A_74 {strides = array<i32>} : memref<2x128x256xf32, #tpu.memory_space<vmem>>, vector<16xf32>,
        %swap3A_462 = arith.constant 1 : i32
        %swap3A_463 = arith.index_cast %swap3A_462 : i32 to index
        %swap3A_464 = arith.index_cast %while3A_432 : i32 to index
        %swap3A_465 = arith.constant 96 : index
        %swap3A_466 = tpu.vector_load %arg10[%swap3A_463, %swap3A_464, %swap3A_465] {strides = array<i32>} : memref<2x128x256xf32, #tpu.memory_space<vmem>>, vector<16xf32>,
        tpu.vector_store %arg10[%swap3A_463, %swap3A_464, %swap3A_465], %broadcast_in_dim3A_74 {strides = array<i32>} : memref<2x128x256xf32, #tpu.memory_space<vmem>>, vector<16xf32>,
        %swap3A_467 = arith.constant 1 : i32
        %swap3A_468 = arith.index_cast %swap3A_467 : i32 to index
        %swap3A_469 = arith.index_cast %while3A_432 : i32 to index
        %swap3A_470 = arith.constant 112 : index
        %swap3A_471 = tpu.vector_load %arg10[%swap3A_468, %swap3A_469, %swap3A_470] {strides = array<i32>} : memref<2x128x256xf32, #tpu.memory_space<vmem>>, vector<16xf32>,
        tpu.vector_store %arg10[%swap3A_468, %swap3A_469, %swap3A_470], %broadcast_in_dim3A_74 {strides = array<i32>} : memref<2x128x256xf32, #tpu.memory_space<vmem>>, vector<16xf32>,
        %swap3A_472 = arith.constant 1 : i32
        %swap3A_473 = arith.index_cast %swap3A_472 : i32 to index
        %swap3A_474 = arith.index_cast %while3A_432 : i32 to index
        %swap3A_475 = arith.constant 128 : index
        %swap3A_476 = tpu.vector_load %arg10[%swap3A_473, %swap3A_474, %swap3A_475] {strides = array<i32>} : memref<2x128x256xf32, #tpu.memory_space<vmem>>, vector<16xf32>,
        tpu.vector_store %arg10[%swap3A_473, %swap3A_474, %swap3A_475], %broadcast_in_dim3A_74 {strides = array<i32>} : memref<2x128x256xf32, #tpu.memory_space<vmem>>, vector<16xf32>,
        %swap3A_477 = arith.constant 1 : i32
        %swap3A_478 = arith.index_cast %swap3A_477 : i32 to index
        %swap3A_479 = arith.index_cast %while3A_432 : i32 to index
        %swap3A_480 = arith.constant 144 : index
        %swap3A_481 = tpu.vector_load %arg10[%swap3A_478, %swap3A_479, %swap3A_480] {strides = array<i32>} : memref<2x128x256xf32, #tpu.memory_space<vmem>>, vector<16xf32>,
        tpu.vector_store %arg10[%swap3A_478, %swap3A_479, %swap3A_480], %broadcast_in_dim3A_74 {strides = array<i32>} : memref<2x128x256xf32, #tpu.memory_space<vmem>>, vector<16xf32>,
        %swap3A_482 = arith.constant 1 : i32
        %swap3A_483 = arith.index_cast %swap3A_482 : i32 to index
        %swap3A_484 = arith.index_cast %while3A_432 : i32 to index
        %swap3A_485 = arith.constant 160 : index
        %swap3A_486 = tpu.vector_load %arg10[%swap3A_483, %swap3A_484, %swap3A_485] {strides = array<i32>} : memref<2x128x256xf32, #tpu.memory_space<vmem>>, vector<16xf32>,
        tpu.vector_store %arg10[%swap3A_483, %swap3A_484, %swap3A_485], %broadcast_in_dim3A_74 {strides = array<i32>} : memref<2x128x256xf32, #tpu.memory_space<vmem>>, vector<16xf32>,
        %swap3A_487 = arith.constant 1 : i32
        %swap3A_488 = arith.index_cast %swap3A_487 : i32 to index
        %swap3A_489 = arith.index_cast %while3A_432 : i32 to index
        %swap3A_490 = arith.constant 176 : index
        %swap3A_491 = tpu.vector_load %arg10[%swap3A_488, %swap3A_489, %swap3A_490] {strides = array<i32>} : memref<2x128x256xf32, #tpu.memory_space<vmem>>, vector<16xf32>,
        tpu.vector_store %arg10[%swap3A_488, %swap3A_489, %swap3A_490], %broadcast_in_dim3A_74 {strides = array<i32>} : memref<2x128x256xf32, #tpu.memory_space<vmem>>, vector<16xf32>,
        %swap3A_492 = arith.constant 1 : i32
        %swap3A_493 = arith.index_cast %swap3A_492 : i32 to index
        %swap3A_494 = arith.index_cast %while3A_432 : i32 to index
        %swap3A_495 = arith.constant 192 : index
        %swap3A_496 = tpu.vector_load %arg10[%swap3A_493, %swap3A_494, %swap3A_495] {strides = array<i32>} : memref<2x128x256xf32, #tpu.memory_space<vmem>>, vector<16xf32>,
        tpu.vector_store %arg10[%swap3A_493, %swap3A_494, %swap3A_495], %broadcast_in_dim3A_74 {strides = array<i32>} : memref<2x128x256xf32, #tpu.memory_space<vmem>>, vector<16xf32>,
        %swap3A_497 = arith.constant 1 : i32
        %swap3A_498 = arith.index_cast %swap3A_497 : i32 to index
        %swap3A_499 = arith.index_cast %while3A_432 : i32 to index
        %swap3A_500 = arith.constant 208 : index
        %swap3A_501 = tpu.vector_load %arg10[%swap3A_498, %swap3A_499, %swap3A_500] {strides = array<i32>} : memref<2x128x256xf32, #tpu.memory_space<vmem>>, vector<16xf32>,
        tpu.vector_store %arg10[%swap3A_498, %swap3A_499, %swap3A_500], %broadcast_in_dim3A_74 {strides = array<i32>} : memref<2x128x256xf32, #tpu.memory_space<vmem>>, vector<16xf32>,
        %swap3A_502 = arith.constant 1 : i32
        %swap3A_503 = arith.index_cast %swap3A_502 : i32 to index
        %swap3A_504 = arith.index_cast %while3A_432 : i32 to index
        %swap3A_505 = arith.constant 224 : index
        %swap3A_506 = tpu.vector_load %arg10[%swap3A_503, %swap3A_504, %swap3A_505] {strides = array<i32>} : memref<2x128x256xf32, #tpu.memory_space<vmem>>, vector<16xf32>,
        tpu.vector_store %arg10[%swap3A_503, %swap3A_504, %swap3A_505], %broadcast_in_dim3A_74 {strides = array<i32>} : memref<2x128x256xf32, #tpu.memory_space<vmem>>, vector<16xf32>,
        %swap3A_507 = arith.constant 1 : i32
        %swap3A_508 = arith.index_cast %swap3A_507 : i32 to index
        %swap3A_509 = arith.index_cast %while3A_432 : i32 to index
        %swap3A_510 = arith.constant 240 : index
        %swap3A_511 = tpu.vector_load %arg10[%swap3A_508, %swap3A_509, %swap3A_510] {strides = array<i32>} : memref<2x128x256xf32, #tpu.memory_space<vmem>>, vector<16xf32>,
        tpu.vector_store %arg10[%swap3A_508, %swap3A_509, %swap3A_510], %broadcast_in_dim3A_74 {strides = array<i32>} : memref<2x128x256xf32, #tpu.memory_space<vmem>>, vector<16xf32>,
      }
      %while3A_431 = arith.constant 1 : i32
      scf.for %while3A_432 = %while3A_429 to %while3A_425 step %while3A_431  : i32 {
        %swap3A = arith.constant 1 : i32
        %swap3A_433 = arith.index_cast %swap3A : i32 to index
        %swap3A_434 = arith.index_cast %while3A_432 : i32 to index
        %swap3A_435 = arith.constant 0 : index
        %swap3A_436 = tpu.vector_load %arg10[%swap3A_433, %swap3A_434, %swap3A_435] {strides = array<i32>} : memref<2x128x256xf32, #tpu.memory_space<vmem>>, vector<16xf32>,
        tpu.vector_store %arg10[%swap3A_433, %swap3A_434, %swap3A_435], %broadcast_in_dim3A_74 {strides = array<i32>} : memref<2x128x256xf32, #tpu.memory_space<vmem>>, vector<16xf32>,
        %swap3A_437 = arith.constant 1 : i32
        %swap3A_438 = arith.index_cast %swap3A_437 : i32 to index
        %swap3A_439 = arith.index_cast %while3A_432 : i32 to index
        %swap3A_440 = arith.constant 16 : index
        %swap3A_441 = tpu.vector_load %arg10[%swap3A_438, %swap3A_439, %swap3A_440] {strides = array<i32>} : memref<2x128x256xf32, #tpu.memory_space<vmem>>, vector<16xf32>,
        tpu.vector_store %arg10[%swap3A_438, %swap3A_439, %swap3A_440], %broadcast_in_dim3A_74 {strides = array<i32>} : memref<2x128x256xf32, #tpu.memory_space<vmem>>, vector<16xf32>,
        %swap3A_442 = arith.constant 1 : i32
        %swap3A_443 = arith.index_cast %swap3A_442 : i32 to index
        %swap3A_444 = arith.index_cast %while3A_432 : i32 to index
        %swap3A_445 = arith.constant 32 : index
        %swap3A_446 = tpu.vector_load %arg10[%swap3A_443, %swap3A_444, %swap3A_445] {strides = array<i32>} : memref<2x128x256xf32, #tpu.memory_space<vmem>>, vector<16xf32>,
        tpu.vector_store %arg10[%swap3A_443, %swap3A_444, %swap3A_445], %broadcast_in_dim3A_74 {strides = array<i32>} : memref<2x128x256xf32, #tpu.memory_space<vmem>>, vector<16xf32>,
        %swap3A_447 = arith.constant 1 : i32
        %swap3A_448 = arith.index_cast %swap3A_447 : i32 to index
        %swap3A_449 = arith.index_cast %while3A_432 : i32 to index
        %swap3A_450 = arith.constant 48 : index
        %swap3A_451 = tpu.vector_load %arg10[%swap3A_448, %swap3A_449, %swap3A_450] {strides = array<i32>} : memref<2x128x256xf32, #tpu.memory_space<vmem>>, vector<16xf32>,
        tpu.vector_store %arg10[%swap3A_448, %swap3A_449, %swap3A_450], %broadcast_in_dim3A_74 {strides = array<i32>} : memref<2x128x256xf32, #tpu.memory_space<vmem>>, vector<16xf32>,
        %swap3A_452 = arith.constant 1 : i32
        %swap3A_453 = arith.index_cast %swap3A_452 : i32 to index
        %swap3A_454 = arith.index_cast %while3A_432 : i32 to index
        %swap3A_455 = arith.constant 64 : index
        %swap3A_456 = tpu.vector_load %arg10[%swap3A_453, %swap3A_454, %swap3A_455] {strides = array<i32>} : memref<2x128x256xf32, #tpu.memory_space<vmem>>, vector<16xf32>,
        tpu.vector_store %arg10[%swap3A_453, %swap3A_454, %swap3A_455], %broadcast_in_dim3A_74 {strides = array<i32>} : memref<2x128x256xf32, #tpu.memory_space<vmem>>, vector<16xf32>,
        %swap3A_457 = arith.constant 1 : i32
        %swap3A_458 = arith.index_cast %swap3A_457 : i32 to index
        %swap3A_459 = arith.index_cast %while3A_432 : i32 to index
        %swap3A_460 = arith.constant 80 : index
        %swap3A_461 = tpu.vector_load %arg10[%swap3A_458, %swap3A_459, %swap3A_460] {strides = array<i32>} : memref<2x128x256xf32, #tpu.memory_space<vmem>>, vector<16xf32>,
        tpu.vector_store %arg10[%swap3A_458, %swap3A_459, %swap3A_460], %broadcast_in_dim3A_74 {strides = array<i32>} : memref<2x128x256xf32, #tpu.memory_space<vmem>>, vector<16xf32>,
        %swap3A_462 = arith.constant 1 : i32
        %swap3A_463 = arith.index_cast %swap3A_462 : i32 to index
        %swap3A_464 = arith.index_cast %while3A_432 : i32 to index
        %swap3A_465 = arith.constant 96 : index
        %swap3A_466 = tpu.vector_load %arg10[%swap3A_463, %swap3A_464, %swap3A_465] {strides = array<i32>} : memref<2x128x256xf32, #tpu.memory_space<vmem>>, vector<16xf32>,
        tpu.vector_store %arg10[%swap3A_463, %swap3A_464, %swap3A_465], %broadcast_in_dim3A_74 {strides = array<i32>} : memref<2x128x256xf32, #tpu.memory_space<vmem>>, vector<16xf32>,
        %swap3A_467 = arith.constant 1 : i32
        %swap3A_468 = arith.index_cast %swap3A_467 : i32 to index
        %swap3A_469 = arith.index_cast %while3A_432 : i32 to index
        %swap3A_470 = arith.constant 112 : index
        %swap3A_471 = tpu.vector_load %arg10[%swap3A_468, %swap3A_469, %swap3A_470] {strides = array<i32>} : memref<2x128x256xf32, #tpu.memory_space<vmem>>, vector<16xf32>,
        tpu.vector_store %arg10[%swap3A_468, %swap3A_469, %swap3A_470], %broadcast_in_dim3A_74 {strides = array<i32>} : memref<2x128x256xf32, #tpu.memory_space<vmem>>, vector<16xf32>,
        %swap3A_472 = arith.constant 1 : i32
        %swap3A_473 = arith.index_cast %swap3A_472 : i32 to index
        %swap3A_474 = arith.index_cast %while3A_432 : i32 to index
        %swap3A_475 = arith.constant 128 : index
        %swap3A_476 = tpu.vector_load %arg10[%swap3A_473, %swap3A_474, %swap3A_475] {strides = array<i32>} : memref<2x128x256xf32, #tpu.memory_space<vmem>>, vector<16xf32>,
        tpu.vector_store %arg10[%swap3A_473, %swap3A_474, %swap3A_475], %broadcast_in_dim3A_74 {strides = array<i32>} : memref<2x128x256xf32, #tpu.memory_space<vmem>>, vector<16xf32>,
        %swap3A_477 = arith.constant 1 : i32
        %swap3A_478 = arith.index_cast %swap3A_477 : i32 to index
        %swap3A_479 = arith.index_cast %while3A_432 : i32 to index
        %swap3A_480 = arith.constant 144 : index
        %swap3A_481 = tpu.vector_load %arg10[%swap3A_478, %swap3A_479, %swap3A_480] {strides = array<i32>} : memref<2x128x256xf32, #tpu.memory_space<vmem>>, vector<16xf32>,
        tpu.vector_store %arg10[%swap3A_478, %swap3A_479, %swap3A_480], %broadcast_in_dim3A_74 {strides = array<i32>} : memref<2x128x256xf32, #tpu.memory_space<vmem>>, vector<16xf32>,
        %swap3A_482 = arith.constant 1 : i32
        %swap3A_483 = arith.index_cast %swap3A_482 : i32 to index
        %swap3A_484 = arith.index_cast %while3A_432 : i32 to index
        %swap3A_485 = arith.constant 160 : index
        %swap3A_486 = tpu.vector_load %arg10[%swap3A_483, %swap3A_484, %swap3A_485] {strides = array<i32>} : memref<2x128x256xf32, #tpu.memory_space<vmem>>, vector<16xf32>,
        tpu.vector_store %arg10[%swap3A_483, %swap3A_484, %swap3A_485], %broadcast_in_dim3A_74 {strides = array<i32>} : memref<2x128x256xf32, #tpu.memory_space<vmem>>, vector<16xf32>,
        %swap3A_487 = arith.constant 1 : i32
        %swap3A_488 = arith.index_cast %swap3A_487 : i32 to index
        %swap3A_489 = arith.index_cast %while3A_432 : i32 to index
        %swap3A_490 = arith.constant 176 : index
        %swap3A_491 = tpu.vector_load %arg10[%swap3A_488, %swap3A_489, %swap3A_490] {strides = array<i32>} : memref<2x128x256xf32, #tpu.memory_space<vmem>>, vector<16xf32>,
        tpu.vector_store %arg10[%swap3A_488, %swap3A_489, %swap3A_490], %broadcast_in_dim3A_74 {strides = array<i32>} : memref<2x128x256xf32, #tpu.memory_space<vmem>>, vector<16xf32>,
        %swap3A_492 = arith.constant 1 : i32
        %swap3A_493 = arith.index_cast %swap3A_492 : i32 to index
        %swap3A_494 = arith.index_cast %while3A_432 : i32 to index
        %swap3A_495 = arith.constant 192 : index
        %swap3A_496 = tpu.vector_load %arg10[%swap3A_493, %swap3A_494, %swap3A_495] {strides = array<i32>} : memref<2x128x256xf32, #tpu.memory_space<vmem>>, vector<16xf32>,
        tpu.vector_store %arg10[%swap3A_493, %swap3A_494, %swap3A_495], %broadcast_in_dim3A_74 {strides = array<i32>} : memref<2x128x256xf32, #tpu.memory_space<vmem>>, vector<16xf32>,
        %swap3A_497 = arith.constant 1 : i32
        %swap3A_498 = arith.index_cast %swap3A_497 : i32 to index
        %swap3A_499 = arith.index_cast %while3A_432 : i32 to index
        %swap3A_500 = arith.constant 208 : index
        %swap3A_501 = tpu.vector_load %arg10[%swap3A_498, %swap3A_499, %swap3A_500] {strides = array<i32>} : memref<2x128x256xf32, #tpu.memory_space<vmem>>, vector<16xf32>,
        tpu.vector_store %arg10[%swap3A_498, %swap3A_499, %swap3A_500], %broadcast_in_dim3A_74 {strides = array<i32>} : memref<2x128x256xf32, #tpu.memory_space<vmem>>, vector<16xf32>,
        %swap3A_502 = arith.constant 1 : i32
        %swap3A_503 = arith.index_cast %swap3A_502 : i32 to index
        %swap3A_504 = arith.index_cast %while3A_432 : i32 to index
        %swap3A_505 = arith.constant 224 : index
        %swap3A_506 = tpu.vector_load %arg10[%swap3A_503, %swap3A_504, %swap3A_505] {strides = array<i32>} : memref<2x128x256xf32, #tpu.memory_space<vmem>>, vector<16xf32>,
        tpu.vector_store %arg10[%swap3A_503, %swap3A_504, %swap3A_505], %broadcast_in_dim3A_74 {strides = array<i32>} : memref<2x128x256xf32, #tpu.memory_space<vmem>>, vector<16xf32>,
        %swap3A_507 = arith.constant 1 : i32
        %swap3A_508 = arith.index_cast %swap3A_507 : i32 to index
        %swap3A_509 = arith.index_cast %while3A_432 : i32 to index
        %swap3A_510 = arith.constant 240 : index
        %swap3A_511 = tpu.vector_load %arg10[%swap3A_508, %swap3A_509, %swap3A_510] {strides = array<i32>} : memref<2x128x256xf32, #tpu.memory_space<vmem>>, vector<16xf32>,
        tpu.vector_store %arg10[%swap3A_508, %swap3A_509, %swap3A_510], %broadcast_in_dim3A_74 {strides = array<i32>} : memref<2x128x256xf32, #tpu.memory_space<vmem>>, vector<16xf32>,
      }
      %run_scoped3A = arith.constant 1 : i32
      "tpu.region"() ({
        %run_scoped3A_432 = tpu.sem_alloc : memref<!tpu.dma_semaphore, #tpu.memory_space<semaphore_mem>>
        %dma_start3A_433 = arith.constant 0 : i32
        %dma_start3A_434 = arith.constant 0 : i32
        %dma_start3A_435 = tpu.memref_slice %arg10[%run_scoped3A, %dma_start3A_433, %dma_start3A_434] : memref<2x128x256xf32, #tpu.memory_space<vmem>> -> memref<1x128x256xf32, #tpu.memory_space<vmem>>
        %dma_start3A_436 = tpu.memref_squeeze %dma_start3A_435 : memref<1x128x256xf32, #tpu.memory_space<vmem>> -> memref<128x256xf32, #tpu.memory_space<vmem>>
        %dma_start3A_437 = arith.constant 0 : i32
        %dma_start3A_438 = tpu.memref_slice %arg4[%select_n3A, %add3A_139, %dma_start3A_437] : memref<16x2048x256xf32, #tpu.memory_space<hbm>> -> memref<1x128x256xf32, #tpu.memory_space<hbm>>
        %dma_start3A_439 = tpu.memref_squeeze %dma_start3A_438 : memref<1x128x256xf32, #tpu.memory_space<hbm>> -> memref<128x256xf32, #tpu.memory_space<hbm>>
        %dma_start3A_440 = arith.constant 0 : i32
        %dma_start3A_441 = tpu.memref_slice %arg4[%select_n3A, %add3A_139, %dma_start3A_440] : memref<16x2048x256xf32, #tpu.memory_space<hbm>> -> memref<1x128x256xf32, #tpu.memory_space<hbm>>
        %dma_start3A_442 = tpu.memref_squeeze %dma_start3A_441 : memref<1x128x256xf32, #tpu.memory_space<hbm>> -> memref<128x256xf32, #tpu.memory_space<hbm>>
        %dma_start3A_443 = arith.constant 0 : i32
        %dma_start3A_444 = arith.constant 0 : i32
        %dma_start3A_445 = tpu.memref_slice %arg10[%run_scoped3A, %dma_start3A_443, %dma_start3A_444] : memref<2x128x256xf32, #tpu.memory_space<vmem>> -> memref<1x128x256xf32, #tpu.memory_space<vmem>>
        %dma_start3A_446 = tpu.memref_squeeze %dma_start3A_445 : memref<1x128x256xf32, #tpu.memory_space<vmem>> -> memref<128x256xf32, #tpu.memory_space<vmem>>
        tpu.enqueue_dma source(%dma_start3A_446 : memref<128x256xf32, #tpu.memory_space<vmem>>) target(%dma_start3A_442 : memref<128x256xf32, #tpu.memory_space<hbm>>) target_semaphore(%run_scoped3A_432 : memref<!tpu.dma_semaphore, #tpu.memory_space<semaphore_mem>>)
        %dma_wait3A_447 = arith.constant 0 : i32
        %dma_wait3A_448 = arith.constant 0 : i32
        %dma_wait3A_449 = tpu.memref_slice %arg10[%run_scoped3A, %dma_wait3A_447, %dma_wait3A_448] : memref<2x128x256xf32, #tpu.memory_space<vmem>> -> memref<1x128x256xf32, #tpu.memory_space<vmem>>
        %dma_wait3A_450 = tpu.memref_squeeze %dma_wait3A_449 : memref<1x128x256xf32, #tpu.memory_space<vmem>> -> memref<128x256xf32, #tpu.memory_space<vmem>>
        %dma_wait3A_451 = arith.constant 0 : i32
        %dma_wait3A_452 = tpu.memref_slice %arg4[%select_n3A, %add3A_139, %dma_wait3A_451] : memref<16x2048x256xf32, #tpu.memory_space<hbm>> -> memref<1x128x256xf32, #tpu.memory_space<hbm>>
        %dma_wait3A_453 = tpu.memref_squeeze %dma_wait3A_452 : memref<1x128x256xf32, #tpu.memory_space<hbm>> -> memref<128x256xf32, #tpu.memory_space<hbm>>
        %dma_wait3A_454 = arith.constant 0 : i32
        %dma_wait3A_455 = tpu.memref_slice %arg4[%select_n3A, %add3A_139, %dma_wait3A_454] : memref<16x2048x256xf32, #tpu.memory_space<hbm>> -> memref<1x128x256xf32, #tpu.memory_space<hbm>>
        %dma_wait3A_456 = tpu.memref_squeeze %dma_wait3A_455 : memref<1x128x256xf32, #tpu.memory_space<hbm>> -> memref<128x256xf32, #tpu.memory_space<hbm>>
        %dma_wait3A_457 = arith.constant 0 : i32
        %dma_wait3A_458 = arith.constant 0 : i32
        %dma_wait3A_459 = tpu.memref_slice %arg10[%run_scoped3A, %dma_wait3A_457, %dma_wait3A_458] : memref<2x128x256xf32, #tpu.memory_space<vmem>> -> memref<1x128x256xf32, #tpu.memory_space<vmem>>
        %dma_wait3A_460 = tpu.memref_squeeze %dma_wait3A_459 : memref<1x128x256xf32, #tpu.memory_space<vmem>> -> memref<128x256xf32, #tpu.memory_space<vmem>>
        tpu.wait_dma2 semaphore(%run_scoped3A_432 : memref<!tpu.dma_semaphore, #tpu.memory_space<semaphore_mem>>) src(%dma_wait3A_460 : memref<128x256xf32, #tpu.memory_space<vmem>>) dst(%dma_wait3A_456 : memref<128x256xf32, #tpu.memory_space<hbm>>)
        tpu.yield
      }) : () -> ()
    } else {
    }
    %eq3A_153 = arith.constant 0 : i32
    %eq3A_154 = arith.cmpi eq, %min3A_137, %eq3A_153 : i32
    %convert_element_type3A_155 = arith.extui %eq3A_154 : i1 to i32
    %cond3A_156 = arith.constant 0 : i32
    %cond3A_157 = arith.cmpi ne, %convert_element_type3A_155, %cond3A_156 : i32
    scf.if %cond3A_157 {
      "tpu.region"() ({
        %run_scoped3A = tpu.sem_alloc : memref<!tpu.dma_semaphore, #tpu.memory_space<semaphore_mem>>
        %dma_start3A_423 = arith.constant 0 : i32
        %dma_start3A_424 = tpu.memref_slice %arg4[%select_n3A, %add3A_139, %dma_start3A_423] : memref<16x2048x256xf32, #tpu.memory_space<hbm>> -> memref<1x128x256xf32, #tpu.memory_space<hbm>>
        %dma_start3A_425 = tpu.memref_squeeze %dma_start3A_424 : memref<1x128x256xf32, #tpu.memory_space<hbm>> -> memref<128x256xf32, #tpu.memory_space<hbm>>
        %dma_start3A_426 = arith.constant 0 : i32
        %dma_start3A_427 = tpu.memref_slice %arg4[%select_n3A, %add3A_139, %dma_start3A_426] : memref<16x2048x256xf32, #tpu.memory_space<hbm>> -> memref<1x128x256xf32, #tpu.memory_space<hbm>>
        %dma_start3A_428 = tpu.memref_squeeze %dma_start3A_427 : memref<1x128x256xf32, #tpu.memory_space<hbm>> -> memref<128x256xf32, #tpu.memory_space<hbm>>
        tpu.enqueue_dma source(%arg11 : memref<128x256xf32, #tpu.memory_space<vmem>>) target(%dma_start3A_428 : memref<128x256xf32, #tpu.memory_space<hbm>>) target_semaphore(%run_scoped3A : memref<!tpu.dma_semaphore, #tpu.memory_space<semaphore_mem>>)
        %dma_wait3A_429 = arith.constant 0 : i32
        %dma_wait3A_430 = tpu.memref_slice %arg4[%select_n3A, %add3A_139, %dma_wait3A_429] : memref<16x2048x256xf32, #tpu.memory_space<hbm>> -> memref<1x128x256xf32, #tpu.memory_space<hbm>>
        %dma_wait3A_431 = tpu.memref_squeeze %dma_wait3A_430 : memref<1x128x256xf32, #tpu.memory_space<hbm>> -> memref<128x256xf32, #tpu.memory_space<hbm>>
        %dma_wait3A_432 = arith.constant 0 : i32
        %dma_wait3A_433 = tpu.memref_slice %arg4[%select_n3A, %add3A_139, %dma_wait3A_432] : memref<16x2048x256xf32, #tpu.memory_space<hbm>> -> memref<1x128x256xf32, #tpu.memory_space<hbm>>
        %dma_wait3A_434 = tpu.memref_squeeze %dma_wait3A_433 : memref<1x128x256xf32, #tpu.memory_space<hbm>> -> memref<128x256xf32, #tpu.memory_space<hbm>>
        tpu.wait_dma2 semaphore(%run_scoped3A : memref<!tpu.dma_semaphore, #tpu.memory_space<semaphore_mem>>) src(%arg11 : memref<128x256xf32, #tpu.memory_space<vmem>>) dst(%dma_wait3A_434 : memref<128x256xf32, #tpu.memory_space<hbm>>)
        tpu.yield
      }) : () -> ()
    } else {
    }
    %add3A_158 = arith.constant 384 : i32
    %add3A_159 = arith.addi %mul3A_32, %add3A_158 : i32
    %dma_start3A_160 = arith.constant 1 : i32
    %dma_start3A_161 = arith.constant 0 : i32
    %dma_start3A_162 = arith.constant 0 : i32
    %dma_start3A_163 = tpu.memref_slice %arg10[%dma_start3A_160, %dma_start3A_161, %dma_start3A_162] : memref<2x128x256xf32, #tpu.memory_space<vmem>> -> memref<1x128x256xf32, #tpu.memory_space<vmem>>
    %dma_start3A_164 = tpu.memref_squeeze %dma_start3A_163 : memref<1x128x256xf32, #tpu.memory_space<vmem>> -> memref<128x256xf32, #tpu.memory_space<vmem>>
    %dma_start3A_165 = tpu.memref_slice %arg6[%add3A_159] : memref<2048xi32, #tpu.memory_space<vmem>> -> memref<128xi32, #tpu.memory_space<vmem>>
    %dma_start3A_166 = arith.constant 0 : i32
    %dma_start3A_167 = arith.constant 0 : i32
    %dma_start3A_168 = tpu.memref_slice %arg2[%dma_start3A_166, %dma_start3A_167] : memref<8192x256xf32, #tpu.memory_space<hbm>> -> memref<8192x256xf32, #tpu.memory_space<hbm>>
    tpu.enqueue_indirect_dma source(%dma_start3A_168 : memref<8192x256xf32, #tpu.memory_space<hbm>>) target(%dma_start3A_164 : memref<128x256xf32, #tpu.memory_space<vmem>>) offsets(%dma_start3A_165 : memref<128xi32, #tpu.memory_space<vmem>>) semaphore(%arg13 : memref<!tpu.dma_semaphore, #tpu.memory_space<semaphore_mem>>)
    %dma_wait3A_169 = arith.constant 0 : i32
    %dma_wait3A_170 = arith.constant 0 : i32
    %dma_wait3A_171 = arith.constant 0 : i32
    %dma_wait3A_172 = tpu.memref_slice %arg10[%dma_wait3A_169, %dma_wait3A_170, %dma_wait3A_171] : memref<2x128x256xf32, #tpu.memory_space<vmem>> -> memref<1x128x256xf32, #tpu.memory_space<vmem>>
    %dma_wait3A_173 = tpu.memref_squeeze %dma_wait3A_172 : memref<1x128x256xf32, #tpu.memory_space<vmem>> -> memref<128x256xf32, #tpu.memory_space<vmem>>
    %dma_wait3A_174 = tpu.memref_slice %arg6[%add3A_113] : memref<2048xi32, #tpu.memory_space<vmem>> -> memref<128xi32, #tpu.memory_space<vmem>>
    %dma_wait3A_175 = arith.constant 0 : i32
    %dma_wait3A_176 = arith.constant 0 : i32
    %dma_wait3A_177 = tpu.memref_slice %arg2[%dma_wait3A_175, %dma_wait3A_176] : memref<8192x256xf32, #tpu.memory_space<hbm>> -> memref<8192x256xf32, #tpu.memory_space<hbm>>
    tpu.wait_indirect_dma semaphore(%arg12 : memref<!tpu.dma_semaphore, #tpu.memory_space<semaphore_mem>>) src(%dma_wait3A_177 : memref<8192x256xf32, #tpu.memory_space<hbm>>) dst(%dma_wait3A_173 : memref<128x256xf32, #tpu.memory_space<vmem>>)
    %sub3A_178 = arith.constant 256 : i32
    %sub3A_179 = arith.subi %min3A, %sub3A_178 : i32
    %jit3A_180 = arith.constant 0 : i32
    %jit3A_181 = arith.constant 128 : i32
    %max3A_182 = arith.maxsi %jit3A_180, %sub3A_179 : i32
    %min3A_183 = arith.minsi %jit3A_181, %max3A_182 : i32
    %add3A_184 = arith.constant 256 : i32
    %add3A_185 = arith.addi %mul3A_32, %add3A_184 : i32
    %eq3A_186 = arith.constant 128 : i32
    %eq3A_187 = arith.cmpi eq, %min3A_183, %eq3A_186 : i32
    %convert_element_type3A_188 = arith.extui %eq3A_187 : i1 to i32
    %cond3A_189 = arith.constant 0 : i32
    %cond3A_190 = arith.cmpi ne, %convert_element_type3A_188, %cond3A_189 : i32
    scf.if %cond3A_190 {
      %run_scoped3A = arith.constant 0 : i32
      "tpu.region"() ({
        %run_scoped3A_423 = tpu.sem_alloc : memref<!tpu.dma_semaphore, #tpu.memory_space<semaphore_mem>>
        %dma_start3A_424 = arith.constant 0 : i32
        %dma_start3A_425 = arith.constant 0 : i32
        %dma_start3A_426 = tpu.memref_slice %arg10[%run_scoped3A, %dma_start3A_424, %dma_start3A_425] : memref<2x128x256xf32, #tpu.memory_space<vmem>> -> memref<1x128x256xf32, #tpu.memory_space<vmem>>
        %dma_start3A_427 = tpu.memref_squeeze %dma_start3A_426 : memref<1x128x256xf32, #tpu.memory_space<vmem>> -> memref<128x256xf32, #tpu.memory_space<vmem>>
        %dma_start3A_428 = arith.constant 0 : i32
        %dma_start3A_429 = tpu.memref_slice %arg4[%select_n3A, %add3A_185, %dma_start3A_428] : memref<16x2048x256xf32, #tpu.memory_space<hbm>> -> memref<1x128x256xf32, #tpu.memory_space<hbm>>
        %dma_start3A_430 = tpu.memref_squeeze %dma_start3A_429 : memref<1x128x256xf32, #tpu.memory_space<hbm>> -> memref<128x256xf32, #tpu.memory_space<hbm>>
        %dma_start3A_431 = arith.constant 0 : i32
        %dma_start3A_432 = tpu.memref_slice %arg4[%select_n3A, %add3A_185, %dma_start3A_431] : memref<16x2048x256xf32, #tpu.memory_space<hbm>> -> memref<1x128x256xf32, #tpu.memory_space<hbm>>
        %dma_start3A_433 = tpu.memref_squeeze %dma_start3A_432 : memref<1x128x256xf32, #tpu.memory_space<hbm>> -> memref<128x256xf32, #tpu.memory_space<hbm>>
        %dma_start3A_434 = arith.constant 0 : i32
        %dma_start3A_435 = arith.constant 0 : i32
        %dma_start3A_436 = tpu.memref_slice %arg10[%run_scoped3A, %dma_start3A_434, %dma_start3A_435] : memref<2x128x256xf32, #tpu.memory_space<vmem>> -> memref<1x128x256xf32, #tpu.memory_space<vmem>>
        %dma_start3A_437 = tpu.memref_squeeze %dma_start3A_436 : memref<1x128x256xf32, #tpu.memory_space<vmem>> -> memref<128x256xf32, #tpu.memory_space<vmem>>
        tpu.enqueue_dma source(%dma_start3A_437 : memref<128x256xf32, #tpu.memory_space<vmem>>) target(%dma_start3A_433 : memref<128x256xf32, #tpu.memory_space<hbm>>) target_semaphore(%run_scoped3A_423 : memref<!tpu.dma_semaphore, #tpu.memory_space<semaphore_mem>>)
        %dma_wait3A_438 = arith.constant 0 : i32
        %dma_wait3A_439 = arith.constant 0 : i32
        %dma_wait3A_440 = tpu.memref_slice %arg10[%run_scoped3A, %dma_wait3A_438, %dma_wait3A_439] : memref<2x128x256xf32, #tpu.memory_space<vmem>> -> memref<1x128x256xf32, #tpu.memory_space<vmem>>
        %dma_wait3A_441 = tpu.memref_squeeze %dma_wait3A_440 : memref<1x128x256xf32, #tpu.memory_space<vmem>> -> memref<128x256xf32, #tpu.memory_space<vmem>>
        %dma_wait3A_442 = arith.constant 0 : i32
        %dma_wait3A_443 = tpu.memref_slice %arg4[%select_n3A, %add3A_185, %dma_wait3A_442] : memref<16x2048x256xf32, #tpu.memory_space<hbm>> -> memref<1x128x256xf32, #tpu.memory_space<hbm>>
        %dma_wait3A_444 = tpu.memref_squeeze %dma_wait3A_443 : memref<1x128x256xf32, #tpu.memory_space<hbm>> -> memref<128x256xf32, #tpu.memory_space<hbm>>
        %dma_wait3A_445 = arith.constant 0 : i32
        %dma_wait3A_446 = tpu.memref_slice %arg4[%select_n3A, %add3A_185, %dma_wait3A_445] : memref<16x2048x256xf32, #tpu.memory_space<hbm>> -> memref<1x128x256xf32, #tpu.memory_space<hbm>>
        %dma_wait3A_447 = tpu.memref_squeeze %dma_wait3A_446 : memref<1x128x256xf32, #tpu.memory_space<hbm>> -> memref<128x256xf32, #tpu.memory_space<hbm>>
        %dma_wait3A_448 = arith.constant 0 : i32
        %dma_wait3A_449 = arith.constant 0 : i32
        %dma_wait3A_450 = tpu.memref_slice %arg10[%run_scoped3A, %dma_wait3A_448, %dma_wait3A_449] : memref<2x128x256xf32, #tpu.memory_space<vmem>> -> memref<1x128x256xf32, #tpu.memory_space<vmem>>
        %dma_wait3A_451 = tpu.memref_squeeze %dma_wait3A_450 : memref<1x128x256xf32, #tpu.memory_space<vmem>> -> memref<128x256xf32, #tpu.memory_space<vmem>>
        tpu.wait_dma2 semaphore(%run_scoped3A_423 : memref<!tpu.dma_semaphore, #tpu.memory_space<semaphore_mem>>) src(%dma_wait3A_451 : memref<128x256xf32, #tpu.memory_space<vmem>>) dst(%dma_wait3A_447 : memref<128x256xf32, #tpu.memory_space<hbm>>)
        tpu.yield
      }) : () -> ()
    } else {
    }
    %gt3A_191 = arith.constant 0 : i32
    %gt3A_192 = arith.cmpi sgt, %min3A_183, %gt3A_191 : i32
    %lt3A_193 = arith.constant 128 : i32
    %lt3A_194 = arith.cmpi slt, %min3A_183, %lt3A_193 : i32
    %and3A_195 = arith.andi %gt3A_192, %lt3A_194 : i1
    %convert_element_type3A_196 = arith.extui %and3A_195 : i1 to i32
    %cond3A_197 = arith.constant 0 : i32
    %cond3A_198 = arith.cmpi ne, %convert_element_type3A_196, %cond3A_197 : i32
    scf.if %cond3A_198 {
      %while3A = arith.constant 0 : i32
      %while3A_423 = arith.constant 128 : i32
      %while3A_424 = arith.subi %while3A_423, %min3A_183 : i32
      %while3A_425 = arith.addi %min3A_183, %while3A_424 : i32
      %while3A_426 = arith.constant 1 : i32
      %while3A_427 = arith.divsi %while3A_424, %while3A_426 : i32
      %while3A_428 = arith.muli %while3A_427, %while3A_426 : i32
      %while3A_429 = arith.addi %min3A_183, %while3A_428 : i32
      %while3A_430 = arith.constant 1 : i32
      scf.for %while3A_432 = %min3A_183 to %while3A_429 step %while3A_430  : i32 {
        %swap3A = arith.constant 0 : i32
        %swap3A_433 = arith.index_cast %swap3A : i32 to index
        %swap3A_434 = arith.index_cast %while3A_432 : i32 to index
        %swap3A_435 = arith.constant 0 : index
        %swap3A_436 = tpu.vector_load %arg10[%swap3A_433, %swap3A_434, %swap3A_435] {strides = array<i32>} : memref<2x128x256xf32, #tpu.memory_space<vmem>>, vector<16xf32>,
        tpu.vector_store %arg10[%swap3A_433, %swap3A_434, %swap3A_435], %broadcast_in_dim3A_74 {strides = array<i32>} : memref<2x128x256xf32, #tpu.memory_space<vmem>>, vector<16xf32>,
        %swap3A_437 = arith.constant 0 : i32
        %swap3A_438 = arith.index_cast %swap3A_437 : i32 to index
        %swap3A_439 = arith.index_cast %while3A_432 : i32 to index
        %swap3A_440 = arith.constant 16 : index
        %swap3A_441 = tpu.vector_load %arg10[%swap3A_438, %swap3A_439, %swap3A_440] {strides = array<i32>} : memref<2x128x256xf32, #tpu.memory_space<vmem>>, vector<16xf32>,
        tpu.vector_store %arg10[%swap3A_438, %swap3A_439, %swap3A_440], %broadcast_in_dim3A_74 {strides = array<i32>} : memref<2x128x256xf32, #tpu.memory_space<vmem>>, vector<16xf32>,
        %swap3A_442 = arith.constant 0 : i32
        %swap3A_443 = arith.index_cast %swap3A_442 : i32 to index
        %swap3A_444 = arith.index_cast %while3A_432 : i32 to index
        %swap3A_445 = arith.constant 32 : index
        %swap3A_446 = tpu.vector_load %arg10[%swap3A_443, %swap3A_444, %swap3A_445] {strides = array<i32>} : memref<2x128x256xf32, #tpu.memory_space<vmem>>, vector<16xf32>,
        tpu.vector_store %arg10[%swap3A_443, %swap3A_444, %swap3A_445], %broadcast_in_dim3A_74 {strides = array<i32>} : memref<2x128x256xf32, #tpu.memory_space<vmem>>, vector<16xf32>,
        %swap3A_447 = arith.constant 0 : i32
        %swap3A_448 = arith.index_cast %swap3A_447 : i32 to index
        %swap3A_449 = arith.index_cast %while3A_432 : i32 to index
        %swap3A_450 = arith.constant 48 : index
        %swap3A_451 = tpu.vector_load %arg10[%swap3A_448, %swap3A_449, %swap3A_450] {strides = array<i32>} : memref<2x128x256xf32, #tpu.memory_space<vmem>>, vector<16xf32>,
        tpu.vector_store %arg10[%swap3A_448, %swap3A_449, %swap3A_450], %broadcast_in_dim3A_74 {strides = array<i32>} : memref<2x128x256xf32, #tpu.memory_space<vmem>>, vector<16xf32>,
        %swap3A_452 = arith.constant 0 : i32
        %swap3A_453 = arith.index_cast %swap3A_452 : i32 to index
        %swap3A_454 = arith.index_cast %while3A_432 : i32 to index
        %swap3A_455 = arith.constant 64 : index
        %swap3A_456 = tpu.vector_load %arg10[%swap3A_453, %swap3A_454, %swap3A_455] {strides = array<i32>} : memref<2x128x256xf32, #tpu.memory_space<vmem>>, vector<16xf32>,
        tpu.vector_store %arg10[%swap3A_453, %swap3A_454, %swap3A_455], %broadcast_in_dim3A_74 {strides = array<i32>} : memref<2x128x256xf32, #tpu.memory_space<vmem>>, vector<16xf32>,
        %swap3A_457 = arith.constant 0 : i32
        %swap3A_458 = arith.index_cast %swap3A_457 : i32 to index
        %swap3A_459 = arith.index_cast %while3A_432 : i32 to index
        %swap3A_460 = arith.constant 80 : index
        %swap3A_461 = tpu.vector_load %arg10[%swap3A_458, %swap3A_459, %swap3A_460] {strides = array<i32>} : memref<2x128x256xf32, #tpu.memory_space<vmem>>, vector<16xf32>,
        tpu.vector_store %arg10[%swap3A_458, %swap3A_459, %swap3A_460], %broadcast_in_dim3A_74 {strides = array<i32>} : memref<2x128x256xf32, #tpu.memory_space<vmem>>, vector<16xf32>,
        %swap3A_462 = arith.constant 0 : i32
        %swap3A_463 = arith.index_cast %swap3A_462 : i32 to index
        %swap3A_464 = arith.index_cast %while3A_432 : i32 to index
        %swap3A_465 = arith.constant 96 : index
        %swap3A_466 = tpu.vector_load %arg10[%swap3A_463, %swap3A_464, %swap3A_465] {strides = array<i32>} : memref<2x128x256xf32, #tpu.memory_space<vmem>>, vector<16xf32>,
        tpu.vector_store %arg10[%swap3A_463, %swap3A_464, %swap3A_465], %broadcast_in_dim3A_74 {strides = array<i32>} : memref<2x128x256xf32, #tpu.memory_space<vmem>>, vector<16xf32>,
        %swap3A_467 = arith.constant 0 : i32
        %swap3A_468 = arith.index_cast %swap3A_467 : i32 to index
        %swap3A_469 = arith.index_cast %while3A_432 : i32 to index
        %swap3A_470 = arith.constant 112 : index
        %swap3A_471 = tpu.vector_load %arg10[%swap3A_468, %swap3A_469, %swap3A_470] {strides = array<i32>} : memref<2x128x256xf32, #tpu.memory_space<vmem>>, vector<16xf32>,
        tpu.vector_store %arg10[%swap3A_468, %swap3A_469, %swap3A_470], %broadcast_in_dim3A_74 {strides = array<i32>} : memref<2x128x256xf32, #tpu.memory_space<vmem>>, vector<16xf32>,
        %swap3A_472 = arith.constant 0 : i32
        %swap3A_473 = arith.index_cast %swap3A_472 : i32 to index
        %swap3A_474 = arith.index_cast %while3A_432 : i32 to index
        %swap3A_475 = arith.constant 128 : index
        %swap3A_476 = tpu.vector_load %arg10[%swap3A_473, %swap3A_474, %swap3A_475] {strides = array<i32>} : memref<2x128x256xf32, #tpu.memory_space<vmem>>, vector<16xf32>,
        tpu.vector_store %arg10[%swap3A_473, %swap3A_474, %swap3A_475], %broadcast_in_dim3A_74 {strides = array<i32>} : memref<2x128x256xf32, #tpu.memory_space<vmem>>, vector<16xf32>,
        %swap3A_477 = arith.constant 0 : i32
        %swap3A_478 = arith.index_cast %swap3A_477 : i32 to index
        %swap3A_479 = arith.index_cast %while3A_432 : i32 to index
        %swap3A_480 = arith.constant 144 : index
        %swap3A_481 = tpu.vector_load %arg10[%swap3A_478, %swap3A_479, %swap3A_480] {strides = array<i32>} : memref<2x128x256xf32, #tpu.memory_space<vmem>>, vector<16xf32>,
        tpu.vector_store %arg10[%swap3A_478, %swap3A_479, %swap3A_480], %broadcast_in_dim3A_74 {strides = array<i32>} : memref<2x128x256xf32, #tpu.memory_space<vmem>>, vector<16xf32>,
        %swap3A_482 = arith.constant 0 : i32
        %swap3A_483 = arith.index_cast %swap3A_482 : i32 to index
        %swap3A_484 = arith.index_cast %while3A_432 : i32 to index
        %swap3A_485 = arith.constant 160 : index
        %swap3A_486 = tpu.vector_load %arg10[%swap3A_483, %swap3A_484, %swap3A_485] {strides = array<i32>} : memref<2x128x256xf32, #tpu.memory_space<vmem>>, vector<16xf32>,
        tpu.vector_store %arg10[%swap3A_483, %swap3A_484, %swap3A_485], %broadcast_in_dim3A_74 {strides = array<i32>} : memref<2x128x256xf32, #tpu.memory_space<vmem>>, vector<16xf32>,
        %swap3A_487 = arith.constant 0 : i32
        %swap3A_488 = arith.index_cast %swap3A_487 : i32 to index
        %swap3A_489 = arith.index_cast %while3A_432 : i32 to index
        %swap3A_490 = arith.constant 176 : index
        %swap3A_491 = tpu.vector_load %arg10[%swap3A_488, %swap3A_489, %swap3A_490] {strides = array<i32>} : memref<2x128x256xf32, #tpu.memory_space<vmem>>, vector<16xf32>,
        tpu.vector_store %arg10[%swap3A_488, %swap3A_489, %swap3A_490], %broadcast_in_dim3A_74 {strides = array<i32>} : memref<2x128x256xf32, #tpu.memory_space<vmem>>, vector<16xf32>,
        %swap3A_492 = arith.constant 0 : i32
        %swap3A_493 = arith.index_cast %swap3A_492 : i32 to index
        %swap3A_494 = arith.index_cast %while3A_432 : i32 to index
        %swap3A_495 = arith.constant 192 : index
        %swap3A_496 = tpu.vector_load %arg10[%swap3A_493, %swap3A_494, %swap3A_495] {strides = array<i32>} : memref<2x128x256xf32, #tpu.memory_space<vmem>>, vector<16xf32>,
        tpu.vector_store %arg10[%swap3A_493, %swap3A_494, %swap3A_495], %broadcast_in_dim3A_74 {strides = array<i32>} : memref<2x128x256xf32, #tpu.memory_space<vmem>>, vector<16xf32>,
        %swap3A_497 = arith.constant 0 : i32
        %swap3A_498 = arith.index_cast %swap3A_497 : i32 to index
        %swap3A_499 = arith.index_cast %while3A_432 : i32 to index
        %swap3A_500 = arith.constant 208 : index
        %swap3A_501 = tpu.vector_load %arg10[%swap3A_498, %swap3A_499, %swap3A_500] {strides = array<i32>} : memref<2x128x256xf32, #tpu.memory_space<vmem>>, vector<16xf32>,
        tpu.vector_store %arg10[%swap3A_498, %swap3A_499, %swap3A_500], %broadcast_in_dim3A_74 {strides = array<i32>} : memref<2x128x256xf32, #tpu.memory_space<vmem>>, vector<16xf32>,
        %swap3A_502 = arith.constant 0 : i32
        %swap3A_503 = arith.index_cast %swap3A_502 : i32 to index
        %swap3A_504 = arith.index_cast %while3A_432 : i32 to index
        %swap3A_505 = arith.constant 224 : index
        %swap3A_506 = tpu.vector_load %arg10[%swap3A_503, %swap3A_504, %swap3A_505] {strides = array<i32>} : memref<2x128x256xf32, #tpu.memory_space<vmem>>, vector<16xf32>,
        tpu.vector_store %arg10[%swap3A_503, %swap3A_504, %swap3A_505], %broadcast_in_dim3A_74 {strides = array<i32>} : memref<2x128x256xf32, #tpu.memory_space<vmem>>, vector<16xf32>,
        %swap3A_507 = arith.constant 0 : i32
        %swap3A_508 = arith.index_cast %swap3A_507 : i32 to index
        %swap3A_509 = arith.index_cast %while3A_432 : i32 to index
        %swap3A_510 = arith.constant 240 : index
        %swap3A_511 = tpu.vector_load %arg10[%swap3A_508, %swap3A_509, %swap3A_510] {strides = array<i32>} : memref<2x128x256xf32, #tpu.memory_space<vmem>>, vector<16xf32>,
        tpu.vector_store %arg10[%swap3A_508, %swap3A_509, %swap3A_510], %broadcast_in_dim3A_74 {strides = array<i32>} : memref<2x128x256xf32, #tpu.memory_space<vmem>>, vector<16xf32>,
      }
      %while3A_431 = arith.constant 1 : i32
      scf.for %while3A_432 = %while3A_429 to %while3A_425 step %while3A_431  : i32 {
        %swap3A = arith.constant 0 : i32
        %swap3A_433 = arith.index_cast %swap3A : i32 to index
        %swap3A_434 = arith.index_cast %while3A_432 : i32 to index
        %swap3A_435 = arith.constant 0 : index
        %swap3A_436 = tpu.vector_load %arg10[%swap3A_433, %swap3A_434, %swap3A_435] {strides = array<i32>} : memref<2x128x256xf32, #tpu.memory_space<vmem>>, vector<16xf32>,
        tpu.vector_store %arg10[%swap3A_433, %swap3A_434, %swap3A_435], %broadcast_in_dim3A_74 {strides = array<i32>} : memref<2x128x256xf32, #tpu.memory_space<vmem>>, vector<16xf32>,
        %swap3A_437 = arith.constant 0 : i32
        %swap3A_438 = arith.index_cast %swap3A_437 : i32 to index
        %swap3A_439 = arith.index_cast %while3A_432 : i32 to index
        %swap3A_440 = arith.constant 16 : index
        %swap3A_441 = tpu.vector_load %arg10[%swap3A_438, %swap3A_439, %swap3A_440] {strides = array<i32>} : memref<2x128x256xf32, #tpu.memory_space<vmem>>, vector<16xf32>,
        tpu.vector_store %arg10[%swap3A_438, %swap3A_439, %swap3A_440], %broadcast_in_dim3A_74 {strides = array<i32>} : memref<2x128x256xf32, #tpu.memory_space<vmem>>, vector<16xf32>,
        %swap3A_442 = arith.constant 0 : i32
        %swap3A_443 = arith.index_cast %swap3A_442 : i32 to index
        %swap3A_444 = arith.index_cast %while3A_432 : i32 to index
        %swap3A_445 = arith.constant 32 : index
        %swap3A_446 = tpu.vector_load %arg10[%swap3A_443, %swap3A_444, %swap3A_445] {strides = array<i32>} : memref<2x128x256xf32, #tpu.memory_space<vmem>>, vector<16xf32>,
        tpu.vector_store %arg10[%swap3A_443, %swap3A_444, %swap3A_445], %broadcast_in_dim3A_74 {strides = array<i32>} : memref<2x128x256xf32, #tpu.memory_space<vmem>>, vector<16xf32>,
        %swap3A_447 = arith.constant 0 : i32
        %swap3A_448 = arith.index_cast %swap3A_447 : i32 to index
        %swap3A_449 = arith.index_cast %while3A_432 : i32 to index
        %swap3A_450 = arith.constant 48 : index
        %swap3A_451 = tpu.vector_load %arg10[%swap3A_448, %swap3A_449, %swap3A_450] {strides = array<i32>} : memref<2x128x256xf32, #tpu.memory_space<vmem>>, vector<16xf32>,
        tpu.vector_store %arg10[%swap3A_448, %swap3A_449, %swap3A_450], %broadcast_in_dim3A_74 {strides = array<i32>} : memref<2x128x256xf32, #tpu.memory_space<vmem>>, vector<16xf32>,
        %swap3A_452 = arith.constant 0 : i32
        %swap3A_453 = arith.index_cast %swap3A_452 : i32 to index
        %swap3A_454 = arith.index_cast %while3A_432 : i32 to index
        %swap3A_455 = arith.constant 64 : index
        %swap3A_456 = tpu.vector_load %arg10[%swap3A_453, %swap3A_454, %swap3A_455] {strides = array<i32>} : memref<2x128x256xf32, #tpu.memory_space<vmem>>, vector<16xf32>,
        tpu.vector_store %arg10[%swap3A_453, %swap3A_454, %swap3A_455], %broadcast_in_dim3A_74 {strides = array<i32>} : memref<2x128x256xf32, #tpu.memory_space<vmem>>, vector<16xf32>,
        %swap3A_457 = arith.constant 0 : i32
        %swap3A_458 = arith.index_cast %swap3A_457 : i32 to index
        %swap3A_459 = arith.index_cast %while3A_432 : i32 to index
        %swap3A_460 = arith.constant 80 : index
        %swap3A_461 = tpu.vector_load %arg10[%swap3A_458, %swap3A_459, %swap3A_460] {strides = array<i32>} : memref<2x128x256xf32, #tpu.memory_space<vmem>>, vector<16xf32>,
        tpu.vector_store %arg10[%swap3A_458, %swap3A_459, %swap3A_460], %broadcast_in_dim3A_74 {strides = array<i32>} : memref<2x128x256xf32, #tpu.memory_space<vmem>>, vector<16xf32>,
        %swap3A_462 = arith.constant 0 : i32
        %swap3A_463 = arith.index_cast %swap3A_462 : i32 to index
        %swap3A_464 = arith.index_cast %while3A_432 : i32 to index
        %swap3A_465 = arith.constant 96 : index
        %swap3A_466 = tpu.vector_load %arg10[%swap3A_463, %swap3A_464, %swap3A_465] {strides = array<i32>} : memref<2x128x256xf32, #tpu.memory_space<vmem>>, vector<16xf32>,
        tpu.vector_store %arg10[%swap3A_463, %swap3A_464, %swap3A_465], %broadcast_in_dim3A_74 {strides = array<i32>} : memref<2x128x256xf32, #tpu.memory_space<vmem>>, vector<16xf32>,
        %swap3A_467 = arith.constant 0 : i32
        %swap3A_468 = arith.index_cast %swap3A_467 : i32 to index
        %swap3A_469 = arith.index_cast %while3A_432 : i32 to index
        %swap3A_470 = arith.constant 112 : index
        %swap3A_471 = tpu.vector_load %arg10[%swap3A_468, %swap3A_469, %swap3A_470] {strides = array<i32>} : memref<2x128x256xf32, #tpu.memory_space<vmem>>, vector<16xf32>,
        tpu.vector_store %arg10[%swap3A_468, %swap3A_469, %swap3A_470], %broadcast_in_dim3A_74 {strides = array<i32>} : memref<2x128x256xf32, #tpu.memory_space<vmem>>, vector<16xf32>,
        %swap3A_472 = arith.constant 0 : i32
        %swap3A_473 = arith.index_cast %swap3A_472 : i32 to index
        %swap3A_474 = arith.index_cast %while3A_432 : i32 to index
        %swap3A_475 = arith.constant 128 : index
        %swap3A_476 = tpu.vector_load %arg10[%swap3A_473, %swap3A_474, %swap3A_475] {strides = array<i32>} : memref<2x128x256xf32, #tpu.memory_space<vmem>>, vector<16xf32>,
        tpu.vector_store %arg10[%swap3A_473, %swap3A_474, %swap3A_475], %broadcast_in_dim3A_74 {strides = array<i32>} : memref<2x128x256xf32, #tpu.memory_space<vmem>>, vector<16xf32>,
        %swap3A_477 = arith.constant 0 : i32
        %swap3A_478 = arith.index_cast %swap3A_477 : i32 to index
        %swap3A_479 = arith.index_cast %while3A_432 : i32 to index
        %swap3A_480 = arith.constant 144 : index
        %swap3A_481 = tpu.vector_load %arg10[%swap3A_478, %swap3A_479, %swap3A_480] {strides = array<i32>} : memref<2x128x256xf32, #tpu.memory_space<vmem>>, vector<16xf32>,
        tpu.vector_store %arg10[%swap3A_478, %swap3A_479, %swap3A_480], %broadcast_in_dim3A_74 {strides = array<i32>} : memref<2x128x256xf32, #tpu.memory_space<vmem>>, vector<16xf32>,
        %swap3A_482 = arith.constant 0 : i32
        %swap3A_483 = arith.index_cast %swap3A_482 : i32 to index
        %swap3A_484 = arith.index_cast %while3A_432 : i32 to index
        %swap3A_485 = arith.constant 160 : index
        %swap3A_486 = tpu.vector_load %arg10[%swap3A_483, %swap3A_484, %swap3A_485] {strides = array<i32>} : memref<2x128x256xf32, #tpu.memory_space<vmem>>, vector<16xf32>,
        tpu.vector_store %arg10[%swap3A_483, %swap3A_484, %swap3A_485], %broadcast_in_dim3A_74 {strides = array<i32>} : memref<2x128x256xf32, #tpu.memory_space<vmem>>, vector<16xf32>,
        %swap3A_487 = arith.constant 0 : i32
        %swap3A_488 = arith.index_cast %swap3A_487 : i32 to index
        %swap3A_489 = arith.index_cast %while3A_432 : i32 to index
        %swap3A_490 = arith.constant 176 : index
        %swap3A_491 = tpu.vector_load %arg10[%swap3A_488, %swap3A_489, %swap3A_490] {strides = array<i32>} : memref<2x128x256xf32, #tpu.memory_space<vmem>>, vector<16xf32>,
        tpu.vector_store %arg10[%swap3A_488, %swap3A_489, %swap3A_490], %broadcast_in_dim3A_74 {strides = array<i32>} : memref<2x128x256xf32, #tpu.memory_space<vmem>>, vector<16xf32>,
        %swap3A_492 = arith.constant 0 : i32
        %swap3A_493 = arith.index_cast %swap3A_492 : i32 to index
        %swap3A_494 = arith.index_cast %while3A_432 : i32 to index
        %swap3A_495 = arith.constant 192 : index
        %swap3A_496 = tpu.vector_load %arg10[%swap3A_493, %swap3A_494, %swap3A_495] {strides = array<i32>} : memref<2x128x256xf32, #tpu.memory_space<vmem>>, vector<16xf32>,
        tpu.vector_store %arg10[%swap3A_493, %swap3A_494, %swap3A_495], %broadcast_in_dim3A_74 {strides = array<i32>} : memref<2x128x256xf32, #tpu.memory_space<vmem>>, vector<16xf32>,
        %swap3A_497 = arith.constant 0 : i32
        %swap3A_498 = arith.index_cast %swap3A_497 : i32 to index
        %swap3A_499 = arith.index_cast %while3A_432 : i32 to index
        %swap3A_500 = arith.constant 208 : index
        %swap3A_501 = tpu.vector_load %arg10[%swap3A_498, %swap3A_499, %swap3A_500] {strides = array<i32>} : memref<2x128x256xf32, #tpu.memory_space<vmem>>, vector<16xf32>,
        tpu.vector_store %arg10[%swap3A_498, %swap3A_499, %swap3A_500], %broadcast_in_dim3A_74 {strides = array<i32>} : memref<2x128x256xf32, #tpu.memory_space<vmem>>, vector<16xf32>,
        %swap3A_502 = arith.constant 0 : i32
        %swap3A_503 = arith.index_cast %swap3A_502 : i32 to index
        %swap3A_504 = arith.index_cast %while3A_432 : i32 to index
        %swap3A_505 = arith.constant 224 : index
        %swap3A_506 = tpu.vector_load %arg10[%swap3A_503, %swap3A_504, %swap3A_505] {strides = array<i32>} : memref<2x128x256xf32, #tpu.memory_space<vmem>>, vector<16xf32>,
        tpu.vector_store %arg10[%swap3A_503, %swap3A_504, %swap3A_505], %broadcast_in_dim3A_74 {strides = array<i32>} : memref<2x128x256xf32, #tpu.memory_space<vmem>>, vector<16xf32>,
        %swap3A_507 = arith.constant 0 : i32
        %swap3A_508 = arith.index_cast %swap3A_507 : i32 to index
        %swap3A_509 = arith.index_cast %while3A_432 : i32 to index
        %swap3A_510 = arith.constant 240 : index
        %swap3A_511 = tpu.vector_load %arg10[%swap3A_508, %swap3A_509, %swap3A_510] {strides = array<i32>} : memref<2x128x256xf32, #tpu.memory_space<vmem>>, vector<16xf32>,
        tpu.vector_store %arg10[%swap3A_508, %swap3A_509, %swap3A_510], %broadcast_in_dim3A_74 {strides = array<i32>} : memref<2x128x256xf32, #tpu.memory_space<vmem>>, vector<16xf32>,
      }
      %run_scoped3A = arith.constant 0 : i32
      "tpu.region"() ({
        %run_scoped3A_432 = tpu.sem_alloc : memref<!tpu.dma_semaphore, #tpu.memory_space<semaphore_mem>>
        %dma_start3A_433 = arith.constant 0 : i32
        %dma_start3A_434 = arith.constant 0 : i32
        %dma_start3A_435 = tpu.memref_slice %arg10[%run_scoped3A, %dma_start3A_433, %dma_start3A_434] : memref<2x128x256xf32, #tpu.memory_space<vmem>> -> memref<1x128x256xf32, #tpu.memory_space<vmem>>
        %dma_start3A_436 = tpu.memref_squeeze %dma_start3A_435 : memref<1x128x256xf32, #tpu.memory_space<vmem>> -> memref<128x256xf32, #tpu.memory_space<vmem>>
        %dma_start3A_437 = arith.constant 0 : i32
        %dma_start3A_438 = tpu.memref_slice %arg4[%select_n3A, %add3A_185, %dma_start3A_437] : memref<16x2048x256xf32, #tpu.memory_space<hbm>> -> memref<1x128x256xf32, #tpu.memory_space<hbm>>
        %dma_start3A_439 = tpu.memref_squeeze %dma_start3A_438 : memref<1x128x256xf32, #tpu.memory_space<hbm>> -> memref<128x256xf32, #tpu.memory_space<hbm>>
        %dma_start3A_440 = arith.constant 0 : i32
        %dma_start3A_441 = tpu.memref_slice %arg4[%select_n3A, %add3A_185, %dma_start3A_440] : memref<16x2048x256xf32, #tpu.memory_space<hbm>> -> memref<1x128x256xf32, #tpu.memory_space<hbm>>
        %dma_start3A_442 = tpu.memref_squeeze %dma_start3A_441 : memref<1x128x256xf32, #tpu.memory_space<hbm>> -> memref<128x256xf32, #tpu.memory_space<hbm>>
        %dma_start3A_443 = arith.constant 0 : i32
        %dma_start3A_444 = arith.constant 0 : i32
        %dma_start3A_445 = tpu.memref_slice %arg10[%run_scoped3A, %dma_start3A_443, %dma_start3A_444] : memref<2x128x256xf32, #tpu.memory_space<vmem>> -> memref<1x128x256xf32, #tpu.memory_space<vmem>>
        %dma_start3A_446 = tpu.memref_squeeze %dma_start3A_445 : memref<1x128x256xf32, #tpu.memory_space<vmem>> -> memref<128x256xf32, #tpu.memory_space<vmem>>
        tpu.enqueue_dma source(%dma_start3A_446 : memref<128x256xf32, #tpu.memory_space<vmem>>) target(%dma_start3A_442 : memref<128x256xf32, #tpu.memory_space<hbm>>) target_semaphore(%run_scoped3A_432 : memref<!tpu.dma_semaphore, #tpu.memory_space<semaphore_mem>>)
        %dma_wait3A_447 = arith.constant 0 : i32
        %dma_wait3A_448 = arith.constant 0 : i32
        %dma_wait3A_449 = tpu.memref_slice %arg10[%run_scoped3A, %dma_wait3A_447, %dma_wait3A_448] : memref<2x128x256xf32, #tpu.memory_space<vmem>> -> memref<1x128x256xf32, #tpu.memory_space<vmem>>
        %dma_wait3A_450 = tpu.memref_squeeze %dma_wait3A_449 : memref<1x128x256xf32, #tpu.memory_space<vmem>> -> memref<128x256xf32, #tpu.memory_space<vmem>>
        %dma_wait3A_451 = arith.constant 0 : i32
        %dma_wait3A_452 = tpu.memref_slice %arg4[%select_n3A, %add3A_185, %dma_wait3A_451] : memref<16x2048x256xf32, #tpu.memory_space<hbm>> -> memref<1x128x256xf32, #tpu.memory_space<hbm>>
        %dma_wait3A_453 = tpu.memref_squeeze %dma_wait3A_452 : memref<1x128x256xf32, #tpu.memory_space<hbm>> -> memref<128x256xf32, #tpu.memory_space<hbm>>
        %dma_wait3A_454 = arith.constant 0 : i32
        %dma_wait3A_455 = tpu.memref_slice %arg4[%select_n3A, %add3A_185, %dma_wait3A_454] : memref<16x2048x256xf32, #tpu.memory_space<hbm>> -> memref<1x128x256xf32, #tpu.memory_space<hbm>>
        %dma_wait3A_456 = tpu.memref_squeeze %dma_wait3A_455 : memref<1x128x256xf32, #tpu.memory_space<hbm>> -> memref<128x256xf32, #tpu.memory_space<hbm>>
        %dma_wait3A_457 = arith.constant 0 : i32
        %dma_wait3A_458 = arith.constant 0 : i32
        %dma_wait3A_459 = tpu.memref_slice %arg10[%run_scoped3A, %dma_wait3A_457, %dma_wait3A_458] : memref<2x128x256xf32, #tpu.memory_space<vmem>> -> memref<1x128x256xf32, #tpu.memory_space<vmem>>
        %dma_wait3A_460 = tpu.memref_squeeze %dma_wait3A_459 : memref<1x128x256xf32, #tpu.memory_space<vmem>> -> memref<128x256xf32, #tpu.memory_space<vmem>>
        tpu.wait_dma2 semaphore(%run_scoped3A_432 : memref<!tpu.dma_semaphore, #tpu.memory_space<semaphore_mem>>) src(%dma_wait3A_460 : memref<128x256xf32, #tpu.memory_space<vmem>>) dst(%dma_wait3A_456 : memref<128x256xf32, #tpu.memory_space<hbm>>)
        tpu.yield
      }) : () -> ()
    } else {
    }
    %eq3A_199 = arith.constant 0 : i32
    %eq3A_200 = arith.cmpi eq, %min3A_183, %eq3A_199 : i32
    %convert_element_type3A_201 = arith.extui %eq3A_200 : i1 to i32
    %cond3A_202 = arith.constant 0 : i32
    %cond3A_203 = arith.cmpi ne, %convert_element_type3A_201, %cond3A_202 : i32
    scf.if %cond3A_203 {
      "tpu.region"() ({
        %run_scoped3A = tpu.sem_alloc : memref<!tpu.dma_semaphore, #tpu.memory_space<semaphore_mem>>
        %dma_start3A_423 = arith.constant 0 : i32
        %dma_start3A_424 = tpu.memref_slice %arg4[%select_n3A, %add3A_185, %dma_start3A_423] : memref<16x2048x256xf32, #tpu.memory_space<hbm>> -> memref<1x128x256xf32, #tpu.memory_space<hbm>>
        %dma_start3A_425 = tpu.memref_squeeze %dma_start3A_424 : memref<1x128x256xf32, #tpu.memory_space<hbm>> -> memref<128x256xf32, #tpu.memory_space<hbm>>
        %dma_start3A_426 = arith.constant 0 : i32
        %dma_start3A_427 = tpu.memref_slice %arg4[%select_n3A, %add3A_185, %dma_start3A_426] : memref<16x2048x256xf32, #tpu.memory_space<hbm>> -> memref<1x128x256xf32, #tpu.memory_space<hbm>>
        %dma_start3A_428 = tpu.memref_squeeze %dma_start3A_427 : memref<1x128x256xf32, #tpu.memory_space<hbm>> -> memref<128x256xf32, #tpu.memory_space<hbm>>
        tpu.enqueue_dma source(%arg11 : memref<128x256xf32, #tpu.memory_space<vmem>>) target(%dma_start3A_428 : memref<128x256xf32, #tpu.memory_space<hbm>>) target_semaphore(%run_scoped3A : memref<!tpu.dma_semaphore, #tpu.memory_space<semaphore_mem>>)
        %dma_wait3A_429 = arith.constant 0 : i32
        %dma_wait3A_430 = tpu.memref_slice %arg4[%select_n3A, %add3A_185, %dma_wait3A_429] : memref<16x2048x256xf32, #tpu.memory_space<hbm>> -> memref<1x128x256xf32, #tpu.memory_space<hbm>>
        %dma_wait3A_431 = tpu.memref_squeeze %dma_wait3A_430 : memref<1x128x256xf32, #tpu.memory_space<hbm>> -> memref<128x256xf32, #tpu.memory_space<hbm>>
        %dma_wait3A_432 = arith.constant 0 : i32
        %dma_wait3A_433 = tpu.memref_slice %arg4[%select_n3A, %add3A_185, %dma_wait3A_432] : memref<16x2048x256xf32, #tpu.memory_space<hbm>> -> memref<1x128x256xf32, #tpu.memory_space<hbm>>
        %dma_wait3A_434 = tpu.memref_squeeze %dma_wait3A_433 : memref<1x128x256xf32, #tpu.memory_space<hbm>> -> memref<128x256xf32, #tpu.memory_space<hbm>>
        tpu.wait_dma2 semaphore(%run_scoped3A : memref<!tpu.dma_semaphore, #tpu.memory_space<semaphore_mem>>) src(%arg11 : memref<128x256xf32, #tpu.memory_space<vmem>>) dst(%dma_wait3A_434 : memref<128x256xf32, #tpu.memory_space<hbm>>)
        tpu.yield
      }) : () -> ()
    } else {
    }
    %add3A_204 = arith.constant 512 : i32
    %add3A_205 = arith.addi %mul3A_32, %add3A_204 : i32
    %dma_start3A_206 = arith.constant 0 : i32
    %dma_start3A_207 = arith.constant 0 : i32
    %dma_start3A_208 = arith.constant 0 : i32
    %dma_start3A_209 = tpu.memref_slice %arg10[%dma_start3A_206, %dma_start3A_207, %dma_start3A_208] : memref<2x128x256xf32, #tpu.memory_space<vmem>> -> memref<1x128x256xf32, #tpu.memory_space<vmem>>
    %dma_start3A_210 = tpu.memref_squeeze %dma_start3A_209 : memref<1x128x256xf32, #tpu.memory_space<vmem>> -> memref<128x256xf32, #tpu.memory_space<vmem>>
    %dma_start3A_211 = tpu.memref_slice %arg6[%add3A_205] : memref<2048xi32, #tpu.memory_space<vmem>> -> memref<128xi32, #tpu.memory_space<vmem>>
    %dma_start3A_212 = arith.constant 0 : i32
    %dma_start3A_213 = arith.constant 0 : i32
    %dma_start3A_214 = tpu.memref_slice %arg2[%dma_start3A_212, %dma_start3A_213] : memref<8192x256xf32, #tpu.memory_space<hbm>> -> memref<8192x256xf32, #tpu.memory_space<hbm>>
    tpu.enqueue_indirect_dma source(%dma_start3A_214 : memref<8192x256xf32, #tpu.memory_space<hbm>>) target(%dma_start3A_210 : memref<128x256xf32, #tpu.memory_space<vmem>>) offsets(%dma_start3A_211 : memref<128xi32, #tpu.memory_space<vmem>>) semaphore(%arg12 : memref<!tpu.dma_semaphore, #tpu.memory_space<semaphore_mem>>)
    %dma_wait3A_215 = arith.constant 1 : i32
    %dma_wait3A_216 = arith.constant 0 : i32
    %dma_wait3A_217 = arith.constant 0 : i32
    %dma_wait3A_218 = tpu.memref_slice %arg10[%dma_wait3A_215, %dma_wait3A_216, %dma_wait3A_217] : memref<2x128x256xf32, #tpu.memory_space<vmem>> -> memref<1x128x256xf32, #tpu.memory_space<vmem>>
    %dma_wait3A_219 = tpu.memref_squeeze %dma_wait3A_218 : memref<1x128x256xf32, #tpu.memory_space<vmem>> -> memref<128x256xf32, #tpu.memory_space<vmem>>
    %dma_wait3A_220 = tpu.memref_slice %arg6[%add3A_159] : memref<2048xi32, #tpu.memory_space<vmem>> -> memref<128xi32, #tpu.memory_space<vmem>>
    %dma_wait3A_221 = arith.constant 0 : i32
    %dma_wait3A_222 = arith.constant 0 : i32
    %dma_wait3A_223 = tpu.memref_slice %arg2[%dma_wait3A_221, %dma_wait3A_222] : memref<8192x256xf32, #tpu.memory_space<hbm>> -> memref<8192x256xf32, #tpu.memory_space<hbm>>
    tpu.wait_indirect_dma semaphore(%arg13 : memref<!tpu.dma_semaphore, #tpu.memory_space<semaphore_mem>>) src(%dma_wait3A_223 : memref<8192x256xf32, #tpu.memory_space<hbm>>) dst(%dma_wait3A_219 : memref<128x256xf32, #tpu.memory_space<vmem>>)
    %sub3A_224 = arith.constant 384 : i32
    %sub3A_225 = arith.subi %min3A, %sub3A_224 : i32
    %jit3A_226 = arith.constant 0 : i32
    %jit3A_227 = arith.constant 128 : i32
    %max3A_228 = arith.maxsi %jit3A_226, %sub3A_225 : i32
    %min3A_229 = arith.minsi %jit3A_227, %max3A_228 : i32
    %add3A_230 = arith.constant 384 : i32
    %add3A_231 = arith.addi %mul3A_32, %add3A_230 : i32
    %eq3A_232 = arith.constant 128 : i32
    %eq3A_233 = arith.cmpi eq, %min3A_229, %eq3A_232 : i32
    %convert_element_type3A_234 = arith.extui %eq3A_233 : i1 to i32
    %cond3A_235 = arith.constant 0 : i32
    %cond3A_236 = arith.cmpi ne, %convert_element_type3A_234, %cond3A_235 : i32
    scf.if %cond3A_236 {
      %run_scoped3A = arith.constant 1 : i32
      "tpu.region"() ({
        %run_scoped3A_423 = tpu.sem_alloc : memref<!tpu.dma_semaphore, #tpu.memory_space<semaphore_mem>>
        %dma_start3A_424 = arith.constant 0 : i32
        %dma_start3A_425 = arith.constant 0 : i32
        %dma_start3A_426 = tpu.memref_slice %arg10[%run_scoped3A, %dma_start3A_424, %dma_start3A_425] : memref<2x128x256xf32, #tpu.memory_space<vmem>> -> memref<1x128x256xf32, #tpu.memory_space<vmem>>
        %dma_start3A_427 = tpu.memref_squeeze %dma_start3A_426 : memref<1x128x256xf32, #tpu.memory_space<vmem>> -> memref<128x256xf32, #tpu.memory_space<vmem>>
        %dma_start3A_428 = arith.constant 0 : i32
        %dma_start3A_429 = tpu.memref_slice %arg4[%select_n3A, %add3A_231, %dma_start3A_428] : memref<16x2048x256xf32, #tpu.memory_space<hbm>> -> memref<1x128x256xf32, #tpu.memory_space<hbm>>
        %dma_start3A_430 = tpu.memref_squeeze %dma_start3A_429 : memref<1x128x256xf32, #tpu.memory_space<hbm>> -> memref<128x256xf32, #tpu.memory_space<hbm>>
        %dma_start3A_431 = arith.constant 0 : i32
        %dma_start3A_432 = tpu.memref_slice %arg4[%select_n3A, %add3A_231, %dma_start3A_431] : memref<16x2048x256xf32, #tpu.memory_space<hbm>> -> memref<1x128x256xf32, #tpu.memory_space<hbm>>
        %dma_start3A_433 = tpu.memref_squeeze %dma_start3A_432 : memref<1x128x256xf32, #tpu.memory_space<hbm>> -> memref<128x256xf32, #tpu.memory_space<hbm>>
        %dma_start3A_434 = arith.constant 0 : i32
        %dma_start3A_435 = arith.constant 0 : i32
        %dma_start3A_436 = tpu.memref_slice %arg10[%run_scoped3A, %dma_start3A_434, %dma_start3A_435] : memref<2x128x256xf32, #tpu.memory_space<vmem>> -> memref<1x128x256xf32, #tpu.memory_space<vmem>>
        %dma_start3A_437 = tpu.memref_squeeze %dma_start3A_436 : memref<1x128x256xf32, #tpu.memory_space<vmem>> -> memref<128x256xf32, #tpu.memory_space<vmem>>
        tpu.enqueue_dma source(%dma_start3A_437 : memref<128x256xf32, #tpu.memory_space<vmem>>) target(%dma_start3A_433 : memref<128x256xf32, #tpu.memory_space<hbm>>) target_semaphore(%run_scoped3A_423 : memref<!tpu.dma_semaphore, #tpu.memory_space<semaphore_mem>>)
        %dma_wait3A_438 = arith.constant 0 : i32
        %dma_wait3A_439 = arith.constant 0 : i32
        %dma_wait3A_440 = tpu.memref_slice %arg10[%run_scoped3A, %dma_wait3A_438, %dma_wait3A_439] : memref<2x128x256xf32, #tpu.memory_space<vmem>> -> memref<1x128x256xf32, #tpu.memory_space<vmem>>
        %dma_wait3A_441 = tpu.memref_squeeze %dma_wait3A_440 : memref<1x128x256xf32, #tpu.memory_space<vmem>> -> memref<128x256xf32, #tpu.memory_space<vmem>>
        %dma_wait3A_442 = arith.constant 0 : i32
        %dma_wait3A_443 = tpu.memref_slice %arg4[%select_n3A, %add3A_231, %dma_wait3A_442] : memref<16x2048x256xf32, #tpu.memory_space<hbm>> -> memref<1x128x256xf32, #tpu.memory_space<hbm>>
        %dma_wait3A_444 = tpu.memref_squeeze %dma_wait3A_443 : memref<1x128x256xf32, #tpu.memory_space<hbm>> -> memref<128x256xf32, #tpu.memory_space<hbm>>
        %dma_wait3A_445 = arith.constant 0 : i32
        %dma_wait3A_446 = tpu.memref_slice %arg4[%select_n3A, %add3A_231, %dma_wait3A_445] : memref<16x2048x256xf32, #tpu.memory_space<hbm>> -> memref<1x128x256xf32, #tpu.memory_space<hbm>>
        %dma_wait3A_447 = tpu.memref_squeeze %dma_wait3A_446 : memref<1x128x256xf32, #tpu.memory_space<hbm>> -> memref<128x256xf32, #tpu.memory_space<hbm>>
        %dma_wait3A_448 = arith.constant 0 : i32
        %dma_wait3A_449 = arith.constant 0 : i32
        %dma_wait3A_450 = tpu.memref_slice %arg10[%run_scoped3A, %dma_wait3A_448, %dma_wait3A_449] : memref<2x128x256xf32, #tpu.memory_space<vmem>> -> memref<1x128x256xf32, #tpu.memory_space<vmem>>
        %dma_wait3A_451 = tpu.memref_squeeze %dma_wait3A_450 : memref<1x128x256xf32, #tpu.memory_space<vmem>> -> memref<128x256xf32, #tpu.memory_space<vmem>>
        tpu.wait_dma2 semaphore(%run_scoped3A_423 : memref<!tpu.dma_semaphore, #tpu.memory_space<semaphore_mem>>) src(%dma_wait3A_451 : memref<128x256xf32, #tpu.memory_space<vmem>>) dst(%dma_wait3A_447 : memref<128x256xf32, #tpu.memory_space<hbm>>)
        tpu.yield
      }) : () -> ()
    } else {
    }
    %gt3A_237 = arith.constant 0 : i32
    %gt3A_238 = arith.cmpi sgt, %min3A_229, %gt3A_237 : i32
    %lt3A_239 = arith.constant 128 : i32
    %lt3A_240 = arith.cmpi slt, %min3A_229, %lt3A_239 : i32
    %and3A_241 = arith.andi %gt3A_238, %lt3A_240 : i1
    %convert_element_type3A_242 = arith.extui %and3A_241 : i1 to i32
    %cond3A_243 = arith.constant 0 : i32
    %cond3A_244 = arith.cmpi ne, %convert_element_type3A_242, %cond3A_243 : i32
    scf.if %cond3A_244 {
      %while3A = arith.constant 0 : i32
      %while3A_423 = arith.constant 128 : i32
      %while3A_424 = arith.subi %while3A_423, %min3A_229 : i32
      %while3A_425 = arith.addi %min3A_229, %while3A_424 : i32
      %while3A_426 = arith.constant 1 : i32
      %while3A_427 = arith.divsi %while3A_424, %while3A_426 : i32
      %while3A_428 = arith.muli %while3A_427, %while3A_426 : i32
      %while3A_429 = arith.addi %min3A_229, %while3A_428 : i32
      %while3A_430 = arith.constant 1 : i32
      scf.for %while3A_432 = %min3A_229 to %while3A_429 step %while3A_430  : i32 {
        %swap3A = arith.constant 1 : i32
        %swap3A_433 = arith.index_cast %swap3A : i32 to index
        %swap3A_434 = arith.index_cast %while3A_432 : i32 to index
        %swap3A_435 = arith.constant 0 : index
        %swap3A_436 = tpu.vector_load %arg10[%swap3A_433, %swap3A_434, %swap3A_435] {strides = array<i32>} : memref<2x128x256xf32, #tpu.memory_space<vmem>>, vector<16xf32>,
        tpu.vector_store %arg10[%swap3A_433, %swap3A_434, %swap3A_435], %broadcast_in_dim3A_74 {strides = array<i32>} : memref<2x128x256xf32, #tpu.memory_space<vmem>>, vector<16xf32>,
        %swap3A_437 = arith.constant 1 : i32
        %swap3A_438 = arith.index_cast %swap3A_437 : i32 to index
        %swap3A_439 = arith.index_cast %while3A_432 : i32 to index
        %swap3A_440 = arith.constant 16 : index
        %swap3A_441 = tpu.vector_load %arg10[%swap3A_438, %swap3A_439, %swap3A_440] {strides = array<i32>} : memref<2x128x256xf32, #tpu.memory_space<vmem>>, vector<16xf32>,
        tpu.vector_store %arg10[%swap3A_438, %swap3A_439, %swap3A_440], %broadcast_in_dim3A_74 {strides = array<i32>} : memref<2x128x256xf32, #tpu.memory_space<vmem>>, vector<16xf32>,
        %swap3A_442 = arith.constant 1 : i32
        %swap3A_443 = arith.index_cast %swap3A_442 : i32 to index
        %swap3A_444 = arith.index_cast %while3A_432 : i32 to index
        %swap3A_445 = arith.constant 32 : index
        %swap3A_446 = tpu.vector_load %arg10[%swap3A_443, %swap3A_444, %swap3A_445] {strides = array<i32>} : memref<2x128x256xf32, #tpu.memory_space<vmem>>, vector<16xf32>,
        tpu.vector_store %arg10[%swap3A_443, %swap3A_444, %swap3A_445], %broadcast_in_dim3A_74 {strides = array<i32>} : memref<2x128x256xf32, #tpu.memory_space<vmem>>, vector<16xf32>,
        %swap3A_447 = arith.constant 1 : i32
        %swap3A_448 = arith.index_cast %swap3A_447 : i32 to index
        %swap3A_449 = arith.index_cast %while3A_432 : i32 to index
        %swap3A_450 = arith.constant 48 : index
        %swap3A_451 = tpu.vector_load %arg10[%swap3A_448, %swap3A_449, %swap3A_450] {strides = array<i32>} : memref<2x128x256xf32, #tpu.memory_space<vmem>>, vector<16xf32>,
        tpu.vector_store %arg10[%swap3A_448, %swap3A_449, %swap3A_450], %broadcast_in_dim3A_74 {strides = array<i32>} : memref<2x128x256xf32, #tpu.memory_space<vmem>>, vector<16xf32>,
        %swap3A_452 = arith.constant 1 : i32
        %swap3A_453 = arith.index_cast %swap3A_452 : i32 to index
        %swap3A_454 = arith.index_cast %while3A_432 : i32 to index
        %swap3A_455 = arith.constant 64 : index
        %swap3A_456 = tpu.vector_load %arg10[%swap3A_453, %swap3A_454, %swap3A_455] {strides = array<i32>} : memref<2x128x256xf32, #tpu.memory_space<vmem>>, vector<16xf32>,
        tpu.vector_store %arg10[%swap3A_453, %swap3A_454, %swap3A_455], %broadcast_in_dim3A_74 {strides = array<i32>} : memref<2x128x256xf32, #tpu.memory_space<vmem>>, vector<16xf32>,
        %swap3A_457 = arith.constant 1 : i32
        %swap3A_458 = arith.index_cast %swap3A_457 : i32 to index
        %swap3A_459 = arith.index_cast %while3A_432 : i32 to index
        %swap3A_460 = arith.constant 80 : index
        %swap3A_461 = tpu.vector_load %arg10[%swap3A_458, %swap3A_459, %swap3A_460] {strides = array<i32>} : memref<2x128x256xf32, #tpu.memory_space<vmem>>, vector<16xf32>,
        tpu.vector_store %arg10[%swap3A_458, %swap3A_459, %swap3A_460], %broadcast_in_dim3A_74 {strides = array<i32>} : memref<2x128x256xf32, #tpu.memory_space<vmem>>, vector<16xf32>,
        %swap3A_462 = arith.constant 1 : i32
        %swap3A_463 = arith.index_cast %swap3A_462 : i32 to index
        %swap3A_464 = arith.index_cast %while3A_432 : i32 to index
        %swap3A_465 = arith.constant 96 : index
        %swap3A_466 = tpu.vector_load %arg10[%swap3A_463, %swap3A_464, %swap3A_465] {strides = array<i32>} : memref<2x128x256xf32, #tpu.memory_space<vmem>>, vector<16xf32>,
        tpu.vector_store %arg10[%swap3A_463, %swap3A_464, %swap3A_465], %broadcast_in_dim3A_74 {strides = array<i32>} : memref<2x128x256xf32, #tpu.memory_space<vmem>>, vector<16xf32>,
        %swap3A_467 = arith.constant 1 : i32
        %swap3A_468 = arith.index_cast %swap3A_467 : i32 to index
        %swap3A_469 = arith.index_cast %while3A_432 : i32 to index
        %swap3A_470 = arith.constant 112 : index
        %swap3A_471 = tpu.vector_load %arg10[%swap3A_468, %swap3A_469, %swap3A_470] {strides = array<i32>} : memref<2x128x256xf32, #tpu.memory_space<vmem>>, vector<16xf32>,
        tpu.vector_store %arg10[%swap3A_468, %swap3A_469, %swap3A_470], %broadcast_in_dim3A_74 {strides = array<i32>} : memref<2x128x256xf32, #tpu.memory_space<vmem>>, vector<16xf32>,
        %swap3A_472 = arith.constant 1 : i32
        %swap3A_473 = arith.index_cast %swap3A_472 : i32 to index
        %swap3A_474 = arith.index_cast %while3A_432 : i32 to index
        %swap3A_475 = arith.constant 128 : index
        %swap3A_476 = tpu.vector_load %arg10[%swap3A_473, %swap3A_474, %swap3A_475] {strides = array<i32>} : memref<2x128x256xf32, #tpu.memory_space<vmem>>, vector<16xf32>,
        tpu.vector_store %arg10[%swap3A_473, %swap3A_474, %swap3A_475], %broadcast_in_dim3A_74 {strides = array<i32>} : memref<2x128x256xf32, #tpu.memory_space<vmem>>, vector<16xf32>,
        %swap3A_477 = arith.constant 1 : i32
        %swap3A_478 = arith.index_cast %swap3A_477 : i32 to index
        %swap3A_479 = arith.index_cast %while3A_432 : i32 to index
        %swap3A_480 = arith.constant 144 : index
        %swap3A_481 = tpu.vector_load %arg10[%swap3A_478, %swap3A_479, %swap3A_480] {strides = array<i32>} : memref<2x128x256xf32, #tpu.memory_space<vmem>>, vector<16xf32>,
        tpu.vector_store %arg10[%swap3A_478, %swap3A_479, %swap3A_480], %broadcast_in_dim3A_74 {strides = array<i32>} : memref<2x128x256xf32, #tpu.memory_space<vmem>>, vector<16xf32>,
        %swap3A_482 = arith.constant 1 : i32
        %swap3A_483 = arith.index_cast %swap3A_482 : i32 to index
        %swap3A_484 = arith.index_cast %while3A_432 : i32 to index
        %swap3A_485 = arith.constant 160 : index
        %swap3A_486 = tpu.vector_load %arg10[%swap3A_483, %swap3A_484, %swap3A_485] {strides = array<i32>} : memref<2x128x256xf32, #tpu.memory_space<vmem>>, vector<16xf32>,
        tpu.vector_store %arg10[%swap3A_483, %swap3A_484, %swap3A_485], %broadcast_in_dim3A_74 {strides = array<i32>} : memref<2x128x256xf32, #tpu.memory_space<vmem>>, vector<16xf32>,
        %swap3A_487 = arith.constant 1 : i32
        %swap3A_488 = arith.index_cast %swap3A_487 : i32 to index
        %swap3A_489 = arith.index_cast %while3A_432 : i32 to index
        %swap3A_490 = arith.constant 176 : index
        %swap3A_491 = tpu.vector_load %arg10[%swap3A_488, %swap3A_489, %swap3A_490] {strides = array<i32>} : memref<2x128x256xf32, #tpu.memory_space<vmem>>, vector<16xf32>,
        tpu.vector_store %arg10[%swap3A_488, %swap3A_489, %swap3A_490], %broadcast_in_dim3A_74 {strides = array<i32>} : memref<2x128x256xf32, #tpu.memory_space<vmem>>, vector<16xf32>,
        %swap3A_492 = arith.constant 1 : i32
        %swap3A_493 = arith.index_cast %swap3A_492 : i32 to index
        %swap3A_494 = arith.index_cast %while3A_432 : i32 to index
        %swap3A_495 = arith.constant 192 : index
        %swap3A_496 = tpu.vector_load %arg10[%swap3A_493, %swap3A_494, %swap3A_495] {strides = array<i32>} : memref<2x128x256xf32, #tpu.memory_space<vmem>>, vector<16xf32>,
        tpu.vector_store %arg10[%swap3A_493, %swap3A_494, %swap3A_495], %broadcast_in_dim3A_74 {strides = array<i32>} : memref<2x128x256xf32, #tpu.memory_space<vmem>>, vector<16xf32>,
        %swap3A_497 = arith.constant 1 : i32
        %swap3A_498 = arith.index_cast %swap3A_497 : i32 to index
        %swap3A_499 = arith.index_cast %while3A_432 : i32 to index
        %swap3A_500 = arith.constant 208 : index
        %swap3A_501 = tpu.vector_load %arg10[%swap3A_498, %swap3A_499, %swap3A_500] {strides = array<i32>} : memref<2x128x256xf32, #tpu.memory_space<vmem>>, vector<16xf32>,
        tpu.vector_store %arg10[%swap3A_498, %swap3A_499, %swap3A_500], %broadcast_in_dim3A_74 {strides = array<i32>} : memref<2x128x256xf32, #tpu.memory_space<vmem>>, vector<16xf32>,
        %swap3A_502 = arith.constant 1 : i32
        %swap3A_503 = arith.index_cast %swap3A_502 : i32 to index
        %swap3A_504 = arith.index_cast %while3A_432 : i32 to index
        %swap3A_505 = arith.constant 224 : index
        %swap3A_506 = tpu.vector_load %arg10[%swap3A_503, %swap3A_504, %swap3A_505] {strides = array<i32>} : memref<2x128x256xf32, #tpu.memory_space<vmem>>, vector<16xf32>,
        tpu.vector_store %arg10[%swap3A_503, %swap3A_504, %swap3A_505], %broadcast_in_dim3A_74 {strides = array<i32>} : memref<2x128x256xf32, #tpu.memory_space<vmem>>, vector<16xf32>,
        %swap3A_507 = arith.constant 1 : i32
        %swap3A_508 = arith.index_cast %swap3A_507 : i32 to index
        %swap3A_509 = arith.index_cast %while3A_432 : i32 to index
        %swap3A_510 = arith.constant 240 : index
        %swap3A_511 = tpu.vector_load %arg10[%swap3A_508, %swap3A_509, %swap3A_510] {strides = array<i32>} : memref<2x128x256xf32, #tpu.memory_space<vmem>>, vector<16xf32>,
        tpu.vector_store %arg10[%swap3A_508, %swap3A_509, %swap3A_510], %broadcast_in_dim3A_74 {strides = array<i32>} : memref<2x128x256xf32, #tpu.memory_space<vmem>>, vector<16xf32>,
      }
      %while3A_431 = arith.constant 1 : i32
      scf.for %while3A_432 = %while3A_429 to %while3A_425 step %while3A_431  : i32 {
        %swap3A = arith.constant 1 : i32
        %swap3A_433 = arith.index_cast %swap3A : i32 to index
        %swap3A_434 = arith.index_cast %while3A_432 : i32 to index
        %swap3A_435 = arith.constant 0 : index
        %swap3A_436 = tpu.vector_load %arg10[%swap3A_433, %swap3A_434, %swap3A_435] {strides = array<i32>} : memref<2x128x256xf32, #tpu.memory_space<vmem>>, vector<16xf32>,
        tpu.vector_store %arg10[%swap3A_433, %swap3A_434, %swap3A_435], %broadcast_in_dim3A_74 {strides = array<i32>} : memref<2x128x256xf32, #tpu.memory_space<vmem>>, vector<16xf32>,
        %swap3A_437 = arith.constant 1 : i32
        %swap3A_438 = arith.index_cast %swap3A_437 : i32 to index
        %swap3A_439 = arith.index_cast %while3A_432 : i32 to index
        %swap3A_440 = arith.constant 16 : index
        %swap3A_441 = tpu.vector_load %arg10[%swap3A_438, %swap3A_439, %swap3A_440] {strides = array<i32>} : memref<2x128x256xf32, #tpu.memory_space<vmem>>, vector<16xf32>,
        tpu.vector_store %arg10[%swap3A_438, %swap3A_439, %swap3A_440], %broadcast_in_dim3A_74 {strides = array<i32>} : memref<2x128x256xf32, #tpu.memory_space<vmem>>, vector<16xf32>,
        %swap3A_442 = arith.constant 1 : i32
        %swap3A_443 = arith.index_cast %swap3A_442 : i32 to index
        %swap3A_444 = arith.index_cast %while3A_432 : i32 to index
        %swap3A_445 = arith.constant 32 : index
        %swap3A_446 = tpu.vector_load %arg10[%swap3A_443, %swap3A_444, %swap3A_445] {strides = array<i32>} : memref<2x128x256xf32, #tpu.memory_space<vmem>>, vector<16xf32>,
        tpu.vector_store %arg10[%swap3A_443, %swap3A_444, %swap3A_445], %broadcast_in_dim3A_74 {strides = array<i32>} : memref<2x128x256xf32, #tpu.memory_space<vmem>>, vector<16xf32>,
        %swap3A_447 = arith.constant 1 : i32
        %swap3A_448 = arith.index_cast %swap3A_447 : i32 to index
        %swap3A_449 = arith.index_cast %while3A_432 : i32 to index
        %swap3A_450 = arith.constant 48 : index
        %swap3A_451 = tpu.vector_load %arg10[%swap3A_448, %swap3A_449, %swap3A_450] {strides = array<i32>} : memref<2x128x256xf32, #tpu.memory_space<vmem>>, vector<16xf32>,
        tpu.vector_store %arg10[%swap3A_448, %swap3A_449, %swap3A_450], %broadcast_in_dim3A_74 {strides = array<i32>} : memref<2x128x256xf32, #tpu.memory_space<vmem>>, vector<16xf32>,
        %swap3A_452 = arith.constant 1 : i32
        %swap3A_453 = arith.index_cast %swap3A_452 : i32 to index
        %swap3A_454 = arith.index_cast %while3A_432 : i32 to index
        %swap3A_455 = arith.constant 64 : index
        %swap3A_456 = tpu.vector_load %arg10[%swap3A_453, %swap3A_454, %swap3A_455] {strides = array<i32>} : memref<2x128x256xf32, #tpu.memory_space<vmem>>, vector<16xf32>,
        tpu.vector_store %arg10[%swap3A_453, %swap3A_454, %swap3A_455], %broadcast_in_dim3A_74 {strides = array<i32>} : memref<2x128x256xf32, #tpu.memory_space<vmem>>, vector<16xf32>,
        %swap3A_457 = arith.constant 1 : i32
        %swap3A_458 = arith.index_cast %swap3A_457 : i32 to index
        %swap3A_459 = arith.index_cast %while3A_432 : i32 to index
        %swap3A_460 = arith.constant 80 : index
        %swap3A_461 = tpu.vector_load %arg10[%swap3A_458, %swap3A_459, %swap3A_460] {strides = array<i32>} : memref<2x128x256xf32, #tpu.memory_space<vmem>>, vector<16xf32>,
        tpu.vector_store %arg10[%swap3A_458, %swap3A_459, %swap3A_460], %broadcast_in_dim3A_74 {strides = array<i32>} : memref<2x128x256xf32, #tpu.memory_space<vmem>>, vector<16xf32>,
        %swap3A_462 = arith.constant 1 : i32
        %swap3A_463 = arith.index_cast %swap3A_462 : i32 to index
        %swap3A_464 = arith.index_cast %while3A_432 : i32 to index
        %swap3A_465 = arith.constant 96 : index
        %swap3A_466 = tpu.vector_load %arg10[%swap3A_463, %swap3A_464, %swap3A_465] {strides = array<i32>} : memref<2x128x256xf32, #tpu.memory_space<vmem>>, vector<16xf32>,
        tpu.vector_store %arg10[%swap3A_463, %swap3A_464, %swap3A_465], %broadcast_in_dim3A_74 {strides = array<i32>} : memref<2x128x256xf32, #tpu.memory_space<vmem>>, vector<16xf32>,
        %swap3A_467 = arith.constant 1 : i32
        %swap3A_468 = arith.index_cast %swap3A_467 : i32 to index
        %swap3A_469 = arith.index_cast %while3A_432 : i32 to index
        %swap3A_470 = arith.constant 112 : index
        %swap3A_471 = tpu.vector_load %arg10[%swap3A_468, %swap3A_469, %swap3A_470] {strides = array<i32>} : memref<2x128x256xf32, #tpu.memory_space<vmem>>, vector<16xf32>,
        tpu.vector_store %arg10[%swap3A_468, %swap3A_469, %swap3A_470], %broadcast_in_dim3A_74 {strides = array<i32>} : memref<2x128x256xf32, #tpu.memory_space<vmem>>, vector<16xf32>,
        %swap3A_472 = arith.constant 1 : i32
        %swap3A_473 = arith.index_cast %swap3A_472 : i32 to index
        %swap3A_474 = arith.index_cast %while3A_432 : i32 to index
        %swap3A_475 = arith.constant 128 : index
        %swap3A_476 = tpu.vector_load %arg10[%swap3A_473, %swap3A_474, %swap3A_475] {strides = array<i32>} : memref<2x128x256xf32, #tpu.memory_space<vmem>>, vector<16xf32>,
        tpu.vector_store %arg10[%swap3A_473, %swap3A_474, %swap3A_475], %broadcast_in_dim3A_74 {strides = array<i32>} : memref<2x128x256xf32, #tpu.memory_space<vmem>>, vector<16xf32>,
        %swap3A_477 = arith.constant 1 : i32
        %swap3A_478 = arith.index_cast %swap3A_477 : i32 to index
        %swap3A_479 = arith.index_cast %while3A_432 : i32 to index
        %swap3A_480 = arith.constant 144 : index
        %swap3A_481 = tpu.vector_load %arg10[%swap3A_478, %swap3A_479, %swap3A_480] {strides = array<i32>} : memref<2x128x256xf32, #tpu.memory_space<vmem>>, vector<16xf32>,
        tpu.vector_store %arg10[%swap3A_478, %swap3A_479, %swap3A_480], %broadcast_in_dim3A_74 {strides = array<i32>} : memref<2x128x256xf32, #tpu.memory_space<vmem>>, vector<16xf32>,
        %swap3A_482 = arith.constant 1 : i32
        %swap3A_483 = arith.index_cast %swap3A_482 : i32 to index
        %swap3A_484 = arith.index_cast %while3A_432 : i32 to index
        %swap3A_485 = arith.constant 160 : index
        %swap3A_486 = tpu.vector_load %arg10[%swap3A_483, %swap3A_484, %swap3A_485] {strides = array<i32>} : memref<2x128x256xf32, #tpu.memory_space<vmem>>, vector<16xf32>,
        tpu.vector_store %arg10[%swap3A_483, %swap3A_484, %swap3A_485], %broadcast_in_dim3A_74 {strides = array<i32>} : memref<2x128x256xf32, #tpu.memory_space<vmem>>, vector<16xf32>,
        %swap3A_487 = arith.constant 1 : i32
        %swap3A_488 = arith.index_cast %swap3A_487 : i32 to index
        %swap3A_489 = arith.index_cast %while3A_432 : i32 to index
        %swap3A_490 = arith.constant 176 : index
        %swap3A_491 = tpu.vector_load %arg10[%swap3A_488, %swap3A_489, %swap3A_490] {strides = array<i32>} : memref<2x128x256xf32, #tpu.memory_space<vmem>>, vector<16xf32>,
        tpu.vector_store %arg10[%swap3A_488, %swap3A_489, %swap3A_490], %broadcast_in_dim3A_74 {strides = array<i32>} : memref<2x128x256xf32, #tpu.memory_space<vmem>>, vector<16xf32>,
        %swap3A_492 = arith.constant 1 : i32
        %swap3A_493 = arith.index_cast %swap3A_492 : i32 to index
        %swap3A_494 = arith.index_cast %while3A_432 : i32 to index
        %swap3A_495 = arith.constant 192 : index
        %swap3A_496 = tpu.vector_load %arg10[%swap3A_493, %swap3A_494, %swap3A_495] {strides = array<i32>} : memref<2x128x256xf32, #tpu.memory_space<vmem>>, vector<16xf32>,
        tpu.vector_store %arg10[%swap3A_493, %swap3A_494, %swap3A_495], %broadcast_in_dim3A_74 {strides = array<i32>} : memref<2x128x256xf32, #tpu.memory_space<vmem>>, vector<16xf32>,
        %swap3A_497 = arith.constant 1 : i32
        %swap3A_498 = arith.index_cast %swap3A_497 : i32 to index
        %swap3A_499 = arith.index_cast %while3A_432 : i32 to index
        %swap3A_500 = arith.constant 208 : index
        %swap3A_501 = tpu.vector_load %arg10[%swap3A_498, %swap3A_499, %swap3A_500] {strides = array<i32>} : memref<2x128x256xf32, #tpu.memory_space<vmem>>, vector<16xf32>,
        tpu.vector_store %arg10[%swap3A_498, %swap3A_499, %swap3A_500], %broadcast_in_dim3A_74 {strides = array<i32>} : memref<2x128x256xf32, #tpu.memory_space<vmem>>, vector<16xf32>,
        %swap3A_502 = arith.constant 1 : i32
        %swap3A_503 = arith.index_cast %swap3A_502 : i32 to index
        %swap3A_504 = arith.index_cast %while3A_432 : i32 to index
        %swap3A_505 = arith.constant 224 : index
        %swap3A_506 = tpu.vector_load %arg10[%swap3A_503, %swap3A_504, %swap3A_505] {strides = array<i32>} : memref<2x128x256xf32, #tpu.memory_space<vmem>>, vector<16xf32>,
        tpu.vector_store %arg10[%swap3A_503, %swap3A_504, %swap3A_505], %broadcast_in_dim3A_74 {strides = array<i32>} : memref<2x128x256xf32, #tpu.memory_space<vmem>>, vector<16xf32>,
        %swap3A_507 = arith.constant 1 : i32
        %swap3A_508 = arith.index_cast %swap3A_507 : i32 to index
        %swap3A_509 = arith.index_cast %while3A_432 : i32 to index
        %swap3A_510 = arith.constant 240 : index
        %swap3A_511 = tpu.vector_load %arg10[%swap3A_508, %swap3A_509, %swap3A_510] {strides = array<i32>} : memref<2x128x256xf32, #tpu.memory_space<vmem>>, vector<16xf32>,
        tpu.vector_store %arg10[%swap3A_508, %swap3A_509, %swap3A_510], %broadcast_in_dim3A_74 {strides = array<i32>} : memref<2x128x256xf32, #tpu.memory_space<vmem>>, vector<16xf32>,
      }
      %run_scoped3A = arith.constant 1 : i32
      "tpu.region"() ({
        %run_scoped3A_432 = tpu.sem_alloc : memref<!tpu.dma_semaphore, #tpu.memory_space<semaphore_mem>>
        %dma_start3A_433 = arith.constant 0 : i32
        %dma_start3A_434 = arith.constant 0 : i32
        %dma_start3A_435 = tpu.memref_slice %arg10[%run_scoped3A, %dma_start3A_433, %dma_start3A_434] : memref<2x128x256xf32, #tpu.memory_space<vmem>> -> memref<1x128x256xf32, #tpu.memory_space<vmem>>
        %dma_start3A_436 = tpu.memref_squeeze %dma_start3A_435 : memref<1x128x256xf32, #tpu.memory_space<vmem>> -> memref<128x256xf32, #tpu.memory_space<vmem>>
        %dma_start3A_437 = arith.constant 0 : i32
        %dma_start3A_438 = tpu.memref_slice %arg4[%select_n3A, %add3A_231, %dma_start3A_437] : memref<16x2048x256xf32, #tpu.memory_space<hbm>> -> memref<1x128x256xf32, #tpu.memory_space<hbm>>
        %dma_start3A_439 = tpu.memref_squeeze %dma_start3A_438 : memref<1x128x256xf32, #tpu.memory_space<hbm>> -> memref<128x256xf32, #tpu.memory_space<hbm>>
        %dma_start3A_440 = arith.constant 0 : i32
        %dma_start3A_441 = tpu.memref_slice %arg4[%select_n3A, %add3A_231, %dma_start3A_440] : memref<16x2048x256xf32, #tpu.memory_space<hbm>> -> memref<1x128x256xf32, #tpu.memory_space<hbm>>
        %dma_start3A_442 = tpu.memref_squeeze %dma_start3A_441 : memref<1x128x256xf32, #tpu.memory_space<hbm>> -> memref<128x256xf32, #tpu.memory_space<hbm>>
        %dma_start3A_443 = arith.constant 0 : i32
        %dma_start3A_444 = arith.constant 0 : i32
        %dma_start3A_445 = tpu.memref_slice %arg10[%run_scoped3A, %dma_start3A_443, %dma_start3A_444] : memref<2x128x256xf32, #tpu.memory_space<vmem>> -> memref<1x128x256xf32, #tpu.memory_space<vmem>>
        %dma_start3A_446 = tpu.memref_squeeze %dma_start3A_445 : memref<1x128x256xf32, #tpu.memory_space<vmem>> -> memref<128x256xf32, #tpu.memory_space<vmem>>
        tpu.enqueue_dma source(%dma_start3A_446 : memref<128x256xf32, #tpu.memory_space<vmem>>) target(%dma_start3A_442 : memref<128x256xf32, #tpu.memory_space<hbm>>) target_semaphore(%run_scoped3A_432 : memref<!tpu.dma_semaphore, #tpu.memory_space<semaphore_mem>>)
        %dma_wait3A_447 = arith.constant 0 : i32
        %dma_wait3A_448 = arith.constant 0 : i32
        %dma_wait3A_449 = tpu.memref_slice %arg10[%run_scoped3A, %dma_wait3A_447, %dma_wait3A_448] : memref<2x128x256xf32, #tpu.memory_space<vmem>> -> memref<1x128x256xf32, #tpu.memory_space<vmem>>
        %dma_wait3A_450 = tpu.memref_squeeze %dma_wait3A_449 : memref<1x128x256xf32, #tpu.memory_space<vmem>> -> memref<128x256xf32, #tpu.memory_space<vmem>>
        %dma_wait3A_451 = arith.constant 0 : i32
        %dma_wait3A_452 = tpu.memref_slice %arg4[%select_n3A, %add3A_231, %dma_wait3A_451] : memref<16x2048x256xf32, #tpu.memory_space<hbm>> -> memref<1x128x256xf32, #tpu.memory_space<hbm>>
        %dma_wait3A_453 = tpu.memref_squeeze %dma_wait3A_452 : memref<1x128x256xf32, #tpu.memory_space<hbm>> -> memref<128x256xf32, #tpu.memory_space<hbm>>
        %dma_wait3A_454 = arith.constant 0 : i32
        %dma_wait3A_455 = tpu.memref_slice %arg4[%select_n3A, %add3A_231, %dma_wait3A_454] : memref<16x2048x256xf32, #tpu.memory_space<hbm>> -> memref<1x128x256xf32, #tpu.memory_space<hbm>>
        %dma_wait3A_456 = tpu.memref_squeeze %dma_wait3A_455 : memref<1x128x256xf32, #tpu.memory_space<hbm>> -> memref<128x256xf32, #tpu.memory_space<hbm>>
        %dma_wait3A_457 = arith.constant 0 : i32
        %dma_wait3A_458 = arith.constant 0 : i32
        %dma_wait3A_459 = tpu.memref_slice %arg10[%run_scoped3A, %dma_wait3A_457, %dma_wait3A_458] : memref<2x128x256xf32, #tpu.memory_space<vmem>> -> memref<1x128x256xf32, #tpu.memory_space<vmem>>
        %dma_wait3A_460 = tpu.memref_squeeze %dma_wait3A_459 : memref<1x128x256xf32, #tpu.memory_space<vmem>> -> memref<128x256xf32, #tpu.memory_space<vmem>>
        tpu.wait_dma2 semaphore(%run_scoped3A_432 : memref<!tpu.dma_semaphore, #tpu.memory_space<semaphore_mem>>) src(%dma_wait3A_460 : memref<128x256xf32, #tpu.memory_space<vmem>>) dst(%dma_wait3A_456 : memref<128x256xf32, #tpu.memory_space<hbm>>)
        tpu.yield
      }) : () -> ()
    } else {
    }
    %eq3A_245 = arith.constant 0 : i32
    %eq3A_246 = arith.cmpi eq, %min3A_229, %eq3A_245 : i32
    %convert_element_type3A_247 = arith.extui %eq3A_246 : i1 to i32
    %cond3A_248 = arith.constant 0 : i32
    %cond3A_249 = arith.cmpi ne, %convert_element_type3A_247, %cond3A_248 : i32
    scf.if %cond3A_249 {
      "tpu.region"() ({
        %run_scoped3A = tpu.sem_alloc : memref<!tpu.dma_semaphore, #tpu.memory_space<semaphore_mem>>
        %dma_start3A_423 = arith.constant 0 : i32
        %dma_start3A_424 = tpu.memref_slice %arg4[%select_n3A, %add3A_231, %dma_start3A_423] : memref<16x2048x256xf32, #tpu.memory_space<hbm>> -> memref<1x128x256xf32, #tpu.memory_space<hbm>>
        %dma_start3A_425 = tpu.memref_squeeze %dma_start3A_424 : memref<1x128x256xf32, #tpu.memory_space<hbm>> -> memref<128x256xf32, #tpu.memory_space<hbm>>
        %dma_start3A_426 = arith.constant 0 : i32
        %dma_start3A_427 = tpu.memref_slice %arg4[%select_n3A, %add3A_231, %dma_start3A_426] : memref<16x2048x256xf32, #tpu.memory_space<hbm>> -> memref<1x128x256xf32, #tpu.memory_space<hbm>>
        %dma_start3A_428 = tpu.memref_squeeze %dma_start3A_427 : memref<1x128x256xf32, #tpu.memory_space<hbm>> -> memref<128x256xf32, #tpu.memory_space<hbm>>
        tpu.enqueue_dma source(%arg11 : memref<128x256xf32, #tpu.memory_space<vmem>>) target(%dma_start3A_428 : memref<128x256xf32, #tpu.memory_space<hbm>>) target_semaphore(%run_scoped3A : memref<!tpu.dma_semaphore, #tpu.memory_space<semaphore_mem>>)
        %dma_wait3A_429 = arith.constant 0 : i32
        %dma_wait3A_430 = tpu.memref_slice %arg4[%select_n3A, %add3A_231, %dma_wait3A_429] : memref<16x2048x256xf32, #tpu.memory_space<hbm>> -> memref<1x128x256xf32, #tpu.memory_space<hbm>>
        %dma_wait3A_431 = tpu.memref_squeeze %dma_wait3A_430 : memref<1x128x256xf32, #tpu.memory_space<hbm>> -> memref<128x256xf32, #tpu.memory_space<hbm>>
        %dma_wait3A_432 = arith.constant 0 : i32
        %dma_wait3A_433 = tpu.memref_slice %arg4[%select_n3A, %add3A_231, %dma_wait3A_432] : memref<16x2048x256xf32, #tpu.memory_space<hbm>> -> memref<1x128x256xf32, #tpu.memory_space<hbm>>
        %dma_wait3A_434 = tpu.memref_squeeze %dma_wait3A_433 : memref<1x128x256xf32, #tpu.memory_space<hbm>> -> memref<128x256xf32, #tpu.memory_space<hbm>>
        tpu.wait_dma2 semaphore(%run_scoped3A : memref<!tpu.dma_semaphore, #tpu.memory_space<semaphore_mem>>) src(%arg11 : memref<128x256xf32, #tpu.memory_space<vmem>>) dst(%dma_wait3A_434 : memref<128x256xf32, #tpu.memory_space<hbm>>)
        tpu.yield
      }) : () -> ()
    } else {
    }
    %add3A_250 = arith.constant 640 : i32
    %add3A_251 = arith.addi %mul3A_32, %add3A_250 : i32
    %dma_start3A_252 = arith.constant 1 : i32
    %dma_start3A_253 = arith.constant 0 : i32
    %dma_start3A_254 = arith.constant 0 : i32
    %dma_start3A_255 = tpu.memref_slice %arg10[%dma_start3A_252, %dma_start3A_253, %dma_start3A_254] : memref<2x128x256xf32, #tpu.memory_space<vmem>> -> memref<1x128x256xf32, #tpu.memory_space<vmem>>
    %dma_start3A_256 = tpu.memref_squeeze %dma_start3A_255 : memref<1x128x256xf32, #tpu.memory_space<vmem>> -> memref<128x256xf32, #tpu.memory_space<vmem>>
    %dma_start3A_257 = tpu.memref_slice %arg6[%add3A_251] : memref<2048xi32, #tpu.memory_space<vmem>> -> memref<128xi32, #tpu.memory_space<vmem>>
    %dma_start3A_258 = arith.constant 0 : i32
    %dma_start3A_259 = arith.constant 0 : i32
    %dma_start3A_260 = tpu.memref_slice %arg2[%dma_start3A_258, %dma_start3A_259] : memref<8192x256xf32, #tpu.memory_space<hbm>> -> memref<8192x256xf32, #tpu.memory_space<hbm>>
    tpu.enqueue_indirect_dma source(%dma_start3A_260 : memref<8192x256xf32, #tpu.memory_space<hbm>>) target(%dma_start3A_256 : memref<128x256xf32, #tpu.memory_space<vmem>>) offsets(%dma_start3A_257 : memref<128xi32, #tpu.memory_space<vmem>>) semaphore(%arg13 : memref<!tpu.dma_semaphore, #tpu.memory_space<semaphore_mem>>)
    %dma_wait3A_261 = arith.constant 0 : i32
    %dma_wait3A_262 = arith.constant 0 : i32
    %dma_wait3A_263 = arith.constant 0 : i32
    %dma_wait3A_264 = tpu.memref_slice %arg10[%dma_wait3A_261, %dma_wait3A_262, %dma_wait3A_263] : memref<2x128x256xf32, #tpu.memory_space<vmem>> -> memref<1x128x256xf32, #tpu.memory_space<vmem>>
    %dma_wait3A_265 = tpu.memref_squeeze %dma_wait3A_264 : memref<1x128x256xf32, #tpu.memory_space<vmem>> -> memref<128x256xf32, #tpu.memory_space<vmem>>
    %dma_wait3A_266 = tpu.memref_slice %arg6[%add3A_205] : memref<2048xi32, #tpu.memory_space<vmem>> -> memref<128xi32, #tpu.memory_space<vmem>>
    %dma_wait3A_267 = arith.constant 0 : i32
    %dma_wait3A_268 = arith.constant 0 : i32
    %dma_wait3A_269 = tpu.memref_slice %arg2[%dma_wait3A_267, %dma_wait3A_268] : memref<8192x256xf32, #tpu.memory_space<hbm>> -> memref<8192x256xf32, #tpu.memory_space<hbm>>
    tpu.wait_indirect_dma semaphore(%arg12 : memref<!tpu.dma_semaphore, #tpu.memory_space<semaphore_mem>>) src(%dma_wait3A_269 : memref<8192x256xf32, #tpu.memory_space<hbm>>) dst(%dma_wait3A_265 : memref<128x256xf32, #tpu.memory_space<vmem>>)
    %sub3A_270 = arith.constant 512 : i32
    %sub3A_271 = arith.subi %min3A, %sub3A_270 : i32
    %jit3A_272 = arith.constant 0 : i32
    %jit3A_273 = arith.constant 128 : i32
    %max3A_274 = arith.maxsi %jit3A_272, %sub3A_271 : i32
    %min3A_275 = arith.minsi %jit3A_273, %max3A_274 : i32
    %add3A_276 = arith.constant 512 : i32
    %add3A_277 = arith.addi %mul3A_32, %add3A_276 : i32
    %eq3A_278 = arith.constant 128 : i32
    %eq3A_279 = arith.cmpi eq, %min3A_275, %eq3A_278 : i32
    %convert_element_type3A_280 = arith.extui %eq3A_279 : i1 to i32
    %cond3A_281 = arith.constant 0 : i32
    %cond3A_282 = arith.cmpi ne, %convert_element_type3A_280, %cond3A_281 : i32
    scf.if %cond3A_282 {
      %run_scoped3A = arith.constant 0 : i32
      "tpu.region"() ({
        %run_scoped3A_423 = tpu.sem_alloc : memref<!tpu.dma_semaphore, #tpu.memory_space<semaphore_mem>>
        %dma_start3A_424 = arith.constant 0 : i32
        %dma_start3A_425 = arith.constant 0 : i32
        %dma_start3A_426 = tpu.memref_slice %arg10[%run_scoped3A, %dma_start3A_424, %dma_start3A_425] : memref<2x128x256xf32, #tpu.memory_space<vmem>> -> memref<1x128x256xf32, #tpu.memory_space<vmem>>
        %dma_start3A_427 = tpu.memref_squeeze %dma_start3A_426 : memref<1x128x256xf32, #tpu.memory_space<vmem>> -> memref<128x256xf32, #tpu.memory_space<vmem>>
        %dma_start3A_428 = arith.constant 0 : i32
        %dma_start3A_429 = tpu.memref_slice %arg4[%select_n3A, %add3A_277, %dma_start3A_428] : memref<16x2048x256xf32, #tpu.memory_space<hbm>> -> memref<1x128x256xf32, #tpu.memory_space<hbm>>
        %dma_start3A_430 = tpu.memref_squeeze %dma_start3A_429 : memref<1x128x256xf32, #tpu.memory_space<hbm>> -> memref<128x256xf32, #tpu.memory_space<hbm>>
        %dma_start3A_431 = arith.constant 0 : i32
        %dma_start3A_432 = tpu.memref_slice %arg4[%select_n3A, %add3A_277, %dma_start3A_431] : memref<16x2048x256xf32, #tpu.memory_space<hbm>> -> memref<1x128x256xf32, #tpu.memory_space<hbm>>
        %dma_start3A_433 = tpu.memref_squeeze %dma_start3A_432 : memref<1x128x256xf32, #tpu.memory_space<hbm>> -> memref<128x256xf32, #tpu.memory_space<hbm>>
        %dma_start3A_434 = arith.constant 0 : i32
        %dma_start3A_435 = arith.constant 0 : i32
        %dma_start3A_436 = tpu.memref_slice %arg10[%run_scoped3A, %dma_start3A_434, %dma_start3A_435] : memref<2x128x256xf32, #tpu.memory_space<vmem>> -> memref<1x128x256xf32, #tpu.memory_space<vmem>>
        %dma_start3A_437 = tpu.memref_squeeze %dma_start3A_436 : memref<1x128x256xf32, #tpu.memory_space<vmem>> -> memref<128x256xf32, #tpu.memory_space<vmem>>
        tpu.enqueue_dma source(%dma_start3A_437 : memref<128x256xf32, #tpu.memory_space<vmem>>) target(%dma_start3A_433 : memref<128x256xf32, #tpu.memory_space<hbm>>) target_semaphore(%run_scoped3A_423 : memref<!tpu.dma_semaphore, #tpu.memory_space<semaphore_mem>>)
        %dma_wait3A_438 = arith.constant 0 : i32
        %dma_wait3A_439 = arith.constant 0 : i32
        %dma_wait3A_440 = tpu.memref_slice %arg10[%run_scoped3A, %dma_wait3A_438, %dma_wait3A_439] : memref<2x128x256xf32, #tpu.memory_space<vmem>> -> memref<1x128x256xf32, #tpu.memory_space<vmem>>
        %dma_wait3A_441 = tpu.memref_squeeze %dma_wait3A_440 : memref<1x128x256xf32, #tpu.memory_space<vmem>> -> memref<128x256xf32, #tpu.memory_space<vmem>>
        %dma_wait3A_442 = arith.constant 0 : i32
        %dma_wait3A_443 = tpu.memref_slice %arg4[%select_n3A, %add3A_277, %dma_wait3A_442] : memref<16x2048x256xf32, #tpu.memory_space<hbm>> -> memref<1x128x256xf32, #tpu.memory_space<hbm>>
        %dma_wait3A_444 = tpu.memref_squeeze %dma_wait3A_443 : memref<1x128x256xf32, #tpu.memory_space<hbm>> -> memref<128x256xf32, #tpu.memory_space<hbm>>
        %dma_wait3A_445 = arith.constant 0 : i32
        %dma_wait3A_446 = tpu.memref_slice %arg4[%select_n3A, %add3A_277, %dma_wait3A_445] : memref<16x2048x256xf32, #tpu.memory_space<hbm>> -> memref<1x128x256xf32, #tpu.memory_space<hbm>>
        %dma_wait3A_447 = tpu.memref_squeeze %dma_wait3A_446 : memref<1x128x256xf32, #tpu.memory_space<hbm>> -> memref<128x256xf32, #tpu.memory_space<hbm>>
        %dma_wait3A_448 = arith.constant 0 : i32
        %dma_wait3A_449 = arith.constant 0 : i32
        %dma_wait3A_450 = tpu.memref_slice %arg10[%run_scoped3A, %dma_wait3A_448, %dma_wait3A_449] : memref<2x128x256xf32, #tpu.memory_space<vmem>> -> memref<1x128x256xf32, #tpu.memory_space<vmem>>
        %dma_wait3A_451 = tpu.memref_squeeze %dma_wait3A_450 : memref<1x128x256xf32, #tpu.memory_space<vmem>> -> memref<128x256xf32, #tpu.memory_space<vmem>>
        tpu.wait_dma2 semaphore(%run_scoped3A_423 : memref<!tpu.dma_semaphore, #tpu.memory_space<semaphore_mem>>) src(%dma_wait3A_451 : memref<128x256xf32, #tpu.memory_space<vmem>>) dst(%dma_wait3A_447 : memref<128x256xf32, #tpu.memory_space<hbm>>)
        tpu.yield
      }) : () -> ()
    } else {
    }
    %gt3A_283 = arith.constant 0 : i32
    %gt3A_284 = arith.cmpi sgt, %min3A_275, %gt3A_283 : i32
    %lt3A_285 = arith.constant 128 : i32
    %lt3A_286 = arith.cmpi slt, %min3A_275, %lt3A_285 : i32
    %and3A_287 = arith.andi %gt3A_284, %lt3A_286 : i1
    %convert_element_type3A_288 = arith.extui %and3A_287 : i1 to i32
    %cond3A_289 = arith.constant 0 : i32
    %cond3A_290 = arith.cmpi ne, %convert_element_type3A_288, %cond3A_289 : i32
    scf.if %cond3A_290 {
      %while3A = arith.constant 0 : i32
      %while3A_423 = arith.constant 128 : i32
      %while3A_424 = arith.subi %while3A_423, %min3A_275 : i32
      %while3A_425 = arith.addi %min3A_275, %while3A_424 : i32
      %while3A_426 = arith.constant 1 : i32
      %while3A_427 = arith.divsi %while3A_424, %while3A_426 : i32
      %while3A_428 = arith.muli %while3A_427, %while3A_426 : i32
      %while3A_429 = arith.addi %min3A_275, %while3A_428 : i32
      %while3A_430 = arith.constant 1 : i32
      scf.for %while3A_432 = %min3A_275 to %while3A_429 step %while3A_430  : i32 {
        %swap3A = arith.constant 0 : i32
        %swap3A_433 = arith.index_cast %swap3A : i32 to index
        %swap3A_434 = arith.index_cast %while3A_432 : i32 to index
        %swap3A_435 = arith.constant 0 : index
        %swap3A_436 = tpu.vector_load %arg10[%swap3A_433, %swap3A_434, %swap3A_435] {strides = array<i32>} : memref<2x128x256xf32, #tpu.memory_space<vmem>>, vector<16xf32>,
        tpu.vector_store %arg10[%swap3A_433, %swap3A_434, %swap3A_435], %broadcast_in_dim3A_74 {strides = array<i32>} : memref<2x128x256xf32, #tpu.memory_space<vmem>>, vector<16xf32>,
        %swap3A_437 = arith.constant 0 : i32
        %swap3A_438 = arith.index_cast %swap3A_437 : i32 to index
        %swap3A_439 = arith.index_cast %while3A_432 : i32 to index
        %swap3A_440 = arith.constant 16 : index
        %swap3A_441 = tpu.vector_load %arg10[%swap3A_438, %swap3A_439, %swap3A_440] {strides = array<i32>} : memref<2x128x256xf32, #tpu.memory_space<vmem>>, vector<16xf32>,
        tpu.vector_store %arg10[%swap3A_438, %swap3A_439, %swap3A_440], %broadcast_in_dim3A_74 {strides = array<i32>} : memref<2x128x256xf32, #tpu.memory_space<vmem>>, vector<16xf32>,
        %swap3A_442 = arith.constant 0 : i32
        %swap3A_443 = arith.index_cast %swap3A_442 : i32 to index
        %swap3A_444 = arith.index_cast %while3A_432 : i32 to index
        %swap3A_445 = arith.constant 32 : index
        %swap3A_446 = tpu.vector_load %arg10[%swap3A_443, %swap3A_444, %swap3A_445] {strides = array<i32>} : memref<2x128x256xf32, #tpu.memory_space<vmem>>, vector<16xf32>,
        tpu.vector_store %arg10[%swap3A_443, %swap3A_444, %swap3A_445], %broadcast_in_dim3A_74 {strides = array<i32>} : memref<2x128x256xf32, #tpu.memory_space<vmem>>, vector<16xf32>,
        %swap3A_447 = arith.constant 0 : i32
        %swap3A_448 = arith.index_cast %swap3A_447 : i32 to index
        %swap3A_449 = arith.index_cast %while3A_432 : i32 to index
        %swap3A_450 = arith.constant 48 : index
        %swap3A_451 = tpu.vector_load %arg10[%swap3A_448, %swap3A_449, %swap3A_450] {strides = array<i32>} : memref<2x128x256xf32, #tpu.memory_space<vmem>>, vector<16xf32>,
        tpu.vector_store %arg10[%swap3A_448, %swap3A_449, %swap3A_450], %broadcast_in_dim3A_74 {strides = array<i32>} : memref<2x128x256xf32, #tpu.memory_space<vmem>>, vector<16xf32>,
        %swap3A_452 = arith.constant 0 : i32
        %swap3A_453 = arith.index_cast %swap3A_452 : i32 to index
        %swap3A_454 = arith.index_cast %while3A_432 : i32 to index
        %swap3A_455 = arith.constant 64 : index
        %swap3A_456 = tpu.vector_load %arg10[%swap3A_453, %swap3A_454, %swap3A_455] {strides = array<i32>} : memref<2x128x256xf32, #tpu.memory_space<vmem>>, vector<16xf32>,
        tpu.vector_store %arg10[%swap3A_453, %swap3A_454, %swap3A_455], %broadcast_in_dim3A_74 {strides = array<i32>} : memref<2x128x256xf32, #tpu.memory_space<vmem>>, vector<16xf32>,
        %swap3A_457 = arith.constant 0 : i32
        %swap3A_458 = arith.index_cast %swap3A_457 : i32 to index
        %swap3A_459 = arith.index_cast %while3A_432 : i32 to index
        %swap3A_460 = arith.constant 80 : index
        %swap3A_461 = tpu.vector_load %arg10[%swap3A_458, %swap3A_459, %swap3A_460] {strides = array<i32>} : memref<2x128x256xf32, #tpu.memory_space<vmem>>, vector<16xf32>,
        tpu.vector_store %arg10[%swap3A_458, %swap3A_459, %swap3A_460], %broadcast_in_dim3A_74 {strides = array<i32>} : memref<2x128x256xf32, #tpu.memory_space<vmem>>, vector<16xf32>,
        %swap3A_462 = arith.constant 0 : i32
        %swap3A_463 = arith.index_cast %swap3A_462 : i32 to index
        %swap3A_464 = arith.index_cast %while3A_432 : i32 to index
        %swap3A_465 = arith.constant 96 : index
        %swap3A_466 = tpu.vector_load %arg10[%swap3A_463, %swap3A_464, %swap3A_465] {strides = array<i32>} : memref<2x128x256xf32, #tpu.memory_space<vmem>>, vector<16xf32>,
        tpu.vector_store %arg10[%swap3A_463, %swap3A_464, %swap3A_465], %broadcast_in_dim3A_74 {strides = array<i32>} : memref<2x128x256xf32, #tpu.memory_space<vmem>>, vector<16xf32>,
        %swap3A_467 = arith.constant 0 : i32
        %swap3A_468 = arith.index_cast %swap3A_467 : i32 to index
        %swap3A_469 = arith.index_cast %while3A_432 : i32 to index
        %swap3A_470 = arith.constant 112 : index
        %swap3A_471 = tpu.vector_load %arg10[%swap3A_468, %swap3A_469, %swap3A_470] {strides = array<i32>} : memref<2x128x256xf32, #tpu.memory_space<vmem>>, vector<16xf32>,
        tpu.vector_store %arg10[%swap3A_468, %swap3A_469, %swap3A_470], %broadcast_in_dim3A_74 {strides = array<i32>} : memref<2x128x256xf32, #tpu.memory_space<vmem>>, vector<16xf32>,
        %swap3A_472 = arith.constant 0 : i32
        %swap3A_473 = arith.index_cast %swap3A_472 : i32 to index
        %swap3A_474 = arith.index_cast %while3A_432 : i32 to index
        %swap3A_475 = arith.constant 128 : index
        %swap3A_476 = tpu.vector_load %arg10[%swap3A_473, %swap3A_474, %swap3A_475] {strides = array<i32>} : memref<2x128x256xf32, #tpu.memory_space<vmem>>, vector<16xf32>,
        tpu.vector_store %arg10[%swap3A_473, %swap3A_474, %swap3A_475], %broadcast_in_dim3A_74 {strides = array<i32>} : memref<2x128x256xf32, #tpu.memory_space<vmem>>, vector<16xf32>,
        %swap3A_477 = arith.constant 0 : i32
        %swap3A_478 = arith.index_cast %swap3A_477 : i32 to index
        %swap3A_479 = arith.index_cast %while3A_432 : i32 to index
        %swap3A_480 = arith.constant 144 : index
        %swap3A_481 = tpu.vector_load %arg10[%swap3A_478, %swap3A_479, %swap3A_480] {strides = array<i32>} : memref<2x128x256xf32, #tpu.memory_space<vmem>>, vector<16xf32>,
        tpu.vector_store %arg10[%swap3A_478, %swap3A_479, %swap3A_480], %broadcast_in_dim3A_74 {strides = array<i32>} : memref<2x128x256xf32, #tpu.memory_space<vmem>>, vector<16xf32>,
        %swap3A_482 = arith.constant 0 : i32
        %swap3A_483 = arith.index_cast %swap3A_482 : i32 to index
        %swap3A_484 = arith.index_cast %while3A_432 : i32 to index
        %swap3A_485 = arith.constant 160 : index
        %swap3A_486 = tpu.vector_load %arg10[%swap3A_483, %swap3A_484, %swap3A_485] {strides = array<i32>} : memref<2x128x256xf32, #tpu.memory_space<vmem>>, vector<16xf32>,
        tpu.vector_store %arg10[%swap3A_483, %swap3A_484, %swap3A_485], %broadcast_in_dim3A_74 {strides = array<i32>} : memref<2x128x256xf32, #tpu.memory_space<vmem>>, vector<16xf32>,
        %swap3A_487 = arith.constant 0 : i32
        %swap3A_488 = arith.index_cast %swap3A_487 : i32 to index
        %swap3A_489 = arith.index_cast %while3A_432 : i32 to index
        %swap3A_490 = arith.constant 176 : index
        %swap3A_491 = tpu.vector_load %arg10[%swap3A_488, %swap3A_489, %swap3A_490] {strides = array<i32>} : memref<2x128x256xf32, #tpu.memory_space<vmem>>, vector<16xf32>,
        tpu.vector_store %arg10[%swap3A_488, %swap3A_489, %swap3A_490], %broadcast_in_dim3A_74 {strides = array<i32>} : memref<2x128x256xf32, #tpu.memory_space<vmem>>, vector<16xf32>,
        %swap3A_492 = arith.constant 0 : i32
        %swap3A_493 = arith.index_cast %swap3A_492 : i32 to index
        %swap3A_494 = arith.index_cast %while3A_432 : i32 to index
        %swap3A_495 = arith.constant 192 : index
        %swap3A_496 = tpu.vector_load %arg10[%swap3A_493, %swap3A_494, %swap3A_495] {strides = array<i32>} : memref<2x128x256xf32, #tpu.memory_space<vmem>>, vector<16xf32>,
        tpu.vector_store %arg10[%swap3A_493, %swap3A_494, %swap3A_495], %broadcast_in_dim3A_74 {strides = array<i32>} : memref<2x128x256xf32, #tpu.memory_space<vmem>>, vector<16xf32>,
        %swap3A_497 = arith.constant 0 : i32
        %swap3A_498 = arith.index_cast %swap3A_497 : i32 to index
        %swap3A_499 = arith.index_cast %while3A_432 : i32 to index
        %swap3A_500 = arith.constant 208 : index
        %swap3A_501 = tpu.vector_load %arg10[%swap3A_498, %swap3A_499, %swap3A_500] {strides = array<i32>} : memref<2x128x256xf32, #tpu.memory_space<vmem>>, vector<16xf32>,
        tpu.vector_store %arg10[%swap3A_498, %swap3A_499, %swap3A_500], %broadcast_in_dim3A_74 {strides = array<i32>} : memref<2x128x256xf32, #tpu.memory_space<vmem>>, vector<16xf32>,
        %swap3A_502 = arith.constant 0 : i32
        %swap3A_503 = arith.index_cast %swap3A_502 : i32 to index
        %swap3A_504 = arith.index_cast %while3A_432 : i32 to index
        %swap3A_505 = arith.constant 224 : index
        %swap3A_506 = tpu.vector_load %arg10[%swap3A_503, %swap3A_504, %swap3A_505] {strides = array<i32>} : memref<2x128x256xf32, #tpu.memory_space<vmem>>, vector<16xf32>,
        tpu.vector_store %arg10[%swap3A_503, %swap3A_504, %swap3A_505], %broadcast_in_dim3A_74 {strides = array<i32>} : memref<2x128x256xf32, #tpu.memory_space<vmem>>, vector<16xf32>,
        %swap3A_507 = arith.constant 0 : i32
        %swap3A_508 = arith.index_cast %swap3A_507 : i32 to index
        %swap3A_509 = arith.index_cast %while3A_432 : i32 to index
        %swap3A_510 = arith.constant 240 : index
        %swap3A_511 = tpu.vector_load %arg10[%swap3A_508, %swap3A_509, %swap3A_510] {strides = array<i32>} : memref<2x128x256xf32, #tpu.memory_space<vmem>>, vector<16xf32>,
        tpu.vector_store %arg10[%swap3A_508, %swap3A_509, %swap3A_510], %broadcast_in_dim3A_74 {strides = array<i32>} : memref<2x128x256xf32, #tpu.memory_space<vmem>>, vector<16xf32>,
      }
      %while3A_431 = arith.constant 1 : i32
      scf.for %while3A_432 = %while3A_429 to %while3A_425 step %while3A_431  : i32 {
        %swap3A = arith.constant 0 : i32
        %swap3A_433 = arith.index_cast %swap3A : i32 to index
        %swap3A_434 = arith.index_cast %while3A_432 : i32 to index
        %swap3A_435 = arith.constant 0 : index
        %swap3A_436 = tpu.vector_load %arg10[%swap3A_433, %swap3A_434, %swap3A_435] {strides = array<i32>} : memref<2x128x256xf32, #tpu.memory_space<vmem>>, vector<16xf32>,
        tpu.vector_store %arg10[%swap3A_433, %swap3A_434, %swap3A_435], %broadcast_in_dim3A_74 {strides = array<i32>} : memref<2x128x256xf32, #tpu.memory_space<vmem>>, vector<16xf32>,
        %swap3A_437 = arith.constant 0 : i32
        %swap3A_438 = arith.index_cast %swap3A_437 : i32 to index
        %swap3A_439 = arith.index_cast %while3A_432 : i32 to index
        %swap3A_440 = arith.constant 16 : index
        %swap3A_441 = tpu.vector_load %arg10[%swap3A_438, %swap3A_439, %swap3A_440] {strides = array<i32>} : memref<2x128x256xf32, #tpu.memory_space<vmem>>, vector<16xf32>,
        tpu.vector_store %arg10[%swap3A_438, %swap3A_439, %swap3A_440], %broadcast_in_dim3A_74 {strides = array<i32>} : memref<2x128x256xf32, #tpu.memory_space<vmem>>, vector<16xf32>,
        %swap3A_442 = arith.constant 0 : i32
        %swap3A_443 = arith.index_cast %swap3A_442 : i32 to index
        %swap3A_444 = arith.index_cast %while3A_432 : i32 to index
        %swap3A_445 = arith.constant 32 : index
        %swap3A_446 = tpu.vector_load %arg10[%swap3A_443, %swap3A_444, %swap3A_445] {strides = array<i32>} : memref<2x128x256xf32, #tpu.memory_space<vmem>>, vector<16xf32>,
        tpu.vector_store %arg10[%swap3A_443, %swap3A_444, %swap3A_445], %broadcast_in_dim3A_74 {strides = array<i32>} : memref<2x128x256xf32, #tpu.memory_space<vmem>>, vector<16xf32>,
        %swap3A_447 = arith.constant 0 : i32
        %swap3A_448 = arith.index_cast %swap3A_447 : i32 to index
        %swap3A_449 = arith.index_cast %while3A_432 : i32 to index
        %swap3A_450 = arith.constant 48 : index
        %swap3A_451 = tpu.vector_load %arg10[%swap3A_448, %swap3A_449, %swap3A_450] {strides = array<i32>} : memref<2x128x256xf32, #tpu.memory_space<vmem>>, vector<16xf32>,
        tpu.vector_store %arg10[%swap3A_448, %swap3A_449, %swap3A_450], %broadcast_in_dim3A_74 {strides = array<i32>} : memref<2x128x256xf32, #tpu.memory_space<vmem>>, vector<16xf32>,
        %swap3A_452 = arith.constant 0 : i32
        %swap3A_453 = arith.index_cast %swap3A_452 : i32 to index
        %swap3A_454 = arith.index_cast %while3A_432 : i32 to index
        %swap3A_455 = arith.constant 64 : index
        %swap3A_456 = tpu.vector_load %arg10[%swap3A_453, %swap3A_454, %swap3A_455] {strides = array<i32>} : memref<2x128x256xf32, #tpu.memory_space<vmem>>, vector<16xf32>,
        tpu.vector_store %arg10[%swap3A_453, %swap3A_454, %swap3A_455], %broadcast_in_dim3A_74 {strides = array<i32>} : memref<2x128x256xf32, #tpu.memory_space<vmem>>, vector<16xf32>,
        %swap3A_457 = arith.constant 0 : i32
        %swap3A_458 = arith.index_cast %swap3A_457 : i32 to index
        %swap3A_459 = arith.index_cast %while3A_432 : i32 to index
        %swap3A_460 = arith.constant 80 : index
        %swap3A_461 = tpu.vector_load %arg10[%swap3A_458, %swap3A_459, %swap3A_460] {strides = array<i32>} : memref<2x128x256xf32, #tpu.memory_space<vmem>>, vector<16xf32>,
        tpu.vector_store %arg10[%swap3A_458, %swap3A_459, %swap3A_460], %broadcast_in_dim3A_74 {strides = array<i32>} : memref<2x128x256xf32, #tpu.memory_space<vmem>>, vector<16xf32>,
        %swap3A_462 = arith.constant 0 : i32
        %swap3A_463 = arith.index_cast %swap3A_462 : i32 to index
        %swap3A_464 = arith.index_cast %while3A_432 : i32 to index
        %swap3A_465 = arith.constant 96 : index
        %swap3A_466 = tpu.vector_load %arg10[%swap3A_463, %swap3A_464, %swap3A_465] {strides = array<i32>} : memref<2x128x256xf32, #tpu.memory_space<vmem>>, vector<16xf32>,
        tpu.vector_store %arg10[%swap3A_463, %swap3A_464, %swap3A_465], %broadcast_in_dim3A_74 {strides = array<i32>} : memref<2x128x256xf32, #tpu.memory_space<vmem>>, vector<16xf32>,
        %swap3A_467 = arith.constant 0 : i32
        %swap3A_468 = arith.index_cast %swap3A_467 : i32 to index
        %swap3A_469 = arith.index_cast %while3A_432 : i32 to index
        %swap3A_470 = arith.constant 112 : index
        %swap3A_471 = tpu.vector_load %arg10[%swap3A_468, %swap3A_469, %swap3A_470] {strides = array<i32>} : memref<2x128x256xf32, #tpu.memory_space<vmem>>, vector<16xf32>,
        tpu.vector_store %arg10[%swap3A_468, %swap3A_469, %swap3A_470], %broadcast_in_dim3A_74 {strides = array<i32>} : memref<2x128x256xf32, #tpu.memory_space<vmem>>, vector<16xf32>,
        %swap3A_472 = arith.constant 0 : i32
        %swap3A_473 = arith.index_cast %swap3A_472 : i32 to index
        %swap3A_474 = arith.index_cast %while3A_432 : i32 to index
        %swap3A_475 = arith.constant 128 : index
        %swap3A_476 = tpu.vector_load %arg10[%swap3A_473, %swap3A_474, %swap3A_475] {strides = array<i32>} : memref<2x128x256xf32, #tpu.memory_space<vmem>>, vector<16xf32>,
        tpu.vector_store %arg10[%swap3A_473, %swap3A_474, %swap3A_475], %broadcast_in_dim3A_74 {strides = array<i32>} : memref<2x128x256xf32, #tpu.memory_space<vmem>>, vector<16xf32>,
        %swap3A_477 = arith.constant 0 : i32
        %swap3A_478 = arith.index_cast %swap3A_477 : i32 to index
        %swap3A_479 = arith.index_cast %while3A_432 : i32 to index
        %swap3A_480 = arith.constant 144 : index
        %swap3A_481 = tpu.vector_load %arg10[%swap3A_478, %swap3A_479, %swap3A_480] {strides = array<i32>} : memref<2x128x256xf32, #tpu.memory_space<vmem>>, vector<16xf32>,
        tpu.vector_store %arg10[%swap3A_478, %swap3A_479, %swap3A_480], %broadcast_in_dim3A_74 {strides = array<i32>} : memref<2x128x256xf32, #tpu.memory_space<vmem>>, vector<16xf32>,
        %swap3A_482 = arith.constant 0 : i32
        %swap3A_483 = arith.index_cast %swap3A_482 : i32 to index
        %swap3A_484 = arith.index_cast %while3A_432 : i32 to index
        %swap3A_485 = arith.constant 160 : index
        %swap3A_486 = tpu.vector_load %arg10[%swap3A_483, %swap3A_484, %swap3A_485] {strides = array<i32>} : memref<2x128x256xf32, #tpu.memory_space<vmem>>, vector<16xf32>,
        tpu.vector_store %arg10[%swap3A_483, %swap3A_484, %swap3A_485], %broadcast_in_dim3A_74 {strides = array<i32>} : memref<2x128x256xf32, #tpu.memory_space<vmem>>, vector<16xf32>,
        %swap3A_487 = arith.constant 0 : i32
        %swap3A_488 = arith.index_cast %swap3A_487 : i32 to index
        %swap3A_489 = arith.index_cast %while3A_432 : i32 to index
        %swap3A_490 = arith.constant 176 : index
        %swap3A_491 = tpu.vector_load %arg10[%swap3A_488, %swap3A_489, %swap3A_490] {strides = array<i32>} : memref<2x128x256xf32, #tpu.memory_space<vmem>>, vector<16xf32>,
        tpu.vector_store %arg10[%swap3A_488, %swap3A_489, %swap3A_490], %broadcast_in_dim3A_74 {strides = array<i32>} : memref<2x128x256xf32, #tpu.memory_space<vmem>>, vector<16xf32>,
        %swap3A_492 = arith.constant 0 : i32
        %swap3A_493 = arith.index_cast %swap3A_492 : i32 to index
        %swap3A_494 = arith.index_cast %while3A_432 : i32 to index
        %swap3A_495 = arith.constant 192 : index
        %swap3A_496 = tpu.vector_load %arg10[%swap3A_493, %swap3A_494, %swap3A_495] {strides = array<i32>} : memref<2x128x256xf32, #tpu.memory_space<vmem>>, vector<16xf32>,
        tpu.vector_store %arg10[%swap3A_493, %swap3A_494, %swap3A_495], %broadcast_in_dim3A_74 {strides = array<i32>} : memref<2x128x256xf32, #tpu.memory_space<vmem>>, vector<16xf32>,
        %swap3A_497 = arith.constant 0 : i32
        %swap3A_498 = arith.index_cast %swap3A_497 : i32 to index
        %swap3A_499 = arith.index_cast %while3A_432 : i32 to index
        %swap3A_500 = arith.constant 208 : index
        %swap3A_501 = tpu.vector_load %arg10[%swap3A_498, %swap3A_499, %swap3A_500] {strides = array<i32>} : memref<2x128x256xf32, #tpu.memory_space<vmem>>, vector<16xf32>,
        tpu.vector_store %arg10[%swap3A_498, %swap3A_499, %swap3A_500], %broadcast_in_dim3A_74 {strides = array<i32>} : memref<2x128x256xf32, #tpu.memory_space<vmem>>, vector<16xf32>,
        %swap3A_502 = arith.constant 0 : i32
        %swap3A_503 = arith.index_cast %swap3A_502 : i32 to index
        %swap3A_504 = arith.index_cast %while3A_432 : i32 to index
        %swap3A_505 = arith.constant 224 : index
        %swap3A_506 = tpu.vector_load %arg10[%swap3A_503, %swap3A_504, %swap3A_505] {strides = array<i32>} : memref<2x128x256xf32, #tpu.memory_space<vmem>>, vector<16xf32>,
        tpu.vector_store %arg10[%swap3A_503, %swap3A_504, %swap3A_505], %broadcast_in_dim3A_74 {strides = array<i32>} : memref<2x128x256xf32, #tpu.memory_space<vmem>>, vector<16xf32>,
        %swap3A_507 = arith.constant 0 : i32
        %swap3A_508 = arith.index_cast %swap3A_507 : i32 to index
        %swap3A_509 = arith.index_cast %while3A_432 : i32 to index
        %swap3A_510 = arith.constant 240 : index
        %swap3A_511 = tpu.vector_load %arg10[%swap3A_508, %swap3A_509, %swap3A_510] {strides = array<i32>} : memref<2x128x256xf32, #tpu.memory_space<vmem>>, vector<16xf32>,
        tpu.vector_store %arg10[%swap3A_508, %swap3A_509, %swap3A_510], %broadcast_in_dim3A_74 {strides = array<i32>} : memref<2x128x256xf32, #tpu.memory_space<vmem>>, vector<16xf32>,
      }
      %run_scoped3A = arith.constant 0 : i32
      "tpu.region"() ({
        %run_scoped3A_432 = tpu.sem_alloc : memref<!tpu.dma_semaphore, #tpu.memory_space<semaphore_mem>>
        %dma_start3A_433 = arith.constant 0 : i32
        %dma_start3A_434 = arith.constant 0 : i32
        %dma_start3A_435 = tpu.memref_slice %arg10[%run_scoped3A, %dma_start3A_433, %dma_start3A_434] : memref<2x128x256xf32, #tpu.memory_space<vmem>> -> memref<1x128x256xf32, #tpu.memory_space<vmem>>
        %dma_start3A_436 = tpu.memref_squeeze %dma_start3A_435 : memref<1x128x256xf32, #tpu.memory_space<vmem>> -> memref<128x256xf32, #tpu.memory_space<vmem>>
        %dma_start3A_437 = arith.constant 0 : i32
        %dma_start3A_438 = tpu.memref_slice %arg4[%select_n3A, %add3A_277, %dma_start3A_437] : memref<16x2048x256xf32, #tpu.memory_space<hbm>> -> memref<1x128x256xf32, #tpu.memory_space<hbm>>
        %dma_start3A_439 = tpu.memref_squeeze %dma_start3A_438 : memref<1x128x256xf32, #tpu.memory_space<hbm>> -> memref<128x256xf32, #tpu.memory_space<hbm>>
        %dma_start3A_440 = arith.constant 0 : i32
        %dma_start3A_441 = tpu.memref_slice %arg4[%select_n3A, %add3A_277, %dma_start3A_440] : memref<16x2048x256xf32, #tpu.memory_space<hbm>> -> memref<1x128x256xf32, #tpu.memory_space<hbm>>
        %dma_start3A_442 = tpu.memref_squeeze %dma_start3A_441 : memref<1x128x256xf32, #tpu.memory_space<hbm>> -> memref<128x256xf32, #tpu.memory_space<hbm>>
        %dma_start3A_443 = arith.constant 0 : i32
        %dma_start3A_444 = arith.constant 0 : i32
        %dma_start3A_445 = tpu.memref_slice %arg10[%run_scoped3A, %dma_start3A_443, %dma_start3A_444] : memref<2x128x256xf32, #tpu.memory_space<vmem>> -> memref<1x128x256xf32, #tpu.memory_space<vmem>>
        %dma_start3A_446 = tpu.memref_squeeze %dma_start3A_445 : memref<1x128x256xf32, #tpu.memory_space<vmem>> -> memref<128x256xf32, #tpu.memory_space<vmem>>
        tpu.enqueue_dma source(%dma_start3A_446 : memref<128x256xf32, #tpu.memory_space<vmem>>) target(%dma_start3A_442 : memref<128x256xf32, #tpu.memory_space<hbm>>) target_semaphore(%run_scoped3A_432 : memref<!tpu.dma_semaphore, #tpu.memory_space<semaphore_mem>>)
        %dma_wait3A_447 = arith.constant 0 : i32
        %dma_wait3A_448 = arith.constant 0 : i32
        %dma_wait3A_449 = tpu.memref_slice %arg10[%run_scoped3A, %dma_wait3A_447, %dma_wait3A_448] : memref<2x128x256xf32, #tpu.memory_space<vmem>> -> memref<1x128x256xf32, #tpu.memory_space<vmem>>
        %dma_wait3A_450 = tpu.memref_squeeze %dma_wait3A_449 : memref<1x128x256xf32, #tpu.memory_space<vmem>> -> memref<128x256xf32, #tpu.memory_space<vmem>>
        %dma_wait3A_451 = arith.constant 0 : i32
        %dma_wait3A_452 = tpu.memref_slice %arg4[%select_n3A, %add3A_277, %dma_wait3A_451] : memref<16x2048x256xf32, #tpu.memory_space<hbm>> -> memref<1x128x256xf32, #tpu.memory_space<hbm>>
        %dma_wait3A_453 = tpu.memref_squeeze %dma_wait3A_452 : memref<1x128x256xf32, #tpu.memory_space<hbm>> -> memref<128x256xf32, #tpu.memory_space<hbm>>
        %dma_wait3A_454 = arith.constant 0 : i32
        %dma_wait3A_455 = tpu.memref_slice %arg4[%select_n3A, %add3A_277, %dma_wait3A_454] : memref<16x2048x256xf32, #tpu.memory_space<hbm>> -> memref<1x128x256xf32, #tpu.memory_space<hbm>>
        %dma_wait3A_456 = tpu.memref_squeeze %dma_wait3A_455 : memref<1x128x256xf32, #tpu.memory_space<hbm>> -> memref<128x256xf32, #tpu.memory_space<hbm>>
        %dma_wait3A_457 = arith.constant 0 : i32
        %dma_wait3A_458 = arith.constant 0 : i32
        %dma_wait3A_459 = tpu.memref_slice %arg10[%run_scoped3A, %dma_wait3A_457, %dma_wait3A_458] : memref<2x128x256xf32, #tpu.memory_space<vmem>> -> memref<1x128x256xf32, #tpu.memory_space<vmem>>
        %dma_wait3A_460 = tpu.memref_squeeze %dma_wait3A_459 : memref<1x128x256xf32, #tpu.memory_space<vmem>> -> memref<128x256xf32, #tpu.memory_space<vmem>>
        tpu.wait_dma2 semaphore(%run_scoped3A_432 : memref<!tpu.dma_semaphore, #tpu.memory_space<semaphore_mem>>) src(%dma_wait3A_460 : memref<128x256xf32, #tpu.memory_space<vmem>>) dst(%dma_wait3A_456 : memref<128x256xf32, #tpu.memory_space<hbm>>)
        tpu.yield
      }) : () -> ()
    } else {
    }
    %eq3A_291 = arith.constant 0 : i32
    %eq3A_292 = arith.cmpi eq, %min3A_275, %eq3A_291 : i32
    %convert_element_type3A_293 = arith.extui %eq3A_292 : i1 to i32
    %cond3A_294 = arith.constant 0 : i32
    %cond3A_295 = arith.cmpi ne, %convert_element_type3A_293, %cond3A_294 : i32
    scf.if %cond3A_295 {
      "tpu.region"() ({
        %run_scoped3A = tpu.sem_alloc : memref<!tpu.dma_semaphore, #tpu.memory_space<semaphore_mem>>
        %dma_start3A_423 = arith.constant 0 : i32
        %dma_start3A_424 = tpu.memref_slice %arg4[%select_n3A, %add3A_277, %dma_start3A_423] : memref<16x2048x256xf32, #tpu.memory_space<hbm>> -> memref<1x128x256xf32, #tpu.memory_space<hbm>>
        %dma_start3A_425 = tpu.memref_squeeze %dma_start3A_424 : memref<1x128x256xf32, #tpu.memory_space<hbm>> -> memref<128x256xf32, #tpu.memory_space<hbm>>
        %dma_start3A_426 = arith.constant 0 : i32
        %dma_start3A_427 = tpu.memref_slice %arg4[%select_n3A, %add3A_277, %dma_start3A_426] : memref<16x2048x256xf32, #tpu.memory_space<hbm>> -> memref<1x128x256xf32, #tpu.memory_space<hbm>>
        %dma_start3A_428 = tpu.memref_squeeze %dma_start3A_427 : memref<1x128x256xf32, #tpu.memory_space<hbm>> -> memref<128x256xf32, #tpu.memory_space<hbm>>
        tpu.enqueue_dma source(%arg11 : memref<128x256xf32, #tpu.memory_space<vmem>>) target(%dma_start3A_428 : memref<128x256xf32, #tpu.memory_space<hbm>>) target_semaphore(%run_scoped3A : memref<!tpu.dma_semaphore, #tpu.memory_space<semaphore_mem>>)
        %dma_wait3A_429 = arith.constant 0 : i32
        %dma_wait3A_430 = tpu.memref_slice %arg4[%select_n3A, %add3A_277, %dma_wait3A_429] : memref<16x2048x256xf32, #tpu.memory_space<hbm>> -> memref<1x128x256xf32, #tpu.memory_space<hbm>>
        %dma_wait3A_431 = tpu.memref_squeeze %dma_wait3A_430 : memref<1x128x256xf32, #tpu.memory_space<hbm>> -> memref<128x256xf32, #tpu.memory_space<hbm>>
        %dma_wait3A_432 = arith.constant 0 : i32
        %dma_wait3A_433 = tpu.memref_slice %arg4[%select_n3A, %add3A_277, %dma_wait3A_432] : memref<16x2048x256xf32, #tpu.memory_space<hbm>> -> memref<1x128x256xf32, #tpu.memory_space<hbm>>
        %dma_wait3A_434 = tpu.memref_squeeze %dma_wait3A_433 : memref<1x128x256xf32, #tpu.memory_space<hbm>> -> memref<128x256xf32, #tpu.memory_space<hbm>>
        tpu.wait_dma2 semaphore(%run_scoped3A : memref<!tpu.dma_semaphore, #tpu.memory_space<semaphore_mem>>) src(%arg11 : memref<128x256xf32, #tpu.memory_space<vmem>>) dst(%dma_wait3A_434 : memref<128x256xf32, #tpu.memory_space<hbm>>)
        tpu.yield
      }) : () -> ()
    } else {
    }
    %add3A_296 = arith.constant 768 : i32
    %add3A_297 = arith.addi %mul3A_32, %add3A_296 : i32
    %dma_start3A_298 = arith.constant 0 : i32
    %dma_start3A_299 = arith.constant 0 : i32
    %dma_start3A_300 = arith.constant 0 : i32
    %dma_start3A_301 = tpu.memref_slice %arg10[%dma_start3A_298, %dma_start3A_299, %dma_start3A_300] : memref<2x128x256xf32, #tpu.memory_space<vmem>> -> memref<1x128x256xf32, #tpu.memory_space<vmem>>
    %dma_start3A_302 = tpu.memref_squeeze %dma_start3A_301 : memref<1x128x256xf32, #tpu.memory_space<vmem>> -> memref<128x256xf32, #tpu.memory_space<vmem>>
    %dma_start3A_303 = tpu.memref_slice %arg6[%add3A_297] : memref<2048xi32, #tpu.memory_space<vmem>> -> memref<128xi32, #tpu.memory_space<vmem>>
    %dma_start3A_304 = arith.constant 0 : i32
    %dma_start3A_305 = arith.constant 0 : i32
    %dma_start3A_306 = tpu.memref_slice %arg2[%dma_start3A_304, %dma_start3A_305] : memref<8192x256xf32, #tpu.memory_space<hbm>> -> memref<8192x256xf32, #tpu.memory_space<hbm>>
    tpu.enqueue_indirect_dma source(%dma_start3A_306 : memref<8192x256xf32, #tpu.memory_space<hbm>>) target(%dma_start3A_302 : memref<128x256xf32, #tpu.memory_space<vmem>>) offsets(%dma_start3A_303 : memref<128xi32, #tpu.memory_space<vmem>>) semaphore(%arg12 : memref<!tpu.dma_semaphore, #tpu.memory_space<semaphore_mem>>)
    %dma_wait3A_307 = arith.constant 1 : i32
    %dma_wait3A_308 = arith.constant 0 : i32
    %dma_wait3A_309 = arith.constant 0 : i32
    %dma_wait3A_310 = tpu.memref_slice %arg10[%dma_wait3A_307, %dma_wait3A_308, %dma_wait3A_309] : memref<2x128x256xf32, #tpu.memory_space<vmem>> -> memref<1x128x256xf32, #tpu.memory_space<vmem>>
    %dma_wait3A_311 = tpu.memref_squeeze %dma_wait3A_310 : memref<1x128x256xf32, #tpu.memory_space<vmem>> -> memref<128x256xf32, #tpu.memory_space<vmem>>
    %dma_wait3A_312 = tpu.memref_slice %arg6[%add3A_251] : memref<2048xi32, #tpu.memory_space<vmem>> -> memref<128xi32, #tpu.memory_space<vmem>>
    %dma_wait3A_313 = arith.constant 0 : i32
    %dma_wait3A_314 = arith.constant 0 : i32
    %dma_wait3A_315 = tpu.memref_slice %arg2[%dma_wait3A_313, %dma_wait3A_314] : memref<8192x256xf32, #tpu.memory_space<hbm>> -> memref<8192x256xf32, #tpu.memory_space<hbm>>
    tpu.wait_indirect_dma semaphore(%arg13 : memref<!tpu.dma_semaphore, #tpu.memory_space<semaphore_mem>>) src(%dma_wait3A_315 : memref<8192x256xf32, #tpu.memory_space<hbm>>) dst(%dma_wait3A_311 : memref<128x256xf32, #tpu.memory_space<vmem>>)
    %sub3A_316 = arith.constant 640 : i32
    %sub3A_317 = arith.subi %min3A, %sub3A_316 : i32
    %jit3A_318 = arith.constant 0 : i32
    %jit3A_319 = arith.constant 128 : i32
    %max3A_320 = arith.maxsi %jit3A_318, %sub3A_317 : i32
    %min3A_321 = arith.minsi %jit3A_319, %max3A_320 : i32
    %add3A_322 = arith.constant 640 : i32
    %add3A_323 = arith.addi %mul3A_32, %add3A_322 : i32
    %eq3A_324 = arith.constant 128 : i32
    %eq3A_325 = arith.cmpi eq, %min3A_321, %eq3A_324 : i32
    %convert_element_type3A_326 = arith.extui %eq3A_325 : i1 to i32
    %cond3A_327 = arith.constant 0 : i32
    %cond3A_328 = arith.cmpi ne, %convert_element_type3A_326, %cond3A_327 : i32
    scf.if %cond3A_328 {
      %run_scoped3A = arith.constant 1 : i32
      "tpu.region"() ({
        %run_scoped3A_423 = tpu.sem_alloc : memref<!tpu.dma_semaphore, #tpu.memory_space<semaphore_mem>>
        %dma_start3A_424 = arith.constant 0 : i32
        %dma_start3A_425 = arith.constant 0 : i32
        %dma_start3A_426 = tpu.memref_slice %arg10[%run_scoped3A, %dma_start3A_424, %dma_start3A_425] : memref<2x128x256xf32, #tpu.memory_space<vmem>> -> memref<1x128x256xf32, #tpu.memory_space<vmem>>
        %dma_start3A_427 = tpu.memref_squeeze %dma_start3A_426 : memref<1x128x256xf32, #tpu.memory_space<vmem>> -> memref<128x256xf32, #tpu.memory_space<vmem>>
        %dma_start3A_428 = arith.constant 0 : i32
        %dma_start3A_429 = tpu.memref_slice %arg4[%select_n3A, %add3A_323, %dma_start3A_428] : memref<16x2048x256xf32, #tpu.memory_space<hbm>> -> memref<1x128x256xf32, #tpu.memory_space<hbm>>
        %dma_start3A_430 = tpu.memref_squeeze %dma_start3A_429 : memref<1x128x256xf32, #tpu.memory_space<hbm>> -> memref<128x256xf32, #tpu.memory_space<hbm>>
        %dma_start3A_431 = arith.constant 0 : i32
        %dma_start3A_432 = tpu.memref_slice %arg4[%select_n3A, %add3A_323, %dma_start3A_431] : memref<16x2048x256xf32, #tpu.memory_space<hbm>> -> memref<1x128x256xf32, #tpu.memory_space<hbm>>
        %dma_start3A_433 = tpu.memref_squeeze %dma_start3A_432 : memref<1x128x256xf32, #tpu.memory_space<hbm>> -> memref<128x256xf32, #tpu.memory_space<hbm>>
        %dma_start3A_434 = arith.constant 0 : i32
        %dma_start3A_435 = arith.constant 0 : i32
        %dma_start3A_436 = tpu.memref_slice %arg10[%run_scoped3A, %dma_start3A_434, %dma_start3A_435] : memref<2x128x256xf32, #tpu.memory_space<vmem>> -> memref<1x128x256xf32, #tpu.memory_space<vmem>>
        %dma_start3A_437 = tpu.memref_squeeze %dma_start3A_436 : memref<1x128x256xf32, #tpu.memory_space<vmem>> -> memref<128x256xf32, #tpu.memory_space<vmem>>
        tpu.enqueue_dma source(%dma_start3A_437 : memref<128x256xf32, #tpu.memory_space<vmem>>) target(%dma_start3A_433 : memref<128x256xf32, #tpu.memory_space<hbm>>) target_semaphore(%run_scoped3A_423 : memref<!tpu.dma_semaphore, #tpu.memory_space<semaphore_mem>>)
        %dma_wait3A_438 = arith.constant 0 : i32
        %dma_wait3A_439 = arith.constant 0 : i32
        %dma_wait3A_440 = tpu.memref_slice %arg10[%run_scoped3A, %dma_wait3A_438, %dma_wait3A_439] : memref<2x128x256xf32, #tpu.memory_space<vmem>> -> memref<1x128x256xf32, #tpu.memory_space<vmem>>
        %dma_wait3A_441 = tpu.memref_squeeze %dma_wait3A_440 : memref<1x128x256xf32, #tpu.memory_space<vmem>> -> memref<128x256xf32, #tpu.memory_space<vmem>>
        %dma_wait3A_442 = arith.constant 0 : i32
        %dma_wait3A_443 = tpu.memref_slice %arg4[%select_n3A, %add3A_323, %dma_wait3A_442] : memref<16x2048x256xf32, #tpu.memory_space<hbm>> -> memref<1x128x256xf32, #tpu.memory_space<hbm>>
        %dma_wait3A_444 = tpu.memref_squeeze %dma_wait3A_443 : memref<1x128x256xf32, #tpu.memory_space<hbm>> -> memref<128x256xf32, #tpu.memory_space<hbm>>
        %dma_wait3A_445 = arith.constant 0 : i32
        %dma_wait3A_446 = tpu.memref_slice %arg4[%select_n3A, %add3A_323, %dma_wait3A_445] : memref<16x2048x256xf32, #tpu.memory_space<hbm>> -> memref<1x128x256xf32, #tpu.memory_space<hbm>>
        %dma_wait3A_447 = tpu.memref_squeeze %dma_wait3A_446 : memref<1x128x256xf32, #tpu.memory_space<hbm>> -> memref<128x256xf32, #tpu.memory_space<hbm>>
        %dma_wait3A_448 = arith.constant 0 : i32
        %dma_wait3A_449 = arith.constant 0 : i32
        %dma_wait3A_450 = tpu.memref_slice %arg10[%run_scoped3A, %dma_wait3A_448, %dma_wait3A_449] : memref<2x128x256xf32, #tpu.memory_space<vmem>> -> memref<1x128x256xf32, #tpu.memory_space<vmem>>
        %dma_wait3A_451 = tpu.memref_squeeze %dma_wait3A_450 : memref<1x128x256xf32, #tpu.memory_space<vmem>> -> memref<128x256xf32, #tpu.memory_space<vmem>>
        tpu.wait_dma2 semaphore(%run_scoped3A_423 : memref<!tpu.dma_semaphore, #tpu.memory_space<semaphore_mem>>) src(%dma_wait3A_451 : memref<128x256xf32, #tpu.memory_space<vmem>>) dst(%dma_wait3A_447 : memref<128x256xf32, #tpu.memory_space<hbm>>)
        tpu.yield
      }) : () -> ()
    } else {
    }
    %gt3A_329 = arith.constant 0 : i32
    %gt3A_330 = arith.cmpi sgt, %min3A_321, %gt3A_329 : i32
    %lt3A_331 = arith.constant 128 : i32
    %lt3A_332 = arith.cmpi slt, %min3A_321, %lt3A_331 : i32
    %and3A_333 = arith.andi %gt3A_330, %lt3A_332 : i1
    %convert_element_type3A_334 = arith.extui %and3A_333 : i1 to i32
    %cond3A_335 = arith.constant 0 : i32
    %cond3A_336 = arith.cmpi ne, %convert_element_type3A_334, %cond3A_335 : i32
    scf.if %cond3A_336 {
      %while3A = arith.constant 0 : i32
      %while3A_423 = arith.constant 128 : i32
      %while3A_424 = arith.subi %while3A_423, %min3A_321 : i32
      %while3A_425 = arith.addi %min3A_321, %while3A_424 : i32
      %while3A_426 = arith.constant 1 : i32
      %while3A_427 = arith.divsi %while3A_424, %while3A_426 : i32
      %while3A_428 = arith.muli %while3A_427, %while3A_426 : i32
      %while3A_429 = arith.addi %min3A_321, %while3A_428 : i32
      %while3A_430 = arith.constant 1 : i32
      scf.for %while3A_432 = %min3A_321 to %while3A_429 step %while3A_430  : i32 {
        %swap3A = arith.constant 1 : i32
        %swap3A_433 = arith.index_cast %swap3A : i32 to index
        %swap3A_434 = arith.index_cast %while3A_432 : i32 to index
        %swap3A_435 = arith.constant 0 : index
        %swap3A_436 = tpu.vector_load %arg10[%swap3A_433, %swap3A_434, %swap3A_435] {strides = array<i32>} : memref<2x128x256xf32, #tpu.memory_space<vmem>>, vector<16xf32>,
        tpu.vector_store %arg10[%swap3A_433, %swap3A_434, %swap3A_435], %broadcast_in_dim3A_74 {strides = array<i32>} : memref<2x128x256xf32, #tpu.memory_space<vmem>>, vector<16xf32>,
        %swap3A_437 = arith.constant 1 : i32
        %swap3A_438 = arith.index_cast %swap3A_437 : i32 to index
        %swap3A_439 = arith.index_cast %while3A_432 : i32 to index
        %swap3A_440 = arith.constant 16 : index
        %swap3A_441 = tpu.vector_load %arg10[%swap3A_438, %swap3A_439, %swap3A_440] {strides = array<i32>} : memref<2x128x256xf32, #tpu.memory_space<vmem>>, vector<16xf32>,
        tpu.vector_store %arg10[%swap3A_438, %swap3A_439, %swap3A_440], %broadcast_in_dim3A_74 {strides = array<i32>} : memref<2x128x256xf32, #tpu.memory_space<vmem>>, vector<16xf32>,
        %swap3A_442 = arith.constant 1 : i32
        %swap3A_443 = arith.index_cast %swap3A_442 : i32 to index
        %swap3A_444 = arith.index_cast %while3A_432 : i32 to index
        %swap3A_445 = arith.constant 32 : index
        %swap3A_446 = tpu.vector_load %arg10[%swap3A_443, %swap3A_444, %swap3A_445] {strides = array<i32>} : memref<2x128x256xf32, #tpu.memory_space<vmem>>, vector<16xf32>,
        tpu.vector_store %arg10[%swap3A_443, %swap3A_444, %swap3A_445], %broadcast_in_dim3A_74 {strides = array<i32>} : memref<2x128x256xf32, #tpu.memory_space<vmem>>, vector<16xf32>,
        %swap3A_447 = arith.constant 1 : i32
        %swap3A_448 = arith.index_cast %swap3A_447 : i32 to index
        %swap3A_449 = arith.index_cast %while3A_432 : i32 to index
        %swap3A_450 = arith.constant 48 : index
        %swap3A_451 = tpu.vector_load %arg10[%swap3A_448, %swap3A_449, %swap3A_450] {strides = array<i32>} : memref<2x128x256xf32, #tpu.memory_space<vmem>>, vector<16xf32>,
        tpu.vector_store %arg10[%swap3A_448, %swap3A_449, %swap3A_450], %broadcast_in_dim3A_74 {strides = array<i32>} : memref<2x128x256xf32, #tpu.memory_space<vmem>>, vector<16xf32>,
        %swap3A_452 = arith.constant 1 : i32
        %swap3A_453 = arith.index_cast %swap3A_452 : i32 to index
        %swap3A_454 = arith.index_cast %while3A_432 : i32 to index
        %swap3A_455 = arith.constant 64 : index
        %swap3A_456 = tpu.vector_load %arg10[%swap3A_453, %swap3A_454, %swap3A_455] {strides = array<i32>} : memref<2x128x256xf32, #tpu.memory_space<vmem>>, vector<16xf32>,
        tpu.vector_store %arg10[%swap3A_453, %swap3A_454, %swap3A_455], %broadcast_in_dim3A_74 {strides = array<i32>} : memref<2x128x256xf32, #tpu.memory_space<vmem>>, vector<16xf32>,
        %swap3A_457 = arith.constant 1 : i32
        %swap3A_458 = arith.index_cast %swap3A_457 : i32 to index
        %swap3A_459 = arith.index_cast %while3A_432 : i32 to index
        %swap3A_460 = arith.constant 80 : index
        %swap3A_461 = tpu.vector_load %arg10[%swap3A_458, %swap3A_459, %swap3A_460] {strides = array<i32>} : memref<2x128x256xf32, #tpu.memory_space<vmem>>, vector<16xf32>,
        tpu.vector_store %arg10[%swap3A_458, %swap3A_459, %swap3A_460], %broadcast_in_dim3A_74 {strides = array<i32>} : memref<2x128x256xf32, #tpu.memory_space<vmem>>, vector<16xf32>,
        %swap3A_462 = arith.constant 1 : i32
        %swap3A_463 = arith.index_cast %swap3A_462 : i32 to index
        %swap3A_464 = arith.index_cast %while3A_432 : i32 to index
        %swap3A_465 = arith.constant 96 : index
        %swap3A_466 = tpu.vector_load %arg10[%swap3A_463, %swap3A_464, %swap3A_465] {strides = array<i32>} : memref<2x128x256xf32, #tpu.memory_space<vmem>>, vector<16xf32>,
        tpu.vector_store %arg10[%swap3A_463, %swap3A_464, %swap3A_465], %broadcast_in_dim3A_74 {strides = array<i32>} : memref<2x128x256xf32, #tpu.memory_space<vmem>>, vector<16xf32>,
        %swap3A_467 = arith.constant 1 : i32
        %swap3A_468 = arith.index_cast %swap3A_467 : i32 to index
        %swap3A_469 = arith.index_cast %while3A_432 : i32 to index
        %swap3A_470 = arith.constant 112 : index
        %swap3A_471 = tpu.vector_load %arg10[%swap3A_468, %swap3A_469, %swap3A_470] {strides = array<i32>} : memref<2x128x256xf32, #tpu.memory_space<vmem>>, vector<16xf32>,
        tpu.vector_store %arg10[%swap3A_468, %swap3A_469, %swap3A_470], %broadcast_in_dim3A_74 {strides = array<i32>} : memref<2x128x256xf32, #tpu.memory_space<vmem>>, vector<16xf32>,
        %swap3A_472 = arith.constant 1 : i32
        %swap3A_473 = arith.index_cast %swap3A_472 : i32 to index
        %swap3A_474 = arith.index_cast %while3A_432 : i32 to index
        %swap3A_475 = arith.constant 128 : index
        %swap3A_476 = tpu.vector_load %arg10[%swap3A_473, %swap3A_474, %swap3A_475] {strides = array<i32>} : memref<2x128x256xf32, #tpu.memory_space<vmem>>, vector<16xf32>,
        tpu.vector_store %arg10[%swap3A_473, %swap3A_474, %swap3A_475], %broadcast_in_dim3A_74 {strides = array<i32>} : memref<2x128x256xf32, #tpu.memory_space<vmem>>, vector<16xf32>,
        %swap3A_477 = arith.constant 1 : i32
        %swap3A_478 = arith.index_cast %swap3A_477 : i32 to index
        %swap3A_479 = arith.index_cast %while3A_432 : i32 to index
        %swap3A_480 = arith.constant 144 : index
        %swap3A_481 = tpu.vector_load %arg10[%swap3A_478, %swap3A_479, %swap3A_480] {strides = array<i32>} : memref<2x128x256xf32, #tpu.memory_space<vmem>>, vector<16xf32>,
        tpu.vector_store %arg10[%swap3A_478, %swap3A_479, %swap3A_480], %broadcast_in_dim3A_74 {strides = array<i32>} : memref<2x128x256xf32, #tpu.memory_space<vmem>>, vector<16xf32>,
        %swap3A_482 = arith.constant 1 : i32
        %swap3A_483 = arith.index_cast %swap3A_482 : i32 to index
        %swap3A_484 = arith.index_cast %while3A_432 : i32 to index
        %swap3A_485 = arith.constant 160 : index
        %swap3A_486 = tpu.vector_load %arg10[%swap3A_483, %swap3A_484, %swap3A_485] {strides = array<i32>} : memref<2x128x256xf32, #tpu.memory_space<vmem>>, vector<16xf32>,
        tpu.vector_store %arg10[%swap3A_483, %swap3A_484, %swap3A_485], %broadcast_in_dim3A_74 {strides = array<i32>} : memref<2x128x256xf32, #tpu.memory_space<vmem>>, vector<16xf32>,
        %swap3A_487 = arith.constant 1 : i32
        %swap3A_488 = arith.index_cast %swap3A_487 : i32 to index
        %swap3A_489 = arith.index_cast %while3A_432 : i32 to index
        %swap3A_490 = arith.constant 176 : index
        %swap3A_491 = tpu.vector_load %arg10[%swap3A_488, %swap3A_489, %swap3A_490] {strides = array<i32>} : memref<2x128x256xf32, #tpu.memory_space<vmem>>, vector<16xf32>,
        tpu.vector_store %arg10[%swap3A_488, %swap3A_489, %swap3A_490], %broadcast_in_dim3A_74 {strides = array<i32>} : memref<2x128x256xf32, #tpu.memory_space<vmem>>, vector<16xf32>,
        %swap3A_492 = arith.constant 1 : i32
        %swap3A_493 = arith.index_cast %swap3A_492 : i32 to index
        %swap3A_494 = arith.index_cast %while3A_432 : i32 to index
        %swap3A_495 = arith.constant 192 : index
        %swap3A_496 = tpu.vector_load %arg10[%swap3A_493, %swap3A_494, %swap3A_495] {strides = array<i32>} : memref<2x128x256xf32, #tpu.memory_space<vmem>>, vector<16xf32>,
        tpu.vector_store %arg10[%swap3A_493, %swap3A_494, %swap3A_495], %broadcast_in_dim3A_74 {strides = array<i32>} : memref<2x128x256xf32, #tpu.memory_space<vmem>>, vector<16xf32>,
        %swap3A_497 = arith.constant 1 : i32
        %swap3A_498 = arith.index_cast %swap3A_497 : i32 to index
        %swap3A_499 = arith.index_cast %while3A_432 : i32 to index
        %swap3A_500 = arith.constant 208 : index
        %swap3A_501 = tpu.vector_load %arg10[%swap3A_498, %swap3A_499, %swap3A_500] {strides = array<i32>} : memref<2x128x256xf32, #tpu.memory_space<vmem>>, vector<16xf32>,
        tpu.vector_store %arg10[%swap3A_498, %swap3A_499, %swap3A_500], %broadcast_in_dim3A_74 {strides = array<i32>} : memref<2x128x256xf32, #tpu.memory_space<vmem>>, vector<16xf32>,
        %swap3A_502 = arith.constant 1 : i32
        %swap3A_503 = arith.index_cast %swap3A_502 : i32 to index
        %swap3A_504 = arith.index_cast %while3A_432 : i32 to index
        %swap3A_505 = arith.constant 224 : index
        %swap3A_506 = tpu.vector_load %arg10[%swap3A_503, %swap3A_504, %swap3A_505] {strides = array<i32>} : memref<2x128x256xf32, #tpu.memory_space<vmem>>, vector<16xf32>,
        tpu.vector_store %arg10[%swap3A_503, %swap3A_504, %swap3A_505], %broadcast_in_dim3A_74 {strides = array<i32>} : memref<2x128x256xf32, #tpu.memory_space<vmem>>, vector<16xf32>,
        %swap3A_507 = arith.constant 1 : i32
        %swap3A_508 = arith.index_cast %swap3A_507 : i32 to index
        %swap3A_509 = arith.index_cast %while3A_432 : i32 to index
        %swap3A_510 = arith.constant 240 : index
        %swap3A_511 = tpu.vector_load %arg10[%swap3A_508, %swap3A_509, %swap3A_510] {strides = array<i32>} : memref<2x128x256xf32, #tpu.memory_space<vmem>>, vector<16xf32>,
        tpu.vector_store %arg10[%swap3A_508, %swap3A_509, %swap3A_510], %broadcast_in_dim3A_74 {strides = array<i32>} : memref<2x128x256xf32, #tpu.memory_space<vmem>>, vector<16xf32>,
      }
      %while3A_431 = arith.constant 1 : i32
      scf.for %while3A_432 = %while3A_429 to %while3A_425 step %while3A_431  : i32 {
        %swap3A = arith.constant 1 : i32
        %swap3A_433 = arith.index_cast %swap3A : i32 to index
        %swap3A_434 = arith.index_cast %while3A_432 : i32 to index
        %swap3A_435 = arith.constant 0 : index
        %swap3A_436 = tpu.vector_load %arg10[%swap3A_433, %swap3A_434, %swap3A_435] {strides = array<i32>} : memref<2x128x256xf32, #tpu.memory_space<vmem>>, vector<16xf32>,
        tpu.vector_store %arg10[%swap3A_433, %swap3A_434, %swap3A_435], %broadcast_in_dim3A_74 {strides = array<i32>} : memref<2x128x256xf32, #tpu.memory_space<vmem>>, vector<16xf32>,
        %swap3A_437 = arith.constant 1 : i32
        %swap3A_438 = arith.index_cast %swap3A_437 : i32 to index
        %swap3A_439 = arith.index_cast %while3A_432 : i32 to index
        %swap3A_440 = arith.constant 16 : index
        %swap3A_441 = tpu.vector_load %arg10[%swap3A_438, %swap3A_439, %swap3A_440] {strides = array<i32>} : memref<2x128x256xf32, #tpu.memory_space<vmem>>, vector<16xf32>,
        tpu.vector_store %arg10[%swap3A_438, %swap3A_439, %swap3A_440], %broadcast_in_dim3A_74 {strides = array<i32>} : memref<2x128x256xf32, #tpu.memory_space<vmem>>, vector<16xf32>,
        %swap3A_442 = arith.constant 1 : i32
        %swap3A_443 = arith.index_cast %swap3A_442 : i32 to index
        %swap3A_444 = arith.index_cast %while3A_432 : i32 to index
        %swap3A_445 = arith.constant 32 : index
        %swap3A_446 = tpu.vector_load %arg10[%swap3A_443, %swap3A_444, %swap3A_445] {strides = array<i32>} : memref<2x128x256xf32, #tpu.memory_space<vmem>>, vector<16xf32>,
        tpu.vector_store %arg10[%swap3A_443, %swap3A_444, %swap3A_445], %broadcast_in_dim3A_74 {strides = array<i32>} : memref<2x128x256xf32, #tpu.memory_space<vmem>>, vector<16xf32>,
        %swap3A_447 = arith.constant 1 : i32
        %swap3A_448 = arith.index_cast %swap3A_447 : i32 to index
        %swap3A_449 = arith.index_cast %while3A_432 : i32 to index
        %swap3A_450 = arith.constant 48 : index
        %swap3A_451 = tpu.vector_load %arg10[%swap3A_448, %swap3A_449, %swap3A_450] {strides = array<i32>} : memref<2x128x256xf32, #tpu.memory_space<vmem>>, vector<16xf32>,
        tpu.vector_store %arg10[%swap3A_448, %swap3A_449, %swap3A_450], %broadcast_in_dim3A_74 {strides = array<i32>} : memref<2x128x256xf32, #tpu.memory_space<vmem>>, vector<16xf32>,
        %swap3A_452 = arith.constant 1 : i32
        %swap3A_453 = arith.index_cast %swap3A_452 : i32 to index
        %swap3A_454 = arith.index_cast %while3A_432 : i32 to index
        %swap3A_455 = arith.constant 64 : index
        %swap3A_456 = tpu.vector_load %arg10[%swap3A_453, %swap3A_454, %swap3A_455] {strides = array<i32>} : memref<2x128x256xf32, #tpu.memory_space<vmem>>, vector<16xf32>,
        tpu.vector_store %arg10[%swap3A_453, %swap3A_454, %swap3A_455], %broadcast_in_dim3A_74 {strides = array<i32>} : memref<2x128x256xf32, #tpu.memory_space<vmem>>, vector<16xf32>,
        %swap3A_457 = arith.constant 1 : i32
        %swap3A_458 = arith.index_cast %swap3A_457 : i32 to index
        %swap3A_459 = arith.index_cast %while3A_432 : i32 to index
        %swap3A_460 = arith.constant 80 : index
        %swap3A_461 = tpu.vector_load %arg10[%swap3A_458, %swap3A_459, %swap3A_460] {strides = array<i32>} : memref<2x128x256xf32, #tpu.memory_space<vmem>>, vector<16xf32>,
        tpu.vector_store %arg10[%swap3A_458, %swap3A_459, %swap3A_460], %broadcast_in_dim3A_74 {strides = array<i32>} : memref<2x128x256xf32, #tpu.memory_space<vmem>>, vector<16xf32>,
        %swap3A_462 = arith.constant 1 : i32
        %swap3A_463 = arith.index_cast %swap3A_462 : i32 to index
        %swap3A_464 = arith.index_cast %while3A_432 : i32 to index
        %swap3A_465 = arith.constant 96 : index
        %swap3A_466 = tpu.vector_load %arg10[%swap3A_463, %swap3A_464, %swap3A_465] {strides = array<i32>} : memref<2x128x256xf32, #tpu.memory_space<vmem>>, vector<16xf32>,
        tpu.vector_store %arg10[%swap3A_463, %swap3A_464, %swap3A_465], %broadcast_in_dim3A_74 {strides = array<i32>} : memref<2x128x256xf32, #tpu.memory_space<vmem>>, vector<16xf32>,
        %swap3A_467 = arith.constant 1 : i32
        %swap3A_468 = arith.index_cast %swap3A_467 : i32 to index
        %swap3A_469 = arith.index_cast %while3A_432 : i32 to index
        %swap3A_470 = arith.constant 112 : index
        %swap3A_471 = tpu.vector_load %arg10[%swap3A_468, %swap3A_469, %swap3A_470] {strides = array<i32>} : memref<2x128x256xf32, #tpu.memory_space<vmem>>, vector<16xf32>,
        tpu.vector_store %arg10[%swap3A_468, %swap3A_469, %swap3A_470], %broadcast_in_dim3A_74 {strides = array<i32>} : memref<2x128x256xf32, #tpu.memory_space<vmem>>, vector<16xf32>,
        %swap3A_472 = arith.constant 1 : i32
        %swap3A_473 = arith.index_cast %swap3A_472 : i32 to index
        %swap3A_474 = arith.index_cast %while3A_432 : i32 to index
        %swap3A_475 = arith.constant 128 : index
        %swap3A_476 = tpu.vector_load %arg10[%swap3A_473, %swap3A_474, %swap3A_475] {strides = array<i32>} : memref<2x128x256xf32, #tpu.memory_space<vmem>>, vector<16xf32>,
        tpu.vector_store %arg10[%swap3A_473, %swap3A_474, %swap3A_475], %broadcast_in_dim3A_74 {strides = array<i32>} : memref<2x128x256xf32, #tpu.memory_space<vmem>>, vector<16xf32>,
        %swap3A_477 = arith.constant 1 : i32
        %swap3A_478 = arith.index_cast %swap3A_477 : i32 to index
        %swap3A_479 = arith.index_cast %while3A_432 : i32 to index
        %swap3A_480 = arith.constant 144 : index
        %swap3A_481 = tpu.vector_load %arg10[%swap3A_478, %swap3A_479, %swap3A_480] {strides = array<i32>} : memref<2x128x256xf32, #tpu.memory_space<vmem>>, vector<16xf32>,
        tpu.vector_store %arg10[%swap3A_478, %swap3A_479, %swap3A_480], %broadcast_in_dim3A_74 {strides = array<i32>} : memref<2x128x256xf32, #tpu.memory_space<vmem>>, vector<16xf32>,
        %swap3A_482 = arith.constant 1 : i32
        %swap3A_483 = arith.index_cast %swap3A_482 : i32 to index
        %swap3A_484 = arith.index_cast %while3A_432 : i32 to index
        %swap3A_485 = arith.constant 160 : index
        %swap3A_486 = tpu.vector_load %arg10[%swap3A_483, %swap3A_484, %swap3A_485] {strides = array<i32>} : memref<2x128x256xf32, #tpu.memory_space<vmem>>, vector<16xf32>,
        tpu.vector_store %arg10[%swap3A_483, %swap3A_484, %swap3A_485], %broadcast_in_dim3A_74 {strides = array<i32>} : memref<2x128x256xf32, #tpu.memory_space<vmem>>, vector<16xf32>,
        %swap3A_487 = arith.constant 1 : i32
        %swap3A_488 = arith.index_cast %swap3A_487 : i32 to index
        %swap3A_489 = arith.index_cast %while3A_432 : i32 to index
        %swap3A_490 = arith.constant 176 : index
        %swap3A_491 = tpu.vector_load %arg10[%swap3A_488, %swap3A_489, %swap3A_490] {strides = array<i32>} : memref<2x128x256xf32, #tpu.memory_space<vmem>>, vector<16xf32>,
        tpu.vector_store %arg10[%swap3A_488, %swap3A_489, %swap3A_490], %broadcast_in_dim3A_74 {strides = array<i32>} : memref<2x128x256xf32, #tpu.memory_space<vmem>>, vector<16xf32>,
        %swap3A_492 = arith.constant 1 : i32
        %swap3A_493 = arith.index_cast %swap3A_492 : i32 to index
        %swap3A_494 = arith.index_cast %while3A_432 : i32 to index
        %swap3A_495 = arith.constant 192 : index
        %swap3A_496 = tpu.vector_load %arg10[%swap3A_493, %swap3A_494, %swap3A_495] {strides = array<i32>} : memref<2x128x256xf32, #tpu.memory_space<vmem>>, vector<16xf32>,
        tpu.vector_store %arg10[%swap3A_493, %swap3A_494, %swap3A_495], %broadcast_in_dim3A_74 {strides = array<i32>} : memref<2x128x256xf32, #tpu.memory_space<vmem>>, vector<16xf32>,
        %swap3A_497 = arith.constant 1 : i32
        %swap3A_498 = arith.index_cast %swap3A_497 : i32 to index
        %swap3A_499 = arith.index_cast %while3A_432 : i32 to index
        %swap3A_500 = arith.constant 208 : index
        %swap3A_501 = tpu.vector_load %arg10[%swap3A_498, %swap3A_499, %swap3A_500] {strides = array<i32>} : memref<2x128x256xf32, #tpu.memory_space<vmem>>, vector<16xf32>,
        tpu.vector_store %arg10[%swap3A_498, %swap3A_499, %swap3A_500], %broadcast_in_dim3A_74 {strides = array<i32>} : memref<2x128x256xf32, #tpu.memory_space<vmem>>, vector<16xf32>,
        %swap3A_502 = arith.constant 1 : i32
        %swap3A_503 = arith.index_cast %swap3A_502 : i32 to index
        %swap3A_504 = arith.index_cast %while3A_432 : i32 to index
        %swap3A_505 = arith.constant 224 : index
        %swap3A_506 = tpu.vector_load %arg10[%swap3A_503, %swap3A_504, %swap3A_505] {strides = array<i32>} : memref<2x128x256xf32, #tpu.memory_space<vmem>>, vector<16xf32>,
        tpu.vector_store %arg10[%swap3A_503, %swap3A_504, %swap3A_505], %broadcast_in_dim3A_74 {strides = array<i32>} : memref<2x128x256xf32, #tpu.memory_space<vmem>>, vector<16xf32>,
        %swap3A_507 = arith.constant 1 : i32
        %swap3A_508 = arith.index_cast %swap3A_507 : i32 to index
        %swap3A_509 = arith.index_cast %while3A_432 : i32 to index
        %swap3A_510 = arith.constant 240 : index
        %swap3A_511 = tpu.vector_load %arg10[%swap3A_508, %swap3A_509, %swap3A_510] {strides = array<i32>} : memref<2x128x256xf32, #tpu.memory_space<vmem>>, vector<16xf32>,
        tpu.vector_store %arg10[%swap3A_508, %swap3A_509, %swap3A_510], %broadcast_in_dim3A_74 {strides = array<i32>} : memref<2x128x256xf32, #tpu.memory_space<vmem>>, vector<16xf32>,
      }
      %run_scoped3A = arith.constant 1 : i32
      "tpu.region"() ({
        %run_scoped3A_432 = tpu.sem_alloc : memref<!tpu.dma_semaphore, #tpu.memory_space<semaphore_mem>>
        %dma_start3A_433 = arith.constant 0 : i32
        %dma_start3A_434 = arith.constant 0 : i32
        %dma_start3A_435 = tpu.memref_slice %arg10[%run_scoped3A, %dma_start3A_433, %dma_start3A_434] : memref<2x128x256xf32, #tpu.memory_space<vmem>> -> memref<1x128x256xf32, #tpu.memory_space<vmem>>
        %dma_start3A_436 = tpu.memref_squeeze %dma_start3A_435 : memref<1x128x256xf32, #tpu.memory_space<vmem>> -> memref<128x256xf32, #tpu.memory_space<vmem>>
        %dma_start3A_437 = arith.constant 0 : i32
        %dma_start3A_438 = tpu.memref_slice %arg4[%select_n3A, %add3A_323, %dma_start3A_437] : memref<16x2048x256xf32, #tpu.memory_space<hbm>> -> memref<1x128x256xf32, #tpu.memory_space<hbm>>
        %dma_start3A_439 = tpu.memref_squeeze %dma_start3A_438 : memref<1x128x256xf32, #tpu.memory_space<hbm>> -> memref<128x256xf32, #tpu.memory_space<hbm>>
        %dma_start3A_440 = arith.constant 0 : i32
        %dma_start3A_441 = tpu.memref_slice %arg4[%select_n3A, %add3A_323, %dma_start3A_440] : memref<16x2048x256xf32, #tpu.memory_space<hbm>> -> memref<1x128x256xf32, #tpu.memory_space<hbm>>
        %dma_start3A_442 = tpu.memref_squeeze %dma_start3A_441 : memref<1x128x256xf32, #tpu.memory_space<hbm>> -> memref<128x256xf32, #tpu.memory_space<hbm>>
        %dma_start3A_443 = arith.constant 0 : i32
        %dma_start3A_444 = arith.constant 0 : i32
        %dma_start3A_445 = tpu.memref_slice %arg10[%run_scoped3A, %dma_start3A_443, %dma_start3A_444] : memref<2x128x256xf32, #tpu.memory_space<vmem>> -> memref<1x128x256xf32, #tpu.memory_space<vmem>>
        %dma_start3A_446 = tpu.memref_squeeze %dma_start3A_445 : memref<1x128x256xf32, #tpu.memory_space<vmem>> -> memref<128x256xf32, #tpu.memory_space<vmem>>
        tpu.enqueue_dma source(%dma_start3A_446 : memref<128x256xf32, #tpu.memory_space<vmem>>) target(%dma_start3A_442 : memref<128x256xf32, #tpu.memory_space<hbm>>) target_semaphore(%run_scoped3A_432 : memref<!tpu.dma_semaphore, #tpu.memory_space<semaphore_mem>>)
        %dma_wait3A_447 = arith.constant 0 : i32
        %dma_wait3A_448 = arith.constant 0 : i32
        %dma_wait3A_449 = tpu.memref_slice %arg10[%run_scoped3A, %dma_wait3A_447, %dma_wait3A_448] : memref<2x128x256xf32, #tpu.memory_space<vmem>> -> memref<1x128x256xf32, #tpu.memory_space<vmem>>
        %dma_wait3A_450 = tpu.memref_squeeze %dma_wait3A_449 : memref<1x128x256xf32, #tpu.memory_space<vmem>> -> memref<128x256xf32, #tpu.memory_space<vmem>>
        %dma_wait3A_451 = arith.constant 0 : i32
        %dma_wait3A_452 = tpu.memref_slice %arg4[%select_n3A, %add3A_323, %dma_wait3A_451] : memref<16x2048x256xf32, #tpu.memory_space<hbm>> -> memref<1x128x256xf32, #tpu.memory_space<hbm>>
        %dma_wait3A_453 = tpu.memref_squeeze %dma_wait3A_452 : memref<1x128x256xf32, #tpu.memory_space<hbm>> -> memref<128x256xf32, #tpu.memory_space<hbm>>
        %dma_wait3A_454 = arith.constant 0 : i32
        %dma_wait3A_455 = tpu.memref_slice %arg4[%select_n3A, %add3A_323, %dma_wait3A_454] : memref<16x2048x256xf32, #tpu.memory_space<hbm>> -> memref<1x128x256xf32, #tpu.memory_space<hbm>>
        %dma_wait3A_456 = tpu.memref_squeeze %dma_wait3A_455 : memref<1x128x256xf32, #tpu.memory_space<hbm>> -> memref<128x256xf32, #tpu.memory_space<hbm>>
        %dma_wait3A_457 = arith.constant 0 : i32
        %dma_wait3A_458 = arith.constant 0 : i32
        %dma_wait3A_459 = tpu.memref_slice %arg10[%run_scoped3A, %dma_wait3A_457, %dma_wait3A_458] : memref<2x128x256xf32, #tpu.memory_space<vmem>> -> memref<1x128x256xf32, #tpu.memory_space<vmem>>
        %dma_wait3A_460 = tpu.memref_squeeze %dma_wait3A_459 : memref<1x128x256xf32, #tpu.memory_space<vmem>> -> memref<128x256xf32, #tpu.memory_space<vmem>>
        tpu.wait_dma2 semaphore(%run_scoped3A_432 : memref<!tpu.dma_semaphore, #tpu.memory_space<semaphore_mem>>) src(%dma_wait3A_460 : memref<128x256xf32, #tpu.memory_space<vmem>>) dst(%dma_wait3A_456 : memref<128x256xf32, #tpu.memory_space<hbm>>)
        tpu.yield
      }) : () -> ()
    } else {
    }
    %eq3A_337 = arith.constant 0 : i32
    %eq3A_338 = arith.cmpi eq, %min3A_321, %eq3A_337 : i32
    %convert_element_type3A_339 = arith.extui %eq3A_338 : i1 to i32
    %cond3A_340 = arith.constant 0 : i32
    %cond3A_341 = arith.cmpi ne, %convert_element_type3A_339, %cond3A_340 : i32
    scf.if %cond3A_341 {
      "tpu.region"() ({
        %run_scoped3A = tpu.sem_alloc : memref<!tpu.dma_semaphore, #tpu.memory_space<semaphore_mem>>
        %dma_start3A_423 = arith.constant 0 : i32
        %dma_start3A_424 = tpu.memref_slice %arg4[%select_n3A, %add3A_323, %dma_start3A_423] : memref<16x2048x256xf32, #tpu.memory_space<hbm>> -> memref<1x128x256xf32, #tpu.memory_space<hbm>>
        %dma_start3A_425 = tpu.memref_squeeze %dma_start3A_424 : memref<1x128x256xf32, #tpu.memory_space<hbm>> -> memref<128x256xf32, #tpu.memory_space<hbm>>
        %dma_start3A_426 = arith.constant 0 : i32
        %dma_start3A_427 = tpu.memref_slice %arg4[%select_n3A, %add3A_323, %dma_start3A_426] : memref<16x2048x256xf32, #tpu.memory_space<hbm>> -> memref<1x128x256xf32, #tpu.memory_space<hbm>>
        %dma_start3A_428 = tpu.memref_squeeze %dma_start3A_427 : memref<1x128x256xf32, #tpu.memory_space<hbm>> -> memref<128x256xf32, #tpu.memory_space<hbm>>
        tpu.enqueue_dma source(%arg11 : memref<128x256xf32, #tpu.memory_space<vmem>>) target(%dma_start3A_428 : memref<128x256xf32, #tpu.memory_space<hbm>>) target_semaphore(%run_scoped3A : memref<!tpu.dma_semaphore, #tpu.memory_space<semaphore_mem>>)
        %dma_wait3A_429 = arith.constant 0 : i32
        %dma_wait3A_430 = tpu.memref_slice %arg4[%select_n3A, %add3A_323, %dma_wait3A_429] : memref<16x2048x256xf32, #tpu.memory_space<hbm>> -> memref<1x128x256xf32, #tpu.memory_space<hbm>>
        %dma_wait3A_431 = tpu.memref_squeeze %dma_wait3A_430 : memref<1x128x256xf32, #tpu.memory_space<hbm>> -> memref<128x256xf32, #tpu.memory_space<hbm>>
        %dma_wait3A_432 = arith.constant 0 : i32
        %dma_wait3A_433 = tpu.memref_slice %arg4[%select_n3A, %add3A_323, %dma_wait3A_432] : memref<16x2048x256xf32, #tpu.memory_space<hbm>> -> memref<1x128x256xf32, #tpu.memory_space<hbm>>
        %dma_wait3A_434 = tpu.memref_squeeze %dma_wait3A_433 : memref<1x128x256xf32, #tpu.memory_space<hbm>> -> memref<128x256xf32, #tpu.memory_space<hbm>>
        tpu.wait_dma2 semaphore(%run_scoped3A : memref<!tpu.dma_semaphore, #tpu.memory_space<semaphore_mem>>) src(%arg11 : memref<128x256xf32, #tpu.memory_space<vmem>>) dst(%dma_wait3A_434 : memref<128x256xf32, #tpu.memory_space<hbm>>)
        tpu.yield
      }) : () -> ()
    } else {
    }
    %add3A_342 = arith.constant 896 : i32
    %add3A_343 = arith.addi %mul3A_32, %add3A_342 : i32
    %dma_start3A_344 = arith.constant 1 : i32
    %dma_start3A_345 = arith.constant 0 : i32
    %dma_start3A_346 = arith.constant 0 : i32
    %dma_start3A_347 = tpu.memref_slice %arg10[%dma_start3A_344, %dma_start3A_345, %dma_start3A_346] : memref<2x128x256xf32, #tpu.memory_space<vmem>> -> memref<1x128x256xf32, #tpu.memory_space<vmem>>
    %dma_start3A_348 = tpu.memref_squeeze %dma_start3A_347 : memref<1x128x256xf32, #tpu.memory_space<vmem>> -> memref<128x256xf32, #tpu.memory_space<vmem>>
    %dma_start3A_349 = tpu.memref_slice %arg6[%add3A_343] : memref<2048xi32, #tpu.memory_space<vmem>> -> memref<128xi32, #tpu.memory_space<vmem>>
    %dma_start3A_350 = arith.constant 0 : i32
    %dma_start3A_351 = arith.constant 0 : i32
    %dma_start3A_352 = tpu.memref_slice %arg2[%dma_start3A_350, %dma_start3A_351] : memref<8192x256xf32, #tpu.memory_space<hbm>> -> memref<8192x256xf32, #tpu.memory_space<hbm>>
    tpu.enqueue_indirect_dma source(%dma_start3A_352 : memref<8192x256xf32, #tpu.memory_space<hbm>>) target(%dma_start3A_348 : memref<128x256xf32, #tpu.memory_space<vmem>>) offsets(%dma_start3A_349 : memref<128xi32, #tpu.memory_space<vmem>>) semaphore(%arg13 : memref<!tpu.dma_semaphore, #tpu.memory_space<semaphore_mem>>)
    %dma_wait3A_353 = arith.constant 0 : i32
    %dma_wait3A_354 = arith.constant 0 : i32
    %dma_wait3A_355 = arith.constant 0 : i32
    %dma_wait3A_356 = tpu.memref_slice %arg10[%dma_wait3A_353, %dma_wait3A_354, %dma_wait3A_355] : memref<2x128x256xf32, #tpu.memory_space<vmem>> -> memref<1x128x256xf32, #tpu.memory_space<vmem>>
    %dma_wait3A_357 = tpu.memref_squeeze %dma_wait3A_356 : memref<1x128x256xf32, #tpu.memory_space<vmem>> -> memref<128x256xf32, #tpu.memory_space<vmem>>
    %dma_wait3A_358 = tpu.memref_slice %arg6[%add3A_297] : memref<2048xi32, #tpu.memory_space<vmem>> -> memref<128xi32, #tpu.memory_space<vmem>>
    %dma_wait3A_359 = arith.constant 0 : i32
    %dma_wait3A_360 = arith.constant 0 : i32
    %dma_wait3A_361 = tpu.memref_slice %arg2[%dma_wait3A_359, %dma_wait3A_360] : memref<8192x256xf32, #tpu.memory_space<hbm>> -> memref<8192x256xf32, #tpu.memory_space<hbm>>
    tpu.wait_indirect_dma semaphore(%arg12 : memref<!tpu.dma_semaphore, #tpu.memory_space<semaphore_mem>>) src(%dma_wait3A_361 : memref<8192x256xf32, #tpu.memory_space<hbm>>) dst(%dma_wait3A_357 : memref<128x256xf32, #tpu.memory_space<vmem>>)
    %sub3A_362 = arith.constant 768 : i32
    %sub3A_363 = arith.subi %min3A, %sub3A_362 : i32
    %jit3A_364 = arith.constant 0 : i32
    %jit3A_365 = arith.constant 128 : i32
    %max3A_366 = arith.maxsi %jit3A_364, %sub3A_363 : i32
    %min3A_367 = arith.minsi %jit3A_365, %max3A_366 : i32
    %add3A_368 = arith.constant 768 : i32
    %add3A_369 = arith.addi %mul3A_32, %add3A_368 : i32
    %eq3A_370 = arith.constant 128 : i32
    %eq3A_371 = arith.cmpi eq, %min3A_367, %eq3A_370 : i32
    %convert_element_type3A_372 = arith.extui %eq3A_371 : i1 to i32
    %cond3A_373 = arith.constant 0 : i32
    %cond3A_374 = arith.cmpi ne, %convert_element_type3A_372, %cond3A_373 : i32
    scf.if %cond3A_374 {
      %run_scoped3A = arith.constant 0 : i32
      "tpu.region"() ({
        %run_scoped3A_423 = tpu.sem_alloc : memref<!tpu.dma_semaphore, #tpu.memory_space<semaphore_mem>>
        %dma_start3A_424 = arith.constant 0 : i32
        %dma_start3A_425 = arith.constant 0 : i32
        %dma_start3A_426 = tpu.memref_slice %arg10[%run_scoped3A, %dma_start3A_424, %dma_start3A_425] : memref<2x128x256xf32, #tpu.memory_space<vmem>> -> memref<1x128x256xf32, #tpu.memory_space<vmem>>
        %dma_start3A_427 = tpu.memref_squeeze %dma_start3A_426 : memref<1x128x256xf32, #tpu.memory_space<vmem>> -> memref<128x256xf32, #tpu.memory_space<vmem>>
        %dma_start3A_428 = arith.constant 0 : i32
        %dma_start3A_429 = tpu.memref_slice %arg4[%select_n3A, %add3A_369, %dma_start3A_428] : memref<16x2048x256xf32, #tpu.memory_space<hbm>> -> memref<1x128x256xf32, #tpu.memory_space<hbm>>
        %dma_start3A_430 = tpu.memref_squeeze %dma_start3A_429 : memref<1x128x256xf32, #tpu.memory_space<hbm>> -> memref<128x256xf32, #tpu.memory_space<hbm>>
        %dma_start3A_431 = arith.constant 0 : i32
        %dma_start3A_432 = tpu.memref_slice %arg4[%select_n3A, %add3A_369, %dma_start3A_431] : memref<16x2048x256xf32, #tpu.memory_space<hbm>> -> memref<1x128x256xf32, #tpu.memory_space<hbm>>
        %dma_start3A_433 = tpu.memref_squeeze %dma_start3A_432 : memref<1x128x256xf32, #tpu.memory_space<hbm>> -> memref<128x256xf32, #tpu.memory_space<hbm>>
        %dma_start3A_434 = arith.constant 0 : i32
        %dma_start3A_435 = arith.constant 0 : i32
        %dma_start3A_436 = tpu.memref_slice %arg10[%run_scoped3A, %dma_start3A_434, %dma_start3A_435] : memref<2x128x256xf32, #tpu.memory_space<vmem>> -> memref<1x128x256xf32, #tpu.memory_space<vmem>>
        %dma_start3A_437 = tpu.memref_squeeze %dma_start3A_436 : memref<1x128x256xf32, #tpu.memory_space<vmem>> -> memref<128x256xf32, #tpu.memory_space<vmem>>
        tpu.enqueue_dma source(%dma_start3A_437 : memref<128x256xf32, #tpu.memory_space<vmem>>) target(%dma_start3A_433 : memref<128x256xf32, #tpu.memory_space<hbm>>) target_semaphore(%run_scoped3A_423 : memref<!tpu.dma_semaphore, #tpu.memory_space<semaphore_mem>>)
        %dma_wait3A_438 = arith.constant 0 : i32
        %dma_wait3A_439 = arith.constant 0 : i32
        %dma_wait3A_440 = tpu.memref_slice %arg10[%run_scoped3A, %dma_wait3A_438, %dma_wait3A_439] : memref<2x128x256xf32, #tpu.memory_space<vmem>> -> memref<1x128x256xf32, #tpu.memory_space<vmem>>
        %dma_wait3A_441 = tpu.memref_squeeze %dma_wait3A_440 : memref<1x128x256xf32, #tpu.memory_space<vmem>> -> memref<128x256xf32, #tpu.memory_space<vmem>>
        %dma_wait3A_442 = arith.constant 0 : i32
        %dma_wait3A_443 = tpu.memref_slice %arg4[%select_n3A, %add3A_369, %dma_wait3A_442] : memref<16x2048x256xf32, #tpu.memory_space<hbm>> -> memref<1x128x256xf32, #tpu.memory_space<hbm>>
        %dma_wait3A_444 = tpu.memref_squeeze %dma_wait3A_443 : memref<1x128x256xf32, #tpu.memory_space<hbm>> -> memref<128x256xf32, #tpu.memory_space<hbm>>
        %dma_wait3A_445 = arith.constant 0 : i32
        %dma_wait3A_446 = tpu.memref_slice %arg4[%select_n3A, %add3A_369, %dma_wait3A_445] : memref<16x2048x256xf32, #tpu.memory_space<hbm>> -> memref<1x128x256xf32, #tpu.memory_space<hbm>>
        %dma_wait3A_447 = tpu.memref_squeeze %dma_wait3A_446 : memref<1x128x256xf32, #tpu.memory_space<hbm>> -> memref<128x256xf32, #tpu.memory_space<hbm>>
        %dma_wait3A_448 = arith.constant 0 : i32
        %dma_wait3A_449 = arith.constant 0 : i32
        %dma_wait3A_450 = tpu.memref_slice %arg10[%run_scoped3A, %dma_wait3A_448, %dma_wait3A_449] : memref<2x128x256xf32, #tpu.memory_space<vmem>> -> memref<1x128x256xf32, #tpu.memory_space<vmem>>
        %dma_wait3A_451 = tpu.memref_squeeze %dma_wait3A_450 : memref<1x128x256xf32, #tpu.memory_space<vmem>> -> memref<128x256xf32, #tpu.memory_space<vmem>>
        tpu.wait_dma2 semaphore(%run_scoped3A_423 : memref<!tpu.dma_semaphore, #tpu.memory_space<semaphore_mem>>) src(%dma_wait3A_451 : memref<128x256xf32, #tpu.memory_space<vmem>>) dst(%dma_wait3A_447 : memref<128x256xf32, #tpu.memory_space<hbm>>)
        tpu.yield
      }) : () -> ()
    } else {
    }
    %gt3A_375 = arith.constant 0 : i32
    %gt3A_376 = arith.cmpi sgt, %min3A_367, %gt3A_375 : i32
    %lt3A_377 = arith.constant 128 : i32
    %lt3A_378 = arith.cmpi slt, %min3A_367, %lt3A_377 : i32
    %and3A_379 = arith.andi %gt3A_376, %lt3A_378 : i1
    %convert_element_type3A_380 = arith.extui %and3A_379 : i1 to i32
    %cond3A_381 = arith.constant 0 : i32
    %cond3A_382 = arith.cmpi ne, %convert_element_type3A_380, %cond3A_381 : i32
    scf.if %cond3A_382 {
      %while3A = arith.constant 0 : i32
      %while3A_423 = arith.constant 128 : i32
      %while3A_424 = arith.subi %while3A_423, %min3A_367 : i32
      %while3A_425 = arith.addi %min3A_367, %while3A_424 : i32
      %while3A_426 = arith.constant 1 : i32
      %while3A_427 = arith.divsi %while3A_424, %while3A_426 : i32
      %while3A_428 = arith.muli %while3A_427, %while3A_426 : i32
      %while3A_429 = arith.addi %min3A_367, %while3A_428 : i32
      %while3A_430 = arith.constant 1 : i32
      scf.for %while3A_432 = %min3A_367 to %while3A_429 step %while3A_430  : i32 {
        %swap3A = arith.constant 0 : i32
        %swap3A_433 = arith.index_cast %swap3A : i32 to index
        %swap3A_434 = arith.index_cast %while3A_432 : i32 to index
        %swap3A_435 = arith.constant 0 : index
        %swap3A_436 = tpu.vector_load %arg10[%swap3A_433, %swap3A_434, %swap3A_435] {strides = array<i32>} : memref<2x128x256xf32, #tpu.memory_space<vmem>>, vector<16xf32>,
        tpu.vector_store %arg10[%swap3A_433, %swap3A_434, %swap3A_435], %broadcast_in_dim3A_74 {strides = array<i32>} : memref<2x128x256xf32, #tpu.memory_space<vmem>>, vector<16xf32>,
        %swap3A_437 = arith.constant 0 : i32
        %swap3A_438 = arith.index_cast %swap3A_437 : i32 to index
        %swap3A_439 = arith.index_cast %while3A_432 : i32 to index
        %swap3A_440 = arith.constant 16 : index
        %swap3A_441 = tpu.vector_load %arg10[%swap3A_438, %swap3A_439, %swap3A_440] {strides = array<i32>} : memref<2x128x256xf32, #tpu.memory_space<vmem>>, vector<16xf32>,
        tpu.vector_store %arg10[%swap3A_438, %swap3A_439, %swap3A_440], %broadcast_in_dim3A_74 {strides = array<i32>} : memref<2x128x256xf32, #tpu.memory_space<vmem>>, vector<16xf32>,
        %swap3A_442 = arith.constant 0 : i32
        %swap3A_443 = arith.index_cast %swap3A_442 : i32 to index
        %swap3A_444 = arith.index_cast %while3A_432 : i32 to index
        %swap3A_445 = arith.constant 32 : index
        %swap3A_446 = tpu.vector_load %arg10[%swap3A_443, %swap3A_444, %swap3A_445] {strides = array<i32>} : memref<2x128x256xf32, #tpu.memory_space<vmem>>, vector<16xf32>,
        tpu.vector_store %arg10[%swap3A_443, %swap3A_444, %swap3A_445], %broadcast_in_dim3A_74 {strides = array<i32>} : memref<2x128x256xf32, #tpu.memory_space<vmem>>, vector<16xf32>,
        %swap3A_447 = arith.constant 0 : i32
        %swap3A_448 = arith.index_cast %swap3A_447 : i32 to index
        %swap3A_449 = arith.index_cast %while3A_432 : i32 to index
        %swap3A_450 = arith.constant 48 : index
        %swap3A_451 = tpu.vector_load %arg10[%swap3A_448, %swap3A_449, %swap3A_450] {strides = array<i32>} : memref<2x128x256xf32, #tpu.memory_space<vmem>>, vector<16xf32>,
        tpu.vector_store %arg10[%swap3A_448, %swap3A_449, %swap3A_450], %broadcast_in_dim3A_74 {strides = array<i32>} : memref<2x128x256xf32, #tpu.memory_space<vmem>>, vector<16xf32>,
        %swap3A_452 = arith.constant 0 : i32
        %swap3A_453 = arith.index_cast %swap3A_452 : i32 to index
        %swap3A_454 = arith.index_cast %while3A_432 : i32 to index
        %swap3A_455 = arith.constant 64 : index
        %swap3A_456 = tpu.vector_load %arg10[%swap3A_453, %swap3A_454, %swap3A_455] {strides = array<i32>} : memref<2x128x256xf32, #tpu.memory_space<vmem>>, vector<16xf32>,
        tpu.vector_store %arg10[%swap3A_453, %swap3A_454, %swap3A_455], %broadcast_in_dim3A_74 {strides = array<i32>} : memref<2x128x256xf32, #tpu.memory_space<vmem>>, vector<16xf32>,
        %swap3A_457 = arith.constant 0 : i32
        %swap3A_458 = arith.index_cast %swap3A_457 : i32 to index
        %swap3A_459 = arith.index_cast %while3A_432 : i32 to index
        %swap3A_460 = arith.constant 80 : index
        %swap3A_461 = tpu.vector_load %arg10[%swap3A_458, %swap3A_459, %swap3A_460] {strides = array<i32>} : memref<2x128x256xf32, #tpu.memory_space<vmem>>, vector<16xf32>,
        tpu.vector_store %arg10[%swap3A_458, %swap3A_459, %swap3A_460], %broadcast_in_dim3A_74 {strides = array<i32>} : memref<2x128x256xf32, #tpu.memory_space<vmem>>, vector<16xf32>,
        %swap3A_462 = arith.constant 0 : i32
        %swap3A_463 = arith.index_cast %swap3A_462 : i32 to index
        %swap3A_464 = arith.index_cast %while3A_432 : i32 to index
        %swap3A_465 = arith.constant 96 : index
        %swap3A_466 = tpu.vector_load %arg10[%swap3A_463, %swap3A_464, %swap3A_465] {strides = array<i32>} : memref<2x128x256xf32, #tpu.memory_space<vmem>>, vector<16xf32>,
        tpu.vector_store %arg10[%swap3A_463, %swap3A_464, %swap3A_465], %broadcast_in_dim3A_74 {strides = array<i32>} : memref<2x128x256xf32, #tpu.memory_space<vmem>>, vector<16xf32>,
        %swap3A_467 = arith.constant 0 : i32
        %swap3A_468 = arith.index_cast %swap3A_467 : i32 to index
        %swap3A_469 = arith.index_cast %while3A_432 : i32 to index
        %swap3A_470 = arith.constant 112 : index
        %swap3A_471 = tpu.vector_load %arg10[%swap3A_468, %swap3A_469, %swap3A_470] {strides = array<i32>} : memref<2x128x256xf32, #tpu.memory_space<vmem>>, vector<16xf32>,
        tpu.vector_store %arg10[%swap3A_468, %swap3A_469, %swap3A_470], %broadcast_in_dim3A_74 {strides = array<i32>} : memref<2x128x256xf32, #tpu.memory_space<vmem>>, vector<16xf32>,
        %swap3A_472 = arith.constant 0 : i32
        %swap3A_473 = arith.index_cast %swap3A_472 : i32 to index
        %swap3A_474 = arith.index_cast %while3A_432 : i32 to index
        %swap3A_475 = arith.constant 128 : index
        %swap3A_476 = tpu.vector_load %arg10[%swap3A_473, %swap3A_474, %swap3A_475] {strides = array<i32>} : memref<2x128x256xf32, #tpu.memory_space<vmem>>, vector<16xf32>,
        tpu.vector_store %arg10[%swap3A_473, %swap3A_474, %swap3A_475], %broadcast_in_dim3A_74 {strides = array<i32>} : memref<2x128x256xf32, #tpu.memory_space<vmem>>, vector<16xf32>,
        %swap3A_477 = arith.constant 0 : i32
        %swap3A_478 = arith.index_cast %swap3A_477 : i32 to index
        %swap3A_479 = arith.index_cast %while3A_432 : i32 to index
        %swap3A_480 = arith.constant 144 : index
        %swap3A_481 = tpu.vector_load %arg10[%swap3A_478, %swap3A_479, %swap3A_480] {strides = array<i32>} : memref<2x128x256xf32, #tpu.memory_space<vmem>>, vector<16xf32>,
        tpu.vector_store %arg10[%swap3A_478, %swap3A_479, %swap3A_480], %broadcast_in_dim3A_74 {strides = array<i32>} : memref<2x128x256xf32, #tpu.memory_space<vmem>>, vector<16xf32>,
        %swap3A_482 = arith.constant 0 : i32
        %swap3A_483 = arith.index_cast %swap3A_482 : i32 to index
        %swap3A_484 = arith.index_cast %while3A_432 : i32 to index
        %swap3A_485 = arith.constant 160 : index
        %swap3A_486 = tpu.vector_load %arg10[%swap3A_483, %swap3A_484, %swap3A_485] {strides = array<i32>} : memref<2x128x256xf32, #tpu.memory_space<vmem>>, vector<16xf32>,
        tpu.vector_store %arg10[%swap3A_483, %swap3A_484, %swap3A_485], %broadcast_in_dim3A_74 {strides = array<i32>} : memref<2x128x256xf32, #tpu.memory_space<vmem>>, vector<16xf32>,
        %swap3A_487 = arith.constant 0 : i32
        %swap3A_488 = arith.index_cast %swap3A_487 : i32 to index
        %swap3A_489 = arith.index_cast %while3A_432 : i32 to index
        %swap3A_490 = arith.constant 176 : index
        %swap3A_491 = tpu.vector_load %arg10[%swap3A_488, %swap3A_489, %swap3A_490] {strides = array<i32>} : memref<2x128x256xf32, #tpu.memory_space<vmem>>, vector<16xf32>,
        tpu.vector_store %arg10[%swap3A_488, %swap3A_489, %swap3A_490], %broadcast_in_dim3A_74 {strides = array<i32>} : memref<2x128x256xf32, #tpu.memory_space<vmem>>, vector<16xf32>,
        %swap3A_492 = arith.constant 0 : i32
        %swap3A_493 = arith.index_cast %swap3A_492 : i32 to index
        %swap3A_494 = arith.index_cast %while3A_432 : i32 to index
        %swap3A_495 = arith.constant 192 : index
        %swap3A_496 = tpu.vector_load %arg10[%swap3A_493, %swap3A_494, %swap3A_495] {strides = array<i32>} : memref<2x128x256xf32, #tpu.memory_space<vmem>>, vector<16xf32>,
        tpu.vector_store %arg10[%swap3A_493, %swap3A_494, %swap3A_495], %broadcast_in_dim3A_74 {strides = array<i32>} : memref<2x128x256xf32, #tpu.memory_space<vmem>>, vector<16xf32>,
        %swap3A_497 = arith.constant 0 : i32
        %swap3A_498 = arith.index_cast %swap3A_497 : i32 to index
        %swap3A_499 = arith.index_cast %while3A_432 : i32 to index
        %swap3A_500 = arith.constant 208 : index
        %swap3A_501 = tpu.vector_load %arg10[%swap3A_498, %swap3A_499, %swap3A_500] {strides = array<i32>} : memref<2x128x256xf32, #tpu.memory_space<vmem>>, vector<16xf32>,
        tpu.vector_store %arg10[%swap3A_498, %swap3A_499, %swap3A_500], %broadcast_in_dim3A_74 {strides = array<i32>} : memref<2x128x256xf32, #tpu.memory_space<vmem>>, vector<16xf32>,
        %swap3A_502 = arith.constant 0 : i32
        %swap3A_503 = arith.index_cast %swap3A_502 : i32 to index
        %swap3A_504 = arith.index_cast %while3A_432 : i32 to index
        %swap3A_505 = arith.constant 224 : index
        %swap3A_506 = tpu.vector_load %arg10[%swap3A_503, %swap3A_504, %swap3A_505] {strides = array<i32>} : memref<2x128x256xf32, #tpu.memory_space<vmem>>, vector<16xf32>,
        tpu.vector_store %arg10[%swap3A_503, %swap3A_504, %swap3A_505], %broadcast_in_dim3A_74 {strides = array<i32>} : memref<2x128x256xf32, #tpu.memory_space<vmem>>, vector<16xf32>,
        %swap3A_507 = arith.constant 0 : i32
        %swap3A_508 = arith.index_cast %swap3A_507 : i32 to index
        %swap3A_509 = arith.index_cast %while3A_432 : i32 to index
        %swap3A_510 = arith.constant 240 : index
        %swap3A_511 = tpu.vector_load %arg10[%swap3A_508, %swap3A_509, %swap3A_510] {strides = array<i32>} : memref<2x128x256xf32, #tpu.memory_space<vmem>>, vector<16xf32>,
        tpu.vector_store %arg10[%swap3A_508, %swap3A_509, %swap3A_510], %broadcast_in_dim3A_74 {strides = array<i32>} : memref<2x128x256xf32, #tpu.memory_space<vmem>>, vector<16xf32>,
      }
      %while3A_431 = arith.constant 1 : i32
      scf.for %while3A_432 = %while3A_429 to %while3A_425 step %while3A_431  : i32 {
        %swap3A = arith.constant 0 : i32
        %swap3A_433 = arith.index_cast %swap3A : i32 to index
        %swap3A_434 = arith.index_cast %while3A_432 : i32 to index
        %swap3A_435 = arith.constant 0 : index
        %swap3A_436 = tpu.vector_load %arg10[%swap3A_433, %swap3A_434, %swap3A_435] {strides = array<i32>} : memref<2x128x256xf32, #tpu.memory_space<vmem>>, vector<16xf32>,
        tpu.vector_store %arg10[%swap3A_433, %swap3A_434, %swap3A_435], %broadcast_in_dim3A_74 {strides = array<i32>} : memref<2x128x256xf32, #tpu.memory_space<vmem>>, vector<16xf32>,
        %swap3A_437 = arith.constant 0 : i32
        %swap3A_438 = arith.index_cast %swap3A_437 : i32 to index
        %swap3A_439 = arith.index_cast %while3A_432 : i32 to index
        %swap3A_440 = arith.constant 16 : index
        %swap3A_441 = tpu.vector_load %arg10[%swap3A_438, %swap3A_439, %swap3A_440] {strides = array<i32>} : memref<2x128x256xf32, #tpu.memory_space<vmem>>, vector<16xf32>,
        tpu.vector_store %arg10[%swap3A_438, %swap3A_439, %swap3A_440], %broadcast_in_dim3A_74 {strides = array<i32>} : memref<2x128x256xf32, #tpu.memory_space<vmem>>, vector<16xf32>,
        %swap3A_442 = arith.constant 0 : i32
        %swap3A_443 = arith.index_cast %swap3A_442 : i32 to index
        %swap3A_444 = arith.index_cast %while3A_432 : i32 to index
        %swap3A_445 = arith.constant 32 : index
        %swap3A_446 = tpu.vector_load %arg10[%swap3A_443, %swap3A_444, %swap3A_445] {strides = array<i32>} : memref<2x128x256xf32, #tpu.memory_space<vmem>>, vector<16xf32>,
        tpu.vector_store %arg10[%swap3A_443, %swap3A_444, %swap3A_445], %broadcast_in_dim3A_74 {strides = array<i32>} : memref<2x128x256xf32, #tpu.memory_space<vmem>>, vector<16xf32>,
        %swap3A_447 = arith.constant 0 : i32
        %swap3A_448 = arith.index_cast %swap3A_447 : i32 to index
        %swap3A_449 = arith.index_cast %while3A_432 : i32 to index
        %swap3A_450 = arith.constant 48 : index
        %swap3A_451 = tpu.vector_load %arg10[%swap3A_448, %swap3A_449, %swap3A_450] {strides = array<i32>} : memref<2x128x256xf32, #tpu.memory_space<vmem>>, vector<16xf32>,
        tpu.vector_store %arg10[%swap3A_448, %swap3A_449, %swap3A_450], %broadcast_in_dim3A_74 {strides = array<i32>} : memref<2x128x256xf32, #tpu.memory_space<vmem>>, vector<16xf32>,
        %swap3A_452 = arith.constant 0 : i32
        %swap3A_453 = arith.index_cast %swap3A_452 : i32 to index
        %swap3A_454 = arith.index_cast %while3A_432 : i32 to index
        %swap3A_455 = arith.constant 64 : index
        %swap3A_456 = tpu.vector_load %arg10[%swap3A_453, %swap3A_454, %swap3A_455] {strides = array<i32>} : memref<2x128x256xf32, #tpu.memory_space<vmem>>, vector<16xf32>,
        tpu.vector_store %arg10[%swap3A_453, %swap3A_454, %swap3A_455], %broadcast_in_dim3A_74 {strides = array<i32>} : memref<2x128x256xf32, #tpu.memory_space<vmem>>, vector<16xf32>,
        %swap3A_457 = arith.constant 0 : i32
        %swap3A_458 = arith.index_cast %swap3A_457 : i32 to index
        %swap3A_459 = arith.index_cast %while3A_432 : i32 to index
        %swap3A_460 = arith.constant 80 : index
        %swap3A_461 = tpu.vector_load %arg10[%swap3A_458, %swap3A_459, %swap3A_460] {strides = array<i32>} : memref<2x128x256xf32, #tpu.memory_space<vmem>>, vector<16xf32>,
        tpu.vector_store %arg10[%swap3A_458, %swap3A_459, %swap3A_460], %broadcast_in_dim3A_74 {strides = array<i32>} : memref<2x128x256xf32, #tpu.memory_space<vmem>>, vector<16xf32>,
        %swap3A_462 = arith.constant 0 : i32
        %swap3A_463 = arith.index_cast %swap3A_462 : i32 to index
        %swap3A_464 = arith.index_cast %while3A_432 : i32 to index
        %swap3A_465 = arith.constant 96 : index
        %swap3A_466 = tpu.vector_load %arg10[%swap3A_463, %swap3A_464, %swap3A_465] {strides = array<i32>} : memref<2x128x256xf32, #tpu.memory_space<vmem>>, vector<16xf32>,
        tpu.vector_store %arg10[%swap3A_463, %swap3A_464, %swap3A_465], %broadcast_in_dim3A_74 {strides = array<i32>} : memref<2x128x256xf32, #tpu.memory_space<vmem>>, vector<16xf32>,
        %swap3A_467 = arith.constant 0 : i32
        %swap3A_468 = arith.index_cast %swap3A_467 : i32 to index
        %swap3A_469 = arith.index_cast %while3A_432 : i32 to index
        %swap3A_470 = arith.constant 112 : index
        %swap3A_471 = tpu.vector_load %arg10[%swap3A_468, %swap3A_469, %swap3A_470] {strides = array<i32>} : memref<2x128x256xf32, #tpu.memory_space<vmem>>, vector<16xf32>,
        tpu.vector_store %arg10[%swap3A_468, %swap3A_469, %swap3A_470], %broadcast_in_dim3A_74 {strides = array<i32>} : memref<2x128x256xf32, #tpu.memory_space<vmem>>, vector<16xf32>,
        %swap3A_472 = arith.constant 0 : i32
        %swap3A_473 = arith.index_cast %swap3A_472 : i32 to index
        %swap3A_474 = arith.index_cast %while3A_432 : i32 to index
        %swap3A_475 = arith.constant 128 : index
        %swap3A_476 = tpu.vector_load %arg10[%swap3A_473, %swap3A_474, %swap3A_475] {strides = array<i32>} : memref<2x128x256xf32, #tpu.memory_space<vmem>>, vector<16xf32>,
        tpu.vector_store %arg10[%swap3A_473, %swap3A_474, %swap3A_475], %broadcast_in_dim3A_74 {strides = array<i32>} : memref<2x128x256xf32, #tpu.memory_space<vmem>>, vector<16xf32>,
        %swap3A_477 = arith.constant 0 : i32
        %swap3A_478 = arith.index_cast %swap3A_477 : i32 to index
        %swap3A_479 = arith.index_cast %while3A_432 : i32 to index
        %swap3A_480 = arith.constant 144 : index
        %swap3A_481 = tpu.vector_load %arg10[%swap3A_478, %swap3A_479, %swap3A_480] {strides = array<i32>} : memref<2x128x256xf32, #tpu.memory_space<vmem>>, vector<16xf32>,
        tpu.vector_store %arg10[%swap3A_478, %swap3A_479, %swap3A_480], %broadcast_in_dim3A_74 {strides = array<i32>} : memref<2x128x256xf32, #tpu.memory_space<vmem>>, vector<16xf32>,
        %swap3A_482 = arith.constant 0 : i32
        %swap3A_483 = arith.index_cast %swap3A_482 : i32 to index
        %swap3A_484 = arith.index_cast %while3A_432 : i32 to index
        %swap3A_485 = arith.constant 160 : index
        %swap3A_486 = tpu.vector_load %arg10[%swap3A_483, %swap3A_484, %swap3A_485] {strides = array<i32>} : memref<2x128x256xf32, #tpu.memory_space<vmem>>, vector<16xf32>,
        tpu.vector_store %arg10[%swap3A_483, %swap3A_484, %swap3A_485], %broadcast_in_dim3A_74 {strides = array<i32>} : memref<2x128x256xf32, #tpu.memory_space<vmem>>, vector<16xf32>,
        %swap3A_487 = arith.constant 0 : i32
        %swap3A_488 = arith.index_cast %swap3A_487 : i32 to index
        %swap3A_489 = arith.index_cast %while3A_432 : i32 to index
        %swap3A_490 = arith.constant 176 : index
        %swap3A_491 = tpu.vector_load %arg10[%swap3A_488, %swap3A_489, %swap3A_490] {strides = array<i32>} : memref<2x128x256xf32, #tpu.memory_space<vmem>>, vector<16xf32>,
        tpu.vector_store %arg10[%swap3A_488, %swap3A_489, %swap3A_490], %broadcast_in_dim3A_74 {strides = array<i32>} : memref<2x128x256xf32, #tpu.memory_space<vmem>>, vector<16xf32>,
        %swap3A_492 = arith.constant 0 : i32
        %swap3A_493 = arith.index_cast %swap3A_492 : i32 to index
        %swap3A_494 = arith.index_cast %while3A_432 : i32 to index
        %swap3A_495 = arith.constant 192 : index
        %swap3A_496 = tpu.vector_load %arg10[%swap3A_493, %swap3A_494, %swap3A_495] {strides = array<i32>} : memref<2x128x256xf32, #tpu.memory_space<vmem>>, vector<16xf32>,
        tpu.vector_store %arg10[%swap3A_493, %swap3A_494, %swap3A_495], %broadcast_in_dim3A_74 {strides = array<i32>} : memref<2x128x256xf32, #tpu.memory_space<vmem>>, vector<16xf32>,
        %swap3A_497 = arith.constant 0 : i32
        %swap3A_498 = arith.index_cast %swap3A_497 : i32 to index
        %swap3A_499 = arith.index_cast %while3A_432 : i32 to index
        %swap3A_500 = arith.constant 208 : index
        %swap3A_501 = tpu.vector_load %arg10[%swap3A_498, %swap3A_499, %swap3A_500] {strides = array<i32>} : memref<2x128x256xf32, #tpu.memory_space<vmem>>, vector<16xf32>,
        tpu.vector_store %arg10[%swap3A_498, %swap3A_499, %swap3A_500], %broadcast_in_dim3A_74 {strides = array<i32>} : memref<2x128x256xf32, #tpu.memory_space<vmem>>, vector<16xf32>,
        %swap3A_502 = arith.constant 0 : i32
        %swap3A_503 = arith.index_cast %swap3A_502 : i32 to index
        %swap3A_504 = arith.index_cast %while3A_432 : i32 to index
        %swap3A_505 = arith.constant 224 : index
        %swap3A_506 = tpu.vector_load %arg10[%swap3A_503, %swap3A_504, %swap3A_505] {strides = array<i32>} : memref<2x128x256xf32, #tpu.memory_space<vmem>>, vector<16xf32>,
        tpu.vector_store %arg10[%swap3A_503, %swap3A_504, %swap3A_505], %broadcast_in_dim3A_74 {strides = array<i32>} : memref<2x128x256xf32, #tpu.memory_space<vmem>>, vector<16xf32>,
        %swap3A_507 = arith.constant 0 : i32
        %swap3A_508 = arith.index_cast %swap3A_507 : i32 to index
        %swap3A_509 = arith.index_cast %while3A_432 : i32 to index
        %swap3A_510 = arith.constant 240 : index
        %swap3A_511 = tpu.vector_load %arg10[%swap3A_508, %swap3A_509, %swap3A_510] {strides = array<i32>} : memref<2x128x256xf32, #tpu.memory_space<vmem>>, vector<16xf32>,
        tpu.vector_store %arg10[%swap3A_508, %swap3A_509, %swap3A_510], %broadcast_in_dim3A_74 {strides = array<i32>} : memref<2x128x256xf32, #tpu.memory_space<vmem>>, vector<16xf32>,
      }
      %run_scoped3A = arith.constant 0 : i32
      "tpu.region"() ({
        %run_scoped3A_432 = tpu.sem_alloc : memref<!tpu.dma_semaphore, #tpu.memory_space<semaphore_mem>>
        %dma_start3A_433 = arith.constant 0 : i32
        %dma_start3A_434 = arith.constant 0 : i32
        %dma_start3A_435 = tpu.memref_slice %arg10[%run_scoped3A, %dma_start3A_433, %dma_start3A_434] : memref<2x128x256xf32, #tpu.memory_space<vmem>> -> memref<1x128x256xf32, #tpu.memory_space<vmem>>
        %dma_start3A_436 = tpu.memref_squeeze %dma_start3A_435 : memref<1x128x256xf32, #tpu.memory_space<vmem>> -> memref<128x256xf32, #tpu.memory_space<vmem>>
        %dma_start3A_437 = arith.constant 0 : i32
        %dma_start3A_438 = tpu.memref_slice %arg4[%select_n3A, %add3A_369, %dma_start3A_437] : memref<16x2048x256xf32, #tpu.memory_space<hbm>> -> memref<1x128x256xf32, #tpu.memory_space<hbm>>
        %dma_start3A_439 = tpu.memref_squeeze %dma_start3A_438 : memref<1x128x256xf32, #tpu.memory_space<hbm>> -> memref<128x256xf32, #tpu.memory_space<hbm>>
        %dma_start3A_440 = arith.constant 0 : i32
        %dma_start3A_441 = tpu.memref_slice %arg4[%select_n3A, %add3A_369, %dma_start3A_440] : memref<16x2048x256xf32, #tpu.memory_space<hbm>> -> memref<1x128x256xf32, #tpu.memory_space<hbm>>
        %dma_start3A_442 = tpu.memref_squeeze %dma_start3A_441 : memref<1x128x256xf32, #tpu.memory_space<hbm>> -> memref<128x256xf32, #tpu.memory_space<hbm>>
        %dma_start3A_443 = arith.constant 0 : i32
        %dma_start3A_444 = arith.constant 0 : i32
        %dma_start3A_445 = tpu.memref_slice %arg10[%run_scoped3A, %dma_start3A_443, %dma_start3A_444] : memref<2x128x256xf32, #tpu.memory_space<vmem>> -> memref<1x128x256xf32, #tpu.memory_space<vmem>>
        %dma_start3A_446 = tpu.memref_squeeze %dma_start3A_445 : memref<1x128x256xf32, #tpu.memory_space<vmem>> -> memref<128x256xf32, #tpu.memory_space<vmem>>
        tpu.enqueue_dma source(%dma_start3A_446 : memref<128x256xf32, #tpu.memory_space<vmem>>) target(%dma_start3A_442 : memref<128x256xf32, #tpu.memory_space<hbm>>) target_semaphore(%run_scoped3A_432 : memref<!tpu.dma_semaphore, #tpu.memory_space<semaphore_mem>>)
        %dma_wait3A_447 = arith.constant 0 : i32
        %dma_wait3A_448 = arith.constant 0 : i32
        %dma_wait3A_449 = tpu.memref_slice %arg10[%run_scoped3A, %dma_wait3A_447, %dma_wait3A_448] : memref<2x128x256xf32, #tpu.memory_space<vmem>> -> memref<1x128x256xf32, #tpu.memory_space<vmem>>
        %dma_wait3A_450 = tpu.memref_squeeze %dma_wait3A_449 : memref<1x128x256xf32, #tpu.memory_space<vmem>> -> memref<128x256xf32, #tpu.memory_space<vmem>>
        %dma_wait3A_451 = arith.constant 0 : i32
        %dma_wait3A_452 = tpu.memref_slice %arg4[%select_n3A, %add3A_369, %dma_wait3A_451] : memref<16x2048x256xf32, #tpu.memory_space<hbm>> -> memref<1x128x256xf32, #tpu.memory_space<hbm>>
        %dma_wait3A_453 = tpu.memref_squeeze %dma_wait3A_452 : memref<1x128x256xf32, #tpu.memory_space<hbm>> -> memref<128x256xf32, #tpu.memory_space<hbm>>
        %dma_wait3A_454 = arith.constant 0 : i32
        %dma_wait3A_455 = tpu.memref_slice %arg4[%select_n3A, %add3A_369, %dma_wait3A_454] : memref<16x2048x256xf32, #tpu.memory_space<hbm>> -> memref<1x128x256xf32, #tpu.memory_space<hbm>>
        %dma_wait3A_456 = tpu.memref_squeeze %dma_wait3A_455 : memref<1x128x256xf32, #tpu.memory_space<hbm>> -> memref<128x256xf32, #tpu.memory_space<hbm>>
        %dma_wait3A_457 = arith.constant 0 : i32
        %dma_wait3A_458 = arith.constant 0 : i32
        %dma_wait3A_459 = tpu.memref_slice %arg10[%run_scoped3A, %dma_wait3A_457, %dma_wait3A_458] : memref<2x128x256xf32, #tpu.memory_space<vmem>> -> memref<1x128x256xf32, #tpu.memory_space<vmem>>
        %dma_wait3A_460 = tpu.memref_squeeze %dma_wait3A_459 : memref<1x128x256xf32, #tpu.memory_space<vmem>> -> memref<128x256xf32, #tpu.memory_space<vmem>>
        tpu.wait_dma2 semaphore(%run_scoped3A_432 : memref<!tpu.dma_semaphore, #tpu.memory_space<semaphore_mem>>) src(%dma_wait3A_460 : memref<128x256xf32, #tpu.memory_space<vmem>>) dst(%dma_wait3A_456 : memref<128x256xf32, #tpu.memory_space<hbm>>)
        tpu.yield
      }) : () -> ()
    } else {
    }
    %eq3A_383 = arith.constant 0 : i32
    %eq3A_384 = arith.cmpi eq, %min3A_367, %eq3A_383 : i32
    %convert_element_type3A_385 = arith.extui %eq3A_384 : i1 to i32
    %cond3A_386 = arith.constant 0 : i32
    %cond3A_387 = arith.cmpi ne, %convert_element_type3A_385, %cond3A_386 : i32
    scf.if %cond3A_387 {
      "tpu.region"() ({
        %run_scoped3A = tpu.sem_alloc : memref<!tpu.dma_semaphore, #tpu.memory_space<semaphore_mem>>
        %dma_start3A_423 = arith.constant 0 : i32
        %dma_start3A_424 = tpu.memref_slice %arg4[%select_n3A, %add3A_369, %dma_start3A_423] : memref<16x2048x256xf32, #tpu.memory_space<hbm>> -> memref<1x128x256xf32, #tpu.memory_space<hbm>>
        %dma_start3A_425 = tpu.memref_squeeze %dma_start3A_424 : memref<1x128x256xf32, #tpu.memory_space<hbm>> -> memref<128x256xf32, #tpu.memory_space<hbm>>
        %dma_start3A_426 = arith.constant 0 : i32
        %dma_start3A_427 = tpu.memref_slice %arg4[%select_n3A, %add3A_369, %dma_start3A_426] : memref<16x2048x256xf32, #tpu.memory_space<hbm>> -> memref<1x128x256xf32, #tpu.memory_space<hbm>>
        %dma_start3A_428 = tpu.memref_squeeze %dma_start3A_427 : memref<1x128x256xf32, #tpu.memory_space<hbm>> -> memref<128x256xf32, #tpu.memory_space<hbm>>
        tpu.enqueue_dma source(%arg11 : memref<128x256xf32, #tpu.memory_space<vmem>>) target(%dma_start3A_428 : memref<128x256xf32, #tpu.memory_space<hbm>>) target_semaphore(%run_scoped3A : memref<!tpu.dma_semaphore, #tpu.memory_space<semaphore_mem>>)
        %dma_wait3A_429 = arith.constant 0 : i32
        %dma_wait3A_430 = tpu.memref_slice %arg4[%select_n3A, %add3A_369, %dma_wait3A_429] : memref<16x2048x256xf32, #tpu.memory_space<hbm>> -> memref<1x128x256xf32, #tpu.memory_space<hbm>>
        %dma_wait3A_431 = tpu.memref_squeeze %dma_wait3A_430 : memref<1x128x256xf32, #tpu.memory_space<hbm>> -> memref<128x256xf32, #tpu.memory_space<hbm>>
        %dma_wait3A_432 = arith.constant 0 : i32
        %dma_wait3A_433 = tpu.memref_slice %arg4[%select_n3A, %add3A_369, %dma_wait3A_432] : memref<16x2048x256xf32, #tpu.memory_space<hbm>> -> memref<1x128x256xf32, #tpu.memory_space<hbm>>
        %dma_wait3A_434 = tpu.memref_squeeze %dma_wait3A_433 : memref<1x128x256xf32, #tpu.memory_space<hbm>> -> memref<128x256xf32, #tpu.memory_space<hbm>>
        tpu.wait_dma2 semaphore(%run_scoped3A : memref<!tpu.dma_semaphore, #tpu.memory_space<semaphore_mem>>) src(%arg11 : memref<128x256xf32, #tpu.memory_space<vmem>>) dst(%dma_wait3A_434 : memref<128x256xf32, #tpu.memory_space<hbm>>)
        tpu.yield
      }) : () -> ()
    } else {
    }
    %dma_wait3A_388 = arith.constant 1 : i32
    %dma_wait3A_389 = arith.constant 0 : i32
    %dma_wait3A_390 = arith.constant 0 : i32
    %dma_wait3A_391 = tpu.memref_slice %arg10[%dma_wait3A_388, %dma_wait3A_389, %dma_wait3A_390] : memref<2x128x256xf32, #tpu.memory_space<vmem>> -> memref<1x128x256xf32, #tpu.memory_space<vmem>>
    %dma_wait3A_392 = tpu.memref_squeeze %dma_wait3A_391 : memref<1x128x256xf32, #tpu.memory_space<vmem>> -> memref<128x256xf32, #tpu.memory_space<vmem>>
    %dma_wait3A_393 = tpu.memref_slice %arg6[%add3A_343] : memref<2048xi32, #tpu.memory_space<vmem>> -> memref<128xi32, #tpu.memory_space<vmem>>
    %dma_wait3A_394 = arith.constant 0 : i32
    %dma_wait3A_395 = arith.constant 0 : i32
    %dma_wait3A_396 = tpu.memref_slice %arg2[%dma_wait3A_394, %dma_wait3A_395] : memref<8192x256xf32, #tpu.memory_space<hbm>> -> memref<8192x256xf32, #tpu.memory_space<hbm>>
    tpu.wait_indirect_dma semaphore(%arg13 : memref<!tpu.dma_semaphore, #tpu.memory_space<semaphore_mem>>) src(%dma_wait3A_396 : memref<8192x256xf32, #tpu.memory_space<hbm>>) dst(%dma_wait3A_392 : memref<128x256xf32, #tpu.memory_space<vmem>>)
    %sub3A_397 = arith.constant 896 : i32
    %sub3A_398 = arith.subi %min3A, %sub3A_397 : i32
    %jit3A_399 = arith.constant 0 : i32
    %jit3A_400 = arith.constant 128 : i32
    %max3A_401 = arith.maxsi %jit3A_399, %sub3A_398 : i32
    %min3A_402 = arith.minsi %jit3A_400, %max3A_401 : i32
    %add3A_403 = arith.constant 896 : i32
    %add3A_404 = arith.addi %mul3A_32, %add3A_403 : i32
    %eq3A_405 = arith.constant 128 : i32
    %eq3A_406 = arith.cmpi eq, %min3A_402, %eq3A_405 : i32
    %convert_element_type3A_407 = arith.extui %eq3A_406 : i1 to i32
    %cond3A_408 = arith.constant 0 : i32
    %cond3A_409 = arith.cmpi ne, %convert_element_type3A_407, %cond3A_408 : i32
    scf.if %cond3A_409 {
      %run_scoped3A = arith.constant 1 : i32
      "tpu.region"() ({
        %run_scoped3A_423 = tpu.sem_alloc : memref<!tpu.dma_semaphore, #tpu.memory_space<semaphore_mem>>
        %dma_start3A_424 = arith.constant 0 : i32
        %dma_start3A_425 = arith.constant 0 : i32
        %dma_start3A_426 = tpu.memref_slice %arg10[%run_scoped3A, %dma_start3A_424, %dma_start3A_425] : memref<2x128x256xf32, #tpu.memory_space<vmem>> -> memref<1x128x256xf32, #tpu.memory_space<vmem>>
        %dma_start3A_427 = tpu.memref_squeeze %dma_start3A_426 : memref<1x128x256xf32, #tpu.memory_space<vmem>> -> memref<128x256xf32, #tpu.memory_space<vmem>>
        %dma_start3A_428 = arith.constant 0 : i32
        %dma_start3A_429 = tpu.memref_slice %arg4[%select_n3A, %add3A_404, %dma_start3A_428] : memref<16x2048x256xf32, #tpu.memory_space<hbm>> -> memref<1x128x256xf32, #tpu.memory_space<hbm>>
        %dma_start3A_430 = tpu.memref_squeeze %dma_start3A_429 : memref<1x128x256xf32, #tpu.memory_space<hbm>> -> memref<128x256xf32, #tpu.memory_space<hbm>>
        %dma_start3A_431 = arith.constant 0 : i32
        %dma_start3A_432 = tpu.memref_slice %arg4[%select_n3A, %add3A_404, %dma_start3A_431] : memref<16x2048x256xf32, #tpu.memory_space<hbm>> -> memref<1x128x256xf32, #tpu.memory_space<hbm>>
        %dma_start3A_433 = tpu.memref_squeeze %dma_start3A_432 : memref<1x128x256xf32, #tpu.memory_space<hbm>> -> memref<128x256xf32, #tpu.memory_space<hbm>>
        %dma_start3A_434 = arith.constant 0 : i32
        %dma_start3A_435 = arith.constant 0 : i32
        %dma_start3A_436 = tpu.memref_slice %arg10[%run_scoped3A, %dma_start3A_434, %dma_start3A_435] : memref<2x128x256xf32, #tpu.memory_space<vmem>> -> memref<1x128x256xf32, #tpu.memory_space<vmem>>
        %dma_start3A_437 = tpu.memref_squeeze %dma_start3A_436 : memref<1x128x256xf32, #tpu.memory_space<vmem>> -> memref<128x256xf32, #tpu.memory_space<vmem>>
        tpu.enqueue_dma source(%dma_start3A_437 : memref<128x256xf32, #tpu.memory_space<vmem>>) target(%dma_start3A_433 : memref<128x256xf32, #tpu.memory_space<hbm>>) target_semaphore(%run_scoped3A_423 : memref<!tpu.dma_semaphore, #tpu.memory_space<semaphore_mem>>)
        %dma_wait3A_438 = arith.constant 0 : i32
        %dma_wait3A_439 = arith.constant 0 : i32
        %dma_wait3A_440 = tpu.memref_slice %arg10[%run_scoped3A, %dma_wait3A_438, %dma_wait3A_439] : memref<2x128x256xf32, #tpu.memory_space<vmem>> -> memref<1x128x256xf32, #tpu.memory_space<vmem>>
        %dma_wait3A_441 = tpu.memref_squeeze %dma_wait3A_440 : memref<1x128x256xf32, #tpu.memory_space<vmem>> -> memref<128x256xf32, #tpu.memory_space<vmem>>
        %dma_wait3A_442 = arith.constant 0 : i32
        %dma_wait3A_443 = tpu.memref_slice %arg4[%select_n3A, %add3A_404, %dma_wait3A_442] : memref<16x2048x256xf32, #tpu.memory_space<hbm>> -> memref<1x128x256xf32, #tpu.memory_space<hbm>>
        %dma_wait3A_444 = tpu.memref_squeeze %dma_wait3A_443 : memref<1x128x256xf32, #tpu.memory_space<hbm>> -> memref<128x256xf32, #tpu.memory_space<hbm>>
        %dma_wait3A_445 = arith.constant 0 : i32
        %dma_wait3A_446 = tpu.memref_slice %arg4[%select_n3A, %add3A_404, %dma_wait3A_445] : memref<16x2048x256xf32, #tpu.memory_space<hbm>> -> memref<1x128x256xf32, #tpu.memory_space<hbm>>
        %dma_wait3A_447 = tpu.memref_squeeze %dma_wait3A_446 : memref<1x128x256xf32, #tpu.memory_space<hbm>> -> memref<128x256xf32, #tpu.memory_space<hbm>>
        %dma_wait3A_448 = arith.constant 0 : i32
        %dma_wait3A_449 = arith.constant 0 : i32
        %dma_wait3A_450 = tpu.memref_slice %arg10[%run_scoped3A, %dma_wait3A_448, %dma_wait3A_449] : memref<2x128x256xf32, #tpu.memory_space<vmem>> -> memref<1x128x256xf32, #tpu.memory_space<vmem>>
        %dma_wait3A_451 = tpu.memref_squeeze %dma_wait3A_450 : memref<1x128x256xf32, #tpu.memory_space<vmem>> -> memref<128x256xf32, #tpu.memory_space<vmem>>
        tpu.wait_dma2 semaphore(%run_scoped3A_423 : memref<!tpu.dma_semaphore, #tpu.memory_space<semaphore_mem>>) src(%dma_wait3A_451 : memref<128x256xf32, #tpu.memory_space<vmem>>) dst(%dma_wait3A_447 : memref<128x256xf32, #tpu.memory_space<hbm>>)
        tpu.yield
      }) : () -> ()
    } else {
    }
    %gt3A_410 = arith.constant 0 : i32
    %gt3A_411 = arith.cmpi sgt, %min3A_402, %gt3A_410 : i32
    %lt3A_412 = arith.constant 128 : i32
    %lt3A_413 = arith.cmpi slt, %min3A_402, %lt3A_412 : i32
    %and3A_414 = arith.andi %gt3A_411, %lt3A_413 : i1
    %convert_element_type3A_415 = arith.extui %and3A_414 : i1 to i32
    %cond3A_416 = arith.constant 0 : i32
    %cond3A_417 = arith.cmpi ne, %convert_element_type3A_415, %cond3A_416 : i32
    scf.if %cond3A_417 {
      %while3A = arith.constant 0 : i32
      %while3A_423 = arith.constant 128 : i32
      %while3A_424 = arith.subi %while3A_423, %min3A_402 : i32
      %while3A_425 = arith.addi %min3A_402, %while3A_424 : i32
      %while3A_426 = arith.constant 1 : i32
      %while3A_427 = arith.divsi %while3A_424, %while3A_426 : i32
      %while3A_428 = arith.muli %while3A_427, %while3A_426 : i32
      %while3A_429 = arith.addi %min3A_402, %while3A_428 : i32
      %while3A_430 = arith.constant 1 : i32
      scf.for %while3A_432 = %min3A_402 to %while3A_429 step %while3A_430  : i32 {
        %swap3A = arith.constant 1 : i32
        %swap3A_433 = arith.index_cast %swap3A : i32 to index
        %swap3A_434 = arith.index_cast %while3A_432 : i32 to index
        %swap3A_435 = arith.constant 0 : index
        %swap3A_436 = tpu.vector_load %arg10[%swap3A_433, %swap3A_434, %swap3A_435] {strides = array<i32>} : memref<2x128x256xf32, #tpu.memory_space<vmem>>, vector<16xf32>,
        tpu.vector_store %arg10[%swap3A_433, %swap3A_434, %swap3A_435], %broadcast_in_dim3A_74 {strides = array<i32>} : memref<2x128x256xf32, #tpu.memory_space<vmem>>, vector<16xf32>,
        %swap3A_437 = arith.constant 1 : i32
        %swap3A_438 = arith.index_cast %swap3A_437 : i32 to index
        %swap3A_439 = arith.index_cast %while3A_432 : i32 to index
        %swap3A_440 = arith.constant 16 : index
        %swap3A_441 = tpu.vector_load %arg10[%swap3A_438, %swap3A_439, %swap3A_440] {strides = array<i32>} : memref<2x128x256xf32, #tpu.memory_space<vmem>>, vector<16xf32>,
        tpu.vector_store %arg10[%swap3A_438, %swap3A_439, %swap3A_440], %broadcast_in_dim3A_74 {strides = array<i32>} : memref<2x128x256xf32, #tpu.memory_space<vmem>>, vector<16xf32>,
        %swap3A_442 = arith.constant 1 : i32
        %swap3A_443 = arith.index_cast %swap3A_442 : i32 to index
        %swap3A_444 = arith.index_cast %while3A_432 : i32 to index
        %swap3A_445 = arith.constant 32 : index
        %swap3A_446 = tpu.vector_load %arg10[%swap3A_443, %swap3A_444, %swap3A_445] {strides = array<i32>} : memref<2x128x256xf32, #tpu.memory_space<vmem>>, vector<16xf32>,
        tpu.vector_store %arg10[%swap3A_443, %swap3A_444, %swap3A_445], %broadcast_in_dim3A_74 {strides = array<i32>} : memref<2x128x256xf32, #tpu.memory_space<vmem>>, vector<16xf32>,
        %swap3A_447 = arith.constant 1 : i32
        %swap3A_448 = arith.index_cast %swap3A_447 : i32 to index
        %swap3A_449 = arith.index_cast %while3A_432 : i32 to index
        %swap3A_450 = arith.constant 48 : index
        %swap3A_451 = tpu.vector_load %arg10[%swap3A_448, %swap3A_449, %swap3A_450] {strides = array<i32>} : memref<2x128x256xf32, #tpu.memory_space<vmem>>, vector<16xf32>,
        tpu.vector_store %arg10[%swap3A_448, %swap3A_449, %swap3A_450], %broadcast_in_dim3A_74 {strides = array<i32>} : memref<2x128x256xf32, #tpu.memory_space<vmem>>, vector<16xf32>,
        %swap3A_452 = arith.constant 1 : i32
        %swap3A_453 = arith.index_cast %swap3A_452 : i32 to index
        %swap3A_454 = arith.index_cast %while3A_432 : i32 to index
        %swap3A_455 = arith.constant 64 : index
        %swap3A_456 = tpu.vector_load %arg10[%swap3A_453, %swap3A_454, %swap3A_455] {strides = array<i32>} : memref<2x128x256xf32, #tpu.memory_space<vmem>>, vector<16xf32>,
        tpu.vector_store %arg10[%swap3A_453, %swap3A_454, %swap3A_455], %broadcast_in_dim3A_74 {strides = array<i32>} : memref<2x128x256xf32, #tpu.memory_space<vmem>>, vector<16xf32>,
        %swap3A_457 = arith.constant 1 : i32
        %swap3A_458 = arith.index_cast %swap3A_457 : i32 to index
        %swap3A_459 = arith.index_cast %while3A_432 : i32 to index
        %swap3A_460 = arith.constant 80 : index
        %swap3A_461 = tpu.vector_load %arg10[%swap3A_458, %swap3A_459, %swap3A_460] {strides = array<i32>} : memref<2x128x256xf32, #tpu.memory_space<vmem>>, vector<16xf32>,
        tpu.vector_store %arg10[%swap3A_458, %swap3A_459, %swap3A_460], %broadcast_in_dim3A_74 {strides = array<i32>} : memref<2x128x256xf32, #tpu.memory_space<vmem>>, vector<16xf32>,
        %swap3A_462 = arith.constant 1 : i32
        %swap3A_463 = arith.index_cast %swap3A_462 : i32 to index
        %swap3A_464 = arith.index_cast %while3A_432 : i32 to index
        %swap3A_465 = arith.constant 96 : index
        %swap3A_466 = tpu.vector_load %arg10[%swap3A_463, %swap3A_464, %swap3A_465] {strides = array<i32>} : memref<2x128x256xf32, #tpu.memory_space<vmem>>, vector<16xf32>,
        tpu.vector_store %arg10[%swap3A_463, %swap3A_464, %swap3A_465], %broadcast_in_dim3A_74 {strides = array<i32>} : memref<2x128x256xf32, #tpu.memory_space<vmem>>, vector<16xf32>,
        %swap3A_467 = arith.constant 1 : i32
        %swap3A_468 = arith.index_cast %swap3A_467 : i32 to index
        %swap3A_469 = arith.index_cast %while3A_432 : i32 to index
        %swap3A_470 = arith.constant 112 : index
        %swap3A_471 = tpu.vector_load %arg10[%swap3A_468, %swap3A_469, %swap3A_470] {strides = array<i32>} : memref<2x128x256xf32, #tpu.memory_space<vmem>>, vector<16xf32>,
        tpu.vector_store %arg10[%swap3A_468, %swap3A_469, %swap3A_470], %broadcast_in_dim3A_74 {strides = array<i32>} : memref<2x128x256xf32, #tpu.memory_space<vmem>>, vector<16xf32>,
        %swap3A_472 = arith.constant 1 : i32
        %swap3A_473 = arith.index_cast %swap3A_472 : i32 to index
        %swap3A_474 = arith.index_cast %while3A_432 : i32 to index
        %swap3A_475 = arith.constant 128 : index
        %swap3A_476 = tpu.vector_load %arg10[%swap3A_473, %swap3A_474, %swap3A_475] {strides = array<i32>} : memref<2x128x256xf32, #tpu.memory_space<vmem>>, vector<16xf32>,
        tpu.vector_store %arg10[%swap3A_473, %swap3A_474, %swap3A_475], %broadcast_in_dim3A_74 {strides = array<i32>} : memref<2x128x256xf32, #tpu.memory_space<vmem>>, vector<16xf32>,
        %swap3A_477 = arith.constant 1 : i32
        %swap3A_478 = arith.index_cast %swap3A_477 : i32 to index
        %swap3A_479 = arith.index_cast %while3A_432 : i32 to index
        %swap3A_480 = arith.constant 144 : index
        %swap3A_481 = tpu.vector_load %arg10[%swap3A_478, %swap3A_479, %swap3A_480] {strides = array<i32>} : memref<2x128x256xf32, #tpu.memory_space<vmem>>, vector<16xf32>,
        tpu.vector_store %arg10[%swap3A_478, %swap3A_479, %swap3A_480], %broadcast_in_dim3A_74 {strides = array<i32>} : memref<2x128x256xf32, #tpu.memory_space<vmem>>, vector<16xf32>,
        %swap3A_482 = arith.constant 1 : i32
        %swap3A_483 = arith.index_cast %swap3A_482 : i32 to index
        %swap3A_484 = arith.index_cast %while3A_432 : i32 to index
        %swap3A_485 = arith.constant 160 : index
        %swap3A_486 = tpu.vector_load %arg10[%swap3A_483, %swap3A_484, %swap3A_485] {strides = array<i32>} : memref<2x128x256xf32, #tpu.memory_space<vmem>>, vector<16xf32>,
        tpu.vector_store %arg10[%swap3A_483, %swap3A_484, %swap3A_485], %broadcast_in_dim3A_74 {strides = array<i32>} : memref<2x128x256xf32, #tpu.memory_space<vmem>>, vector<16xf32>,
        %swap3A_487 = arith.constant 1 : i32
        %swap3A_488 = arith.index_cast %swap3A_487 : i32 to index
        %swap3A_489 = arith.index_cast %while3A_432 : i32 to index
        %swap3A_490 = arith.constant 176 : index
        %swap3A_491 = tpu.vector_load %arg10[%swap3A_488, %swap3A_489, %swap3A_490] {strides = array<i32>} : memref<2x128x256xf32, #tpu.memory_space<vmem>>, vector<16xf32>,
        tpu.vector_store %arg10[%swap3A_488, %swap3A_489, %swap3A_490], %broadcast_in_dim3A_74 {strides = array<i32>} : memref<2x128x256xf32, #tpu.memory_space<vmem>>, vector<16xf32>,
        %swap3A_492 = arith.constant 1 : i32
        %swap3A_493 = arith.index_cast %swap3A_492 : i32 to index
        %swap3A_494 = arith.index_cast %while3A_432 : i32 to index
        %swap3A_495 = arith.constant 192 : index
        %swap3A_496 = tpu.vector_load %arg10[%swap3A_493, %swap3A_494, %swap3A_495] {strides = array<i32>} : memref<2x128x256xf32, #tpu.memory_space<vmem>>, vector<16xf32>,
        tpu.vector_store %arg10[%swap3A_493, %swap3A_494, %swap3A_495], %broadcast_in_dim3A_74 {strides = array<i32>} : memref<2x128x256xf32, #tpu.memory_space<vmem>>, vector<16xf32>,
        %swap3A_497 = arith.constant 1 : i32
        %swap3A_498 = arith.index_cast %swap3A_497 : i32 to index
        %swap3A_499 = arith.index_cast %while3A_432 : i32 to index
        %swap3A_500 = arith.constant 208 : index
        %swap3A_501 = tpu.vector_load %arg10[%swap3A_498, %swap3A_499, %swap3A_500] {strides = array<i32>} : memref<2x128x256xf32, #tpu.memory_space<vmem>>, vector<16xf32>,
        tpu.vector_store %arg10[%swap3A_498, %swap3A_499, %swap3A_500], %broadcast_in_dim3A_74 {strides = array<i32>} : memref<2x128x256xf32, #tpu.memory_space<vmem>>, vector<16xf32>,
        %swap3A_502 = arith.constant 1 : i32
        %swap3A_503 = arith.index_cast %swap3A_502 : i32 to index
        %swap3A_504 = arith.index_cast %while3A_432 : i32 to index
        %swap3A_505 = arith.constant 224 : index
        %swap3A_506 = tpu.vector_load %arg10[%swap3A_503, %swap3A_504, %swap3A_505] {strides = array<i32>} : memref<2x128x256xf32, #tpu.memory_space<vmem>>, vector<16xf32>,
        tpu.vector_store %arg10[%swap3A_503, %swap3A_504, %swap3A_505], %broadcast_in_dim3A_74 {strides = array<i32>} : memref<2x128x256xf32, #tpu.memory_space<vmem>>, vector<16xf32>,
        %swap3A_507 = arith.constant 1 : i32
        %swap3A_508 = arith.index_cast %swap3A_507 : i32 to index
        %swap3A_509 = arith.index_cast %while3A_432 : i32 to index
        %swap3A_510 = arith.constant 240 : index
        %swap3A_511 = tpu.vector_load %arg10[%swap3A_508, %swap3A_509, %swap3A_510] {strides = array<i32>} : memref<2x128x256xf32, #tpu.memory_space<vmem>>, vector<16xf32>,
        tpu.vector_store %arg10[%swap3A_508, %swap3A_509, %swap3A_510], %broadcast_in_dim3A_74 {strides = array<i32>} : memref<2x128x256xf32, #tpu.memory_space<vmem>>, vector<16xf32>,
      }
      %while3A_431 = arith.constant 1 : i32
      scf.for %while3A_432 = %while3A_429 to %while3A_425 step %while3A_431  : i32 {
        %swap3A = arith.constant 1 : i32
        %swap3A_433 = arith.index_cast %swap3A : i32 to index
        %swap3A_434 = arith.index_cast %while3A_432 : i32 to index
        %swap3A_435 = arith.constant 0 : index
        %swap3A_436 = tpu.vector_load %arg10[%swap3A_433, %swap3A_434, %swap3A_435] {strides = array<i32>} : memref<2x128x256xf32, #tpu.memory_space<vmem>>, vector<16xf32>,
        tpu.vector_store %arg10[%swap3A_433, %swap3A_434, %swap3A_435], %broadcast_in_dim3A_74 {strides = array<i32>} : memref<2x128x256xf32, #tpu.memory_space<vmem>>, vector<16xf32>,
        %swap3A_437 = arith.constant 1 : i32
        %swap3A_438 = arith.index_cast %swap3A_437 : i32 to index
        %swap3A_439 = arith.index_cast %while3A_432 : i32 to index
        %swap3A_440 = arith.constant 16 : index
        %swap3A_441 = tpu.vector_load %arg10[%swap3A_438, %swap3A_439, %swap3A_440] {strides = array<i32>} : memref<2x128x256xf32, #tpu.memory_space<vmem>>, vector<16xf32>,
        tpu.vector_store %arg10[%swap3A_438, %swap3A_439, %swap3A_440], %broadcast_in_dim3A_74 {strides = array<i32>} : memref<2x128x256xf32, #tpu.memory_space<vmem>>, vector<16xf32>,
        %swap3A_442 = arith.constant 1 : i32
        %swap3A_443 = arith.index_cast %swap3A_442 : i32 to index
        %swap3A_444 = arith.index_cast %while3A_432 : i32 to index
        %swap3A_445 = arith.constant 32 : index
        %swap3A_446 = tpu.vector_load %arg10[%swap3A_443, %swap3A_444, %swap3A_445] {strides = array<i32>} : memref<2x128x256xf32, #tpu.memory_space<vmem>>, vector<16xf32>,
        tpu.vector_store %arg10[%swap3A_443, %swap3A_444, %swap3A_445], %broadcast_in_dim3A_74 {strides = array<i32>} : memref<2x128x256xf32, #tpu.memory_space<vmem>>, vector<16xf32>,
        %swap3A_447 = arith.constant 1 : i32
        %swap3A_448 = arith.index_cast %swap3A_447 : i32 to index
        %swap3A_449 = arith.index_cast %while3A_432 : i32 to index
        %swap3A_450 = arith.constant 48 : index
        %swap3A_451 = tpu.vector_load %arg10[%swap3A_448, %swap3A_449, %swap3A_450] {strides = array<i32>} : memref<2x128x256xf32, #tpu.memory_space<vmem>>, vector<16xf32>,
        tpu.vector_store %arg10[%swap3A_448, %swap3A_449, %swap3A_450], %broadcast_in_dim3A_74 {strides = array<i32>} : memref<2x128x256xf32, #tpu.memory_space<vmem>>, vector<16xf32>,
        %swap3A_452 = arith.constant 1 : i32
        %swap3A_453 = arith.index_cast %swap3A_452 : i32 to index
        %swap3A_454 = arith.index_cast %while3A_432 : i32 to index
        %swap3A_455 = arith.constant 64 : index
        %swap3A_456 = tpu.vector_load %arg10[%swap3A_453, %swap3A_454, %swap3A_455] {strides = array<i32>} : memref<2x128x256xf32, #tpu.memory_space<vmem>>, vector<16xf32>,
        tpu.vector_store %arg10[%swap3A_453, %swap3A_454, %swap3A_455], %broadcast_in_dim3A_74 {strides = array<i32>} : memref<2x128x256xf32, #tpu.memory_space<vmem>>, vector<16xf32>,
        %swap3A_457 = arith.constant 1 : i32
        %swap3A_458 = arith.index_cast %swap3A_457 : i32 to index
        %swap3A_459 = arith.index_cast %while3A_432 : i32 to index
        %swap3A_460 = arith.constant 80 : index
        %swap3A_461 = tpu.vector_load %arg10[%swap3A_458, %swap3A_459, %swap3A_460] {strides = array<i32>} : memref<2x128x256xf32, #tpu.memory_space<vmem>>, vector<16xf32>,
        tpu.vector_store %arg10[%swap3A_458, %swap3A_459, %swap3A_460], %broadcast_in_dim3A_74 {strides = array<i32>} : memref<2x128x256xf32, #tpu.memory_space<vmem>>, vector<16xf32>,
        %swap3A_462 = arith.constant 1 : i32
        %swap3A_463 = arith.index_cast %swap3A_462 : i32 to index
        %swap3A_464 = arith.index_cast %while3A_432 : i32 to index
        %swap3A_465 = arith.constant 96 : index
        %swap3A_466 = tpu.vector_load %arg10[%swap3A_463, %swap3A_464, %swap3A_465] {strides = array<i32>} : memref<2x128x256xf32, #tpu.memory_space<vmem>>, vector<16xf32>,
        tpu.vector_store %arg10[%swap3A_463, %swap3A_464, %swap3A_465], %broadcast_in_dim3A_74 {strides = array<i32>} : memref<2x128x256xf32, #tpu.memory_space<vmem>>, vector<16xf32>,
        %swap3A_467 = arith.constant 1 : i32
        %swap3A_468 = arith.index_cast %swap3A_467 : i32 to index
        %swap3A_469 = arith.index_cast %while3A_432 : i32 to index
        %swap3A_470 = arith.constant 112 : index
        %swap3A_471 = tpu.vector_load %arg10[%swap3A_468, %swap3A_469, %swap3A_470] {strides = array<i32>} : memref<2x128x256xf32, #tpu.memory_space<vmem>>, vector<16xf32>,
        tpu.vector_store %arg10[%swap3A_468, %swap3A_469, %swap3A_470], %broadcast_in_dim3A_74 {strides = array<i32>} : memref<2x128x256xf32, #tpu.memory_space<vmem>>, vector<16xf32>,
        %swap3A_472 = arith.constant 1 : i32
        %swap3A_473 = arith.index_cast %swap3A_472 : i32 to index
        %swap3A_474 = arith.index_cast %while3A_432 : i32 to index
        %swap3A_475 = arith.constant 128 : index
        %swap3A_476 = tpu.vector_load %arg10[%swap3A_473, %swap3A_474, %swap3A_475] {strides = array<i32>} : memref<2x128x256xf32, #tpu.memory_space<vmem>>, vector<16xf32>,
        tpu.vector_store %arg10[%swap3A_473, %swap3A_474, %swap3A_475], %broadcast_in_dim3A_74 {strides = array<i32>} : memref<2x128x256xf32, #tpu.memory_space<vmem>>, vector<16xf32>,
        %swap3A_477 = arith.constant 1 : i32
        %swap3A_478 = arith.index_cast %swap3A_477 : i32 to index
        %swap3A_479 = arith.index_cast %while3A_432 : i32 to index
        %swap3A_480 = arith.constant 144 : index
        %swap3A_481 = tpu.vector_load %arg10[%swap3A_478, %swap3A_479, %swap3A_480] {strides = array<i32>} : memref<2x128x256xf32, #tpu.memory_space<vmem>>, vector<16xf32>,
        tpu.vector_store %arg10[%swap3A_478, %swap3A_479, %swap3A_480], %broadcast_in_dim3A_74 {strides = array<i32>} : memref<2x128x256xf32, #tpu.memory_space<vmem>>, vector<16xf32>,
        %swap3A_482 = arith.constant 1 : i32
        %swap3A_483 = arith.index_cast %swap3A_482 : i32 to index
        %swap3A_484 = arith.index_cast %while3A_432 : i32 to index
        %swap3A_485 = arith.constant 160 : index
        %swap3A_486 = tpu.vector_load %arg10[%swap3A_483, %swap3A_484, %swap3A_485] {strides = array<i32>} : memref<2x128x256xf32, #tpu.memory_space<vmem>>, vector<16xf32>,
        tpu.vector_store %arg10[%swap3A_483, %swap3A_484, %swap3A_485], %broadcast_in_dim3A_74 {strides = array<i32>} : memref<2x128x256xf32, #tpu.memory_space<vmem>>, vector<16xf32>,
        %swap3A_487 = arith.constant 1 : i32
        %swap3A_488 = arith.index_cast %swap3A_487 : i32 to index
        %swap3A_489 = arith.index_cast %while3A_432 : i32 to index
        %swap3A_490 = arith.constant 176 : index
        %swap3A_491 = tpu.vector_load %arg10[%swap3A_488, %swap3A_489, %swap3A_490] {strides = array<i32>} : memref<2x128x256xf32, #tpu.memory_space<vmem>>, vector<16xf32>,
        tpu.vector_store %arg10[%swap3A_488, %swap3A_489, %swap3A_490], %broadcast_in_dim3A_74 {strides = array<i32>} : memref<2x128x256xf32, #tpu.memory_space<vmem>>, vector<16xf32>,
        %swap3A_492 = arith.constant 1 : i32
        %swap3A_493 = arith.index_cast %swap3A_492 : i32 to index
        %swap3A_494 = arith.index_cast %while3A_432 : i32 to index
        %swap3A_495 = arith.constant 192 : index
        %swap3A_496 = tpu.vector_load %arg10[%swap3A_493, %swap3A_494, %swap3A_495] {strides = array<i32>} : memref<2x128x256xf32, #tpu.memory_space<vmem>>, vector<16xf32>,
        tpu.vector_store %arg10[%swap3A_493, %swap3A_494, %swap3A_495], %broadcast_in_dim3A_74 {strides = array<i32>} : memref<2x128x256xf32, #tpu.memory_space<vmem>>, vector<16xf32>,
        %swap3A_497 = arith.constant 1 : i32
        %swap3A_498 = arith.index_cast %swap3A_497 : i32 to index
        %swap3A_499 = arith.index_cast %while3A_432 : i32 to index
        %swap3A_500 = arith.constant 208 : index
        %swap3A_501 = tpu.vector_load %arg10[%swap3A_498, %swap3A_499, %swap3A_500] {strides = array<i32>} : memref<2x128x256xf32, #tpu.memory_space<vmem>>, vector<16xf32>,
        tpu.vector_store %arg10[%swap3A_498, %swap3A_499, %swap3A_500], %broadcast_in_dim3A_74 {strides = array<i32>} : memref<2x128x256xf32, #tpu.memory_space<vmem>>, vector<16xf32>,
        %swap3A_502 = arith.constant 1 : i32
        %swap3A_503 = arith.index_cast %swap3A_502 : i32 to index
        %swap3A_504 = arith.index_cast %while3A_432 : i32 to index
        %swap3A_505 = arith.constant 224 : index
        %swap3A_506 = tpu.vector_load %arg10[%swap3A_503, %swap3A_504, %swap3A_505] {strides = array<i32>} : memref<2x128x256xf32, #tpu.memory_space<vmem>>, vector<16xf32>,
        tpu.vector_store %arg10[%swap3A_503, %swap3A_504, %swap3A_505], %broadcast_in_dim3A_74 {strides = array<i32>} : memref<2x128x256xf32, #tpu.memory_space<vmem>>, vector<16xf32>,
        %swap3A_507 = arith.constant 1 : i32
        %swap3A_508 = arith.index_cast %swap3A_507 : i32 to index
        %swap3A_509 = arith.index_cast %while3A_432 : i32 to index
        %swap3A_510 = arith.constant 240 : index
        %swap3A_511 = tpu.vector_load %arg10[%swap3A_508, %swap3A_509, %swap3A_510] {strides = array<i32>} : memref<2x128x256xf32, #tpu.memory_space<vmem>>, vector<16xf32>,
        tpu.vector_store %arg10[%swap3A_508, %swap3A_509, %swap3A_510], %broadcast_in_dim3A_74 {strides = array<i32>} : memref<2x128x256xf32, #tpu.memory_space<vmem>>, vector<16xf32>,
      }
      %run_scoped3A = arith.constant 1 : i32
      "tpu.region"() ({
        %run_scoped3A_432 = tpu.sem_alloc : memref<!tpu.dma_semaphore, #tpu.memory_space<semaphore_mem>>
        %dma_start3A_433 = arith.constant 0 : i32
        %dma_start3A_434 = arith.constant 0 : i32
        %dma_start3A_435 = tpu.memref_slice %arg10[%run_scoped3A, %dma_start3A_433, %dma_start3A_434] : memref<2x128x256xf32, #tpu.memory_space<vmem>> -> memref<1x128x256xf32, #tpu.memory_space<vmem>>
        %dma_start3A_436 = tpu.memref_squeeze %dma_start3A_435 : memref<1x128x256xf32, #tpu.memory_space<vmem>> -> memref<128x256xf32, #tpu.memory_space<vmem>>
        %dma_start3A_437 = arith.constant 0 : i32
        %dma_start3A_438 = tpu.memref_slice %arg4[%select_n3A, %add3A_404, %dma_start3A_437] : memref<16x2048x256xf32, #tpu.memory_space<hbm>> -> memref<1x128x256xf32, #tpu.memory_space<hbm>>
        %dma_start3A_439 = tpu.memref_squeeze %dma_start3A_438 : memref<1x128x256xf32, #tpu.memory_space<hbm>> -> memref<128x256xf32, #tpu.memory_space<hbm>>
        %dma_start3A_440 = arith.constant 0 : i32
        %dma_start3A_441 = tpu.memref_slice %arg4[%select_n3A, %add3A_404, %dma_start3A_440] : memref<16x2048x256xf32, #tpu.memory_space<hbm>> -> memref<1x128x256xf32, #tpu.memory_space<hbm>>
        %dma_start3A_442 = tpu.memref_squeeze %dma_start3A_441 : memref<1x128x256xf32, #tpu.memory_space<hbm>> -> memref<128x256xf32, #tpu.memory_space<hbm>>
        %dma_start3A_443 = arith.constant 0 : i32
        %dma_start3A_444 = arith.constant 0 : i32
        %dma_start3A_445 = tpu.memref_slice %arg10[%run_scoped3A, %dma_start3A_443, %dma_start3A_444] : memref<2x128x256xf32, #tpu.memory_space<vmem>> -> memref<1x128x256xf32, #tpu.memory_space<vmem>>
        %dma_start3A_446 = tpu.memref_squeeze %dma_start3A_445 : memref<1x128x256xf32, #tpu.memory_space<vmem>> -> memref<128x256xf32, #tpu.memory_space<vmem>>
        tpu.enqueue_dma source(%dma_start3A_446 : memref<128x256xf32, #tpu.memory_space<vmem>>) target(%dma_start3A_442 : memref<128x256xf32, #tpu.memory_space<hbm>>) target_semaphore(%run_scoped3A_432 : memref<!tpu.dma_semaphore, #tpu.memory_space<semaphore_mem>>)
        %dma_wait3A_447 = arith.constant 0 : i32
        %dma_wait3A_448 = arith.constant 0 : i32
        %dma_wait3A_449 = tpu.memref_slice %arg10[%run_scoped3A, %dma_wait3A_447, %dma_wait3A_448] : memref<2x128x256xf32, #tpu.memory_space<vmem>> -> memref<1x128x256xf32, #tpu.memory_space<vmem>>
        %dma_wait3A_450 = tpu.memref_squeeze %dma_wait3A_449 : memref<1x128x256xf32, #tpu.memory_space<vmem>> -> memref<128x256xf32, #tpu.memory_space<vmem>>
        %dma_wait3A_451 = arith.constant 0 : i32
        %dma_wait3A_452 = tpu.memref_slice %arg4[%select_n3A, %add3A_404, %dma_wait3A_451] : memref<16x2048x256xf32, #tpu.memory_space<hbm>> -> memref<1x128x256xf32, #tpu.memory_space<hbm>>
        %dma_wait3A_453 = tpu.memref_squeeze %dma_wait3A_452 : memref<1x128x256xf32, #tpu.memory_space<hbm>> -> memref<128x256xf32, #tpu.memory_space<hbm>>
        %dma_wait3A_454 = arith.constant 0 : i32
        %dma_wait3A_455 = tpu.memref_slice %arg4[%select_n3A, %add3A_404, %dma_wait3A_454] : memref<16x2048x256xf32, #tpu.memory_space<hbm>> -> memref<1x128x256xf32, #tpu.memory_space<hbm>>
        %dma_wait3A_456 = tpu.memref_squeeze %dma_wait3A_455 : memref<1x128x256xf32, #tpu.memory_space<hbm>> -> memref<128x256xf32, #tpu.memory_space<hbm>>
        %dma_wait3A_457 = arith.constant 0 : i32
        %dma_wait3A_458 = arith.constant 0 : i32
        %dma_wait3A_459 = tpu.memref_slice %arg10[%run_scoped3A, %dma_wait3A_457, %dma_wait3A_458] : memref<2x128x256xf32, #tpu.memory_space<vmem>> -> memref<1x128x256xf32, #tpu.memory_space<vmem>>
        %dma_wait3A_460 = tpu.memref_squeeze %dma_wait3A_459 : memref<1x128x256xf32, #tpu.memory_space<vmem>> -> memref<128x256xf32, #tpu.memory_space<vmem>>
        tpu.wait_dma2 semaphore(%run_scoped3A_432 : memref<!tpu.dma_semaphore, #tpu.memory_space<semaphore_mem>>) src(%dma_wait3A_460 : memref<128x256xf32, #tpu.memory_space<vmem>>) dst(%dma_wait3A_456 : memref<128x256xf32, #tpu.memory_space<hbm>>)
        tpu.yield
      }) : () -> ()
    } else {
    }
    %eq3A_418 = arith.constant 0 : i32
    %eq3A_419 = arith.cmpi eq, %min3A_402, %eq3A_418 : i32
    %convert_element_type3A_420 = arith.extui %eq3A_419 : i1 to i32
    %cond3A_421 = arith.constant 0 : i32
    %cond3A_422 = arith.cmpi ne, %convert_element_type3A_420, %cond3A_421 : i32
    scf.if %cond3A_422 {
      "tpu.region"() ({
        %run_scoped3A = tpu.sem_alloc : memref<!tpu.dma_semaphore, #tpu.memory_space<semaphore_mem>>
        %dma_start3A_423 = arith.constant 0 : i32
        %dma_start3A_424 = tpu.memref_slice %arg4[%select_n3A, %add3A_404, %dma_start3A_423] : memref<16x2048x256xf32, #tpu.memory_space<hbm>> -> memref<1x128x256xf32, #tpu.memory_space<hbm>>
        %dma_start3A_425 = tpu.memref_squeeze %dma_start3A_424 : memref<1x128x256xf32, #tpu.memory_space<hbm>> -> memref<128x256xf32, #tpu.memory_space<hbm>>
        %dma_start3A_426 = arith.constant 0 : i32
        %dma_start3A_427 = tpu.memref_slice %arg4[%select_n3A, %add3A_404, %dma_start3A_426] : memref<16x2048x256xf32, #tpu.memory_space<hbm>> -> memref<1x128x256xf32, #tpu.memory_space<hbm>>
        %dma_start3A_428 = tpu.memref_squeeze %dma_start3A_427 : memref<1x128x256xf32, #tpu.memory_space<hbm>> -> memref<128x256xf32, #tpu.memory_space<hbm>>
        tpu.enqueue_dma source(%arg11 : memref<128x256xf32, #tpu.memory_space<vmem>>) target(%dma_start3A_428 : memref<128x256xf32, #tpu.memory_space<hbm>>) target_semaphore(%run_scoped3A : memref<!tpu.dma_semaphore, #tpu.memory_space<semaphore_mem>>)
        %dma_wait3A_429 = arith.constant 0 : i32
        %dma_wait3A_430 = tpu.memref_slice %arg4[%select_n3A, %add3A_404, %dma_wait3A_429] : memref<16x2048x256xf32, #tpu.memory_space<hbm>> -> memref<1x128x256xf32, #tpu.memory_space<hbm>>
        %dma_wait3A_431 = tpu.memref_squeeze %dma_wait3A_430 : memref<1x128x256xf32, #tpu.memory_space<hbm>> -> memref<128x256xf32, #tpu.memory_space<hbm>>
        %dma_wait3A_432 = arith.constant 0 : i32
        %dma_wait3A_433 = tpu.memref_slice %arg4[%select_n3A, %add3A_404, %dma_wait3A_432] : memref<16x2048x256xf32, #tpu.memory_space<hbm>> -> memref<1x128x256xf32, #tpu.memory_space<hbm>>
        %dma_wait3A_434 = tpu.memref_squeeze %dma_wait3A_433 : memref<1x128x256xf32, #tpu.memory_space<hbm>> -> memref<128x256xf32, #tpu.memory_space<hbm>>
        tpu.wait_dma2 semaphore(%run_scoped3A : memref<!tpu.dma_semaphore, #tpu.memory_space<semaphore_mem>>) src(%arg11 : memref<128x256xf32, #tpu.memory_space<vmem>>) dst(%dma_wait3A_434 : memref<128x256xf32, #tpu.memory_space<hbm>>)
        tpu.yield
      }) : () -> ()
    } else {
    }
    return
  }
}

</mosaic_0001>

<sc_bundles>
// kernel: _regulate.3.cloned.1.call-start
scs
__scs_entry_jumppad:
0x0: {  	(pc) =	sbr.rel $0x88, $3  }
0x1: {  	(tag) =	ssettag $0x0;
	lr =	simm.s32 $0x1  }
0x2: {  	[smem:$0x3F9F] =	sst lr;
	_ =	strace $0xD0000000  }
0x3: {  	_ = 	snop  }
0x4: {  	_ = 	snop  }
0x5: {  	_ = 	snop  }
0x6: {  	_ = 	snop  }
0x7: {  	_ = 	snop  }
__scs_overlays_trampoline_lowered:
0x8: {  	[smem:$0x3FAE] =	sst s0  }
0x9: {  	[smem:$0x3FAF] =	sst s1  }
0xa: {  	[smem:$0x3FB0] =	sst s2  }
0xb: {  	[smem:$0x3FB1] =	sst s3  }
0xc: {  	[smem:$0x3FB2] =	sst s4  }
0xd: {  	[smem:$0x3FB3] =	sst s5  }
0xe: {  	[smem:$0x3FB4] =	sst s6  }
0xf: {  	[smem:$0x3FB5] =	sst s7  }
0x10: {  	[smem:$0x3FB6] =	sst s8  }
0x11: {  	[smem:$0x3FB7] =	sst s9;
	s0 =	simm.s32 @!p0 $0x0  }
0x12: {  	s1 =	sld [smem:$0x3F9D];
	s0 =	simm.s32 @p0 $0x1  }
0x13: {  	[smem:$0x3FB8] =	sst s0;
	s0 =	simm.s32 @!p1 $0x0  }
0x14: {  	s2 =	sld [smem:$0x3F9C];
	s0 =	simm.s32 @p1 $0x1  }
0x15: {  	[smem:$0x3FB9] =	sst s0;
	s0 =	simm.s32 @!p2 $0x0  }
0x16: {  	s3 =	sld [smem:$0x3FDB];
	s0 =	simm.s32 @p2 $0x1  }
0x17: {  	s4 =	simm.s32 $0x1BF5;
	[smem:$0x3FBB] =	sst s0  }
0x18: {  	s0 =	sld [smem:$0x3F9E];
	_ =	swait.ge [sflag:s4], $0x0  }
0x19: {  	s7 =	sld [smem:$0x3F9F]  }
0x1a: {  	s8 =	sadd.s32 $0xFFFFE003, lr  }
0x1b: {  	s9 =	sadd.s32 $0xFFFFFEF7, lr;
	s5 =	simm.s32 $0xFFFFFFFF;
	p2 =	slt.u32 s8, $0xFFFFF086  }
0x1c: {  	p1 =	slt.u32 s9, $0xF7A;
	s5 =	simm.s32 @!p2 $0x0  }
0x1d: {  	s5 =	simm.s32 @p1 $0x1;
	p0 =	seq.s32 s7, s2  }
0x1e: {  	s7 =	smul.u32 @!p0 $0xF7A, s2;
	p2 =	seq.s32 @!p0 s5, $0x0  }
0x1f: {  	s9 =	smul.u32 $0xF7A, s1;
	s8 =	simm.s32 @!p0 $0x1BF5;
	p2 =	por !p2, p0  }
0x20: {  	[sflag:s8] =	ssyncset.s32 @!p0 $0xFFFFF086;
	s6 =	sadd.s32 @!p0 s3, s7;
	s7 =	simm.s32 @!p0 $0x108  }
0x21: {  	s3 =	sadd.s32 s3, s9;
	s6 =	sadd.s32 @!p0 $0x88, s6;
	s7 =	simm.s32 @p2 $0x1082  }
0x22: {  	[simem:s7], [sflag:s8] =	dma.local @!p0 [hbm:s6], $0xF7A  }
0x23: {  	s9 =	sor.u32 $0xD0000000, s2;
	s6 =	simm.s32 $0x108;
	_ =	swait.ge @!p0 [sflag:s8], $0x0  }
0x24: {  	s3 =	sadd.s32 $0x88, s3;
	s6 =	simm.s32 @!p1 $0x1082;
	[sflag:s4] =	ssyncset.s32 $0xFFFFF086  }
0x25: {  	[simem:s6], [sflag:s4] =	dma.local [hbm:s3], $0xF7A  }
0x26: {  	[smem:$0x3F9F] =	sst s1;
	(tag) =	ssettag s2;
	_ =	strace s9  }
0x27: {  	s1 =	sld [smem:$0x3FAF]  }
0x28: {  	s2 =	sld [smem:$0x3FB0]  }
0x29: {  	s4 =	sld [smem:$0x3FB2]  }
0x2a: {  	p0 =	seq.s32 s5, $0x0;
	s5 =	sld [smem:$0x3FB3]  }
0x2b: {  	s6 =	sld [smem:$0x3FB4]  }
0x2c: {  	s7 =	sld [smem:$0x3FB5]  }
0x2d: {  	s3 =	simm.s32 $0x108;
	s8 =	sld [smem:$0x3FB6]  }
0x2e: {  	s3 =	simm.s32 @!p0 $0x1082;
	s9 =	sld [smem:$0x3FB7]  }
0x2f: {  	lr =	sadd.s32 s0, s3;
	s0 =	sld [smem:$0x3FAE]  }
0x30: {  	s3 =	sld [smem:$0x3FB1]  }
0x31: {  	[smem:$0x3FBA] =	sst s10  }
0x32: {  	s10 =	sld [smem:$0x3FB8];
	_ =	sdelay $0x3  }
0x33: {  	p0 =	seq.s32 s10, $0x1;
	s10 =	sld [smem:$0x3FBA];
	_ =	sdelay $0x3  }
0x34: {  	[smem:$0x3FBA] =	sst s10  }
0x35: {  	s10 =	sld [smem:$0x3FB9];
	_ =	sdelay $0x3  }
0x36: {  	p1 =	seq.s32 s10, $0x1;
	s10 =	sld [smem:$0x3FBA];
	_ =	sdelay $0x3  }
0x37: {  	[smem:$0x3FBA] =	sst s10  }
0x38: {  	s10 =	sld [smem:$0x3FBB]  }
0x39: {  	_ = 	snop;
	(pc) =	sbr.ind lr, $3  }
0x3a: {  	_ = 	snop  }
0x3b: {  	_ = 	snop  }
0x3c: {  	p2 =	seq.s32 s10, $0x1;
	s10 =	sld [smem:$0x3FBA]  }
0x3d: {  	_ =	shalt  }
0x3e: {  	_ =	shalt  }
0x3f: {  	_ =	shalt  }
0x40: {  	_ =	shalt  }
0x41: {  	_ =	shalt  }
0x42: {  	_ =	shalt  }
0x43: {  	_ =	shalt  }
0x44: {  	_ =	shalt  }
0x45: {  	_ =	shalt  }
0x46: {  	_ =	shalt  }
0x47: {  	_ =	shalt  }
0x48: {  	_ =	shalt  }
0x49: {  	_ =	shalt  }
0x4a: {  	_ =	shalt  }
0x4b: {  	_ =	shalt  }
0x4c: {  	_ =	shalt  }
0x4d: {  	_ =	shalt  }
0x4e: {  	_ =	shalt  }
0x4f: {  	_ =	shalt  }
0x50: {  	_ =	shalt  }
0x51: {  	_ =	shalt  }
0x52: {  	_ =	shalt  }
0x53: {  	_ =	shalt  }
0x54: {  	_ =	shalt  }
0x55: {  	_ =	shalt  }
0x56: {  	_ =	shalt  }
0x57: {  	_ =	shalt  }
0x58: {  	_ =	shalt  }
0x59: {  	_ =	shalt  }
0x5a: {  	_ =	shalt  }
0x5b: {  	_ =	shalt  }
0x5c: {  	_ =	shalt  }
0x5d: {  	_ =	shalt  }
0x5e: {  	_ =	shalt  }
0x5f: {  	_ =	shalt  }
0x60: {  	_ =	shalt  }
0x61: {  	_ =	shalt  }
0x62: {  	_ =	shalt  }
0x63: {  	_ =	shalt  }
0x64: {  	_ =	shalt  }
0x65: {  	_ =	shalt  }
0x66: {  	_ =	shalt  }
0x67: {  	_ =	shalt  }
0x68: {  	_ =	shalt  }
0x69: {  	_ =	shalt  }
0x6a: {  	_ =	shalt  }
0x6b: {  	_ =	shalt  }
0x6c: {  	_ =	shalt  }
0x6d: {  	_ =	shalt  }
0x6e: {  	_ =	shalt  }
0x6f: {  	_ =	shalt  }
0x70: {  	_ =	shalt  }
0x71: {  	_ =	shalt  }
0x72: {  	_ =	shalt  }
0x73: {  	_ =	shalt  }
0x74: {  	_ =	shalt  }
0x75: {  	_ =	shalt  }
0x76: {  	_ =	shalt  }
0x77: {  	_ =	shalt  }
0x78: {  	_ =	shalt  }
0x79: {  	_ =	shalt  }
0x7a: {  	_ =	shalt  }
0x7b: {  	_ =	shalt  }
0x7c: {  	_ =	shalt  }
0x7d: {  	_ =	shalt  }
0x7e: {  	_ =	shalt  }
0x7f: {  	_ =	shalt  }
0x80: {  	_ =	shalt  }
0x81: {  	_ =	shalt  }
0x82: {  	_ =	shalt  }
0x83: {  	_ =	shalt  }
0x84: {  	_ =	shalt  }
0x85: {  	_ =	shalt  }
0x86: {  	_ =	shalt  }
0x87: {  	_ =	shalt  }
.Lfunc_end0:
.L_simem_size_0:
called_computation_lowered:
.L_overlay_start_0:
0x88: {  	s2 =	sld [smem:$0x3FD9]  }
0x89: {  	s3 =	sld [smem:$0x3FFE];
	_ =	sdelay $0x1  }
0x8a: {  	s1 =	srdreg.scid  }
0x8b: {  	s0 =	sand.u32 $0x1, s1  }
0x8c: {  	s15 =	sshll.u32 s0, $0xA;
	s2 =	sadd.s32 s3, s2  }
0x8d: {  	s2 =	sadd.s32 s2, s15  }
0x8e: {  	[smem:$0x3FC6] =	sst s2  }
0x8f: {  	_ = 	snop  }
0x90: {  	s2 =	sld [smem:$0x3FD0];
	_ =	sdelay $0x1  }
0x91: {  	s16 =	sld [smem:$0x3FC9]  }
0x92: {  	s5 =	simm.s32 $0xA;
	s6 =	simm.s32 $0x10;
	s4 =	sld [smem:$0x3FC8]  }
0x93: {  	[smem:s6], [sflag:s5] =	dma.local [hbm:s2], $0x1  }
0x94: {  	_ =	swait.eq [sflag:s5], $0x1  }
0x95: {  	[sflag:s5] =	ssyncset.done $0x0  }
0x96: {  	s17 =	sld [smem:$0x10];
	[sflag:s5] =	ssyncadd.s32 $0xFFFFFFFF  }
0x97: {  	s18 =	sld [smem:$0x11];
	(tm) =	ssettm $0x1  }
0x98: {  	s19 =	sld [smem:$0x3FFB];
	_ =	sdelay $0x3  }
0x99: {  	_ =	strace s19  }
0x9a: {  	s6 =	sld [smem:$0x3FFC];
	_ =	sdelay $0x3  }
0x9b: {  	_ =	strace s6  }
0x9c: {  	s6 =	sld [smem:$0x3FFD];
	_ =	sdelay $0x3  }
0x9d: {  	_ =	strace s6  }
0x9e: {  	_ =	strace $0x8FFFFFFF  }
0x9f: {  	s20 =	sld [smem:$0x3FDB];
	_ =	sdelay $0x1  }
0xa0: {  	s7 =	simm.s32 $_scs_section_size  }
0xa1: {  	s8 =	simm.s32 $_size__tile_overlayer_lowered;
	s9 =	simm.s32 $_tile_overlayer_lowered  }
0xa2: {  	s23 =	simm.s32 $0x1BFF;
	s22 =	sshll.u32 s9, $0x1;
	s6 =	sadd.s32 s7, s20  }
0xa3: {  	s10 =	simm.s32 $0x0;
	s21 =	sshll.u32 s8, $0x1;
	s8 =	sadd.s32 s22, s6  }
0xa4: {  	[timem:s10], [sflag:s23] =	dma.local [hbm:s8], s21  }
0xa5: {  	_ =	swait.ge [sflag:s23], s21  }
0xa6: {  	s7 =	ssub.s32 $0x0, s21;
	[sflag:s23] =	ssyncset.done $0x0  }
0xa7: {  	[sflag:s23] =	ssyncadd.s32 s7;
	_ =	sdelay $0x1  }
0xa8: {  	s24 =	simm.s32 $0x1B8B  }
0xa9: {  	_ =	swait.ge [sflag:s24], $0x1  }
0xaa: {  	[sflag:s24] =	ssyncset.done $0x0  }
0xab: {  	s25 =	simm.s32 $0x1B8E;
	[sflag:s24] =	ssyncadd.s32 $0xFFFFFFFF  }
0xac: {  	s26 =	simm.s32 $execute0_lowered;
	[smem:$0x3FD2] =	sst s25  }
0xad: {  	s7 =	sshll.u32 s26, $0x1;
	_ =	strace $0x80000046;
	[dreg:$0x1] =	wrdreg $0xFFFFFFFF  }
0xae: {  	s28 =	simm.s32 $_size_execute0_lowered;
	s6 =	sadd.s32 s6, s7;
	[dreg:$0x0] =	wrdreg $0x0  }
0xaf: {  	s7 =	sshll.u32 s28, $0x1;
	[dreg:$0x2] =	wrdreg s6  }
0xb0: {  	[dreg:$0x3] =	wrdreg s7  }
0xb1: {  	[dreg:$0x4] =	wrdreg $0xC0  }
0xb2: {  	_ =	task [dreg:s10], $0x5FFFF  }
0xb3: {  	[dreg:$0x1] =	wrdreg $0xFFFFFFFF  }
0xb4: {  	[dreg:$0x0] =	wrdreg $0x60  }
0xb5: {  	[dreg:$0x2] =	wrdreg s16  }
0xb6: {  	[dreg:$0x3] =	wrdreg s4  }
0xb7: {  	[dreg:$0x4] =	wrdreg s17  }
0xb8: {  	[dreg:$0x5] =	wrdreg s18  }
0xb9: {  	[dreg:$0x6] =	wrdreg $0x9  }
0xba: {  	_ =	task.clear_ibuf [dreg:s10], $0x7FFFF;
	_ =	strace $0x90000046  }
0xbb: {  	s29 =	simm.s32 $0x9;
	_ =	strace $0x80000048  }
0xbc: {  	_ =	swait.ge [sflag:s29], $0x1  }
0xbd: {  	[sflag:s29] =	ssyncadd.s32 $0xFFFFFFFF  }
0xbe: {  	_ =	strace $0x90000048  }
0xbf: {  	_ =	sfence  }
0xc0: {  	s30 =	sld [smem:$0x0];
	_ =	sdelay $0x2  }
0xc1: {  	s31 =	sshll.u32 s1, $0xD;
	s1 =	sshrl.u32 s1, $0x2  }
0xc2: {  	s3 =	sand.u32 $0x4000, s31;
	s1 =	sadd.s32 s1, s30  }
0xc3: {  	s0 =	sor.u32 s3, s0;
	s1 =	sshll.u32 s1, $0x11  }
0xc4: {  	s0 =	sor.u32 s1, s0  }
0xc5: {  	s0 =	sadd.s32 $0x8F2B, s0  }
0xc6: {  	[sflag:s0] =	ssyncadd.remote.s32 $0x1  }
0xc7: {  	_ =	sfence.sel $0xFFFF  }
0xc8: {  	[dreg:$0x0] =	wrdreg $0xFFFFFFFF;
	(pc) =	sbr.abs _section_cstart, $3  }
0xc9: {  	[dreg:$0x1] =	wrdreg $0xFFFFFFFF  }
0xca: {  	_ =	task.clear_ibuf [dreg:s10], $0x2FFFF;
	_ =	strace $0x9FFFFFFF  }
0xcb: {  	(tm) =	ssettm $0x7FFFFFFF  }
tec
execute0_lowered:
.L_overlay_start_1:
0x0: {  	(tag) =	ssettag $0x1  }
0x1: {  	s0 =	srdreg.scid;
	s26 =	rddreg [dreg:$0x1]  }
0x2: {  	s12 =	stileid.u32;
	s14 =	rddreg [dreg:$0x2];
	s3 =	simm.s32 $0x1  }
0x3: {  	s15 =	rddreg [dreg:$0x3];
	s30 =	simm.s32 $0x3;
	s1 =	sand.u32 $0x1, s0  }
0x4: {  	s31 =	simm.s32 $0x2A80;
	s0 =	rddreg [dreg:$0x0];
	s2 =	sor.u32 s1, s12  }
0x5: {  	p1 =	seq.s32 s1, $0x1;
	s5 =	ssub.s32 $0x2, s1;
	p0 =	seq.s32 s2, $0x0  }
0x6: {  	s4 =	sshll.u32 s1, $0xA;
	s7 =	sshrl.u32 s5, $0x1;
	p0 =	por !p0, !p1  }
0x7: {  	s2 =	simm.s32 $0x0;
	s17 =	ssub.s32 s5, s7;
	p0 =	por !p0, !p0  }
0x8: {  	s5 =	sor.u32 $0x80, s4;
	s7 =	sor.u32 $0x180, s4;
	s3 =	simm.s32 @!p0 $0x0  }
0x9: {  	[smem:$0x7FF] =	sst s2;
	s11 =	sshll.u32 s7, $0x8;
	s6 =	ssub.s32 s12, s3  }
0xa: {  	p0 =	sne.s32 s12, $0x0;
	s3 =	sshll.u32 s6, $0x9;
	s8 =	sshll.u32 s6, $0x7  }
0xb: {  	s13 =	sshll.u32 s6, $0x13;
	s6 =	sor.u32 $0x100, s4;
	s9 =	sand.u32 $0xFFFFF000, s3  }
0xc: {  	s8 =	sand.u32 $0x380, s8;
	s10 =	sshll.u32 s6, $0x8;
	s21 =	sor.u32 s11, s13  }
0xd: {  	s11 =	sor.u32 $0x380, s4;
	s19 =	sor.u32 s8, s9;
	s8 =	sshll.u32 s1, $0x12  }
0xe: {  	s9 =	sshll.u32 s5, $0x8;
	s20 =	sor.u32 s10, s13;
	s25 =	sshll.u32 s11, $0x8  }
0xf: {  	s21 =	sshrl.u32 s21, $0x3;
	s16 =	sor.u32 s8, s13;
	s18 =	sor.u32 s9, s13  }
0x10: {  	s8 =	sor.u32 $0x200, s4;
	s9 =	sor.u32 $0x280, s4;
	s25 =	sor.u32 s25, s13  }
0x11: {  	s28 =	sshrl.u32 s20, $0x3;
	s10 =	sshll.u32 s8, $0x8;
	s23 =	sshll.u32 s9, $0x8  }
0x12: {  	s16 =	sshrl.u32 s16, $0x3;
	s18 =	sshrl.u32 s18, $0x3;
	s20 =	sadd.s32 s14, s28  }
0x13: {  	s22 =	sor.u32 s10, s13;
	s10 =	sor.u32 $0x300, s4;
	s23 =	sor.u32 s23, s13  }
0x14: {  	s29 =	sadd.s32 s14, s18;
	[dreg:$0x7] =	wrdreg s20;
	s24 =	sshll.u32 s10, $0x8  }
0x15: {  	s22 =	sshrl.u32 s22, $0x3;
	s28 =	sshrl.u32 s23, $0x3;
	s23 =	sshrl.u32 s25, $0x3  }
0x16: {  	s25 =	sshrl.u32 s19, $0x3;
	s24 =	sor.u32 s24, s13;
	s13 =	sadd.s32 s14, s16  }
0x17: {  	s16 =	sadd.s32 s14, s21;
	s21 =	sadd.s32 s14, s22;
	s18 =	sadd.s32 s14, s28  }
0x18: {  	s20 =	sadd.s32 s14, s23;
	[dreg:$0x5] =	wrdreg s13;
	s22 =	sshrl.u32 s24, $0x3  }
0x19: {  	s12 =	sadd.s32 s26, s25;
	[dreg:$0x8] =	wrdreg s21;
	s24 =	sadd.s32 s14, s22  }
.Ltmp0:
0x1a: {  	v0 =	vlaneseq.u32;
	vm0 =	vmmov $0xffff;
	s26 =	sadd.s32 s15, s1;
	[dreg:$0x9] =	wrdreg s24;
	(pc) =	sbr.rel .LBB2_1-.Ltmp0, $4  }
0x1b: {  	vm1 =	vmmov $0x1;
	vm3 =	vcmask $0x720;
	vm4 =	vcmask $0xB20;
	s1 =	sshll.u32 s1, $0xC;
	_ =	strace $0x80000047;
	[dreg:$0xa] =	wrdreg s12  }
0x1c: {  	vm5 =	vcmask $0xF20;
	vm6 =	vcmask $0x1320;
	vm7 =	vcmask $0x1720;
	s28 =	smax.u32 s17, $0x1;
	s25 =	simm.s32 $0x2;
	[dreg:$0xb] =	wrdreg s26  }
0x1d: {  	vm8 =	vcmask $0x1B20;
	v4 =	vimm.f32 $0.0e+00;
	v2 =	vshrl.u32 v0, $0x3;
	s21 =	simm.s32 $0x1;
	s14 =	simm.s32 $0x0;
	[dreg:$0xc] =	wrdreg s28  }
0x1e: {  	v1 =	vand.u32 $0x7, v0;
	v3 =	vor.u32 $0x8, v0;
	v2 =	vmul.u32 $0x8, v2;
	s24 =	sor.u32 $0xA00, s1;
	s26 =	simm.s32 $0xAA80;
	[dreg:$0x6] =	wrdreg s29  }
.LBB2_76:
0x1f: {  	[tilespmem:s1+$0xAED0] =	vst v4  }
0x20: {  	[tilespmem:s1+$0xAEE0] =	vst v4  }
0x21: {  	[hbm4b:s20+s2] =	stream.linear.scatter [tilespmem:s26], [sflag:$0x3], $0x8000, $0x38;
	[tilespmem:$0x1AA80] =	vst v63  }
0x22: {  	_ =	swait.ge [sflag:s30], $0x8000  }
0x23: {  	[sflag:s30] =	ssyncset.done $0x0  }
0x24: {  	[sflag:s30] =	ssyncadd.s32 $0xFFFF8000  }
.LBB2_77:
0x25: {  	s1 =	simm.s32 @!p1 $0x0;
	s12 =	simm.s32 @!p1 $0x12A80  }
0x26: {  	[hbm4b:s20+s1] =	stream.linear.scatter @!p1 [tilespmem:s12], [sflag:$0x3], $0x8000, $0x38;
	[tilespmem:$0x1AA80] =	vst v63  }
0x27: {  	s1 =	simm.s32 @!p1 $0x3  }
0x28: {  	_ =	swait.ge @!p1 [sflag:s1], $0x8000  }
0x29: {  	s14 =	sadd.s32 $0x1, s14;
	s28 =	rddreg [dreg:$0xc]  }
0x2a: {  	p2 =	sne.s32 s14, s28  }
.Ltmp1:
0x2b: {  	_ = 	snop;
	(pc) =	sbr.rel @!p2 .LBB2_78-.Ltmp1, $3  }
0x2c: {  	_ =	sdelay $0x1  }
0x2d: {  	[sflag:s1] =	ssyncset.done @!p1 $0x0  }
0x2e: {  	[sflag:s1] =	ssyncadd.s32 @!p1 $0xFFFF8000  }
.LBB2_1:
0x2f: {  	s1 =	rddreg [dreg:$0xa]  }
0x30: {  	s12 =	simm.s32 $0x80;
	s13 =	simm.s32 $0x400;
	s15 =	simm.s32 $0x800  }
0x31: {  	[tilespmem:s15], [sflag:$0x3] =	stream.strided.gather [hbm4b:s1+s12], $0x200, s13, s12, $0x38;
	[tilespmem:$0x1AA80] =	vst v63  }
0x32: {  	_ =	swait.ge [sflag:s30], $0x200  }
0x33: {  	[sflag:s30] =	ssyncset.done $0x0  }
0x34: {  	s1 =	simm.s32 $0x0;
	[sflag:s30] =	ssyncadd.s32 $0xFFFFFE00  }
.LBB2_2:
0x35: {  	p1 =	sne.s32 s1, $0x3F0  }
.Ltmp2:
0x36: {  	_ = 	snop;
	(pc) =	sbr.rel @p1 .LBB2_2-.Ltmp2, $4  }
0x37: {  	s12 =	sand.u32 $0x70, s1;
	s15 =	sand.u32 $0x380, s1  }
0x38: {  	s17 =	sor.u32 s3, s12;
	s15 =	sadd.s32 s15, s4  }
0x39: {  	v5 =	vor.u32 s17, v0;
	s12 =	sadd.s32 s12, s15  }
0x3a: {  	s1 =	sadd.s32 $0x10, s1;
	[tilespmem:s12+$0x0] =	vst v5  }
0x3b: {  	s1 =	simm.s32 $0x800  }
0x3c: {  	v5 =	vld [tilespmem:s1+$0x0];
	_ =	sdelay $0x4  }
0x3d: {  	(xrf0) =	vadd.scan.msk.s32 $0xffff, v5;
	_ =	sdelay $0x5  }
0x3e: {  	vm9 =	vgt.s32 v5, $0x4;
	vm10 =	vgt.s32 v5, $0x5;
	vm11 =	vgt.s32 v5, $0x6;
	v6, _, _ =	vpop (xrf0)  }
0x3f: {  	s15 =	simm.s32 $0x0;
	vm12 =	vgt.s32 v5, $0x3;
	v7 =	vsub.s32 v6, v5;
	(v2sf) =	vpush v6, $0xF  }
0x40: {  	vm13 =	vgt.s32 v5, $0x1;
	vm14 =	vgt.s32 v5, $0x2;
	v6 =	vadd.s32 s15, v7  }
0x41: {  	vm15 =	vgt.s32 v5, $0x0;
	vm2 =	vlt.s32 v6, $0x800;
	v5 =	vadd.s32 $0x1, v6  }
0x42: {  	v7 =	vadd.s32 $0x2, v6;
	vm2 =	vmand vm15, vm2;
	vm15 =	vlt.s32 v5, $0x800  }
0x43: {  	v8 =	vadd.s32 $0x3, v6;
	vm13 =	vmand vm13, vm15;
	vm15 =	vlt.s32 v7, $0x800  }
0x44: {  	v9 =	vadd.s32 $0x4, v6;
	vm14 =	vmand vm14, vm15;
	vm15 =	vlt.s32 v8, $0x800  }
0x45: {  	v10 =	vadd.s32 $0x5, v6;
	vm12 =	vmand vm12, vm15;
	vm15 =	vlt.s32 v9, $0x800  }
0x46: {  	s28 =	sor.u32 s3, s15;
	v11 =	vadd.s32 $0x6, v6;
	vm9 =	vmand vm9, vm15;
	vm15 =	vlt.s32 v10, $0x800  }
0x47: {  	v12 =	vor.u32 s28, v0;
	vm10 =	vmand vm10, vm15;
	vm15 =	vlt.s32 v11, $0x800  }
0x48: {  	[tilespmem:v6+s2+$0x0] =	vst.idx.msk vm2, v12;
	vm2 =	vmand vm11, vm15  }
0x49: {  	[tilespmem:v5+s2+$0x0] =	vst.idx.msk vm13, v12  }
0x4a: {  	[tilespmem:v7+s2+$0x0] =	vst.idx.msk vm14, v12  }
0x4b: {  	[tilespmem:v8+s2+$0x0] =	vst.idx.msk vm12, v12  }
0x4c: {  	[tilespmem:v9+s2+$0x0] =	vst.idx.msk vm9, v12  }
0x4d: {  	s17 =	simm.s32 $0x10;
	[tilespmem:v10+s2+$0x0] =	vst.idx.msk vm10, v12  }
0x4e: {  	s19 =	simm.s32 $0x810;
	s1 =	simm.s32 $0x20;
	[tilespmem:v11+s2+$0x0] =	vst.idx.msk vm2, v12;
	s12 =	spop (v2sf)  }
.LBB2_4:
0x4f: {  	p1 =	sne.s32 s1, $0x1F0  }
0x50: {  	v5 =	vld [tilespmem:s19+$0x0];
	s15 =	sadd.s32 s15, s12;
	s12 =	smov.u32 s1;
	s1 =	sadd.s32 $0x10, s1  }
0x51: {  	_ =	sdelay $0x3  }
0x52: {  	(xrf0) =	vadd.scan.msk.s32 $0xffff, v5;
	_ =	sdelay $0x5  }
0x53: {  	vm11 =	vgt.s32 v5, $0x4;
	vm10 =	vgt.s32 v5, $0x5;
	vm9 =	vgt.s32 v5, $0x6;
	v6, _, _ =	vpop (xrf0)  }
0x54: {  	vm2 =	vgt.s32 v5, $0x3;
	v7 =	vsub.s32 v6, v5;
	(v2sf) =	vpush v6, $0xF  }
0x55: {  	vm12 =	vgt.s32 v5, $0x1;
	vm13 =	vgt.s32 v5, $0x2;
	v6 =	vadd.s32 s15, v7  }
0x56: {  	vm14 =	vgt.s32 v5, $0x0;
	vm15 =	vlt.s32 v6, $0x800;
	v5 =	vadd.s32 $0x1, v6  }
0x57: {  	v7 =	vadd.s32 $0x2, v6;
	vm14 =	vmand vm14, vm15;
	vm15 =	vlt.s32 v5, $0x800  }
0x58: {  	v8 =	vadd.s32 $0x3, v6;
	vm12 =	vmand vm12, vm15;
	vm15 =	vlt.s32 v7, $0x800  }
0x59: {  	v9 =	vadd.s32 $0x4, v6;
	vm13 =	vmand vm13, vm15;
	vm15 =	vlt.s32 v8, $0x800  }
0x5a: {  	v10 =	vadd.s32 $0x5, v6;
	vm2 =	vmand vm2, vm15;
	vm15 =	vlt.s32 v9, $0x800  }
0x5b: {  	s22 =	sor.u32 s3, s17;
	s17 =	smov.u32 s12;
	v11 =	vadd.s32 $0x6, v6;
	vm11 =	vmand vm11, vm15;
	vm15 =	vlt.s32 v10, $0x800  }
0x5c: {  	v12 =	vor.u32 s22, v0;
	vm10 =	vmand vm10, vm15;
	vm15 =	vlt.s32 v11, $0x800  }
0x5d: {  	[tilespmem:v6+s2+$0x0] =	vst.idx.msk vm14, v12;
	vm9 =	vmand vm9, vm15  }
0x5e: {  	[tilespmem:v5+s2+$0x0] =	vst.idx.msk vm12, v12  }
.Ltmp3:
0x5f: {  	[tilespmem:v7+s2+$0x0] =	vst.idx.msk vm13, v12;
	(pc) =	sbr.rel @p1 .LBB2_4-.Ltmp3, $4  }
0x60: {  	[tilespmem:v8+s2+$0x0] =	vst.idx.msk vm2, v12  }
0x61: {  	[tilespmem:v9+s2+$0x0] =	vst.idx.msk vm11, v12  }
0x62: {  	[tilespmem:v10+s2+$0x0] =	vst.idx.msk vm10, v12  }
0x63: {  	s19 =	sadd.s32 $0x10, s19;
	[tilespmem:v11+s2+$0x0] =	vst.idx.msk vm9, v12;
	s12 =	spop (v2sf)  }
0x64: {  	v6 =	vld [tilespmem:s19+$0x0];
	_ =	sdelay $0x4  }
0x65: {  	(xrf0) =	vadd.scan.msk.s32 $0xffff, v6;
	_ =	sdelay $0x5  }
0x66: {  	vm2 =	vgt.s32 v6, $0x4;
	vm9 =	vgt.s32 v6, $0x5;
	v5, _, _ =	vpop (xrf0)  }
0x67: {  	s15 =	sadd.s32 s15, s12;
	vm10 =	vgt.s32 v6, $0x6;
	vm11 =	vgt.s32 v6, $0x3;
	v7 =	vsub.s32 v5, v6  }
0x68: {  	vm12 =	vgt.s32 v6, $0x1;
	vm13 =	vgt.s32 v6, $0x2;
	v7 =	vadd.s32 s15, v7  }
0x69: {  	vm14 =	vgt.s32 v6, $0x0;
	vm15 =	vlt.s32 v7, $0x800;
	v6 =	vadd.s32 $0x1, v7  }
0x6a: {  	v8 =	vadd.s32 $0x2, v7;
	vm14 =	vmand vm14, vm15;
	vm15 =	vlt.s32 v6, $0x800  }
0x6b: {  	v9 =	vadd.s32 $0x3, v7;
	vm12 =	vmand vm12, vm15;
	vm15 =	vlt.s32 v8, $0x800  }
0x6c: {  	v10 =	vadd.s32 $0x4, v7;
	vm13 =	vmand vm13, vm15;
	vm15 =	vlt.s32 v9, $0x800  }
0x6d: {  	v11 =	vadd.s32 $0x5, v7;
	vm11 =	vmand vm11, vm15;
	vm15 =	vlt.s32 v10, $0x800  }
0x6e: {  	s1 =	sor.u32 s3, s17;
	v12 =	vadd.s32 $0x6, v7;
	vm2 =	vmand vm2, vm15;
	vm15 =	vlt.s32 v11, $0x800  }
0x6f: {  	v13 =	vor.u32 s1, v0;
	vm9 =	vmand vm9, vm15;
	vm15 =	vlt.s32 v12, $0x800  }
0x70: {  	[tilespmem:v7+s2+$0x0] =	vst.idx.msk vm14, v13;
	vm10 =	vmand vm10, vm15  }
0x71: {  	[tilespmem:v6+s2+$0x0] =	vst.idx.msk vm12, v13  }
0x72: {  	[tilespmem:v8+s2+$0x0] =	vst.idx.msk vm13, v13  }
0x73: {  	[tilespmem:v9+s2+$0x0] =	vst.idx.msk vm11, v13  }
0x74: {  	[tilespmem:v10+s2+$0x0] =	vst.idx.msk vm2, v13  }
0x75: {  	[tilespmem:v11+s2+$0x0] =	vst.idx.msk vm9, v13  }
0x76: {  	[tilespmem:v12+s2+$0x0] =	vst.idx.msk vm10, v13  }
0x77: {  	v6 =	vld [tilespmem:s4+$0x0];
	_ =	sdelay $0x4  }
0x78: {  	v7 =	vshll.u32 v6, $0x1  }
0x79: {  	v6 =	vand.u32 $0x7, v6;
	v7 =	vand.u32 $0xFFFFFFF0, v7  }
0x7a: {  	v6 =	vor.u32 v6, v7  }
0x7b: {  	v7 =	vperm.xlane v6, v1;
	_ =	sdelay $0x1  }
0x7c: {  	v6 =	vperm.xlane v6, v3;
	v7 =	vadd.s32 v2, v7;
	_ =	sdelay $0x1  }
0x7d: {  	v6 =	vadd.s32 v2, v6;
	_ =	sdelay $0x2  }
0x7e: {  	[tilespmem:s31], [sflag:$0x1] =	stream.indirect_vreg.gather [hbm4b:s0+s2], $0x80, v7, vm0, $0xb8;
	[tilespmem:$0x1AA80] =	vst v63  }
0x7f: {  	s22 =	simm.s32 $0x3280  }
0x80: {  	[tilespmem:s22], [sflag:$0x1] =	stream.indirect_vreg.gather [hbm4b:s0+s2], $0x80, v6, vm0, $0xb8;
	[tilespmem:$0x1AA80] =	vst v63  }
0x81: {  	v6 =	vld [tilespmem:s4+$0x10];
	_ =	sdelay $0x4  }
0x82: {  	v7 =	vshll.u32 v6, $0x1  }
0x83: {  	v6 =	vand.u32 $0x7, v6;
	v7 =	vand.u32 $0xFFFFFFF0, v7  }
0x84: {  	v6 =	vor.u32 v6, v7  }
0x85: {  	v7 =	vperm.xlane v6, v1;
	_ =	sdelay $0x1  }
0x86: {  	v6 =	vperm.xlane v6, v3;
	v7 =	vadd.s32 v2, v7;
	_ =	sdelay $0x1  }
0x87: {  	v6 =	vadd.s32 v2, v6;
	_ =	sdelay $0x1  }
0x88: {  	s23 =	simm.s32 $0x3A80  }
0x89: {  	[tilespmem:s23], [sflag:$0x1] =	stream.indirect_vreg.gather [hbm4b:s0+s2], $0x80, v7, vm0, $0xb8;
	[tilespmem:$0x1AA80] =	vst v63  }
0x8a: {  	s28 =	simm.s32 $0x4280  }
0x8b: {  	[tilespmem:s28], [sflag:$0x1] =	stream.indirect_vreg.gather [hbm4b:s0+s2], $0x80, v6, vm0, $0xb8;
	[tilespmem:$0x1AA80] =	vst v63  }
0x8c: {  	v6 =	vld [tilespmem:s4+$0x20];
	_ =	sdelay $0x4  }
0x8d: {  	v7 =	vshll.u32 v6, $0x1  }
0x8e: {  	v6 =	vand.u32 $0x7, v6;
	v7 =	vand.u32 $0xFFFFFFF0, v7  }
0x8f: {  	v6 =	vor.u32 v6, v7  }
0x90: {  	v7 =	vperm.xlane v6, v1;
	_ =	sdelay $0x1  }
0x91: {  	v6 =	vperm.xlane v6, v3;
	v7 =	vadd.s32 v2, v7;
	_ =	sdelay $0x1  }
0x92: {  	v6 =	vadd.s32 v2, v6;
	_ =	sdelay $0x1  }
0x93: {  	s12 =	simm.s32 $0x4A80  }
0x94: {  	[tilespmem:s12], [sflag:$0x1] =	stream.indirect_vreg.gather [hbm4b:s0+s2], $0x80, v7, vm0, $0xb8;
	[tilespmem:$0x1AA80] =	vst v63  }
0x95: {  	s13 =	simm.s32 $0x5280  }
0x96: {  	[tilespmem:s13], [sflag:$0x1] =	stream.indirect_vreg.gather [hbm4b:s0+s2], $0x80, v6, vm0, $0xb8;
	[tilespmem:$0x1AA80] =	vst v63  }
0x97: {  	v6 =	vld [tilespmem:s4+$0x30];
	_ =	sdelay $0x4  }
0x98: {  	v7 =	vshll.u32 v6, $0x1  }
0x99: {  	v6 =	vand.u32 $0x7, v6;
	v7 =	vand.u32 $0xFFFFFFF0, v7  }
0x9a: {  	v6 =	vor.u32 v6, v7  }
0x9b: {  	v7 =	vperm.xlane v6, v1;
	_ =	sdelay $0x1  }
0x9c: {  	v6 =	vperm.xlane v6, v3;
	v7 =	vadd.s32 v2, v7;
	_ =	sdelay $0x1  }
0x9d: {  	v6 =	vadd.s32 v2, v6;
	_ =	sdelay $0x1  }
0x9e: {  	s17 =	simm.s32 $0x5A80  }
0x9f: {  	[tilespmem:s17], [sflag:$0x1] =	stream.indirect_vreg.gather [hbm4b:s0+s2], $0x80, v7, vm0, $0xb8;
	[tilespmem:$0x1AA80] =	vst v63  }
0xa0: {  	s19 =	simm.s32 $0x6280  }
0xa1: {  	[tilespmem:s19], [sflag:$0x1] =	stream.indirect_vreg.gather [hbm4b:s0+s2], $0x80, v6, vm0, $0xb8;
	[tilespmem:$0x1AA80] =	vst v63  }
0xa2: {  	v6 =	vld [tilespmem:s4+$0x40];
	_ =	sdelay $0x4  }
0xa3: {  	v7 =	vshll.u32 v6, $0x1  }
0xa4: {  	v6 =	vand.u32 $0x7, v6;
	v7 =	vand.u32 $0xFFFFFFF0, v7  }
0xa5: {  	v6 =	vor.u32 v6, v7  }
0xa6: {  	v7 =	vperm.xlane v6, v1;
	_ =	sdelay $0x1  }
0xa7: {  	v6 =	vperm.xlane v6, v3;
	v7 =	vadd.s32 v2, v7;
	_ =	sdelay $0x1  }
0xa8: {  	v6 =	vadd.s32 v2, v6;
	_ =	sdelay $0x1  }
0xa9: {  	s22 =	simm.s32 $0x6A80  }
0xaa: {  	[tilespmem:s22], [sflag:$0x1] =	stream.indirect_vreg.gather [hbm4b:s0+s2], $0x80, v7, vm0, $0xb8;
	[tilespmem:$0x1AA80] =	vst v63  }
0xab: {  	s23 =	simm.s32 $0x7280  }
0xac: {  	[tilespmem:s23], [sflag:$0x1] =	stream.indirect_vreg.gather [hbm4b:s0+s2], $0x80, v6, vm0, $0xb8;
	[tilespmem:$0x1AA80] =	vst v63  }
0xad: {  	v6 =	vld [tilespmem:s4+$0x50];
	_ =	sdelay $0x4  }
0xae: {  	v7 =	vshll.u32 v6, $0x1  }
0xaf: {  	v6 =	vand.u32 $0x7, v6;
	v7 =	vand.u32 $0xFFFFFFF0, v7  }
0xb0: {  	v6 =	vor.u32 v6, v7  }
0xb1: {  	v7 =	vperm.xlane v6, v1;
	_ =	sdelay $0x1  }
0xb2: {  	v6 =	vperm.xlane v6, v3;
	v7 =	vadd.s32 v2, v7;
	_ =	sdelay $0x1  }
0xb3: {  	v6 =	vadd.s32 v2, v6;
	_ =	sdelay $0x1  }
0xb4: {  	s28 =	simm.s32 $0x7A80  }
0xb5: {  	[tilespmem:s28], [sflag:$0x1] =	stream.indirect_vreg.gather [hbm4b:s0+s2], $0x80, v7, vm0, $0xb8;
	[tilespmem:$0x1AA80] =	vst v63  }
0xb6: {  	s12 =	simm.s32 $0x8280  }
0xb7: {  	[tilespmem:s12], [sflag:$0x1] =	stream.indirect_vreg.gather [hbm4b:s0+s2], $0x80, v6, vm0, $0xb8;
	[tilespmem:$0x1AA80] =	vst v63  }
0xb8: {  	v6 =	vld [tilespmem:s4+$0x60];
	_ =	sdelay $0x4  }
0xb9: {  	v7 =	vshll.u32 v6, $0x1  }
0xba: {  	v6 =	vand.u32 $0x7, v6;
	v7 =	vand.u32 $0xFFFFFFF0, v7  }
0xbb: {  	v6 =	vor.u32 v6, v7  }
0xbc: {  	v7 =	vperm.xlane v6, v1;
	_ =	sdelay $0x1  }
0xbd: {  	v6 =	vperm.xlane v6, v3;
	v7 =	vadd.s32 v2, v7;
	_ =	sdelay $0x1  }
0xbe: {  	v6 =	vadd.s32 v2, v6;
	_ =	sdelay $0x1  }
0xbf: {  	s13 =	simm.s32 $0x8A80  }
0xc0: {  	[tilespmem:s13], [sflag:$0x1] =	stream.indirect_vreg.gather [hbm4b:s0+s2], $0x80, v7, vm0, $0xb8;
	[tilespmem:$0x1AA80] =	vst v63  }
0xc1: {  	s17 =	simm.s32 $0x9280  }
0xc2: {  	[tilespmem:s17], [sflag:$0x1] =	stream.indirect_vreg.gather [hbm4b:s0+s2], $0x80, v6, vm0, $0xb8;
	[tilespmem:$0x1AA80] =	vst v63  }
0xc3: {  	v6 =	vld [tilespmem:s4+$0x70];
	_ =	sdelay $0x4  }
0xc4: {  	v7 =	vshll.u32 v6, $0x1  }
0xc5: {  	v6 =	vand.u32 $0x7, v6;
	v7 =	vand.u32 $0xFFFFFFF0, v7  }
0xc6: {  	v6 =	vor.u32 v6, v7  }
0xc7: {  	v7 =	vperm.xlane v6, v1;
	_ =	sdelay $0x1  }
0xc8: {  	v6 =	vperm.xlane v6, v3;
	v7 =	vadd.s32 v2, v7;
	_ =	sdelay $0x1  }
0xc9: {  	v6 =	vadd.s32 v2, v6;
	_ =	sdelay $0x1  }
0xca: {  	s19 =	simm.s32 $0x9A80  }
0xcb: {  	[tilespmem:s19], [sflag:$0x1] =	stream.indirect_vreg.gather [hbm4b:s0+s2], $0x80, v7, vm0, $0xb8;
	[tilespmem:$0x1AA80] =	vst v63  }
0xcc: {  	s22 =	simm.s32 $0xA280  }
0xcd: {  	[tilespmem:s22], [sflag:$0x1] =	stream.indirect_vreg.gather [hbm4b:s0+s2], $0x80, v6, vm0, $0xb8;
	[tilespmem:$0x1AA80] =	vst v63  }
0xce: {  	v6 =	vld [tilespmem:s5+$0x0];
	_ =	sdelay $0x4  }
0xcf: {  	v7 =	vshll.u32 v6, $0x1  }
0xd0: {  	v6 =	vand.u32 $0x7, v6;
	v7 =	vand.u32 $0xFFFFFFF0, v7  }
0xd1: {  	v6 =	vor.u32 v6, v7  }
0xd2: {  	v7 =	vperm.xlane v6, v1;
	_ =	sdelay $0x1  }
0xd3: {  	v6 =	vperm.xlane v6, v3;
	v7 =	vadd.s32 v2, v7;
	_ =	sdelay $0x1  }
0xd4: {  	v6 =	vadd.s32 v2, v6;
	_ =	sdelay $0x2  }
0xd5: {  	[tilespmem:s26], [sflag:$0x2] =	stream.indirect_vreg.gather [hbm4b:s0+s2], $0x80, v7, vm0, $0xb8;
	[tilespmem:$0x1AA80] =	vst v63  }
0xd6: {  	s23 =	simm.s32 $0xB280  }
0xd7: {  	[tilespmem:s23], [sflag:$0x2] =	stream.indirect_vreg.gather [hbm4b:s0+s2], $0x80, v6, vm0, $0xb8;
	[tilespmem:$0x1AA80] =	vst v63  }
0xd8: {  	v6 =	vld [tilespmem:s5+$0x10];
	_ =	sdelay $0x4  }
0xd9: {  	v7 =	vshll.u32 v6, $0x1  }
0xda: {  	v6 =	vand.u32 $0x7, v6;
	v7 =	vand.u32 $0xFFFFFFF0, v7  }
0xdb: {  	v6 =	vor.u32 v6, v7  }
0xdc: {  	v7 =	vperm.xlane v6, v1;
	_ =	sdelay $0x1  }
0xdd: {  	v6 =	vperm.xlane v6, v3;
	v7 =	vadd.s32 v2, v7;
	_ =	sdelay $0x1  }
0xde: {  	v6 =	vadd.s32 v2, v6;
	_ =	sdelay $0x1  }
0xdf: {  	s28 =	simm.s32 $0xBA80  }
0xe0: {  	[tilespmem:s28], [sflag:$0x2] =	stream.indirect_vreg.gather [hbm4b:s0+s2], $0x80, v7, vm0, $0xb8;
	[tilespmem:$0x1AA80] =	vst v63  }
0xe1: {  	s12 =	simm.s32 $0xC280  }
0xe2: {  	[tilespmem:s12], [sflag:$0x2] =	stream.indirect_vreg.gather [hbm4b:s0+s2], $0x80, v6, vm0, $0xb8;
	[tilespmem:$0x1AA80] =	vst v63  }
0xe3: {  	v6 =	vld [tilespmem:s5+$0x20];
	_ =	sdelay $0x4  }
0xe4: {  	v7 =	vshll.u32 v6, $0x1  }
0xe5: {  	v6 =	vand.u32 $0x7, v6;
	v7 =	vand.u32 $0xFFFFFFF0, v7  }
0xe6: {  	v6 =	vor.u32 v6, v7  }
0xe7: {  	v7 =	vperm.xlane v6, v1;
	_ =	sdelay $0x1  }
0xe8: {  	v6 =	vperm.xlane v6, v3;
	v7 =	vadd.s32 v2, v7;
	_ =	sdelay $0x1  }
0xe9: {  	v6 =	vadd.s32 v2, v6;
	_ =	sdelay $0x1  }
0xea: {  	s13 =	simm.s32 $0xCA80  }
0xeb: {  	[tilespmem:s13], [sflag:$0x2] =	stream.indirect_vreg.gather [hbm4b:s0+s2], $0x80, v7, vm0, $0xb8;
	[tilespmem:$0x1AA80] =	vst v63  }
0xec: {  	s17 =	simm.s32 $0xD280  }
0xed: {  	[tilespmem:s17], [sflag:$0x2] =	stream.indirect_vreg.gather [hbm4b:s0+s2], $0x80, v6, vm0, $0xb8;
	[tilespmem:$0x1AA80] =	vst v63  }
0xee: {  	v6 =	vld [tilespmem:s5+$0x30];
	_ =	sdelay $0x4  }
0xef: {  	v7 =	vshll.u32 v6, $0x1  }
0xf0: {  	v6 =	vand.u32 $0x7, v6;
	v7 =	vand.u32 $0xFFFFFFF0, v7  }
0xf1: {  	v6 =	vor.u32 v6, v7  }
0xf2: {  	v7 =	vperm.xlane v6, v1;
	_ =	sdelay $0x1  }
0xf3: {  	v6 =	vperm.xlane v6, v3;
	v7 =	vadd.s32 v2, v7;
	_ =	sdelay $0x1  }
0xf4: {  	v6 =	vadd.s32 v2, v6;
	_ =	sdelay $0x1  }
0xf5: {  	s19 =	simm.s32 $0xDA80  }
0xf6: {  	[tilespmem:s19], [sflag:$0x2] =	stream.indirect_vreg.gather [hbm4b:s0+s2], $0x80, v7, vm0, $0xb8;
	[tilespmem:$0x1AA80] =	vst v63  }
0xf7: {  	s22 =	simm.s32 $0xE280  }
0xf8: {  	[tilespmem:s22], [sflag:$0x2] =	stream.indirect_vreg.gather [hbm4b:s0+s2], $0x80, v6, vm0, $0xb8;
	[tilespmem:$0x1AA80] =	vst v63  }
0xf9: {  	v6 =	vld [tilespmem:s5+$0x40];
	_ =	sdelay $0x4  }
0xfa: {  	v7 =	vshll.u32 v6, $0x1  }
0xfb: {  	v6 =	vand.u32 $0x7, v6;
	v7 =	vand.u32 $0xFFFFFFF0, v7  }
0xfc: {  	v6 =	vor.u32 v6, v7  }
0xfd: {  	v7 =	vperm.xlane v6, v1;
	_ =	sdelay $0x1  }
0xfe: {  	v6 =	vperm.xlane v6, v3;
	v7 =	vadd.s32 v2, v7;
	_ =	sdelay $0x1  }
0xff: {  	v6 =	vadd.s32 v2, v6;
	_ =	sdelay $0x1  }
0x100: {  	s23 =	simm.s32 $0xEA80  }
0x101: {  	[tilespmem:s23], [sflag:$0x2] =	stream.indirect_vreg.gather [hbm4b:s0+s2], $0x80, v7, vm0, $0xb8;
	[tilespmem:$0x1AA80] =	vst v63  }
0x102: {  	s28 =	simm.s32 $0xF280  }
0x103: {  	[tilespmem:s28], [sflag:$0x2] =	stream.indirect_vreg.gather [hbm4b:s0+s2], $0x80, v6, vm0, $0xb8;
	[tilespmem:$0x1AA80] =	vst v63  }
0x104: {  	v6 =	vld [tilespmem:s5+$0x50];
	_ =	sdelay $0x4  }
0x105: {  	v7 =	vshll.u32 v6, $0x1  }
0x106: {  	v6 =	vand.u32 $0x7, v6;
	v7 =	vand.u32 $0xFFFFFFF0, v7  }
0x107: {  	v6 =	vor.u32 v6, v7  }
0x108: {  	v7 =	vperm.xlane v6, v1;
	_ =	sdelay $0x1  }
0x109: {  	v6 =	vperm.xlane v6, v3;
	v7 =	vadd.s32 v2, v7;
	_ =	sdelay $0x1  }
0x10a: {  	v6 =	vadd.s32 v2, v6;
	_ =	sdelay $0x1  }
0x10b: {  	s12 =	simm.s32 $0xFA80  }
0x10c: {  	[tilespmem:s12], [sflag:$0x2] =	stream.indirect_vreg.gather [hbm4b:s0+s2], $0x80, v7, vm0, $0xb8;
	[tilespmem:$0x1AA80] =	vst v63  }
0x10d: {  	s13 =	simm.s32 $0x10280  }
0x10e: {  	[tilespmem:s13], [sflag:$0x2] =	stream.indirect_vreg.gather [hbm4b:s0+s2], $0x80, v6, vm0, $0xb8;
	[tilespmem:$0x1AA80] =	vst v63  }
0x10f: {  	v6 =	vld [tilespmem:s5+$0x60];
	_ =	sdelay $0x4  }
0x110: {  	v7 =	vshll.u32 v6, $0x1  }
0x111: {  	v6 =	vand.u32 $0x7, v6;
	v7 =	vand.u32 $0xFFFFFFF0, v7  }
0x112: {  	v6 =	vor.u32 v6, v7  }
0x113: {  	v7 =	vperm.xlane v6, v1;
	_ =	sdelay $0x1  }
0x114: {  	v6 =	vperm.xlane v6, v3;
	v7 =	vadd.s32 v2, v7;
	_ =	sdelay $0x1  }
0x115: {  	v6 =	vadd.s32 v2, v6;
	_ =	sdelay $0x1  }
0x116: {  	s17 =	simm.s32 $0x10A80  }
0x117: {  	[tilespmem:s17], [sflag:$0x2] =	stream.indirect_vreg.gather [hbm4b:s0+s2], $0x80, v7, vm0, $0xb8;
	[tilespmem:$0x1AA80] =	vst v63  }
0x118: {  	s19 =	simm.s32 $0x11280  }
0x119: {  	(v2sf) =	vpush v5, $0xF;
	[tilespmem:s19], [sflag:$0x2] =	stream.indirect_vreg.gather [hbm4b:s0+s2], $0x80, v6, vm0, $0xb8;
	[tilespmem:$0x1AA80] =	vst v63  }
0x11a: {  	v6 =	vld [tilespmem:s5+$0x70];
	_ =	sdelay $0x4  }
0x11b: {  	v5 =	vshll.u32 v6, $0x1  }
0x11c: {  	v6 =	vand.u32 $0x7, v6;
	v5 =	vand.u32 $0xFFFFFFF0, v5  }
0x11d: {  	v5 =	vor.u32 v6, v5  }
0x11e: {  	v6 =	vperm.xlane v5, v1;
	_ =	sdelay $0x1  }
0x11f: {  	v5 =	vperm.xlane v5, v3;
	v6 =	vadd.s32 v2, v6;
	_ =	sdelay $0x1  }
0x120: {  	v5 =	vadd.s32 v2, v5  }
.Ltmp4:
0x121: {  	_ = 	snop;
	(pc) =	sbr.rel @p0 .LBB2_23-.Ltmp4, $4  }
0x122: {  	s22 =	simm.s32 $0x11A80;
	s28 =	spop (v2sf)  }
0x123: {  	[tilespmem:s22], [sflag:$0x2] =	stream.indirect_vreg.gather [hbm4b:s0+s2], $0x80, v6, vm0, $0xb8;
	[tilespmem:$0x1AA80] =	vst v63  }
0x124: {  	s23 =	simm.s32 $0x12280;
	s15 =	sadd.s32 s15, s28  }
0x125: {  	[tilespmem:s23], [sflag:$0x2] =	stream.indirect_vreg.gather [hbm4b:s0+s2], $0x80, v5, vm0, $0xb8;
	[tilespmem:$0x1AA80] =	vst v63  }
0x126: {  	s1 =	simm.s32 $0x0;
	s12 =	rddreg [dreg:$0x1];
	s13 =	simm.s32 $0xA00  }
0x127: {  	[tilespmem:s13], [sflag:$0x3] =	stream.linear.gather [hbm4b:s12+s1], $0x2000, $0x38;
	[tilespmem:$0x1AA80] =	vst v63  }
0x128: {  	s28 =	sand.u32 $0xC00, s1;
	_ =	swait.ge [sflag:s30], $0x2000  }
0x129: {  	s1 =	sand.u32 $0x70, s1;
	s12 =	sadd.s32 s28, s24;
	[sflag:s30] =	ssyncset.done $0x0  }
0x12a: {  	s1 =	sadd.s32 s1, s12;
	[sflag:s30] =	ssyncadd.s32 $0xFFFFE000  }
0x12b: {  	v5 =	vld [tilespmem:s1+$0x0]  }
0x12c: {  	v6 =	vimm.s32 $0x0;
	s17 =	simm.s32 $0x80;
	v7 =	vimm.s32 $0x0;
	s12 =	simm.s32 $0x10  }
.LBB2_7:
0x12d: {  	s19 =	sand.u32 $0xC00, s17  }
0x12e: {  	p1 =	sne.s32 s12, $0x1F0;
	s22 =	smov.u32 s12;
	s12 =	sadd.s32 $0x10, s12  }
.Ltmp5:
0x12f: {  	s22 =	sand.u32 $0x70, s22;
	s19 =	sadd.s32 s19, s24;
	(pc) =	sbr.rel @p1 .LBB2_7-.Ltmp5, $3  }
0x130: {  	s19 =	sadd.s32 s22, s19;
	v7 =	vadd.s32 v7, v5  }
0x131: {  	v5 =	vld [tilespmem:s19+$0x0];
	_ =	sdelay $0x1  }
0x132: {  	s17 =	sadd.s32 $0x80, s17  }
0x133: {  	_ =	sdelay $0x1  }
0x134: {  	v5 =	vadd.s32 v7, v5;
	v7 =	vld [tilespmem:s1+$0x80]  }
0x135: {  	s12 =	simm.s32 $0x10;
	s1 =	simm.s32 $0x80  }
.LBB2_9:
0x136: {  	s17 =	sand.u32 $0xC00, s1  }
0x137: {  	p1 =	sne.s32 s12, $0x1F0;
	s19 =	smov.u32 s12;
	s12 =	sadd.s32 $0x10, s12  }
.Ltmp6:
0x138: {  	s19 =	sand.u32 $0x70, s19;
	s17 =	sadd.s32 s17, s24;
	(pc) =	sbr.rel @p1 .LBB2_9-.Ltmp6, $3  }
0x139: {  	s17 =	sadd.s32 s19, s17;
	v6 =	vadd.s32 v6, v7  }
0x13a: {  	v7 =	vld [tilespmem:s17+$0x80];
	_ =	sdelay $0x1  }
0x13b: {  	s1 =	sadd.s32 $0x80, s1  }
0x13c: {  	s1 =	simm.s32 $0x0  }
0x13d: {  	s12 =	sand.u32 $0xC00, s1  }
0x13e: {  	s1 =	sand.u32 $0x70, s1;
	s12 =	sadd.s32 s12, s24  }
0x13f: {  	s1 =	sadd.s32 s1, s12  }
0x140: {  	v6 =	vadd.s32 v6, v7;
	v7 =	vld [tilespmem:s1+$0x100]  }
0x141: {  	v8 =	vimm.s32 $0x0;
	s17 =	simm.s32 $0x80;
	v9 =	vimm.s32 $0x0;
	s12 =	simm.s32 $0x10  }
.LBB2_11:
0x142: {  	s19 =	sand.u32 $0xC00, s17  }
0x143: {  	p1 =	sne.s32 s12, $0x1F0;
	s22 =	smov.u32 s12;
	s12 =	sadd.s32 $0x10, s12  }
.Ltmp7:
0x144: {  	s22 =	sand.u32 $0x70, s22;
	s19 =	sadd.s32 s19, s24;
	(pc) =	sbr.rel @p1 .LBB2_11-.Ltmp7, $3  }
0x145: {  	s19 =	sadd.s32 s22, s19;
	v9 =	vadd.s32 v9, v7  }
0x146: {  	v7 =	vld [tilespmem:s19+$0x100];
	_ =	sdelay $0x1  }
0x147: {  	s17 =	sadd.s32 $0x80, s17  }
0x148: {  	_ =	sdelay $0x1  }
0x149: {  	v7 =	vadd.s32 v9, v7;
	v9 =	vld [tilespmem:s1+$0x180]  }
0x14a: {  	s12 =	simm.s32 $0x10;
	s1 =	simm.s32 $0x80  }
.LBB2_13:
0x14b: {  	s17 =	sand.u32 $0xC00, s1  }
0x14c: {  	p1 =	sne.s32 s12, $0x1F0;
	s19 =	smov.u32 s12;
	s12 =	sadd.s32 $0x10, s12  }
.Ltmp8:
0x14d: {  	s19 =	sand.u32 $0x70, s19;
	s17 =	sadd.s32 s17, s24;
	(pc) =	sbr.rel @p1 .LBB2_13-.Ltmp8, $3  }
0x14e: {  	s17 =	sadd.s32 s19, s17;
	v8 =	vadd.s32 v8, v9  }
0x14f: {  	v9 =	vld [tilespmem:s17+$0x180];
	_ =	sdelay $0x1  }
0x150: {  	s1 =	sadd.s32 $0x80, s1  }
0x151: {  	s1 =	simm.s32 $0x0  }
0x152: {  	s12 =	sand.u32 $0xC00, s1  }
0x153: {  	s1 =	sand.u32 $0x70, s1;
	s12 =	sadd.s32 s12, s24  }
0x154: {  	s1 =	sadd.s32 s1, s12  }
0x155: {  	v8 =	vadd.s32 v8, v9;
	v9 =	vld [tilespmem:s1+$0x200]  }
0x156: {  	v10 =	vimm.s32 $0x0;
	s17 =	simm.s32 $0x80;
	v11 =	vimm.s32 $0x0;
	s12 =	simm.s32 $0x10  }
.LBB2_15:
0x157: {  	s19 =	sand.u32 $0xC00, s17  }
0x158: {  	p1 =	sne.s32 s12, $0x1F0;
	s22 =	smov.u32 s12;
	s12 =	sadd.s32 $0x10, s12  }
.Ltmp9:
0x159: {  	s22 =	sand.u32 $0x70, s22;
	s19 =	sadd.s32 s19, s24;
	(pc) =	sbr.rel @p1 .LBB2_15-.Ltmp9, $3  }
0x15a: {  	s19 =	sadd.s32 s22, s19;
	v11 =	vadd.s32 v11, v9  }
0x15b: {  	v9 =	vld [tilespmem:s19+$0x200];
	_ =	sdelay $0x1  }
0x15c: {  	s17 =	sadd.s32 $0x80, s17  }
0x15d: {  	_ =	sdelay $0x1  }
0x15e: {  	v9 =	vadd.s32 v11, v9;
	v11 =	vld [tilespmem:s1+$0x280]  }
0x15f: {  	s12 =	simm.s32 $0x10;
	s1 =	simm.s32 $0x80  }
.LBB2_17:
0x160: {  	s17 =	sand.u32 $0xC00, s1  }
0x161: {  	p1 =	sne.s32 s12, $0x1F0;
	s19 =	smov.u32 s12;
	s12 =	sadd.s32 $0x10, s12  }
.Ltmp10:
0x162: {  	s19 =	sand.u32 $0x70, s19;
	s17 =	sadd.s32 s17, s24;
	(pc) =	sbr.rel @p1 .LBB2_17-.Ltmp10, $3  }
0x163: {  	s17 =	sadd.s32 s19, s17;
	v10 =	vadd.s32 v10, v11  }
0x164: {  	v11 =	vld [tilespmem:s17+$0x280];
	_ =	sdelay $0x1  }
0x165: {  	s1 =	sadd.s32 $0x80, s1  }
0x166: {  	s1 =	simm.s32 $0x0  }
0x167: {  	s12 =	sand.u32 $0xC00, s1  }
0x168: {  	s1 =	sand.u32 $0x70, s1;
	s12 =	sadd.s32 s12, s24  }
0x169: {  	s1 =	sadd.s32 s1, s12  }
0x16a: {  	v12 =	vld [tilespmem:s1+$0x300]  }
0x16b: {  	s17 =	simm.s32 $0x80;
	v13 =	vimm.s32 $0x0;
	v10 =	vadd.s32 v10, v11;
	v11 =	vimm.s32 $0x0;
	s12 =	simm.s32 $0x10  }
.LBB2_19:
0x16c: {  	s19 =	sand.u32 $0xC00, s17  }
0x16d: {  	p1 =	sne.s32 s12, $0x1F0;
	s22 =	smov.u32 s12;
	s12 =	sadd.s32 $0x10, s12  }
.Ltmp11:
0x16e: {  	s22 =	sand.u32 $0x70, s22;
	s19 =	sadd.s32 s19, s24;
	(pc) =	sbr.rel @p1 .LBB2_19-.Ltmp11, $3  }
0x16f: {  	s19 =	sadd.s32 s22, s19;
	v13 =	vadd.s32 v13, v12  }
0x170: {  	v12 =	vld [tilespmem:s19+$0x300];
	_ =	sdelay $0x1  }
0x171: {  	s17 =	sadd.s32 $0x80, s17  }
0x172: {  	_ =	sdelay $0x1  }
0x173: {  	v12 =	vadd.s32 v13, v12;
	v13 =	vld [tilespmem:s1+$0x380]  }
0x174: {  	s12 =	simm.s32 $0x10;
	s1 =	simm.s32 $0x80  }
.LBB2_21:
0x175: {  	s17 =	sand.u32 $0xC00, s1  }
0x176: {  	p1 =	sne.s32 s12, $0x1F0;
	s19 =	smov.u32 s12;
	s12 =	sadd.s32 $0x10, s12  }
.Ltmp12:
0x177: {  	s19 =	sand.u32 $0x70, s19;
	s17 =	sadd.s32 s17, s24;
	(pc) =	sbr.rel @p1 .LBB2_21-.Ltmp12, $3  }
0x178: {  	s17 =	sadd.s32 s19, s17;
	v11 =	vadd.s32 v11, v13  }
0x179: {  	v13 =	vld [tilespmem:s17+$0x380];
	_ =	sdelay $0x1  }
0x17a: {  	s1 =	sadd.s32 $0x80, s1  }
0x17b: {  	(xrf0) =	vadd.scan.msk.s32 $0xffff, v5  }
0x17c: {  	(xrf0) =	vadd.scan.msk.s32 $0xffff, v6  }
0x17d: {  	(xrf0) =	vadd.scan.msk.s32 $0xffff, v7  }
0x17e: {  	(xrf0) =	vadd.scan.msk.s32 $0xffff, v8  }
0x17f: {  	(xrf0) =	vadd.scan.msk.s32 $0xffff, v9  }
0x180: {  	v5 =	vadd.s32 v11, v13;
	(xrf0) =	vadd.scan.msk.s32 $0xffff, v10  }
0x181: {  	v6, _, _ =	vpop (xrf0);
	(xrf0) =	vadd.scan.msk.s32 $0xffff, v12  }
0x182: {  	v6 =	vbroadcast v6, $0xF;
	v7, _, _ =	vpop (xrf0);
	(xrf0) =	vadd.scan.msk.s32 $0xffff, v5  }
0x183: {  	v5, _, _ =	vpop (xrf0);
	v7 =	vbroadcast v7, $0xF  }
0x184: {  	vm2 =	vcmask $0x320;
	v8, _, _ =	vpop (xrf0);
	v6 =	vnsel vm1, $0x0, v6;
	v5 =	vbroadcast v5, $0xF  }
0x185: {  	v9, _, _ =	vpop (xrf0);
	v6 =	vsel vm2, v6, v7;
	v7 =	vbroadcast v8, $0xF  }
0x186: {  	v61, _, _ =	vpop (xrf0);
	v5 =	vsel vm3, v6, v5;
	v6 =	vbroadcast v9, $0xF  }
0x187: {  	v62, _, _ =	vpop (xrf0);
	v5 =	vsel vm4, v5, v7;
	v7 =	vbroadcast v61, $0xF  }
0x188: {  	v5 =	vsel vm5, v5, v6;
	v6 =	vbroadcast v62, $0xF;
	v63, _, _ =	vpop (xrf0)  }
0x189: {  	v5 =	vsel vm6, v5, v7;
	v7 =	vbroadcast v63, $0xF  }
0x18a: {  	v5 =	vsel vm7, v5, v6  }
0x18b: {  	v5 =	vsel vm8, v5, v7  }
0x18c: {  	s1 =	rddreg [dreg:$0xb];
	s12 =	simm.s32 $0x2A00;
	[tilespmem:$0x2A00] =	vst v5  }
0x18d: {  	[hbm4b:s1+s2] =	stream.linear.scatter [tilespmem:s12], [sflag:$0x3], $0x8, $0x38;
	[tilespmem:$0x1AA80] =	vst v63  }
0x18e: {  	_ =	swait.ge [sflag:s30], $0x8  }
0x18f: {  	[sflag:s30] =	ssyncset.done $0x0  }
0x190: {  	[sflag:s30] =	ssyncadd.s32 $0xFFFFFFF8  }
.LBB2_23:
0x191: {  	s17 =	ssub.s32 s15, s4  }
0x192: {  	p1 =	sgt.s32 s17, $0x380  }
.Ltmp13:
0x193: {  	_ = 	snop;
	(pc) =	sbr.rel @p1 .LBB2_27-.Ltmp13, $2  }
0x194: {  	_ =	sdelay $0x2  }
0x195: {  	s12 =	simm.s32 $0x0  }
0x196: {  	s1 =	sand.u32 $0x7800, s12;
	s15 =	sand.u32 $0x380, s12  }
0x197: {  	s15 =	sor.u32 s15, s1  }
0x198: {  	s1 =	sadd.s32 $0x12A80, s15;
	[tilespmem:s15+$0x12A80] =	vst v4  }
0x199: {  	[tilespmem:s1+$0x10] =	vst v4  }
0x19a: {  	[tilespmem:s1+$0x20] =	vst v4  }
0x19b: {  	[tilespmem:s1+$0x30] =	vst v4  }
0x19c: {  	[tilespmem:s1+$0x40] =	vst v4  }
0x19d: {  	[tilespmem:s1+$0x50] =	vst v4  }
0x19e: {  	[tilespmem:s1+$0x60] =	vst v4  }
0x19f: {  	[tilespmem:s1+$0x70] =	vst v4  }
0x1a0: {  	[tilespmem:s1+$0x400] =	vst v4  }
0x1a1: {  	[tilespmem:s1+$0x410] =	vst v4  }
0x1a2: {  	[tilespmem:s1+$0x420] =	vst v4  }
0x1a3: {  	[tilespmem:s1+$0x430] =	vst v4  }
0x1a4: {  	[tilespmem:s1+$0x440] =	vst v4  }
0x1a5: {  	s23 =	sadd.s32 $0x100, s12;
	s15 =	sadd.s32 $0x80, s12;
	[tilespmem:s1+$0x450] =	vst v4  }
0x1a6: {  	s19 =	sand.u32 $0x7800, s23;
	s12 =	sadd.s32 $0x100, s23;
	s22 =	sand.u32 $0x380, s15;
	[tilespmem:s1+$0x460] =	vst v4  }
.LBB2_25:
0x1a7: {  	p2 =	sne.s32 s12, $0x7F00;
	s19 =	sor.u32 s22, s19;
	[tilespmem:s1+$0x470] =	vst v4  }
0x1a8: {  	s1 =	sadd.s32 $0x12A80, s19;
	[tilespmem:s19+$0x12A80] =	vst v4  }
0x1a9: {  	[tilespmem:s1+$0x10] =	vst v4  }
0x1aa: {  	[tilespmem:s1+$0x20] =	vst v4  }
0x1ab: {  	[tilespmem:s1+$0x30] =	vst v4  }
0x1ac: {  	[tilespmem:s1+$0x40] =	vst v4  }
0x1ad: {  	[tilespmem:s1+$0x50] =	vst v4  }
0x1ae: {  	[tilespmem:s1+$0x60] =	vst v4  }
0x1af: {  	[tilespmem:s1+$0x70] =	vst v4  }
0x1b0: {  	[tilespmem:s1+$0x400] =	vst v4  }
0x1b1: {  	[tilespmem:s1+$0x410] =	vst v4  }
.Ltmp14:
0x1b2: {  	[tilespmem:s1+$0x420] =	vst v4;
	(pc) =	sbr.rel @p2 .LBB2_25-.Ltmp14, $4  }
0x1b3: {  	[tilespmem:s1+$0x430] =	vst v4  }
0x1b4: {  	[tilespmem:s1+$0x440] =	vst v4  }
0x1b5: {  	s15 =	sadd.s32 $0x80, s15;
	[tilespmem:s1+$0x450] =	vst v4  }
0x1b6: {  	s19 =	sand.u32 $0x7800, s12;
	s22 =	sand.u32 $0x380, s15;
	s12 =	sadd.s32 $0x100, s12;
	[tilespmem:s1+$0x460] =	vst v4  }
0x1b7: {  	s12 =	sor.u32 s22, s19;
	[tilespmem:s1+$0x470] =	vst v4  }
0x1b8: {  	s28 =	sadd.s32 $0x12A80, s12;
	[tilespmem:s12+$0x12A80] =	vst v4  }
0x1b9: {  	[tilespmem:s28+$0x10] =	vst v4  }
0x1ba: {  	[tilespmem:s28+$0x20] =	vst v4  }
0x1bb: {  	[tilespmem:s28+$0x30] =	vst v4  }
0x1bc: {  	[tilespmem:s28+$0x40] =	vst v4  }
0x1bd: {  	[tilespmem:s28+$0x50] =	vst v4  }
0x1be: {  	[tilespmem:s28+$0x60] =	vst v4  }
0x1bf: {  	[tilespmem:s28+$0x70] =	vst v4  }
0x1c0: {  	[tilespmem:s28+$0x400] =	vst v4  }
0x1c1: {  	[tilespmem:s28+$0x410] =	vst v4  }
0x1c2: {  	[tilespmem:s28+$0x420] =	vst v4  }
0x1c3: {  	[tilespmem:s28+$0x430] =	vst v4  }
0x1c4: {  	[tilespmem:s28+$0x440] =	vst v4  }
0x1c5: {  	[tilespmem:s28+$0x450] =	vst v4  }
0x1c6: {  	[tilespmem:s28+$0x460] =	vst v4  }
0x1c7: {  	[tilespmem:s28+$0x470] =	vst v4  }
.LBB2_27:
0x1c8: {  	p2 =	sgt.s32 s17, $0x7F  }
0x1c9: {  	p3 =	sgt.s32 s17, $0x0;
	s15 =	smov.u32 s17;
	p4 =	slt.s32 @!p2 s17, $0x1  }
0x1ca: {  	s15 =	simm.s32 @!p3 $0x0;
	p3 =	por p2, p4  }
.Ltmp15:
0x1cb: {  	_ = 	snop;
	(pc) =	sbr.rel @p3 .LBB2_28-.Ltmp15, $4  }
0x1cc: {  	_ = 	snop  }
0x1cd: {  	_ =	swait.ge [sflag:s21], $0x8000  }
0x1ce: {  	[sflag:s21] =	ssyncset.done $0x0  }
0x1cf: {  	s19 =	smin.u32 s15, $0x400;
	[sflag:s21] =	ssyncadd.s32 $0xFFFF8000  }
0x1d0: {  	s1 =	ssub.s32 $0x80, s15  }
0x1d1: {  	p3 =	sne.s32 s1, $0x1  }
.Ltmp16:
0x1d2: {  	_ = 	snop;
	(pc) =	sbr.rel @!p3 .LBB2_30-.Ltmp16, $3  }
0x1d3: {  	_ =	sdelay $0x1  }
0x1d4: {  	s23 =	sshll.u32 s15, $0x8;
	s28 =	sshll.u32 s15, $0x7;
	p2 =	por $0x0, $0x0  }
0x1d5: {  	s12 =	sand.u32 $0x7800, s23;
	s22 =	sand.u32 $0x380, s28;
	s29 =	sadd.s32 $0xFFFFFFFF, s1  }
0x1d6: {  	s1 =	sor.u32 s22, s12  }
0x1d7: {  	[tilespmem:s1+$0x2EF0] =	vst v4  }
0x1d8: {  	[tilespmem:s1+$0x2A80] =	vst v4  }
0x1d9: {  	[tilespmem:s1+$0x2A90] =	vst v4  }
0x1da: {  	[tilespmem:s1+$0x2AA0] =	vst v4  }
0x1db: {  	[tilespmem:s1+$0x2AB0] =	vst v4  }
0x1dc: {  	[tilespmem:s1+$0x2AC0] =	vst v4  }
0x1dd: {  	[tilespmem:s1+$0x2AD0] =	vst v4  }
0x1de: {  	[tilespmem:s1+$0x2AE0] =	vst v4  }
0x1df: {  	[tilespmem:s1+$0x2AF0] =	vst v4  }
0x1e0: {  	p3 =	sne.s32 s29, $0x1;
	[tilespmem:s1+$0x2E80] =	vst v4  }
.Ltmp17:
0x1e1: {  	[tilespmem:s1+$0x2E90] =	vst v4;
	(pc) =	sbr.rel @!p3 .LBB2_33-.Ltmp17, $4  }
0x1e2: {  	[tilespmem:s1+$0x2EA0] =	vst v4  }
0x1e3: {  	[tilespmem:s1+$0x2EB0] =	vst v4  }
0x1e4: {  	s23 =	sadd.s32 $0x100, s23;
	s28 =	sadd.s32 $0x80, s28;
	s29 =	sadd.s32 $0xFFFFFFFF, s29;
	[tilespmem:s1+$0x2EC0] =	vst v4  }
0x1e5: {  	p2 =	por $0x1, $0x1;
	s12 =	sand.u32 $0x7800, s23;
	s22 =	sand.u32 $0x380, s28;
	[tilespmem:s1+$0x2ED0] =	vst v4  }
.LBB2_32:
0x1e6: {  	p3 =	sne.s32 s29, $0x1;
	[tilespmem:s1+$0x2EE0] =	vst v4;
	s1 =	sor.u32 s22, s12  }
0x1e7: {  	[tilespmem:s1+$0x2EF0] =	vst v4  }
0x1e8: {  	[tilespmem:s1+$0x2A80] =	vst v4  }
0x1e9: {  	[tilespmem:s1+$0x2A90] =	vst v4  }
0x1ea: {  	[tilespmem:s1+$0x2AA0] =	vst v4  }
0x1eb: {  	[tilespmem:s1+$0x2AB0] =	vst v4  }
0x1ec: {  	[tilespmem:s1+$0x2AC0] =	vst v4  }
0x1ed: {  	[tilespmem:s1+$0x2AD0] =	vst v4  }
0x1ee: {  	[tilespmem:s1+$0x2AE0] =	vst v4  }
0x1ef: {  	[tilespmem:s1+$0x2AF0] =	vst v4  }
0x1f0: {  	[tilespmem:s1+$0x2E80] =	vst v4  }
.Ltmp18:
0x1f1: {  	[tilespmem:s1+$0x2E90] =	vst v4;
	(pc) =	sbr.rel @p3 .LBB2_32-.Ltmp18, $4  }
0x1f2: {  	[tilespmem:s1+$0x2EA0] =	vst v4  }
0x1f3: {  	[tilespmem:s1+$0x2EB0] =	vst v4  }
0x1f4: {  	s28 =	sadd.s32 $0x80, s28;
	s23 =	sadd.s32 $0x100, s23;
	[tilespmem:s1+$0x2EC0] =	vst v4  }
0x1f5: {  	s29 =	sadd.s32 $0xFFFFFFFF, s29;
	s12 =	sand.u32 $0x7800, s23;
	s22 =	sand.u32 $0x380, s28;
	[tilespmem:s1+$0x2ED0] =	vst v4  }
.LBB2_33:
0x1f6: {  	s12 =	sor.u32 s22, s12;
	[tilespmem:s1+$0x2EE0] =	vst @p2 v4  }
0x1f7: {  	[tilespmem:s12+$0x2EF0] =	vst v4  }
0x1f8: {  	[tilespmem:s12+$0x2A80] =	vst v4  }
0x1f9: {  	[tilespmem:s12+$0x2A90] =	vst v4  }
0x1fa: {  	[tilespmem:s12+$0x2AA0] =	vst v4  }
0x1fb: {  	[tilespmem:s12+$0x2AB0] =	vst v4  }
0x1fc: {  	[tilespmem:s12+$0x2AC0] =	vst v4  }
0x1fd: {  	[tilespmem:s12+$0x2AD0] =	vst v4  }
0x1fe: {  	[tilespmem:s12+$0x2AE0] =	vst v4  }
0x1ff: {  	[tilespmem:s12+$0x2AF0] =	vst v4  }
0x200: {  	[tilespmem:s12+$0x2E80] =	vst v4  }
0x201: {  	[tilespmem:s12+$0x2E90] =	vst v4  }
.Ltmp19:
0x202: {  	[tilespmem:s12+$0x2EA0] =	vst v4;
	(pc) =	sbr.rel .LBB2_34-.Ltmp19, $4  }
0x203: {  	[tilespmem:s12+$0x2EB0] =	vst v4  }
0x204: {  	[tilespmem:s12+$0x2EC0] =	vst v4  }
0x205: {  	[tilespmem:s12+$0x2ED0] =	vst v4  }
0x206: {  	s1 =	simm.s32 $0x2A80;
	s29 =	rddreg [dreg:$0x6];
	[tilespmem:s12+$0x2EE0] =	vst v4  }
.LBB2_28:
0x207: {  	s1 =	simm.s32 @!p2 $0x12A80  }
0x208: {  	s1 =	simm.s32 @p2 $0x2A80  }
.LBB2_34:
0x209: {  	s12 =	rddreg [dreg:$0x5]  }
0x20a: {  	[hbm4b:s12+s2] =	stream.linear.scatter [tilespmem:s1], [sflag:$0x3], $0x8000, $0x38;
	[tilespmem:$0x1AA80] =	vst v63  }
0x20b: {  	_ =	swait.ge [sflag:s30], $0x8000  }
0x20c: {  	[sflag:s30] =	ssyncset.done $0x0  }
0x20d: {  	[sflag:s30] =	ssyncadd.s32 $0xFFFF8000  }
0x20e: {  	v5 =	vld [tilespmem:s6+$0x0];
	_ =	sdelay $0x4  }
0x20f: {  	v6 =	vshll.u32 v5, $0x1  }
0x210: {  	v5 =	vand.u32 $0x7, v5;
	v6 =	vand.u32 $0xFFFFFFF0, v6  }
0x211: {  	v5 =	vor.u32 v5, v6  }
0x212: {  	v6 =	vperm.xlane v5, v1;
	_ =	sdelay $0x1  }
0x213: {  	v5 =	vperm.xlane v5, v3;
	v6 =	vadd.s32 v2, v6;
	_ =	sdelay $0x1  }
0x214: {  	v5 =	vadd.s32 v2, v5;
	_ =	sdelay $0x2  }
0x215: {  	[tilespmem:s31], [sflag:$0x1] =	stream.indirect_vreg.gather [hbm4b:s0+s2], $0x80, v6, vm0, $0xb8;
	[tilespmem:$0x1AA80] =	vst v63  }
0x216: {  	s23 =	simm.s32 $0x3280  }
0x217: {  	[tilespmem:s23], [sflag:$0x1] =	stream.indirect_vreg.gather [hbm4b:s0+s2], $0x80, v5, vm0, $0xb8;
	[tilespmem:$0x1AA80] =	vst v63  }
0x218: {  	v5 =	vld [tilespmem:s6+$0x10];
	_ =	sdelay $0x4  }
0x219: {  	v6 =	vshll.u32 v5, $0x1  }
0x21a: {  	v5 =	vand.u32 $0x7, v5;
	v6 =	vand.u32 $0xFFFFFFF0, v6  }
0x21b: {  	v5 =	vor.u32 v5, v6  }
0x21c: {  	v6 =	vperm.xlane v5, v1;
	_ =	sdelay $0x1  }
0x21d: {  	v5 =	vperm.xlane v5, v3;
	v6 =	vadd.s32 v2, v6;
	_ =	sdelay $0x1  }
0x21e: {  	v5 =	vadd.s32 v2, v5;
	_ =	sdelay $0x1  }
0x21f: {  	s28 =	simm.s32 $0x3A80  }
0x220: {  	[tilespmem:s28], [sflag:$0x1] =	stream.indirect_vreg.gather [hbm4b:s0+s2], $0x80, v6, vm0, $0xb8;
	[tilespmem:$0x1AA80] =	vst v63  }
0x221: {  	s12 =	simm.s32 $0x4280  }
0x222: {  	[tilespmem:s12], [sflag:$0x1] =	stream.indirect_vreg.gather [hbm4b:s0+s2], $0x80, v5, vm0, $0xb8;
	[tilespmem:$0x1AA80] =	vst v63  }
0x223: {  	v5 =	vld [tilespmem:s6+$0x20];
	_ =	sdelay $0x4  }
0x224: {  	v6 =	vshll.u32 v5, $0x1  }
0x225: {  	v5 =	vand.u32 $0x7, v5;
	v6 =	vand.u32 $0xFFFFFFF0, v6  }
0x226: {  	v5 =	vor.u32 v5, v6  }
0x227: {  	v6 =	vperm.xlane v5, v1;
	_ =	sdelay $0x1  }
0x228: {  	v5 =	vperm.xlane v5, v3;
	v6 =	vadd.s32 v2, v6;
	_ =	sdelay $0x1  }
0x229: {  	v5 =	vadd.s32 v2, v5;
	_ =	sdelay $0x1  }
0x22a: {  	s13 =	simm.s32 $0x4A80  }
0x22b: {  	[tilespmem:s13], [sflag:$0x1] =	stream.indirect_vreg.gather [hbm4b:s0+s2], $0x80, v6, vm0, $0xb8;
	[tilespmem:$0x1AA80] =	vst v63  }
0x22c: {  	s22 =	simm.s32 $0x5280  }
0x22d: {  	[tilespmem:s22], [sflag:$0x1] =	stream.indirect_vreg.gather [hbm4b:s0+s2], $0x80, v5, vm0, $0xb8;
	[tilespmem:$0x1AA80] =	vst v63  }
0x22e: {  	v5 =	vld [tilespmem:s6+$0x30];
	_ =	sdelay $0x4  }
0x22f: {  	v6 =	vshll.u32 v5, $0x1  }
0x230: {  	v5 =	vand.u32 $0x7, v5;
	v6 =	vand.u32 $0xFFFFFFF0, v6  }
0x231: {  	v5 =	vor.u32 v5, v6  }
0x232: {  	v6 =	vperm.xlane v5, v1;
	_ =	sdelay $0x1  }
0x233: {  	v5 =	vperm.xlane v5, v3;
	v6 =	vadd.s32 v2, v6;
	_ =	sdelay $0x1  }
0x234: {  	v5 =	vadd.s32 v2, v5;
	_ =	sdelay $0x1  }
0x235: {  	s23 =	simm.s32 $0x5A80  }
0x236: {  	[tilespmem:s23], [sflag:$0x1] =	stream.indirect_vreg.gather [hbm4b:s0+s2], $0x80, v6, vm0, $0xb8;
	[tilespmem:$0x1AA80] =	vst v63  }
0x237: {  	s28 =	simm.s32 $0x6280  }
0x238: {  	[tilespmem:s28], [sflag:$0x1] =	stream.indirect_vreg.gather [hbm4b:s0+s2], $0x80, v5, vm0, $0xb8;
	[tilespmem:$0x1AA80] =	vst v63  }
0x239: {  	v5 =	vld [tilespmem:s6+$0x40];
	_ =	sdelay $0x4  }
0x23a: {  	v6 =	vshll.u32 v5, $0x1  }
0x23b: {  	v5 =	vand.u32 $0x7, v5;
	v6 =	vand.u32 $0xFFFFFFF0, v6  }
0x23c: {  	v5 =	vor.u32 v5, v6  }
0x23d: {  	v6 =	vperm.xlane v5, v1;
	_ =	sdelay $0x1  }
0x23e: {  	v5 =	vperm.xlane v5, v3;
	v6 =	vadd.s32 v2, v6;
	_ =	sdelay $0x1  }
0x23f: {  	v5 =	vadd.s32 v2, v5;
	_ =	sdelay $0x1  }
0x240: {  	s12 =	simm.s32 $0x6A80  }
0x241: {  	[tilespmem:s12], [sflag:$0x1] =	stream.indirect_vreg.gather [hbm4b:s0+s2], $0x80, v6, vm0, $0xb8;
	[tilespmem:$0x1AA80] =	vst v63  }
0x242: {  	s13 =	simm.s32 $0x7280  }
0x243: {  	[tilespmem:s13], [sflag:$0x1] =	stream.indirect_vreg.gather [hbm4b:s0+s2], $0x80, v5, vm0, $0xb8;
	[tilespmem:$0x1AA80] =	vst v63  }
0x244: {  	v5 =	vld [tilespmem:s6+$0x50];
	_ =	sdelay $0x4  }
0x245: {  	v6 =	vshll.u32 v5, $0x1  }
0x246: {  	v5 =	vand.u32 $0x7, v5;
	v6 =	vand.u32 $0xFFFFFFF0, v6  }
0x247: {  	v5 =	vor.u32 v5, v6  }
0x248: {  	v6 =	vperm.xlane v5, v1;
	_ =	sdelay $0x1  }
0x249: {  	v5 =	vperm.xlane v5, v3;
	v6 =	vadd.s32 v2, v6;
	_ =	sdelay $0x1  }
0x24a: {  	v5 =	vadd.s32 v2, v5;
	_ =	sdelay $0x1  }
0x24b: {  	s22 =	simm.s32 $0x7A80  }
0x24c: {  	[tilespmem:s22], [sflag:$0x1] =	stream.indirect_vreg.gather [hbm4b:s0+s2], $0x80, v6, vm0, $0xb8;
	[tilespmem:$0x1AA80] =	vst v63  }
0x24d: {  	s23 =	simm.s32 $0x8280  }
0x24e: {  	[tilespmem:s23], [sflag:$0x1] =	stream.indirect_vreg.gather [hbm4b:s0+s2], $0x80, v5, vm0, $0xb8;
	[tilespmem:$0x1AA80] =	vst v63  }
0x24f: {  	v5 =	vld [tilespmem:s6+$0x60];
	_ =	sdelay $0x4  }
0x250: {  	v6 =	vshll.u32 v5, $0x1  }
0x251: {  	v5 =	vand.u32 $0x7, v5;
	v6 =	vand.u32 $0xFFFFFFF0, v6  }
0x252: {  	v5 =	vor.u32 v5, v6  }
0x253: {  	v6 =	vperm.xlane v5, v1;
	_ =	sdelay $0x1  }
0x254: {  	v5 =	vperm.xlane v5, v3;
	v6 =	vadd.s32 v2, v6;
	_ =	sdelay $0x1  }
0x255: {  	v5 =	vadd.s32 v2, v5;
	_ =	sdelay $0x1  }
0x256: {  	s28 =	simm.s32 $0x8A80  }
0x257: {  	[tilespmem:s28], [sflag:$0x1] =	stream.indirect_vreg.gather [hbm4b:s0+s2], $0x80, v6, vm0, $0xb8;
	[tilespmem:$0x1AA80] =	vst v63  }
0x258: {  	s12 =	simm.s32 $0x9280  }
0x259: {  	[tilespmem:s12], [sflag:$0x1] =	stream.indirect_vreg.gather [hbm4b:s0+s2], $0x80, v5, vm0, $0xb8;
	[tilespmem:$0x1AA80] =	vst v63  }
0x25a: {  	v5 =	vld [tilespmem:s6+$0x70];
	_ =	sdelay $0x4  }
0x25b: {  	v6 =	vshll.u32 v5, $0x1  }
0x25c: {  	v5 =	vand.u32 $0x7, v5;
	v6 =	vand.u32 $0xFFFFFFF0, v6  }
0x25d: {  	v5 =	vor.u32 v5, v6  }
0x25e: {  	v6 =	vperm.xlane v5, v1;
	_ =	sdelay $0x1  }
0x25f: {  	v5 =	vperm.xlane v5, v3;
	v6 =	vadd.s32 v2, v6;
	_ =	sdelay $0x1  }
0x260: {  	v5 =	vadd.s32 v2, v5;
	_ =	sdelay $0x1  }
0x261: {  	s13 =	simm.s32 $0x9A80;
	s23 =	smax.u32 s19, $0x80  }
0x262: {  	[tilespmem:s13], [sflag:$0x1] =	stream.indirect_vreg.gather [hbm4b:s0+s2], $0x80, v6, vm0, $0xb8;
	[tilespmem:$0x1AA80] =	vst v63  }
0x263: {  	s22 =	simm.s32 $0xA280;
	s12 =	smin.u32 s23, $0x100  }
0x264: {  	[tilespmem:s22], [sflag:$0x1] =	stream.indirect_vreg.gather [hbm4b:s0+s2], $0x80, v5, vm0, $0xb8;
	[tilespmem:$0x1AA80] =	vst v63  }
0x265: {  	s28 =	sadd.s32 $0xFFFFFF7F, s17;
	s1 =	sadd.s32 $0xFFFFFF80, s12;
	_ =	swait.ge [sflag:s25], $0x8000  }
0x266: {  	p3 =	sgt.u32 s28, $0x7E;
	p2 =	sne.s32 s1, $0x80;
	[sflag:s25] =	ssyncset.done $0x0  }
0x267: {  	s23 =	simm.s32 @!p2 $0xAA80;
	s22 =	simm.s32 @!p2 $0x0;
	[sflag:s25] =	ssyncadd.s32 $0xFFFF8000  }
0x268: {  	[hbm4b:s29+s22] =	stream.linear.scatter @!p2 [tilespmem:s23], [sflag:$0x3], $0x8000, $0x38;
	[tilespmem:$0x1AA80] =	vst v63  }
.Ltmp20:
0x269: {  	_ = 	snop;
	(pc) =	sbr.rel @p3 .LBB2_38-.Ltmp20, $4  }
0x26a: {  	s22 =	simm.s32 @!p2 $0x3  }
0x26b: {  	_ =	swait.ge @!p2 [sflag:s22], $0x8000  }
0x26c: {  	[sflag:s22] =	ssyncset.done @!p2 $0x0  }
0x26d: {  	[sflag:s22] =	ssyncadd.s32 @!p2 $0xFFFF8000  }
0x26e: {  	s22 =	sshll.u32 s12, $0x7;
	s23 =	sshll.u32 s12, $0x8  }
0x26f: {  	s22 =	sadd.s32 $0xFFFFC000, s22;
	s13 =	sadd.s32 $0xFFFF8000, s23  }
0x270: {  	s23 =	sand.u32 $0x7FFFF800, s13;
	s28 =	sand.u32 $0x380, s22  }
0x271: {  	s23 =	sor.u32 s28, s23  }
0x272: {  	[tilespmem:s23+$0xAEF0] =	vst v4  }
0x273: {  	[tilespmem:s23+$0xAA80] =	vst v4  }
0x274: {  	[tilespmem:s23+$0xAA90] =	vst v4  }
0x275: {  	[tilespmem:s23+$0xAAA0] =	vst v4  }
0x276: {  	[tilespmem:s23+$0xAAB0] =	vst v4  }
0x277: {  	[tilespmem:s23+$0xAAC0] =	vst v4  }
0x278: {  	s12 =	sadd.s32 $0xFFFFFF7F, s12;
	[tilespmem:s23+$0xAAD0] =	vst v4  }
0x279: {  	s28 =	sadd.s32 $0x1, s12;
	[tilespmem:s23+$0xAAE0] =	vst v4  }
0x27a: {  	[tilespmem:s23+$0xAAF0] =	vst v4;
	p2 =	slt.u32 s28, $0x7F  }
.Ltmp21:
0x27b: {  	[tilespmem:s23+$0xAE80] =	vst v4;
	(pc) =	sbr.rel @!p2 .LBB2_37-.Ltmp21, $4  }
0x27c: {  	[tilespmem:s23+$0xAE90] =	vst v4  }
0x27d: {  	[tilespmem:s23+$0xAEA0] =	vst v4  }
0x27e: {  	[tilespmem:s23+$0xAEB0] =	vst v4  }
0x27f: {  	s29 =	sadd.s32 $0x80, s22;
	s12 =	sadd.s32 $0x100, s13;
	[tilespmem:s23+$0xAEC0] =	vst v4  }
.LBB2_36:
0x280: {  	s13 =	sand.u32 $0x7FFFF800, s12;
	s22 =	sand.u32 $0x380, s29;
	s28 =	sadd.s32 $0x1, s28;
	[tilespmem:s23+$0xAED0] =	vst v4  }
0x281: {  	p2 =	slt.u32 s28, $0x7F;
	[tilespmem:s23+$0xAEE0] =	vst v4;
	s23 =	sor.u32 s22, s13  }
0x282: {  	[tilespmem:s23+$0xAEF0] =	vst v4  }
0x283: {  	[tilespmem:s23+$0xAA80] =	vst v4  }
0x284: {  	[tilespmem:s23+$0xAA90] =	vst v4  }
0x285: {  	[tilespmem:s23+$0xAAA0] =	vst v4  }
0x286: {  	[tilespmem:s23+$0xAAB0] =	vst v4  }
0x287: {  	[tilespmem:s23+$0xAAC0] =	vst v4  }
0x288: {  	[tilespmem:s23+$0xAAD0] =	vst v4  }
0x289: {  	[tilespmem:s23+$0xAAE0] =	vst v4  }
0x28a: {  	[tilespmem:s23+$0xAAF0] =	vst v4  }
.Ltmp22:
0x28b: {  	[tilespmem:s23+$0xAE80] =	vst v4;
	(pc) =	sbr.rel @p2 .LBB2_36-.Ltmp22, $4  }
0x28c: {  	[tilespmem:s23+$0xAE90] =	vst v4  }
0x28d: {  	[tilespmem:s23+$0xAEA0] =	vst v4  }
0x28e: {  	[tilespmem:s23+$0xAEB0] =	vst v4  }
0x28f: {  	s29 =	sadd.s32 $0x80, s29;
	s12 =	sadd.s32 $0x100, s12;
	[tilespmem:s23+$0xAEC0] =	vst v4  }
.LBB2_37:
0x290: {  	[tilespmem:s23+$0xAED0] =	vst v4  }
0x291: {  	[tilespmem:s23+$0xAEE0] =	vst v4;
	s29 =	rddreg [dreg:$0x6]  }
0x292: {  	[hbm4b:s29+s2] =	stream.linear.scatter [tilespmem:s26], [sflag:$0x3], $0x8000, $0x38;
	[tilespmem:$0x1AA80] =	vst v63  }
0x293: {  	_ =	swait.ge [sflag:s30], $0x8000  }
0x294: {  	[sflag:s30] =	ssyncset.done $0x0  }
0x295: {  	[sflag:s30] =	ssyncadd.s32 $0xFFFF8000  }
.LBB2_38:
0x296: {  	p2 =	sne.s32 s1, $0x0  }
0x297: {  	s1 =	simm.s32 @!p2 $0x0;
	s12 =	simm.s32 @!p2 $0x12A80  }
0x298: {  	[hbm4b:s29+s1] =	stream.linear.scatter @!p2 [tilespmem:s12], [sflag:$0x3], $0x8000, $0x38;
	[tilespmem:$0x1AA80] =	vst v63  }
0x299: {  	s1 =	simm.s32 @!p2 $0x3  }
0x29a: {  	_ =	swait.ge @!p2 [sflag:s1], $0x8000  }
0x29b: {  	[sflag:s1] =	ssyncset.done @!p2 $0x0  }
0x29c: {  	[sflag:s1] =	ssyncadd.s32 @!p2 $0xFFFF8000  }
0x29d: {  	v5 =	vld [tilespmem:s7+$0x0];
	_ =	sdelay $0x4  }
0x29e: {  	v6 =	vshll.u32 v5, $0x1  }
0x29f: {  	v5 =	vand.u32 $0x7, v5;
	v6 =	vand.u32 $0xFFFFFFF0, v6  }
0x2a0: {  	v5 =	vor.u32 v5, v6  }
0x2a1: {  	v6 =	vperm.xlane v5, v1;
	_ =	sdelay $0x1  }
0x2a2: {  	v5 =	vperm.xlane v5, v3;
	v6 =	vadd.s32 v2, v6;
	_ =	sdelay $0x1  }
0x2a3: {  	v5 =	vadd.s32 v2, v5;
	_ =	sdelay $0x2  }
0x2a4: {  	[tilespmem:s26], [sflag:$0x2] =	stream.indirect_vreg.gather [hbm4b:s0+s2], $0x80, v6, vm0, $0xb8;
	[tilespmem:$0x1AA80] =	vst v63  }
0x2a5: {  	s28 =	simm.s32 $0xB280  }
0x2a6: {  	[tilespmem:s28], [sflag:$0x2] =	stream.indirect_vreg.gather [hbm4b:s0+s2], $0x80, v5, vm0, $0xb8;
	[tilespmem:$0x1AA80] =	vst v63  }
0x2a7: {  	v5 =	vld [tilespmem:s7+$0x10];
	_ =	sdelay $0x4  }
0x2a8: {  	v6 =	vshll.u32 v5, $0x1  }
0x2a9: {  	v5 =	vand.u32 $0x7, v5;
	v6 =	vand.u32 $0xFFFFFFF0, v6  }
0x2aa: {  	v5 =	vor.u32 v5, v6  }
0x2ab: {  	v6 =	vperm.xlane v5, v1;
	_ =	sdelay $0x1  }
0x2ac: {  	v5 =	vperm.xlane v5, v3;
	v6 =	vadd.s32 v2, v6;
	_ =	sdelay $0x1  }
0x2ad: {  	v5 =	vadd.s32 v2, v5;
	_ =	sdelay $0x1  }
0x2ae: {  	s12 =	simm.s32 $0xBA80  }
0x2af: {  	[tilespmem:s12], [sflag:$0x2] =	stream.indirect_vreg.gather [hbm4b:s0+s2], $0x80, v6, vm0, $0xb8;
	[tilespmem:$0x1AA80] =	vst v63  }
0x2b0: {  	s13 =	simm.s32 $0xC280  }
0x2b1: {  	[tilespmem:s13], [sflag:$0x2] =	stream.indirect_vreg.gather [hbm4b:s0+s2], $0x80, v5, vm0, $0xb8;
	[tilespmem:$0x1AA80] =	vst v63  }
0x2b2: {  	v5 =	vld [tilespmem:s7+$0x20];
	_ =	sdelay $0x4  }
0x2b3: {  	v6 =	vshll.u32 v5, $0x1  }
0x2b4: {  	v5 =	vand.u32 $0x7, v5;
	v6 =	vand.u32 $0xFFFFFFF0, v6  }
0x2b5: {  	v5 =	vor.u32 v5, v6  }
0x2b6: {  	v6 =	vperm.xlane v5, v1;
	_ =	sdelay $0x1  }
0x2b7: {  	v5 =	vperm.xlane v5, v3;
	v6 =	vadd.s32 v2, v6;
	_ =	sdelay $0x1  }
0x2b8: {  	v5 =	vadd.s32 v2, v5;
	_ =	sdelay $0x1  }
0x2b9: {  	s22 =	simm.s32 $0xCA80  }
0x2ba: {  	[tilespmem:s22], [sflag:$0x2] =	stream.indirect_vreg.gather [hbm4b:s0+s2], $0x80, v6, vm0, $0xb8;
	[tilespmem:$0x1AA80] =	vst v63  }
0x2bb: {  	s23 =	simm.s32 $0xD280  }
0x2bc: {  	[tilespmem:s23], [sflag:$0x2] =	stream.indirect_vreg.gather [hbm4b:s0+s2], $0x80, v5, vm0, $0xb8;
	[tilespmem:$0x1AA80] =	vst v63  }
0x2bd: {  	v5 =	vld [tilespmem:s7+$0x30];
	_ =	sdelay $0x4  }
0x2be: {  	v6 =	vshll.u32 v5, $0x1  }
0x2bf: {  	v5 =	vand.u32 $0x7, v5;
	v6 =	vand.u32 $0xFFFFFFF0, v6  }
0x2c0: {  	v5 =	vor.u32 v5, v6  }
0x2c1: {  	v6 =	vperm.xlane v5, v1;
	_ =	sdelay $0x1  }
0x2c2: {  	v5 =	vperm.xlane v5, v3;
	v6 =	vadd.s32 v2, v6;
	_ =	sdelay $0x1  }
0x2c3: {  	v5 =	vadd.s32 v2, v5;
	_ =	sdelay $0x1  }
0x2c4: {  	s28 =	simm.s32 $0xDA80  }
0x2c5: {  	[tilespmem:s28], [sflag:$0x2] =	stream.indirect_vreg.gather [hbm4b:s0+s2], $0x80, v6, vm0, $0xb8;
	[tilespmem:$0x1AA80] =	vst v63  }
0x2c6: {  	s12 =	simm.s32 $0xE280  }
0x2c7: {  	[tilespmem:s12], [sflag:$0x2] =	stream.indirect_vreg.gather [hbm4b:s0+s2], $0x80, v5, vm0, $0xb8;
	[tilespmem:$0x1AA80] =	vst v63  }
0x2c8: {  	v5 =	vld [tilespmem:s7+$0x40];
	_ =	sdelay $0x4  }
0x2c9: {  	v6 =	vshll.u32 v5, $0x1  }
0x2ca: {  	v5 =	vand.u32 $0x7, v5;
	v6 =	vand.u32 $0xFFFFFFF0, v6  }
0x2cb: {  	v5 =	vor.u32 v5, v6  }
0x2cc: {  	v6 =	vperm.xlane v5, v1;
	_ =	sdelay $0x1  }
0x2cd: {  	v5 =	vperm.xlane v5, v3;
	v6 =	vadd.s32 v2, v6;
	_ =	sdelay $0x1  }
0x2ce: {  	v5 =	vadd.s32 v2, v5;
	_ =	sdelay $0x1  }
0x2cf: {  	s13 =	simm.s32 $0xEA80  }
0x2d0: {  	[tilespmem:s13], [sflag:$0x2] =	stream.indirect_vreg.gather [hbm4b:s0+s2], $0x80, v6, vm0, $0xb8;
	[tilespmem:$0x1AA80] =	vst v63  }
0x2d1: {  	s22 =	simm.s32 $0xF280  }
0x2d2: {  	[tilespmem:s22], [sflag:$0x2] =	stream.indirect_vreg.gather [hbm4b:s0+s2], $0x80, v5, vm0, $0xb8;
	[tilespmem:$0x1AA80] =	vst v63  }
0x2d3: {  	v5 =	vld [tilespmem:s7+$0x50];
	_ =	sdelay $0x4  }
0x2d4: {  	v6 =	vshll.u32 v5, $0x1  }
0x2d5: {  	v5 =	vand.u32 $0x7, v5;
	v6 =	vand.u32 $0xFFFFFFF0, v6  }
0x2d6: {  	v5 =	vor.u32 v5, v6  }
0x2d7: {  	v6 =	vperm.xlane v5, v1;
	_ =	sdelay $0x1  }
0x2d8: {  	v5 =	vperm.xlane v5, v3;
	v6 =	vadd.s32 v2, v6;
	_ =	sdelay $0x1  }
0x2d9: {  	v5 =	vadd.s32 v2, v5;
	_ =	sdelay $0x1  }
0x2da: {  	s23 =	simm.s32 $0xFA80  }
0x2db: {  	[tilespmem:s23], [sflag:$0x2] =	stream.indirect_vreg.gather [hbm4b:s0+s2], $0x80, v6, vm0, $0xb8;
	[tilespmem:$0x1AA80] =	vst v63  }
0x2dc: {  	s28 =	simm.s32 $0x10280  }
0x2dd: {  	[tilespmem:s28], [sflag:$0x2] =	stream.indirect_vreg.gather [hbm4b:s0+s2], $0x80, v5, vm0, $0xb8;
	[tilespmem:$0x1AA80] =	vst v63  }
0x2de: {  	v5 =	vld [tilespmem:s7+$0x60];
	_ =	sdelay $0x4  }
0x2df: {  	v6 =	vshll.u32 v5, $0x1  }
0x2e0: {  	v5 =	vand.u32 $0x7, v5;
	v6 =	vand.u32 $0xFFFFFFF0, v6  }
0x2e1: {  	v5 =	vor.u32 v5, v6  }
0x2e2: {  	v6 =	vperm.xlane v5, v1;
	_ =	sdelay $0x1  }
0x2e3: {  	v5 =	vperm.xlane v5, v3;
	v6 =	vadd.s32 v2, v6;
	_ =	sdelay $0x1  }
0x2e4: {  	v5 =	vadd.s32 v2, v5;
	_ =	sdelay $0x1  }
0x2e5: {  	s12 =	simm.s32 $0x10A80  }
0x2e6: {  	[tilespmem:s12], [sflag:$0x2] =	stream.indirect_vreg.gather [hbm4b:s0+s2], $0x80, v6, vm0, $0xb8;
	[tilespmem:$0x1AA80] =	vst v63  }
0x2e7: {  	s13 =	simm.s32 $0x11280  }
0x2e8: {  	[tilespmem:s13], [sflag:$0x2] =	stream.indirect_vreg.gather [hbm4b:s0+s2], $0x80, v5, vm0, $0xb8;
	[tilespmem:$0x1AA80] =	vst v63  }
0x2e9: {  	v5 =	vld [tilespmem:s7+$0x70];
	_ =	sdelay $0x4  }
0x2ea: {  	v6 =	vshll.u32 v5, $0x1  }
0x2eb: {  	v5 =	vand.u32 $0x7, v5;
	v6 =	vand.u32 $0xFFFFFFF0, v6  }
0x2ec: {  	v5 =	vor.u32 v5, v6  }
0x2ed: {  	v6 =	vperm.xlane v5, v1;
	_ =	sdelay $0x1  }
0x2ee: {  	v5 =	vperm.xlane v5, v3;
	v6 =	vadd.s32 v2, v6  }
0x2ef: {  	s28 =	smax.u32 s19, $0x100  }
0x2f0: {  	s12 =	smin.u32 s28, $0x180;
	v5 =	vadd.s32 v2, v5  }
0x2f1: {  	s1 =	sadd.s32 $0xFFFFFF00, s12  }
0x2f2: {  	s22 =	simm.s32 $0x11A80;
	p2 =	seq.s32 s1, $0x80  }
0x2f3: {  	[tilespmem:s22], [sflag:$0x2] =	stream.indirect_vreg.gather [hbm4b:s0+s2], $0x80, v6, vm0, $0xb8;
	[tilespmem:$0x1AA80] =	vst v63  }
.Ltmp23:
0x2f4: {  	s23 =	simm.s32 $0x12280;
	(pc) =	sbr.rel @!p2 .LBB2_39-.Ltmp23, $4  }
0x2f5: {  	[tilespmem:s23], [sflag:$0x2] =	stream.indirect_vreg.gather [hbm4b:s0+s2], $0x80, v5, vm0, $0xb8;
	[tilespmem:$0x1AA80] =	vst v63  }
0x2f6: {  	_ =	swait.ge [sflag:s21], $0x8000  }
0x2f7: {  	[sflag:s21] =	ssyncset.done $0x0  }
0x2f8: {  	[sflag:s21] =	ssyncadd.s32 $0xFFFF8000  }
0x2f9: {  	s1 =	rddreg [dreg:$0x7];
	p2 =	sgt.s32 s17, $0x17F  }
0x2fa: {  	[hbm4b:s1+s2] =	stream.linear.scatter [tilespmem:s31], [sflag:$0x3], $0x8000, $0x38;
	[tilespmem:$0x1AA80] =	vst v63  }
.Ltmp24:
0x2fb: {  	_ = 	snop;
	(pc) =	sbr.rel @p2 .LBB2_47-.Ltmp24, $4  }
.Ltmp25:
0x2fc: {  	_ = 	snop;
	(pc) =	sbr.rel @!p2 .LBB2_43-.Ltmp25, $4  }
0x2fd: {  	_ =	swait.ge [sflag:s30], $0x8000  }
0x2fe: {  	[sflag:s30] =	ssyncset.done $0x0  }
0x2ff: {  	[sflag:s30] =	ssyncadd.s32 $0xFFFF8000  }
0x300: {  	_ = 	snop  }
.LBB2_39:
0x301: {  	p2 =	sgt.s32 s17, $0x17F  }
0x302: {  	p3 =	sne.s32 @!p2 s1, $0x0  }
0x303: {  	p2 =	por p2, !p3  }
.Ltmp26:
0x304: {  	_ = 	snop;
	(pc) =	sbr.rel @p2 .LBB2_40-.Ltmp26, $1  }
0x305: {  	_ =	sdelay $0x3  }
.LBB2_43:
0x306: {  	s1 =	sshll.u32 s12, $0x7;
	s13 =	sshll.u32 s12, $0x8  }
0x307: {  	s22 =	sadd.s32 $0xFFFF8000, s1;
	s13 =	sadd.s32 $0xFFFF0000, s13  }
0x308: {  	s1 =	sand.u32 $0x7800, s13;
	s23 =	sand.u32 $0x380, s22  }
0x309: {  	s1 =	sor.u32 s23, s1  }
0x30a: {  	[tilespmem:s1+$0x2EF0] =	vst v4  }
0x30b: {  	[tilespmem:s1+$0x2A80] =	vst v4  }
0x30c: {  	[tilespmem:s1+$0x2A90] =	vst v4  }
0x30d: {  	[tilespmem:s1+$0x2AA0] =	vst v4  }
0x30e: {  	[tilespmem:s1+$0x2AB0] =	vst v4  }
0x30f: {  	[tilespmem:s1+$0x2AC0] =	vst v4  }
0x310: {  	s23 =	sadd.s32 $0xFFFFFEFF, s12;
	[tilespmem:s1+$0x2AD0] =	vst v4  }
0x311: {  	[tilespmem:s1+$0x2AE0] =	vst v4;
	s23 =	sadd.s32 $0x1, s23  }
0x312: {  	[tilespmem:s1+$0x2AF0] =	vst v4;
	p2 =	slt.u32 s23, $0x7F  }
.Ltmp27:
0x313: {  	[tilespmem:s1+$0x2E80] =	vst v4;
	(pc) =	sbr.rel @!p2 .LBB2_45-.Ltmp27, $4  }
0x314: {  	[tilespmem:s1+$0x2E90] =	vst v4  }
0x315: {  	[tilespmem:s1+$0x2EA0] =	vst v4  }
0x316: {  	[tilespmem:s1+$0x2EB0] =	vst v4  }
0x317: {  	s28 =	sadd.s32 $0x100, s13;
	s12 =	sadd.s32 $0x80, s22;
	[tilespmem:s1+$0x2EC0] =	vst v4  }
.LBB2_44:
0x318: {  	s13 =	sand.u32 $0x7800, s28;
	s22 =	sand.u32 $0x380, s12;
	s23 =	sadd.s32 $0x1, s23;
	[tilespmem:s1+$0x2ED0] =	vst v4  }
0x319: {  	p2 =	slt.u32 s23, $0x7F;
	[tilespmem:s1+$0x2EE0] =	vst v4;
	s1 =	sor.u32 s22, s13  }
0x31a: {  	[tilespmem:s1+$0x2EF0] =	vst v4  }
0x31b: {  	[tilespmem:s1+$0x2A80] =	vst v4  }
0x31c: {  	[tilespmem:s1+$0x2A90] =	vst v4  }
0x31d: {  	[tilespmem:s1+$0x2AA0] =	vst v4  }
0x31e: {  	[tilespmem:s1+$0x2AB0] =	vst v4  }
0x31f: {  	[tilespmem:s1+$0x2AC0] =	vst v4  }
0x320: {  	[tilespmem:s1+$0x2AD0] =	vst v4  }
0x321: {  	[tilespmem:s1+$0x2AE0] =	vst v4  }
0x322: {  	[tilespmem:s1+$0x2AF0] =	vst v4  }
.Ltmp28:
0x323: {  	[tilespmem:s1+$0x2E80] =	vst v4;
	(pc) =	sbr.rel @p2 .LBB2_44-.Ltmp28, $4  }
0x324: {  	[tilespmem:s1+$0x2E90] =	vst v4  }
0x325: {  	[tilespmem:s1+$0x2EA0] =	vst v4  }
0x326: {  	[tilespmem:s1+$0x2EB0] =	vst v4  }
0x327: {  	s12 =	sadd.s32 $0x80, s12;
	s28 =	sadd.s32 $0x100, s28;
	[tilespmem:s1+$0x2EC0] =	vst v4  }
.LBB2_45:
0x328: {  	[tilespmem:s1+$0x2ED0] =	vst v4  }
0x329: {  	[tilespmem:s1+$0x2EE0] =	vst v4;
	s1 =	simm.s32 $0x2A80  }
.LBB2_46:
0x32a: {  	s12 =	rddreg [dreg:$0x7]  }
0x32b: {  	[hbm4b:s12+s2] =	stream.linear.scatter [tilespmem:s1], [sflag:$0x3], $0x8000, $0x38;
	[tilespmem:$0x1AA80] =	vst v63  }
0x32c: {  	_ =	swait.ge [sflag:s30], $0x8000  }
0x32d: {  	[sflag:s30] =	ssyncset.done $0x0  }
0x32e: {  	[sflag:s30] =	ssyncadd.s32 $0xFFFF8000  }
.LBB2_47:
0x32f: {  	v5 =	vld [tilespmem:s8+$0x0];
	_ =	sdelay $0x4  }
0x330: {  	v6 =	vshll.u32 v5, $0x1  }
0x331: {  	v5 =	vand.u32 $0x7, v5;
	v6 =	vand.u32 $0xFFFFFFF0, v6  }
0x332: {  	v5 =	vor.u32 v5, v6  }
0x333: {  	v6 =	vperm.xlane v5, v1;
	_ =	sdelay $0x1  }
0x334: {  	v5 =	vperm.xlane v5, v3;
	v6 =	vadd.s32 v2, v6;
	_ =	sdelay $0x1  }
0x335: {  	v5 =	vadd.s32 v2, v5;
	_ =	sdelay $0x2  }
0x336: {  	[tilespmem:s31], [sflag:$0x1] =	stream.indirect_vreg.gather [hbm4b:s0+s2], $0x80, v6, vm0, $0xb8;
	[tilespmem:$0x1AA80] =	vst v63  }
0x337: {  	s1 =	simm.s32 $0x3280  }
0x338: {  	[tilespmem:s1], [sflag:$0x1] =	stream.indirect_vreg.gather [hbm4b:s0+s2], $0x80, v5, vm0, $0xb8;
	[tilespmem:$0x1AA80] =	vst v63  }
0x339: {  	v5 =	vld [tilespmem:s8+$0x10];
	_ =	sdelay $0x4  }
0x33a: {  	v6 =	vshll.u32 v5, $0x1  }
0x33b: {  	v5 =	vand.u32 $0x7, v5;
	v6 =	vand.u32 $0xFFFFFFF0, v6  }
0x33c: {  	v5 =	vor.u32 v5, v6  }
0x33d: {  	v6 =	vperm.xlane v5, v1;
	_ =	sdelay $0x1  }
0x33e: {  	v5 =	vperm.xlane v5, v3;
	v6 =	vadd.s32 v2, v6;
	_ =	sdelay $0x1  }
0x33f: {  	v5 =	vadd.s32 v2, v5;
	_ =	sdelay $0x1  }
0x340: {  	s28 =	simm.s32 $0x3A80  }
0x341: {  	[tilespmem:s28], [sflag:$0x1] =	stream.indirect_vreg.gather [hbm4b:s0+s2], $0x80, v6, vm0, $0xb8;
	[tilespmem:$0x1AA80] =	vst v63  }
0x342: {  	s12 =	simm.s32 $0x4280  }
0x343: {  	[tilespmem:s12], [sflag:$0x1] =	stream.indirect_vreg.gather [hbm4b:s0+s2], $0x80, v5, vm0, $0xb8;
	[tilespmem:$0x1AA80] =	vst v63  }
0x344: {  	v5 =	vld [tilespmem:s8+$0x20];
	_ =	sdelay $0x4  }
0x345: {  	v6 =	vshll.u32 v5, $0x1  }
0x346: {  	v5 =	vand.u32 $0x7, v5;
	v6 =	vand.u32 $0xFFFFFFF0, v6  }
0x347: {  	v5 =	vor.u32 v5, v6  }
0x348: {  	v6 =	vperm.xlane v5, v1;
	_ =	sdelay $0x1  }
0x349: {  	v5 =	vperm.xlane v5, v3;
	v6 =	vadd.s32 v2, v6;
	_ =	sdelay $0x1  }
0x34a: {  	v5 =	vadd.s32 v2, v5;
	_ =	sdelay $0x1  }
0x34b: {  	s13 =	simm.s32 $0x4A80  }
0x34c: {  	[tilespmem:s13], [sflag:$0x1] =	stream.indirect_vreg.gather [hbm4b:s0+s2], $0x80, v6, vm0, $0xb8;
	[tilespmem:$0x1AA80] =	vst v63  }
0x34d: {  	s22 =	simm.s32 $0x5280  }
0x34e: {  	[tilespmem:s22], [sflag:$0x1] =	stream.indirect_vreg.gather [hbm4b:s0+s2], $0x80, v5, vm0, $0xb8;
	[tilespmem:$0x1AA80] =	vst v63  }
0x34f: {  	v5 =	vld [tilespmem:s8+$0x30];
	_ =	sdelay $0x4  }
0x350: {  	v6 =	vshll.u32 v5, $0x1  }
0x351: {  	v5 =	vand.u32 $0x7, v5;
	v6 =	vand.u32 $0xFFFFFFF0, v6  }
0x352: {  	v5 =	vor.u32 v5, v6  }
0x353: {  	v6 =	vperm.xlane v5, v1;
	_ =	sdelay $0x1  }
0x354: {  	v5 =	vperm.xlane v5, v3;
	v6 =	vadd.s32 v2, v6;
	_ =	sdelay $0x1  }
0x355: {  	v5 =	vadd.s32 v2, v5;
	_ =	sdelay $0x1  }
0x356: {  	s23 =	simm.s32 $0x5A80  }
0x357: {  	[tilespmem:s23], [sflag:$0x1] =	stream.indirect_vreg.gather [hbm4b:s0+s2], $0x80, v6, vm0, $0xb8;
	[tilespmem:$0x1AA80] =	vst v63  }
0x358: {  	s28 =	simm.s32 $0x6280  }
0x359: {  	[tilespmem:s28], [sflag:$0x1] =	stream.indirect_vreg.gather [hbm4b:s0+s2], $0x80, v5, vm0, $0xb8;
	[tilespmem:$0x1AA80] =	vst v63  }
0x35a: {  	v5 =	vld [tilespmem:s8+$0x40];
	_ =	sdelay $0x4  }
0x35b: {  	v6 =	vshll.u32 v5, $0x1  }
0x35c: {  	v5 =	vand.u32 $0x7, v5;
	v6 =	vand.u32 $0xFFFFFFF0, v6  }
0x35d: {  	v5 =	vor.u32 v5, v6  }
0x35e: {  	v6 =	vperm.xlane v5, v1;
	_ =	sdelay $0x1  }
0x35f: {  	v5 =	vperm.xlane v5, v3;
	v6 =	vadd.s32 v2, v6;
	_ =	sdelay $0x1  }
0x360: {  	v5 =	vadd.s32 v2, v5;
	_ =	sdelay $0x1  }
0x361: {  	s12 =	simm.s32 $0x6A80  }
0x362: {  	[tilespmem:s12], [sflag:$0x1] =	stream.indirect_vreg.gather [hbm4b:s0+s2], $0x80, v6, vm0, $0xb8;
	[tilespmem:$0x1AA80] =	vst v63  }
0x363: {  	s13 =	simm.s32 $0x7280  }
0x364: {  	[tilespmem:s13], [sflag:$0x1] =	stream.indirect_vreg.gather [hbm4b:s0+s2], $0x80, v5, vm0, $0xb8;
	[tilespmem:$0x1AA80] =	vst v63  }
0x365: {  	v5 =	vld [tilespmem:s8+$0x50];
	_ =	sdelay $0x4  }
0x366: {  	v6 =	vshll.u32 v5, $0x1  }
0x367: {  	v5 =	vand.u32 $0x7, v5;
	v6 =	vand.u32 $0xFFFFFFF0, v6  }
0x368: {  	v5 =	vor.u32 v5, v6  }
0x369: {  	v6 =	vperm.xlane v5, v1;
	_ =	sdelay $0x1  }
0x36a: {  	v5 =	vperm.xlane v5, v3;
	v6 =	vadd.s32 v2, v6;
	_ =	sdelay $0x1  }
0x36b: {  	v5 =	vadd.s32 v2, v5;
	_ =	sdelay $0x1  }
0x36c: {  	s22 =	simm.s32 $0x7A80  }
0x36d: {  	[tilespmem:s22], [sflag:$0x1] =	stream.indirect_vreg.gather [hbm4b:s0+s2], $0x80, v6, vm0, $0xb8;
	[tilespmem:$0x1AA80] =	vst v63  }
0x36e: {  	s23 =	simm.s32 $0x8280  }
0x36f: {  	[tilespmem:s23], [sflag:$0x1] =	stream.indirect_vreg.gather [hbm4b:s0+s2], $0x80, v5, vm0, $0xb8;
	[tilespmem:$0x1AA80] =	vst v63  }
0x370: {  	v5 =	vld [tilespmem:s8+$0x60];
	_ =	sdelay $0x4  }
0x371: {  	v6 =	vshll.u32 v5, $0x1  }
0x372: {  	v5 =	vand.u32 $0x7, v5;
	v6 =	vand.u32 $0xFFFFFFF0, v6  }
0x373: {  	v5 =	vor.u32 v5, v6  }
0x374: {  	v6 =	vperm.xlane v5, v1;
	_ =	sdelay $0x1  }
0x375: {  	v5 =	vperm.xlane v5, v3;
	v6 =	vadd.s32 v2, v6;
	_ =	sdelay $0x1  }
0x376: {  	v5 =	vadd.s32 v2, v5;
	_ =	sdelay $0x1  }
0x377: {  	s28 =	simm.s32 $0x8A80  }
0x378: {  	[tilespmem:s28], [sflag:$0x1] =	stream.indirect_vreg.gather [hbm4b:s0+s2], $0x80, v6, vm0, $0xb8;
	[tilespmem:$0x1AA80] =	vst v63  }
0x379: {  	s12 =	simm.s32 $0x9280  }
0x37a: {  	[tilespmem:s12], [sflag:$0x1] =	stream.indirect_vreg.gather [hbm4b:s0+s2], $0x80, v5, vm0, $0xb8;
	[tilespmem:$0x1AA80] =	vst v63  }
0x37b: {  	v5 =	vld [tilespmem:s8+$0x70];
	_ =	sdelay $0x4  }
0x37c: {  	v6 =	vshll.u32 v5, $0x1  }
0x37d: {  	v5 =	vand.u32 $0x7, v5;
	v6 =	vand.u32 $0xFFFFFFF0, v6  }
0x37e: {  	v5 =	vor.u32 v5, v6  }
0x37f: {  	v6 =	vperm.xlane v5, v1;
	_ =	sdelay $0x1  }
0x380: {  	v5 =	vperm.xlane v5, v3;
	v6 =	vadd.s32 v2, v6;
	_ =	sdelay $0x1  }
0x381: {  	v5 =	vadd.s32 v2, v5;
	_ =	sdelay $0x1  }
0x382: {  	s13 =	simm.s32 $0x9A80;
	s23 =	smax.u32 s19, $0x180  }
0x383: {  	[tilespmem:s13], [sflag:$0x1] =	stream.indirect_vreg.gather [hbm4b:s0+s2], $0x80, v6, vm0, $0xb8;
	[tilespmem:$0x1AA80] =	vst v63  }
0x384: {  	s22 =	simm.s32 $0xA280;
	s12 =	smin.u32 s23, $0x200  }
0x385: {  	[tilespmem:s22], [sflag:$0x1] =	stream.indirect_vreg.gather [hbm4b:s0+s2], $0x80, v5, vm0, $0xb8;
	[tilespmem:$0x1AA80] =	vst v63  }
0x386: {  	s28 =	sadd.s32 $0xFFFFFE7F, s17;
	s1 =	sadd.s32 $0xFFFFFE80, s12;
	_ =	swait.ge [sflag:s25], $0x8000  }
0x387: {  	p3 =	sgt.u32 s28, $0x7E;
	p2 =	sne.s32 s1, $0x80;
	[sflag:s25] =	ssyncset.done $0x0  }
0x388: {  	s13 =	simm.s32 @!p2 $0x0;
	s22 =	simm.s32 @!p2 $0xAA80;
	[sflag:s25] =	ssyncadd.s32 $0xFFFF8000  }
0x389: {  	[hbm4b:s16+s13] =	stream.linear.scatter @!p2 [tilespmem:s22], [sflag:$0x3], $0x8000, $0x38;
	[tilespmem:$0x1AA80] =	vst v63  }
.Ltmp29:
0x38a: {  	_ = 	snop;
	(pc) =	sbr.rel @p3 .LBB2_51-.Ltmp29, $4  }
0x38b: {  	s13 =	simm.s32 @!p2 $0x3  }
0x38c: {  	_ =	swait.ge @!p2 [sflag:s13], $0x8000  }
0x38d: {  	[sflag:s13] =	ssyncset.done @!p2 $0x0  }
0x38e: {  	[sflag:s13] =	ssyncadd.s32 @!p2 $0xFFFF8000  }
0x38f: {  	s13 =	sshll.u32 s12, $0x7;
	s22 =	sshll.u32 s12, $0x8  }
0x390: {  	s13 =	sadd.s32 $0xFFFF4000, s13;
	s22 =	sadd.s32 $0xFFFE8000, s22  }
0x391: {  	s23 =	sand.u32 $0x7FFFF800, s22;
	s28 =	sand.u32 $0x380, s13  }
0x392: {  	s23 =	sor.u32 s28, s23  }
0x393: {  	[tilespmem:s23+$0xAEF0] =	vst v4  }
0x394: {  	[tilespmem:s23+$0xAA80] =	vst v4  }
0x395: {  	[tilespmem:s23+$0xAA90] =	vst v4  }
0x396: {  	[tilespmem:s23+$0xAAA0] =	vst v4  }
0x397: {  	[tilespmem:s23+$0xAAB0] =	vst v4  }
0x398: {  	[tilespmem:s23+$0xAAC0] =	vst v4  }
0x399: {  	s12 =	sadd.s32 $0xFFFFFE7F, s12;
	[tilespmem:s23+$0xAAD0] =	vst v4  }
0x39a: {  	s28 =	sadd.s32 $0x1, s12;
	[tilespmem:s23+$0xAAE0] =	vst v4  }
0x39b: {  	[tilespmem:s23+$0xAAF0] =	vst v4;
	p2 =	slt.u32 s28, $0x7F  }
.Ltmp30:
0x39c: {  	[tilespmem:s23+$0xAE80] =	vst v4;
	(pc) =	sbr.rel @!p2 .LBB2_50-.Ltmp30, $4  }
0x39d: {  	[tilespmem:s23+$0xAE90] =	vst v4  }
0x39e: {  	[tilespmem:s23+$0xAEA0] =	vst v4  }
0x39f: {  	[tilespmem:s23+$0xAEB0] =	vst v4  }
0x3a0: {  	s29 =	sadd.s32 $0x80, s13;
	s12 =	sadd.s32 $0x100, s22;
	[tilespmem:s23+$0xAEC0] =	vst v4  }
.LBB2_49:
0x3a1: {  	s13 =	sand.u32 $0x7FFFF800, s12;
	s22 =	sand.u32 $0x380, s29;
	s28 =	sadd.s32 $0x1, s28;
	[tilespmem:s23+$0xAED0] =	vst v4  }
0x3a2: {  	p2 =	slt.u32 s28, $0x7F;
	[tilespmem:s23+$0xAEE0] =	vst v4;
	s23 =	sor.u32 s22, s13  }
0x3a3: {  	[tilespmem:s23+$0xAEF0] =	vst v4  }
0x3a4: {  	[tilespmem:s23+$0xAA80] =	vst v4  }
0x3a5: {  	[tilespmem:s23+$0xAA90] =	vst v4  }
0x3a6: {  	[tilespmem:s23+$0xAAA0] =	vst v4  }
0x3a7: {  	[tilespmem:s23+$0xAAB0] =	vst v4  }
0x3a8: {  	[tilespmem:s23+$0xAAC0] =	vst v4  }
0x3a9: {  	[tilespmem:s23+$0xAAD0] =	vst v4  }
0x3aa: {  	[tilespmem:s23+$0xAAE0] =	vst v4  }
0x3ab: {  	[tilespmem:s23+$0xAAF0] =	vst v4  }
.Ltmp31:
0x3ac: {  	[tilespmem:s23+$0xAE80] =	vst v4;
	(pc) =	sbr.rel @p2 .LBB2_49-.Ltmp31, $4  }
0x3ad: {  	[tilespmem:s23+$0xAE90] =	vst v4  }
0x3ae: {  	[tilespmem:s23+$0xAEA0] =	vst v4  }
0x3af: {  	[tilespmem:s23+$0xAEB0] =	vst v4  }
0x3b0: {  	s29 =	sadd.s32 $0x80, s29;
	s12 =	sadd.s32 $0x100, s12;
	[tilespmem:s23+$0xAEC0] =	vst v4  }
.LBB2_50:
0x3b1: {  	[tilespmem:s23+$0xAED0] =	vst v4  }
0x3b2: {  	[tilespmem:s23+$0xAEE0] =	vst v4  }
0x3b3: {  	[hbm4b:s16+s2] =	stream.linear.scatter [tilespmem:s26], [sflag:$0x3], $0x8000, $0x38;
	[tilespmem:$0x1AA80] =	vst v63  }
0x3b4: {  	_ =	swait.ge [sflag:s30], $0x8000  }
0x3b5: {  	[sflag:s30] =	ssyncset.done $0x0  }
0x3b6: {  	s29 =	rddreg [dreg:$0x6];
	[sflag:s30] =	ssyncadd.s32 $0xFFFF8000  }
.LBB2_51:
0x3b7: {  	p2 =	sne.s32 s1, $0x0  }
0x3b8: {  	s1 =	simm.s32 @!p2 $0x0;
	s12 =	simm.s32 @!p2 $0x12A80  }
0x3b9: {  	[hbm4b:s16+s1] =	stream.linear.scatter @!p2 [tilespmem:s12], [sflag:$0x3], $0x8000, $0x38;
	[tilespmem:$0x1AA80] =	vst v63  }
0x3ba: {  	s1 =	simm.s32 @!p2 $0x3  }
0x3bb: {  	_ =	swait.ge @!p2 [sflag:s1], $0x8000  }
0x3bc: {  	[sflag:s1] =	ssyncset.done @!p2 $0x0  }
0x3bd: {  	[sflag:s1] =	ssyncadd.s32 @!p2 $0xFFFF8000  }
0x3be: {  	v5 =	vld [tilespmem:s9+$0x0];
	_ =	sdelay $0x4  }
0x3bf: {  	v6 =	vshll.u32 v5, $0x1  }
0x3c0: {  	v5 =	vand.u32 $0x7, v5;
	v6 =	vand.u32 $0xFFFFFFF0, v6  }
0x3c1: {  	v5 =	vor.u32 v5, v6  }
0x3c2: {  	v6 =	vperm.xlane v5, v1;
	_ =	sdelay $0x1  }
0x3c3: {  	v5 =	vperm.xlane v5, v3;
	v6 =	vadd.s32 v2, v6;
	_ =	sdelay $0x1  }
0x3c4: {  	v5 =	vadd.s32 v2, v5;
	_ =	sdelay $0x2  }
0x3c5: {  	[tilespmem:s26], [sflag:$0x2] =	stream.indirect_vreg.gather [hbm4b:s0+s2], $0x80, v6, vm0, $0xb8;
	[tilespmem:$0x1AA80] =	vst v63  }
0x3c6: {  	s28 =	simm.s32 $0xB280  }
0x3c7: {  	[tilespmem:s28], [sflag:$0x2] =	stream.indirect_vreg.gather [hbm4b:s0+s2], $0x80, v5, vm0, $0xb8;
	[tilespmem:$0x1AA80] =	vst v63  }
0x3c8: {  	v5 =	vld [tilespmem:s9+$0x10];
	_ =	sdelay $0x4  }
0x3c9: {  	v6 =	vshll.u32 v5, $0x1  }
0x3ca: {  	v5 =	vand.u32 $0x7, v5;
	v6 =	vand.u32 $0xFFFFFFF0, v6  }
0x3cb: {  	v5 =	vor.u32 v5, v6  }
0x3cc: {  	v6 =	vperm.xlane v5, v1;
	_ =	sdelay $0x1  }
0x3cd: {  	v5 =	vperm.xlane v5, v3;
	v6 =	vadd.s32 v2, v6;
	_ =	sdelay $0x1  }
0x3ce: {  	v5 =	vadd.s32 v2, v5;
	_ =	sdelay $0x1  }
0x3cf: {  	s12 =	simm.s32 $0xBA80  }
0x3d0: {  	[tilespmem:s12], [sflag:$0x2] =	stream.indirect_vreg.gather [hbm4b:s0+s2], $0x80, v6, vm0, $0xb8;
	[tilespmem:$0x1AA80] =	vst v63  }
0x3d1: {  	s13 =	simm.s32 $0xC280  }
0x3d2: {  	[tilespmem:s13], [sflag:$0x2] =	stream.indirect_vreg.gather [hbm4b:s0+s2], $0x80, v5, vm0, $0xb8;
	[tilespmem:$0x1AA80] =	vst v63  }
0x3d3: {  	v5 =	vld [tilespmem:s9+$0x20];
	_ =	sdelay $0x4  }
0x3d4: {  	v6 =	vshll.u32 v5, $0x1  }
0x3d5: {  	v5 =	vand.u32 $0x7, v5;
	v6 =	vand.u32 $0xFFFFFFF0, v6  }
0x3d6: {  	v5 =	vor.u32 v5, v6  }
0x3d7: {  	v6 =	vperm.xlane v5, v1;
	_ =	sdelay $0x1  }
0x3d8: {  	v5 =	vperm.xlane v5, v3;
	v6 =	vadd.s32 v2, v6;
	_ =	sdelay $0x1  }
0x3d9: {  	v5 =	vadd.s32 v2, v5;
	_ =	sdelay $0x1  }
0x3da: {  	s22 =	simm.s32 $0xCA80  }
0x3db: {  	[tilespmem:s22], [sflag:$0x2] =	stream.indirect_vreg.gather [hbm4b:s0+s2], $0x80, v6, vm0, $0xb8;
	[tilespmem:$0x1AA80] =	vst v63  }
0x3dc: {  	s23 =	simm.s32 $0xD280  }
0x3dd: {  	[tilespmem:s23], [sflag:$0x2] =	stream.indirect_vreg.gather [hbm4b:s0+s2], $0x80, v5, vm0, $0xb8;
	[tilespmem:$0x1AA80] =	vst v63  }
0x3de: {  	v5 =	vld [tilespmem:s9+$0x30];
	_ =	sdelay $0x4  }
0x3df: {  	v6 =	vshll.u32 v5, $0x1  }
0x3e0: {  	v5 =	vand.u32 $0x7, v5;
	v6 =	vand.u32 $0xFFFFFFF0, v6  }
0x3e1: {  	v5 =	vor.u32 v5, v6  }
0x3e2: {  	v6 =	vperm.xlane v5, v1;
	_ =	sdelay $0x1  }
0x3e3: {  	v5 =	vperm.xlane v5, v3;
	v6 =	vadd.s32 v2, v6;
	_ =	sdelay $0x1  }
0x3e4: {  	v5 =	vadd.s32 v2, v5;
	_ =	sdelay $0x1  }
0x3e5: {  	s28 =	simm.s32 $0xDA80  }
0x3e6: {  	[tilespmem:s28], [sflag:$0x2] =	stream.indirect_vreg.gather [hbm4b:s0+s2], $0x80, v6, vm0, $0xb8;
	[tilespmem:$0x1AA80] =	vst v63  }
0x3e7: {  	s12 =	simm.s32 $0xE280  }
0x3e8: {  	[tilespmem:s12], [sflag:$0x2] =	stream.indirect_vreg.gather [hbm4b:s0+s2], $0x80, v5, vm0, $0xb8;
	[tilespmem:$0x1AA80] =	vst v63  }
0x3e9: {  	v5 =	vld [tilespmem:s9+$0x40];
	_ =	sdelay $0x4  }
0x3ea: {  	v6 =	vshll.u32 v5, $0x1  }
0x3eb: {  	v5 =	vand.u32 $0x7, v5;
	v6 =	vand.u32 $0xFFFFFFF0, v6  }
0x3ec: {  	v5 =	vor.u32 v5, v6  }
0x3ed: {  	v6 =	vperm.xlane v5, v1;
	_ =	sdelay $0x1  }
0x3ee: {  	v5 =	vperm.xlane v5, v3;
	v6 =	vadd.s32 v2, v6;
	_ =	sdelay $0x1  }
0x3ef: {  	v5 =	vadd.s32 v2, v5;
	_ =	sdelay $0x1  }
0x3f0: {  	s13 =	simm.s32 $0xEA80  }
0x3f1: {  	[tilespmem:s13], [sflag:$0x2] =	stream.indirect_vreg.gather [hbm4b:s0+s2], $0x80, v6, vm0, $0xb8;
	[tilespmem:$0x1AA80] =	vst v63  }
0x3f2: {  	s22 =	simm.s32 $0xF280  }
0x3f3: {  	[tilespmem:s22], [sflag:$0x2] =	stream.indirect_vreg.gather [hbm4b:s0+s2], $0x80, v5, vm0, $0xb8;
	[tilespmem:$0x1AA80] =	vst v63  }
0x3f4: {  	v5 =	vld [tilespmem:s9+$0x50];
	_ =	sdelay $0x4  }
0x3f5: {  	v6 =	vshll.u32 v5, $0x1  }
0x3f6: {  	v5 =	vand.u32 $0x7, v5;
	v6 =	vand.u32 $0xFFFFFFF0, v6  }
0x3f7: {  	v5 =	vor.u32 v5, v6  }
0x3f8: {  	v6 =	vperm.xlane v5, v1;
	_ =	sdelay $0x1  }
0x3f9: {  	v5 =	vperm.xlane v5, v3;
	v6 =	vadd.s32 v2, v6;
	_ =	sdelay $0x1  }
0x3fa: {  	v5 =	vadd.s32 v2, v5;
	_ =	sdelay $0x1  }
0x3fb: {  	s23 =	simm.s32 $0xFA80  }
0x3fc: {  	[tilespmem:s23], [sflag:$0x2] =	stream.indirect_vreg.gather [hbm4b:s0+s2], $0x80, v6, vm0, $0xb8;
	[tilespmem:$0x1AA80] =	vst v63  }
0x3fd: {  	s28 =	simm.s32 $0x10280  }
0x3fe: {  	[tilespmem:s28], [sflag:$0x2] =	stream.indirect_vreg.gather [hbm4b:s0+s2], $0x80, v5, vm0, $0xb8;
	[tilespmem:$0x1AA80] =	vst v63  }
0x3ff: {  	v5 =	vld [tilespmem:s9+$0x60];
	_ =	sdelay $0x4  }
0x400: {  	v6 =	vshll.u32 v5, $0x1  }
0x401: {  	v5 =	vand.u32 $0x7, v5;
	v6 =	vand.u32 $0xFFFFFFF0, v6  }
0x402: {  	v5 =	vor.u32 v5, v6  }
0x403: {  	v6 =	vperm.xlane v5, v1;
	_ =	sdelay $0x1  }
0x404: {  	v5 =	vperm.xlane v5, v3;
	v6 =	vadd.s32 v2, v6;
	_ =	sdelay $0x1  }
0x405: {  	v5 =	vadd.s32 v2, v5;
	_ =	sdelay $0x1  }
0x406: {  	s12 =	simm.s32 $0x10A80  }
0x407: {  	[tilespmem:s12], [sflag:$0x2] =	stream.indirect_vreg.gather [hbm4b:s0+s2], $0x80, v6, vm0, $0xb8;
	[tilespmem:$0x1AA80] =	vst v63  }
0x408: {  	s13 =	simm.s32 $0x11280  }
0x409: {  	[tilespmem:s13], [sflag:$0x2] =	stream.indirect_vreg.gather [hbm4b:s0+s2], $0x80, v5, vm0, $0xb8;
	[tilespmem:$0x1AA80] =	vst v63  }
0x40a: {  	v5 =	vld [tilespmem:s9+$0x70];
	_ =	sdelay $0x4  }
0x40b: {  	v6 =	vshll.u32 v5, $0x1  }
0x40c: {  	v5 =	vand.u32 $0x7, v5;
	v6 =	vand.u32 $0xFFFFFFF0, v6  }
0x40d: {  	v5 =	vor.u32 v5, v6  }
0x40e: {  	v6 =	vperm.xlane v5, v1;
	_ =	sdelay $0x1  }
0x40f: {  	v5 =	vperm.xlane v5, v3;
	v6 =	vadd.s32 v2, v6  }
0x410: {  	s28 =	smax.u32 s19, $0x200  }
0x411: {  	s12 =	smin.u32 s28, $0x280;
	v5 =	vadd.s32 v2, v5  }
0x412: {  	s1 =	sadd.s32 $0xFFFFFE00, s12  }
0x413: {  	s22 =	simm.s32 $0x11A80;
	p2 =	seq.s32 s1, $0x80  }
0x414: {  	[tilespmem:s22], [sflag:$0x2] =	stream.indirect_vreg.gather [hbm4b:s0+s2], $0x80, v6, vm0, $0xb8;
	[tilespmem:$0x1AA80] =	vst v63  }
.Ltmp32:
0x415: {  	s23 =	simm.s32 $0x12280;
	(pc) =	sbr.rel @!p2 .LBB2_52-.Ltmp32, $4  }
0x416: {  	[tilespmem:s23], [sflag:$0x2] =	stream.indirect_vreg.gather [hbm4b:s0+s2], $0x80, v5, vm0, $0xb8;
	[tilespmem:$0x1AA80] =	vst v63  }
0x417: {  	_ =	swait.ge [sflag:s21], $0x8000  }
0x418: {  	[sflag:s21] =	ssyncset.done $0x0  }
0x419: {  	[sflag:s21] =	ssyncadd.s32 $0xFFFF8000  }
0x41a: {  	s1 =	rddreg [dreg:$0x8];
	p2 =	sgt.s32 s17, $0x27F  }
0x41b: {  	[hbm4b:s1+s2] =	stream.linear.scatter [tilespmem:s31], [sflag:$0x3], $0x8000, $0x38;
	[tilespmem:$0x1AA80] =	vst v63  }
.Ltmp33:
0x41c: {  	_ = 	snop;
	(pc) =	sbr.rel @p2 .LBB2_60-.Ltmp33, $4  }
.Ltmp34:
0x41d: {  	_ = 	snop;
	(pc) =	sbr.rel @!p2 .LBB2_56-.Ltmp34, $4  }
0x41e: {  	_ =	swait.ge [sflag:s30], $0x8000  }
0x41f: {  	[sflag:s30] =	ssyncset.done $0x0  }
0x420: {  	[sflag:s30] =	ssyncadd.s32 $0xFFFF8000  }
0x421: {  	_ = 	snop  }
.LBB2_52:
0x422: {  	p2 =	sgt.s32 s17, $0x27F  }
0x423: {  	p3 =	sne.s32 @!p2 s1, $0x0  }
0x424: {  	p2 =	por p2, !p3  }
.Ltmp35:
0x425: {  	_ = 	snop;
	(pc) =	sbr.rel @p2 .LBB2_53-.Ltmp35, $1  }
0x426: {  	_ =	sdelay $0x3  }
.LBB2_56:
0x427: {  	s1 =	sshll.u32 s12, $0x7;
	s13 =	sshll.u32 s12, $0x8  }
0x428: {  	s22 =	sadd.s32 $0xFFFF0000, s1;
	s13 =	sadd.s32 $0xFFFE0000, s13  }
0x429: {  	s1 =	sand.u32 $0x7800, s13;
	s23 =	sand.u32 $0x380, s22  }
0x42a: {  	s1 =	sor.u32 s23, s1  }
0x42b: {  	[tilespmem:s1+$0x2EF0] =	vst v4  }
0x42c: {  	[tilespmem:s1+$0x2A80] =	vst v4  }
0x42d: {  	[tilespmem:s1+$0x2A90] =	vst v4  }
0x42e: {  	[tilespmem:s1+$0x2AA0] =	vst v4  }
0x42f: {  	[tilespmem:s1+$0x2AB0] =	vst v4  }
0x430: {  	[tilespmem:s1+$0x2AC0] =	vst v4  }
0x431: {  	s23 =	sadd.s32 $0xFFFFFDFF, s12;
	[tilespmem:s1+$0x2AD0] =	vst v4  }
0x432: {  	[tilespmem:s1+$0x2AE0] =	vst v4;
	s23 =	sadd.s32 $0x1, s23  }
0x433: {  	[tilespmem:s1+$0x2AF0] =	vst v4;
	p2 =	slt.u32 s23, $0x7F  }
.Ltmp36:
0x434: {  	[tilespmem:s1+$0x2E80] =	vst v4;
	(pc) =	sbr.rel @!p2 .LBB2_58-.Ltmp36, $4  }
0x435: {  	[tilespmem:s1+$0x2E90] =	vst v4  }
0x436: {  	[tilespmem:s1+$0x2EA0] =	vst v4  }
0x437: {  	[tilespmem:s1+$0x2EB0] =	vst v4  }
0x438: {  	s28 =	sadd.s32 $0x100, s13;
	s12 =	sadd.s32 $0x80, s22;
	[tilespmem:s1+$0x2EC0] =	vst v4  }
.LBB2_57:
0x439: {  	s13 =	sand.u32 $0x7800, s28;
	s22 =	sand.u32 $0x380, s12;
	s23 =	sadd.s32 $0x1, s23;
	[tilespmem:s1+$0x2ED0] =	vst v4  }
0x43a: {  	p2 =	slt.u32 s23, $0x7F;
	[tilespmem:s1+$0x2EE0] =	vst v4;
	s1 =	sor.u32 s22, s13  }
0x43b: {  	[tilespmem:s1+$0x2EF0] =	vst v4  }
0x43c: {  	[tilespmem:s1+$0x2A80] =	vst v4  }
0x43d: {  	[tilespmem:s1+$0x2A90] =	vst v4  }
0x43e: {  	[tilespmem:s1+$0x2AA0] =	vst v4  }
0x43f: {  	[tilespmem:s1+$0x2AB0] =	vst v4  }
0x440: {  	[tilespmem:s1+$0x2AC0] =	vst v4  }
0x441: {  	[tilespmem:s1+$0x2AD0] =	vst v4  }
0x442: {  	[tilespmem:s1+$0x2AE0] =	vst v4  }
0x443: {  	[tilespmem:s1+$0x2AF0] =	vst v4  }
.Ltmp37:
0x444: {  	[tilespmem:s1+$0x2E80] =	vst v4;
	(pc) =	sbr.rel @p2 .LBB2_57-.Ltmp37, $4  }
0x445: {  	[tilespmem:s1+$0x2E90] =	vst v4  }
0x446: {  	[tilespmem:s1+$0x2EA0] =	vst v4  }
0x447: {  	[tilespmem:s1+$0x2EB0] =	vst v4  }
0x448: {  	s12 =	sadd.s32 $0x80, s12;
	s28 =	sadd.s32 $0x100, s28;
	[tilespmem:s1+$0x2EC0] =	vst v4  }
.LBB2_58:
0x449: {  	[tilespmem:s1+$0x2ED0] =	vst v4  }
0x44a: {  	[tilespmem:s1+$0x2EE0] =	vst v4;
	s1 =	simm.s32 $0x2A80  }
.LBB2_59:
0x44b: {  	s12 =	rddreg [dreg:$0x8]  }
0x44c: {  	[hbm4b:s12+s2] =	stream.linear.scatter [tilespmem:s1], [sflag:$0x3], $0x8000, $0x38;
	[tilespmem:$0x1AA80] =	vst v63  }
0x44d: {  	_ =	swait.ge [sflag:s30], $0x8000  }
0x44e: {  	[sflag:s30] =	ssyncset.done $0x0  }
0x44f: {  	[sflag:s30] =	ssyncadd.s32 $0xFFFF8000  }
.LBB2_60:
0x450: {  	v5 =	vld [tilespmem:s10+$0x0];
	_ =	sdelay $0x4  }
0x451: {  	v6 =	vshll.u32 v5, $0x1  }
0x452: {  	v5 =	vand.u32 $0x7, v5;
	v6 =	vand.u32 $0xFFFFFFF0, v6  }
0x453: {  	v5 =	vor.u32 v5, v6  }
0x454: {  	v6 =	vperm.xlane v5, v1;
	_ =	sdelay $0x1  }
0x455: {  	v5 =	vperm.xlane v5, v3;
	v6 =	vadd.s32 v2, v6;
	_ =	sdelay $0x1  }
0x456: {  	v5 =	vadd.s32 v2, v5;
	_ =	sdelay $0x2  }
0x457: {  	[tilespmem:s31], [sflag:$0x1] =	stream.indirect_vreg.gather [hbm4b:s0+s2], $0x80, v6, vm0, $0xb8;
	[tilespmem:$0x1AA80] =	vst v63  }
0x458: {  	s1 =	simm.s32 $0x3280  }
0x459: {  	[tilespmem:s1], [sflag:$0x1] =	stream.indirect_vreg.gather [hbm4b:s0+s2], $0x80, v5, vm0, $0xb8;
	[tilespmem:$0x1AA80] =	vst v63  }
0x45a: {  	v5 =	vld [tilespmem:s10+$0x10];
	_ =	sdelay $0x4  }
0x45b: {  	v6 =	vshll.u32 v5, $0x1  }
0x45c: {  	v5 =	vand.u32 $0x7, v5;
	v6 =	vand.u32 $0xFFFFFFF0, v6  }
0x45d: {  	v5 =	vor.u32 v5, v6  }
0x45e: {  	v6 =	vperm.xlane v5, v1;
	_ =	sdelay $0x1  }
0x45f: {  	v5 =	vperm.xlane v5, v3;
	v6 =	vadd.s32 v2, v6;
	_ =	sdelay $0x1  }
0x460: {  	v5 =	vadd.s32 v2, v5;
	_ =	sdelay $0x1  }
0x461: {  	s28 =	simm.s32 $0x3A80  }
0x462: {  	[tilespmem:s28], [sflag:$0x1] =	stream.indirect_vreg.gather [hbm4b:s0+s2], $0x80, v6, vm0, $0xb8;
	[tilespmem:$0x1AA80] =	vst v63  }
0x463: {  	s12 =	simm.s32 $0x4280  }
0x464: {  	[tilespmem:s12], [sflag:$0x1] =	stream.indirect_vreg.gather [hbm4b:s0+s2], $0x80, v5, vm0, $0xb8;
	[tilespmem:$0x1AA80] =	vst v63  }
0x465: {  	v5 =	vld [tilespmem:s10+$0x20];
	_ =	sdelay $0x4  }
0x466: {  	v6 =	vshll.u32 v5, $0x1  }
0x467: {  	v5 =	vand.u32 $0x7, v5;
	v6 =	vand.u32 $0xFFFFFFF0, v6  }
0x468: {  	v5 =	vor.u32 v5, v6  }
0x469: {  	v6 =	vperm.xlane v5, v1;
	_ =	sdelay $0x1  }
0x46a: {  	v5 =	vperm.xlane v5, v3;
	v6 =	vadd.s32 v2, v6;
	_ =	sdelay $0x1  }
0x46b: {  	v5 =	vadd.s32 v2, v5;
	_ =	sdelay $0x1  }
0x46c: {  	s13 =	simm.s32 $0x4A80  }
0x46d: {  	[tilespmem:s13], [sflag:$0x1] =	stream.indirect_vreg.gather [hbm4b:s0+s2], $0x80, v6, vm0, $0xb8;
	[tilespmem:$0x1AA80] =	vst v63  }
0x46e: {  	s22 =	simm.s32 $0x5280  }
0x46f: {  	[tilespmem:s22], [sflag:$0x1] =	stream.indirect_vreg.gather [hbm4b:s0+s2], $0x80, v5, vm0, $0xb8;
	[tilespmem:$0x1AA80] =	vst v63  }
0x470: {  	v5 =	vld [tilespmem:s10+$0x30];
	_ =	sdelay $0x4  }
0x471: {  	v6 =	vshll.u32 v5, $0x1  }
0x472: {  	v5 =	vand.u32 $0x7, v5;
	v6 =	vand.u32 $0xFFFFFFF0, v6  }
0x473: {  	v5 =	vor.u32 v5, v6  }
0x474: {  	v6 =	vperm.xlane v5, v1;
	_ =	sdelay $0x1  }
0x475: {  	v5 =	vperm.xlane v5, v3;
	v6 =	vadd.s32 v2, v6;
	_ =	sdelay $0x1  }
0x476: {  	v5 =	vadd.s32 v2, v5;
	_ =	sdelay $0x1  }
0x477: {  	s23 =	simm.s32 $0x5A80  }
0x478: {  	[tilespmem:s23], [sflag:$0x1] =	stream.indirect_vreg.gather [hbm4b:s0+s2], $0x80, v6, vm0, $0xb8;
	[tilespmem:$0x1AA80] =	vst v63  }
0x479: {  	s28 =	simm.s32 $0x6280  }
0x47a: {  	[tilespmem:s28], [sflag:$0x1] =	stream.indirect_vreg.gather [hbm4b:s0+s2], $0x80, v5, vm0, $0xb8;
	[tilespmem:$0x1AA80] =	vst v63  }
0x47b: {  	v5 =	vld [tilespmem:s10+$0x40];
	_ =	sdelay $0x4  }
0x47c: {  	v6 =	vshll.u32 v5, $0x1  }
0x47d: {  	v5 =	vand.u32 $0x7, v5;
	v6 =	vand.u32 $0xFFFFFFF0, v6  }
0x47e: {  	v5 =	vor.u32 v5, v6  }
0x47f: {  	v6 =	vperm.xlane v5, v1;
	_ =	sdelay $0x1  }
0x480: {  	v5 =	vperm.xlane v5, v3;
	v6 =	vadd.s32 v2, v6;
	_ =	sdelay $0x1  }
0x481: {  	v5 =	vadd.s32 v2, v5;
	_ =	sdelay $0x1  }
0x482: {  	s12 =	simm.s32 $0x6A80  }
0x483: {  	[tilespmem:s12], [sflag:$0x1] =	stream.indirect_vreg.gather [hbm4b:s0+s2], $0x80, v6, vm0, $0xb8;
	[tilespmem:$0x1AA80] =	vst v63  }
0x484: {  	s13 =	simm.s32 $0x7280  }
0x485: {  	[tilespmem:s13], [sflag:$0x1] =	stream.indirect_vreg.gather [hbm4b:s0+s2], $0x80, v5, vm0, $0xb8;
	[tilespmem:$0x1AA80] =	vst v63  }
0x486: {  	v5 =	vld [tilespmem:s10+$0x50];
	_ =	sdelay $0x4  }
0x487: {  	v6 =	vshll.u32 v5, $0x1  }
0x488: {  	v5 =	vand.u32 $0x7, v5;
	v6 =	vand.u32 $0xFFFFFFF0, v6  }
0x489: {  	v5 =	vor.u32 v5, v6  }
0x48a: {  	v6 =	vperm.xlane v5, v1;
	_ =	sdelay $0x1  }
0x48b: {  	v5 =	vperm.xlane v5, v3;
	v6 =	vadd.s32 v2, v6;
	_ =	sdelay $0x1  }
0x48c: {  	v5 =	vadd.s32 v2, v5;
	_ =	sdelay $0x1  }
0x48d: {  	s22 =	simm.s32 $0x7A80  }
0x48e: {  	[tilespmem:s22], [sflag:$0x1] =	stream.indirect_vreg.gather [hbm4b:s0+s2], $0x80, v6, vm0, $0xb8;
	[tilespmem:$0x1AA80] =	vst v63  }
0x48f: {  	s23 =	simm.s32 $0x8280  }
0x490: {  	[tilespmem:s23], [sflag:$0x1] =	stream.indirect_vreg.gather [hbm4b:s0+s2], $0x80, v5, vm0, $0xb8;
	[tilespmem:$0x1AA80] =	vst v63  }
0x491: {  	v5 =	vld [tilespmem:s10+$0x60];
	_ =	sdelay $0x4  }
0x492: {  	v6 =	vshll.u32 v5, $0x1  }
0x493: {  	v5 =	vand.u32 $0x7, v5;
	v6 =	vand.u32 $0xFFFFFFF0, v6  }
0x494: {  	v5 =	vor.u32 v5, v6  }
0x495: {  	v6 =	vperm.xlane v5, v1;
	_ =	sdelay $0x1  }
0x496: {  	v5 =	vperm.xlane v5, v3;
	v6 =	vadd.s32 v2, v6;
	_ =	sdelay $0x1  }
0x497: {  	v5 =	vadd.s32 v2, v5;
	_ =	sdelay $0x1  }
0x498: {  	s28 =	simm.s32 $0x8A80  }
0x499: {  	[tilespmem:s28], [sflag:$0x1] =	stream.indirect_vreg.gather [hbm4b:s0+s2], $0x80, v6, vm0, $0xb8;
	[tilespmem:$0x1AA80] =	vst v63  }
0x49a: {  	s12 =	simm.s32 $0x9280  }
0x49b: {  	[tilespmem:s12], [sflag:$0x1] =	stream.indirect_vreg.gather [hbm4b:s0+s2], $0x80, v5, vm0, $0xb8;
	[tilespmem:$0x1AA80] =	vst v63  }
0x49c: {  	v5 =	vld [tilespmem:s10+$0x70];
	_ =	sdelay $0x4  }
0x49d: {  	v6 =	vshll.u32 v5, $0x1  }
0x49e: {  	v5 =	vand.u32 $0x7, v5;
	v6 =	vand.u32 $0xFFFFFFF0, v6  }
0x49f: {  	v5 =	vor.u32 v5, v6  }
0x4a0: {  	v6 =	vperm.xlane v5, v1;
	_ =	sdelay $0x1  }
0x4a1: {  	v5 =	vperm.xlane v5, v3;
	v6 =	vadd.s32 v2, v6;
	_ =	sdelay $0x1  }
0x4a2: {  	v5 =	vadd.s32 v2, v5;
	_ =	sdelay $0x1  }
0x4a3: {  	s13 =	simm.s32 $0x9A80;
	s23 =	smax.u32 s19, $0x280  }
0x4a4: {  	[tilespmem:s13], [sflag:$0x1] =	stream.indirect_vreg.gather [hbm4b:s0+s2], $0x80, v6, vm0, $0xb8;
	[tilespmem:$0x1AA80] =	vst v63  }
0x4a5: {  	s22 =	simm.s32 $0xA280;
	s12 =	smin.u32 s23, $0x300  }
0x4a6: {  	[tilespmem:s22], [sflag:$0x1] =	stream.indirect_vreg.gather [hbm4b:s0+s2], $0x80, v5, vm0, $0xb8;
	[tilespmem:$0x1AA80] =	vst v63  }
0x4a7: {  	s28 =	sadd.s32 $0xFFFFFD7F, s17;
	s1 =	sadd.s32 $0xFFFFFD80, s12;
	_ =	swait.ge [sflag:s25], $0x8000  }
0x4a8: {  	p3 =	sgt.u32 s28, $0x7E;
	p2 =	sne.s32 s1, $0x80;
	[sflag:s25] =	ssyncset.done $0x0  }
0x4a9: {  	s13 =	simm.s32 @!p2 $0x0;
	s22 =	simm.s32 @!p2 $0xAA80;
	[sflag:s25] =	ssyncadd.s32 $0xFFFF8000  }
0x4aa: {  	[hbm4b:s18+s13] =	stream.linear.scatter @!p2 [tilespmem:s22], [sflag:$0x3], $0x8000, $0x38;
	[tilespmem:$0x1AA80] =	vst v63  }
.Ltmp38:
0x4ab: {  	_ = 	snop;
	(pc) =	sbr.rel @p3 .LBB2_64-.Ltmp38, $4  }
0x4ac: {  	s13 =	simm.s32 @!p2 $0x3  }
0x4ad: {  	_ =	swait.ge @!p2 [sflag:s13], $0x8000  }
0x4ae: {  	[sflag:s13] =	ssyncset.done @!p2 $0x0  }
0x4af: {  	[sflag:s13] =	ssyncadd.s32 @!p2 $0xFFFF8000  }
0x4b0: {  	s13 =	sshll.u32 s12, $0x7;
	s22 =	sshll.u32 s12, $0x8  }
0x4b1: {  	s13 =	sadd.s32 $0xFFFEC000, s13;
	s22 =	sadd.s32 $0xFFFD8000, s22  }
0x4b2: {  	s23 =	sand.u32 $0x7FFFF800, s22;
	s28 =	sand.u32 $0x380, s13  }
0x4b3: {  	s23 =	sor.u32 s28, s23  }
0x4b4: {  	[tilespmem:s23+$0xAEF0] =	vst v4  }
0x4b5: {  	[tilespmem:s23+$0xAA80] =	vst v4  }
0x4b6: {  	[tilespmem:s23+$0xAA90] =	vst v4  }
0x4b7: {  	[tilespmem:s23+$0xAAA0] =	vst v4  }
0x4b8: {  	[tilespmem:s23+$0xAAB0] =	vst v4  }
0x4b9: {  	[tilespmem:s23+$0xAAC0] =	vst v4  }
0x4ba: {  	s12 =	sadd.s32 $0xFFFFFD7F, s12;
	[tilespmem:s23+$0xAAD0] =	vst v4  }
0x4bb: {  	s28 =	sadd.s32 $0x1, s12;
	[tilespmem:s23+$0xAAE0] =	vst v4  }
0x4bc: {  	[tilespmem:s23+$0xAAF0] =	vst v4;
	p2 =	slt.u32 s28, $0x7F  }
.Ltmp39:
0x4bd: {  	[tilespmem:s23+$0xAE80] =	vst v4;
	(pc) =	sbr.rel @!p2 .LBB2_63-.Ltmp39, $4  }
0x4be: {  	[tilespmem:s23+$0xAE90] =	vst v4  }
0x4bf: {  	[tilespmem:s23+$0xAEA0] =	vst v4  }
0x4c0: {  	[tilespmem:s23+$0xAEB0] =	vst v4  }
0x4c1: {  	s29 =	sadd.s32 $0x80, s13;
	s12 =	sadd.s32 $0x100, s22;
	[tilespmem:s23+$0xAEC0] =	vst v4  }
.LBB2_62:
0x4c2: {  	s13 =	sand.u32 $0x7FFFF800, s12;
	s22 =	sand.u32 $0x380, s29;
	s28 =	sadd.s32 $0x1, s28;
	[tilespmem:s23+$0xAED0] =	vst v4  }
0x4c3: {  	p2 =	slt.u32 s28, $0x7F;
	[tilespmem:s23+$0xAEE0] =	vst v4;
	s23 =	sor.u32 s22, s13  }
0x4c4: {  	[tilespmem:s23+$0xAEF0] =	vst v4  }
0x4c5: {  	[tilespmem:s23+$0xAA80] =	vst v4  }
0x4c6: {  	[tilespmem:s23+$0xAA90] =	vst v4  }
0x4c7: {  	[tilespmem:s23+$0xAAA0] =	vst v4  }
0x4c8: {  	[tilespmem:s23+$0xAAB0] =	vst v4  }
0x4c9: {  	[tilespmem:s23+$0xAAC0] =	vst v4  }
0x4ca: {  	[tilespmem:s23+$0xAAD0] =	vst v4  }
0x4cb: {  	[tilespmem:s23+$0xAAE0] =	vst v4  }
0x4cc: {  	[tilespmem:s23+$0xAAF0] =	vst v4  }
.Ltmp40:
0x4cd: {  	[tilespmem:s23+$0xAE80] =	vst v4;
	(pc) =	sbr.rel @p2 .LBB2_62-.Ltmp40, $4  }
0x4ce: {  	[tilespmem:s23+$0xAE90] =	vst v4  }
0x4cf: {  	[tilespmem:s23+$0xAEA0] =	vst v4  }
0x4d0: {  	[tilespmem:s23+$0xAEB0] =	vst v4  }
0x4d1: {  	s29 =	sadd.s32 $0x80, s29;
	s12 =	sadd.s32 $0x100, s12;
	[tilespmem:s23+$0xAEC0] =	vst v4  }
.LBB2_63:
0x4d2: {  	[tilespmem:s23+$0xAED0] =	vst v4  }
0x4d3: {  	[tilespmem:s23+$0xAEE0] =	vst v4  }
0x4d4: {  	[hbm4b:s18+s2] =	stream.linear.scatter [tilespmem:s26], [sflag:$0x3], $0x8000, $0x38;
	[tilespmem:$0x1AA80] =	vst v63  }
0x4d5: {  	_ =	swait.ge [sflag:s30], $0x8000  }
0x4d6: {  	[sflag:s30] =	ssyncset.done $0x0  }
0x4d7: {  	s29 =	rddreg [dreg:$0x6];
	[sflag:s30] =	ssyncadd.s32 $0xFFFF8000  }
.LBB2_64:
0x4d8: {  	p2 =	sne.s32 s1, $0x0  }
0x4d9: {  	s1 =	simm.s32 @!p2 $0x0;
	s12 =	simm.s32 @!p2 $0x12A80  }
0x4da: {  	[hbm4b:s18+s1] =	stream.linear.scatter @!p2 [tilespmem:s12], [sflag:$0x3], $0x8000, $0x38;
	[tilespmem:$0x1AA80] =	vst v63  }
0x4db: {  	s1 =	simm.s32 @!p2 $0x3  }
0x4dc: {  	_ =	swait.ge @!p2 [sflag:s1], $0x8000  }
0x4dd: {  	[sflag:s1] =	ssyncset.done @!p2 $0x0  }
0x4de: {  	[sflag:s1] =	ssyncadd.s32 @!p2 $0xFFFF8000  }
0x4df: {  	v5 =	vld [tilespmem:s11+$0x0];
	_ =	sdelay $0x4  }
0x4e0: {  	v6 =	vshll.u32 v5, $0x1  }
0x4e1: {  	v5 =	vand.u32 $0x7, v5;
	v6 =	vand.u32 $0xFFFFFFF0, v6  }
0x4e2: {  	v5 =	vor.u32 v5, v6  }
0x4e3: {  	v6 =	vperm.xlane v5, v1;
	_ =	sdelay $0x1  }
0x4e4: {  	v5 =	vperm.xlane v5, v3;
	v6 =	vadd.s32 v2, v6;
	_ =	sdelay $0x1  }
0x4e5: {  	v5 =	vadd.s32 v2, v5;
	_ =	sdelay $0x2  }
0x4e6: {  	[tilespmem:s26], [sflag:$0x2] =	stream.indirect_vreg.gather [hbm4b:s0+s2], $0x80, v6, vm0, $0xb8;
	[tilespmem:$0x1AA80] =	vst v63  }
0x4e7: {  	s28 =	simm.s32 $0xB280  }
0x4e8: {  	[tilespmem:s28], [sflag:$0x2] =	stream.indirect_vreg.gather [hbm4b:s0+s2], $0x80, v5, vm0, $0xb8;
	[tilespmem:$0x1AA80] =	vst v63  }
0x4e9: {  	v5 =	vld [tilespmem:s11+$0x10];
	_ =	sdelay $0x4  }
0x4ea: {  	v6 =	vshll.u32 v5, $0x1  }
0x4eb: {  	v5 =	vand.u32 $0x7, v5;
	v6 =	vand.u32 $0xFFFFFFF0, v6  }
0x4ec: {  	v5 =	vor.u32 v5, v6  }
0x4ed: {  	v6 =	vperm.xlane v5, v1;
	_ =	sdelay $0x1  }
0x4ee: {  	v5 =	vperm.xlane v5, v3;
	v6 =	vadd.s32 v2, v6;
	_ =	sdelay $0x1  }
0x4ef: {  	v5 =	vadd.s32 v2, v5;
	_ =	sdelay $0x1  }
0x4f0: {  	s12 =	simm.s32 $0xBA80  }
0x4f1: {  	[tilespmem:s12], [sflag:$0x2] =	stream.indirect_vreg.gather [hbm4b:s0+s2], $0x80, v6, vm0, $0xb8;
	[tilespmem:$0x1AA80] =	vst v63  }
0x4f2: {  	s13 =	simm.s32 $0xC280  }
0x4f3: {  	[tilespmem:s13], [sflag:$0x2] =	stream.indirect_vreg.gather [hbm4b:s0+s2], $0x80, v5, vm0, $0xb8;
	[tilespmem:$0x1AA80] =	vst v63  }
0x4f4: {  	v5 =	vld [tilespmem:s11+$0x20];
	_ =	sdelay $0x4  }
0x4f5: {  	v6 =	vshll.u32 v5, $0x1  }
0x4f6: {  	v5 =	vand.u32 $0x7, v5;
	v6 =	vand.u32 $0xFFFFFFF0, v6  }
0x4f7: {  	v5 =	vor.u32 v5, v6  }
0x4f8: {  	v6 =	vperm.xlane v5, v1;
	_ =	sdelay $0x1  }
0x4f9: {  	v5 =	vperm.xlane v5, v3;
	v6 =	vadd.s32 v2, v6;
	_ =	sdelay $0x1  }
0x4fa: {  	v5 =	vadd.s32 v2, v5;
	_ =	sdelay $0x1  }
0x4fb: {  	s22 =	simm.s32 $0xCA80  }
0x4fc: {  	[tilespmem:s22], [sflag:$0x2] =	stream.indirect_vreg.gather [hbm4b:s0+s2], $0x80, v6, vm0, $0xb8;
	[tilespmem:$0x1AA80] =	vst v63  }
0x4fd: {  	s23 =	simm.s32 $0xD280  }
0x4fe: {  	[tilespmem:s23], [sflag:$0x2] =	stream.indirect_vreg.gather [hbm4b:s0+s2], $0x80, v5, vm0, $0xb8;
	[tilespmem:$0x1AA80] =	vst v63  }
0x4ff: {  	v5 =	vld [tilespmem:s11+$0x30];
	_ =	sdelay $0x4  }
0x500: {  	v6 =	vshll.u32 v5, $0x1  }
0x501: {  	v5 =	vand.u32 $0x7, v5;
	v6 =	vand.u32 $0xFFFFFFF0, v6  }
0x502: {  	v5 =	vor.u32 v5, v6  }
0x503: {  	v6 =	vperm.xlane v5, v1;
	_ =	sdelay $0x1  }
0x504: {  	v5 =	vperm.xlane v5, v3;
	v6 =	vadd.s32 v2, v6;
	_ =	sdelay $0x1  }
0x505: {  	v5 =	vadd.s32 v2, v5;
	_ =	sdelay $0x1  }
0x506: {  	s28 =	simm.s32 $0xDA80  }
0x507: {  	[tilespmem:s28], [sflag:$0x2] =	stream.indirect_vreg.gather [hbm4b:s0+s2], $0x80, v6, vm0, $0xb8;
	[tilespmem:$0x1AA80] =	vst v63  }
0x508: {  	s12 =	simm.s32 $0xE280  }
0x509: {  	[tilespmem:s12], [sflag:$0x2] =	stream.indirect_vreg.gather [hbm4b:s0+s2], $0x80, v5, vm0, $0xb8;
	[tilespmem:$0x1AA80] =	vst v63  }
0x50a: {  	v5 =	vld [tilespmem:s11+$0x40];
	_ =	sdelay $0x4  }
0x50b: {  	v6 =	vshll.u32 v5, $0x1  }
0x50c: {  	v5 =	vand.u32 $0x7, v5;
	v6 =	vand.u32 $0xFFFFFFF0, v6  }
0x50d: {  	v5 =	vor.u32 v5, v6  }
0x50e: {  	v6 =	vperm.xlane v5, v1;
	_ =	sdelay $0x1  }
0x50f: {  	v5 =	vperm.xlane v5, v3;
	v6 =	vadd.s32 v2, v6;
	_ =	sdelay $0x1  }
0x510: {  	v5 =	vadd.s32 v2, v5;
	_ =	sdelay $0x1  }
0x511: {  	s13 =	simm.s32 $0xEA80  }
0x512: {  	[tilespmem:s13], [sflag:$0x2] =	stream.indirect_vreg.gather [hbm4b:s0+s2], $0x80, v6, vm0, $0xb8;
	[tilespmem:$0x1AA80] =	vst v63  }
0x513: {  	s22 =	simm.s32 $0xF280  }
0x514: {  	[tilespmem:s22], [sflag:$0x2] =	stream.indirect_vreg.gather [hbm4b:s0+s2], $0x80, v5, vm0, $0xb8;
	[tilespmem:$0x1AA80] =	vst v63  }
0x515: {  	v5 =	vld [tilespmem:s11+$0x50];
	_ =	sdelay $0x4  }
0x516: {  	v6 =	vshll.u32 v5, $0x1  }
0x517: {  	v5 =	vand.u32 $0x7, v5;
	v6 =	vand.u32 $0xFFFFFFF0, v6  }
0x518: {  	v5 =	vor.u32 v5, v6  }
0x519: {  	v6 =	vperm.xlane v5, v1;
	_ =	sdelay $0x1  }
0x51a: {  	v5 =	vperm.xlane v5, v3;
	v6 =	vadd.s32 v2, v6;
	_ =	sdelay $0x1  }
0x51b: {  	v5 =	vadd.s32 v2, v5;
	_ =	sdelay $0x1  }
0x51c: {  	s23 =	simm.s32 $0xFA80  }
0x51d: {  	[tilespmem:s23], [sflag:$0x2] =	stream.indirect_vreg.gather [hbm4b:s0+s2], $0x80, v6, vm0, $0xb8;
	[tilespmem:$0x1AA80] =	vst v63  }
0x51e: {  	s28 =	simm.s32 $0x10280  }
0x51f: {  	[tilespmem:s28], [sflag:$0x2] =	stream.indirect_vreg.gather [hbm4b:s0+s2], $0x80, v5, vm0, $0xb8;
	[tilespmem:$0x1AA80] =	vst v63  }
0x520: {  	v5 =	vld [tilespmem:s11+$0x60];
	_ =	sdelay $0x4  }
0x521: {  	v6 =	vshll.u32 v5, $0x1  }
0x522: {  	v5 =	vand.u32 $0x7, v5;
	v6 =	vand.u32 $0xFFFFFFF0, v6  }
0x523: {  	v5 =	vor.u32 v5, v6  }
0x524: {  	v6 =	vperm.xlane v5, v1;
	_ =	sdelay $0x1  }
0x525: {  	v5 =	vperm.xlane v5, v3;
	v6 =	vadd.s32 v2, v6;
	_ =	sdelay $0x1  }
0x526: {  	v5 =	vadd.s32 v2, v5;
	_ =	sdelay $0x1  }
0x527: {  	s12 =	simm.s32 $0x10A80  }
0x528: {  	[tilespmem:s12], [sflag:$0x2] =	stream.indirect_vreg.gather [hbm4b:s0+s2], $0x80, v6, vm0, $0xb8;
	[tilespmem:$0x1AA80] =	vst v63  }
0x529: {  	s13 =	simm.s32 $0x11280  }
0x52a: {  	[tilespmem:s13], [sflag:$0x2] =	stream.indirect_vreg.gather [hbm4b:s0+s2], $0x80, v5, vm0, $0xb8;
	[tilespmem:$0x1AA80] =	vst v63  }
0x52b: {  	v5 =	vld [tilespmem:s11+$0x70];
	_ =	sdelay $0x4  }
0x52c: {  	v6 =	vshll.u32 v5, $0x1  }
0x52d: {  	v5 =	vand.u32 $0x7, v5;
	v6 =	vand.u32 $0xFFFFFFF0, v6  }
0x52e: {  	v5 =	vor.u32 v5, v6  }
0x52f: {  	v6 =	vperm.xlane v5, v1;
	_ =	sdelay $0x1  }
0x530: {  	v5 =	vperm.xlane v5, v3;
	v6 =	vadd.s32 v2, v6  }
0x531: {  	s28 =	smax.u32 s19, $0x300  }
0x532: {  	s12 =	smin.u32 s28, $0x380;
	v5 =	vadd.s32 v2, v5  }
0x533: {  	s1 =	sadd.s32 $0xFFFFFD00, s12  }
0x534: {  	s22 =	simm.s32 $0x11A80;
	p2 =	seq.s32 s1, $0x80  }
0x535: {  	[tilespmem:s22], [sflag:$0x2] =	stream.indirect_vreg.gather [hbm4b:s0+s2], $0x80, v6, vm0, $0xb8;
	[tilespmem:$0x1AA80] =	vst v63  }
.Ltmp41:
0x536: {  	s23 =	simm.s32 $0x12280;
	(pc) =	sbr.rel @!p2 .LBB2_65-.Ltmp41, $4  }
0x537: {  	[tilespmem:s23], [sflag:$0x2] =	stream.indirect_vreg.gather [hbm4b:s0+s2], $0x80, v5, vm0, $0xb8;
	[tilespmem:$0x1AA80] =	vst v63  }
0x538: {  	_ =	swait.ge [sflag:s21], $0x8000  }
0x539: {  	[sflag:s21] =	ssyncset.done $0x0  }
0x53a: {  	[sflag:s21] =	ssyncadd.s32 $0xFFFF8000  }
0x53b: {  	s1 =	rddreg [dreg:$0x9];
	p2 =	sgt.s32 s17, $0x37F  }
0x53c: {  	[hbm4b:s1+s2] =	stream.linear.scatter [tilespmem:s31], [sflag:$0x3], $0x8000, $0x38;
	[tilespmem:$0x1AA80] =	vst v63  }
.Ltmp42:
0x53d: {  	_ = 	snop;
	(pc) =	sbr.rel @p2 .LBB2_73-.Ltmp42, $4  }
.Ltmp43:
0x53e: {  	_ = 	snop;
	(pc) =	sbr.rel @!p2 .LBB2_69-.Ltmp43, $4  }
0x53f: {  	_ =	swait.ge [sflag:s30], $0x8000  }
0x540: {  	[sflag:s30] =	ssyncset.done $0x0  }
0x541: {  	[sflag:s30] =	ssyncadd.s32 $0xFFFF8000  }
0x542: {  	_ = 	snop  }
.LBB2_65:
0x543: {  	p2 =	sgt.s32 s17, $0x37F  }
0x544: {  	p3 =	sne.s32 @!p2 s1, $0x0  }
0x545: {  	p2 =	por p2, !p3  }
.Ltmp44:
0x546: {  	_ = 	snop;
	(pc) =	sbr.rel @p2 .LBB2_66-.Ltmp44, $1  }
0x547: {  	_ =	sdelay $0x3  }
.LBB2_69:
0x548: {  	s1 =	sshll.u32 s12, $0x7;
	s13 =	sshll.u32 s12, $0x8  }
0x549: {  	s22 =	sadd.s32 $0xFFFE8000, s1;
	s13 =	sadd.s32 $0xFFFD0000, s13  }
0x54a: {  	s1 =	sand.u32 $0x7800, s13;
	s23 =	sand.u32 $0x380, s22  }
0x54b: {  	s1 =	sor.u32 s23, s1  }
0x54c: {  	[tilespmem:s1+$0x2EF0] =	vst v4  }
0x54d: {  	[tilespmem:s1+$0x2A80] =	vst v4  }
0x54e: {  	[tilespmem:s1+$0x2A90] =	vst v4  }
0x54f: {  	[tilespmem:s1+$0x2AA0] =	vst v4  }
0x550: {  	[tilespmem:s1+$0x2AB0] =	vst v4  }
0x551: {  	[tilespmem:s1+$0x2AC0] =	vst v4  }
0x552: {  	s23 =	sadd.s32 $0xFFFFFCFF, s12;
	[tilespmem:s1+$0x2AD0] =	vst v4  }
0x553: {  	[tilespmem:s1+$0x2AE0] =	vst v4;
	s23 =	sadd.s32 $0x1, s23  }
0x554: {  	[tilespmem:s1+$0x2AF0] =	vst v4;
	p2 =	slt.u32 s23, $0x7F  }
.Ltmp45:
0x555: {  	[tilespmem:s1+$0x2E80] =	vst v4;
	(pc) =	sbr.rel @!p2 .LBB2_71-.Ltmp45, $4  }
0x556: {  	[tilespmem:s1+$0x2E90] =	vst v4  }
0x557: {  	[tilespmem:s1+$0x2EA0] =	vst v4  }
0x558: {  	[tilespmem:s1+$0x2EB0] =	vst v4  }
0x559: {  	s28 =	sadd.s32 $0x100, s13;
	s12 =	sadd.s32 $0x80, s22;
	[tilespmem:s1+$0x2EC0] =	vst v4  }
.LBB2_70:
0x55a: {  	s13 =	sand.u32 $0x7800, s28;
	s22 =	sand.u32 $0x380, s12;
	s23 =	sadd.s32 $0x1, s23;
	[tilespmem:s1+$0x2ED0] =	vst v4  }
0x55b: {  	p2 =	slt.u32 s23, $0x7F;
	[tilespmem:s1+$0x2EE0] =	vst v4;
	s1 =	sor.u32 s22, s13  }
0x55c: {  	[tilespmem:s1+$0x2EF0] =	vst v4  }
0x55d: {  	[tilespmem:s1+$0x2A80] =	vst v4  }
0x55e: {  	[tilespmem:s1+$0x2A90] =	vst v4  }
0x55f: {  	[tilespmem:s1+$0x2AA0] =	vst v4  }
0x560: {  	[tilespmem:s1+$0x2AB0] =	vst v4  }
0x561: {  	[tilespmem:s1+$0x2AC0] =	vst v4  }
0x562: {  	[tilespmem:s1+$0x2AD0] =	vst v4  }
0x563: {  	[tilespmem:s1+$0x2AE0] =	vst v4  }
0x564: {  	[tilespmem:s1+$0x2AF0] =	vst v4  }
.Ltmp46:
0x565: {  	[tilespmem:s1+$0x2E80] =	vst v4;
	(pc) =	sbr.rel @p2 .LBB2_70-.Ltmp46, $4  }
0x566: {  	[tilespmem:s1+$0x2E90] =	vst v4  }
0x567: {  	[tilespmem:s1+$0x2EA0] =	vst v4  }
0x568: {  	[tilespmem:s1+$0x2EB0] =	vst v4  }
0x569: {  	s12 =	sadd.s32 $0x80, s12;
	s28 =	sadd.s32 $0x100, s28;
	[tilespmem:s1+$0x2EC0] =	vst v4  }
.LBB2_71:
0x56a: {  	[tilespmem:s1+$0x2ED0] =	vst v4  }
0x56b: {  	[tilespmem:s1+$0x2EE0] =	vst v4;
	s1 =	simm.s32 $0x2A80  }
.LBB2_72:
0x56c: {  	s12 =	rddreg [dreg:$0x9]  }
0x56d: {  	[hbm4b:s12+s2] =	stream.linear.scatter [tilespmem:s1], [sflag:$0x3], $0x8000, $0x38;
	[tilespmem:$0x1AA80] =	vst v63  }
0x56e: {  	_ =	swait.ge [sflag:s30], $0x8000  }
0x56f: {  	[sflag:s30] =	ssyncset.done $0x0  }
0x570: {  	[sflag:s30] =	ssyncadd.s32 $0xFFFF8000  }
.LBB2_73:
0x571: {  	_ =	swait.ge [sflag:s25], $0x8000;
	s1 =	smax.u32 s19, $0x380;
	s28 =	sadd.s32 $0xFFFFFC7F, s17  }
0x572: {  	[sflag:s25] =	ssyncset.done $0x0;
	p2 =	sne.s32 s1, $0x400;
	p3 =	sgt.u32 s28, $0x7E  }
0x573: {  	[sflag:s25] =	ssyncadd.s32 $0xFFFF8000;
	s1 =	simm.s32 @!p2 $0x0;
	s12 =	simm.s32 @!p2 $0xAA80  }
0x574: {  	[hbm4b:s20+s1] =	stream.linear.scatter @!p2 [tilespmem:s12], [sflag:$0x3], $0x8000, $0x38;
	[tilespmem:$0x1AA80] =	vst v63  }
.Ltmp47:
0x575: {  	_ = 	snop;
	(pc) =	sbr.rel @p3 .LBB2_77-.Ltmp47, $4  }
0x576: {  	s1 =	simm.s32 @!p2 $0x3  }
0x577: {  	_ =	swait.ge @!p2 [sflag:s1], $0x8000  }
0x578: {  	[sflag:s1] =	ssyncset.done @!p2 $0x0  }
0x579: {  	[sflag:s1] =	ssyncadd.s32 @!p2 $0xFFFF8000  }
0x57a: {  	s12 =	smin.u32 s15, $0x380;
	s1 =	sshll.u32 s19, $0x7  }
0x57b: {  	s22 =	sshll.u32 s19, $0x8;
	s13 =	sshll.u32 s12, $0x7;
	s17 =	sshll.u32 s12, $0x8  }
0x57c: {  	s13 =	ssub.s32 s1, s13;
	s22 =	ssub.s32 s22, s17  }
0x57d: {  	s23 =	sand.u32 $0x7FFFF800, s22;
	s28 =	sand.u32 $0x380, s13  }
0x57e: {  	s1 =	sor.u32 s28, s23  }
0x57f: {  	[tilespmem:s1+$0xAEF0] =	vst v4  }
0x580: {  	[tilespmem:s1+$0xAA80] =	vst v4  }
0x581: {  	[tilespmem:s1+$0xAA90] =	vst v4  }
0x582: {  	[tilespmem:s1+$0xAAA0] =	vst v4  }
0x583: {  	[tilespmem:s1+$0xAAB0] =	vst v4  }
0x584: {  	s12 =	sxor.u32 $0xFFFFFFFF, s12;
	[tilespmem:s1+$0xAAC0] =	vst v4  }
0x585: {  	s12 =	sadd.s32 s19, s12;
	[tilespmem:s1+$0xAAD0] =	vst v4  }
0x586: {  	s15 =	sadd.s32 $0x1, s12;
	[tilespmem:s1+$0xAAE0] =	vst v4  }
0x587: {  	p2 =	slt.u32 s15, $0x7F;
	[tilespmem:s1+$0xAAF0] =	vst v4  }
.Ltmp48:
0x588: {  	[tilespmem:s1+$0xAE80] =	vst v4;
	(pc) =	sbr.rel @!p2 .LBB2_76-.Ltmp48, $4  }
0x589: {  	[tilespmem:s1+$0xAE90] =	vst v4  }
0x58a: {  	[tilespmem:s1+$0xAEA0] =	vst v4  }
0x58b: {  	[tilespmem:s1+$0xAEB0] =	vst v4  }
0x58c: {  	s17 =	sadd.s32 $0x80, s13;
	s12 =	sadd.s32 $0x100, s22;
	[tilespmem:s1+$0xAEC0] =	vst v4  }
.LBB2_75:
0x58d: {  	s13 =	sand.u32 $0x7FFFF800, s12;
	s19 =	sand.u32 $0x380, s17;
	s15 =	sadd.s32 $0x1, s15;
	[tilespmem:s1+$0xAED0] =	vst v4  }
0x58e: {  	p2 =	slt.u32 s15, $0x7F;
	[tilespmem:s1+$0xAEE0] =	vst v4;
	s1 =	sor.u32 s19, s13  }
0x58f: {  	[tilespmem:s1+$0xAEF0] =	vst v4  }
0x590: {  	[tilespmem:s1+$0xAA80] =	vst v4  }
0x591: {  	[tilespmem:s1+$0xAA90] =	vst v4  }
0x592: {  	[tilespmem:s1+$0xAAA0] =	vst v4  }
0x593: {  	[tilespmem:s1+$0xAAB0] =	vst v4  }
0x594: {  	[tilespmem:s1+$0xAAC0] =	vst v4  }
0x595: {  	[tilespmem:s1+$0xAAD0] =	vst v4  }
0x596: {  	[tilespmem:s1+$0xAAE0] =	vst v4  }
0x597: {  	[tilespmem:s1+$0xAAF0] =	vst v4  }
.Ltmp49:
0x598: {  	[tilespmem:s1+$0xAE80] =	vst v4;
	(pc) =	sbr.rel @p2 .LBB2_75-.Ltmp49, $4  }
0x599: {  	[tilespmem:s1+$0xAE90] =	vst v4  }
0x59a: {  	[tilespmem:s1+$0xAEA0] =	vst v4  }
0x59b: {  	[tilespmem:s1+$0xAEB0] =	vst v4  }
0x59c: {  	s17 =	sadd.s32 $0x80, s17;
	s12 =	sadd.s32 $0x100, s12;
	[tilespmem:s1+$0xAEC0] =	vst v4  }
.Ltmp50:
0x59d: {  	_ = 	snop;
	(pc) =	sbr.rel .LBB2_76-.Ltmp50, $1  }
0x59e: {  	_ =	sdelay $0x3  }
.LBB2_40:
0x59f: {  	p2 =	sne.s32 s1, $0x0  }
.Ltmp51:
0x5a0: {  	_ = 	snop;
	(pc) =	sbr.rel @p2 .LBB2_47-.Ltmp51, $1  }
0x5a1: {  	_ =	sdelay $0x3  }
.Ltmp52:
0x5a2: {  	(pc) =	sbr.rel .LBB2_46-.Ltmp52, $2  }
0x5a3: {  	_ =	sdelay $0x2  }
0x5a4: {  	s1 =	simm.s32 $0x12A80  }
.LBB2_53:
0x5a5: {  	p2 =	sne.s32 s1, $0x0  }
.Ltmp53:
0x5a6: {  	_ = 	snop;
	(pc) =	sbr.rel @p2 .LBB2_60-.Ltmp53, $1  }
0x5a7: {  	_ =	sdelay $0x3  }
.Ltmp54:
0x5a8: {  	(pc) =	sbr.rel .LBB2_59-.Ltmp54, $2  }
0x5a9: {  	_ =	sdelay $0x2  }
0x5aa: {  	s1 =	simm.s32 $0x12A80  }
.LBB2_66:
0x5ab: {  	p2 =	sne.s32 s1, $0x0  }
.Ltmp55:
0x5ac: {  	_ = 	snop;
	(pc) =	sbr.rel @p2 .LBB2_73-.Ltmp55, $1  }
0x5ad: {  	_ =	sdelay $0x3  }
.Ltmp56:
0x5ae: {  	(pc) =	sbr.rel .LBB2_72-.Ltmp56, $2  }
0x5af: {  	_ =	sdelay $0x2  }
0x5b0: {  	s1 =	simm.s32 $0x12A80  }
.LBB2_30:
.Ltmp57:
0x5b1: {  	(pc) =	sbr.rel .LBB2_33-.Ltmp57, $2  }
0x5b2: {  	_ =	sdelay $0x2  }
0x5b3: {  	_ = 	snop  }
.LBB2_78:
0x5b4: {  	_ =	sfence.sel $0x180000  }
0x5b5: {  	[bflag:$0x0] =	sbarrier.arrive $0xFFFF  }
0x5b6: {  	_ =	strace $0x90000047  }
0x5b7: {  	[bflag:$0x2] =	sbarrier.arrive $0xFFFF  }
0x5b8: {  	s0 =	rddreg [dreg:$0x4]  }
0x5b9: {  	s0 =	sadd.s32 @!p0 $0x100000, s0  }
0x5ba: {  	[sflag:s0] =	ssyncadd.tile.s32 @!p0 $0x1;
	_ =	shalt  }
.Lfunc_end2:
_tile_overlayer_lowered:
.L_overlay_start_2:
0x5bb: {  	(tag) =	ssettag $0x2  }
0x5bc: {  	s0 =	rddreg [dreg:$0x0];
	s2 =	stileid.u32  }
0x5bd: {  	s1 =	rddreg [dreg:$0x1];
	p0 =	sne.s32 s2, $0x0  }
0x5be: {  	s3 =	rddreg [dreg:$0x2];
	[bflag:$0x3] =	sbarrier.arrive $0xFFFF;
	s2 =	simm.s32 @!p0 $0x1C03  }
0x5bf: {  	[timem:s3], [sflag:s2] =	dma.local @!p0 [hbm:s0], s1  }
0x5c0: {  	s0 =	simm.s32 @!p0 $0x3  }
0x5c1: {  	_ =	swait.ge @!p0 [sflag:s0], s1  }
0x5c2: {  	s1 =	ssub.s32 @!p0 $0x0, s1;
	[sflag:s0] =	ssyncset.done @!p0 $0x0  }
0x5c3: {  	[sflag:s0] =	ssyncadd.s32 @!p0 s1  }
0x5c4: {  	[bflag:$0x3] =	sbarrier.arrive $0xFFFF  }
0x5c5: {  	_ =	shalt  }

</sc_bundles>
